<compile_context>
chip_gen: v7x
topology: tpu7x:2x2x1
jax: 0.10.2.dev20260603
libtpu: 0.0.44.dev20260713+nightly
codegen_flags: <defaults>
</compile_context>

<pallas_src>
import functools

import jax
import jax.numpy as jnp
from jax import lax
from jax.experimental import pallas as pl
from jax.experimental.pallas import tpu as pltpu
from jax.experimental.pallas import tpu_sc as plsc

_NC = 2
_NS = 16
_NW = _NC * _NS
_LANES = 16


def _make_embed(n_rows, n_hist, dim):
    bn = n_rows // _NW
    mesh = plsc.VectorSubcoreMesh(core_axis_name="c", subcore_axis_name="s")

    @functools.partial(
        pl.kernel,
        out_type=jax.ShapeDtypeStruct((n_hist, dim, n_rows), jnp.float32),
        mesh=mesh,
        scratch_types=[
            pltpu.VMEM((n_hist, bn), jnp.int32),
            pltpu.VMEM((bn, dim), jnp.float32),
            pltpu.VMEM((bn, dim), jnp.float32),
            pltpu.VMEM((dim, bn), jnp.float32),
            pltpu.VMEM((dim, bn), jnp.float32),
            pltpu.SemaphoreType.DMA,
            pltpu.SemaphoreType.DMA,
            pltpu.SemaphoreType.DMA,
            pltpu.SemaphoreType.DMA,
        ],
        compiler_params=pltpu.CompilerParams(
            use_tc_tiling_on_sc=False, needs_layout_passes=False),
    )
    def embed_kernel(xt_hbm, table_hbm, out_hbm, idx_t, rows0, rows1,
                     tb0, tb1, g0, g1, s0, s1):
        wid = lax.axis_index("s") * _NC + lax.axis_index("c")
        b0 = wid * bn

        rows = (rows0, rows1)
        tb = (tb0, tb1)
        gsem = (g0, g1)
        ssem = (s0, s1)

        pltpu.sync_copy(xt_hbm.at[:, pl.ds(b0, bn)], idx_t)

        def gather_desc(h, p):
            return pltpu.make_async_copy(
                table_hbm.at[idx_t.at[h, :]], rows[p], gsem[p])

        def store_desc(h, p):
            return pltpu.make_async_copy(
                tb[p], out_hbm.at[h, :, pl.ds(b0, bn)], ssem[p])

        iota = lax.iota(jnp.int32, _LANES)

        def transpose(p):
            @plsc.parallel_loop(0, bn // _LANES, unroll=2)
            def body(bg):
                ridx = bg * _LANES + iota
                vs = [plsc.load_gather(
                    rows[p], [ridx, jnp.full((_LANES,), d, jnp.int32)])
                    for d in range(dim)]
                for d in range(dim):
                    tb[p][d, pl.ds(bg * _LANES, _LANES)] = vs[d]

        def step(h, p, next_gather, wait_store):
            gather_desc(h, p).wait()
            if next_gather:
                gather_desc(h + 1, 1 - p).start()
            if wait_store:
                store_desc(h, p).wait()
            transpose(p)
            store_desc(h, p).start()

        gather_desc(0, 0).start()
        step(0, 0, True, False)
        step(1, 1, True, False)

        def steady(i, carry):
            h = 2 + 2 * i
            step(h, 0, True, True)
            step(h + 1, 1, True, True)
            return carry

        lax.fori_loop(0, (n_hist - 4) // 2, steady, 0)
        step(n_hist - 2, 0, True, True)
        step(n_hist - 1, 1, False, True)
        store_desc(n_hist - 2, 0).wait()
        store_desc(n_hist - 1, 1).wait()

    return embed_kernel


def kernel(x, table):
    xt = x.T
    out_t = _make_embed(x.shape[0], x.shape[1], table.shape[1])(xt, table)
    return out_t.transpose(2, 0, 1)

# --- scband reference (transcript-rebuilt; emitter-appended) ---
"""Pipeline reference for scband-word-embedder-46102178955837 (READ-ONLY COPY).

The authoritative reference and input builder live on the scoring server;
editing this copy changes nothing except your own understanding.
"""

import jax, jax.numpy as jnp
import numpy as np

VOCAB = 1000000
DIM = 32
PAD_IDX = 0


def setup_inputs(seed: int = 0) -> dict:
    key = jax.random.key(seed)
    k1, k2 = jax.random.split(key)
    # forward input: token ids [batch=16384, hist_len=50]
    x = jax.random.randint(k1, (16384, 50), 0, VOCAB, dtype=jnp.int32)
    # learned parameter: embedding table [vocab, wordvec_dim], pad row zeroed
    table = jax.random.normal(k2, (VOCAB, DIM), dtype=jnp.float32) * 0.02
    table = table.at[PAD_IDX].set(0.0)
    return {"x": x, "table": table}


def reference(x, table):
    # nn.Embedding(num_embeddings=VOCAB, embedding_dim=DIM, padding_idx=PAD_IDX)
    # forward is a pure row gather; pad row is already zero in the table.
    return jnp.take(table, x, axis=0)

if __name__ == "__main__":
    import jax
    _d = setup_inputs()
    print(jax.jit(kernel)(*tuple(_d.values())))

</pallas_src>

<mosaic_0001>
#map = affine_map<(d0, d1) -> (0, 0)>
#map1 = affine_map<(d0, d1) -> (0, 0, 0)>
module attributes {stable_mosaic.version = 14 : i64} {
  func.func @embed_kernel(%arg0: i32, %arg1: i32, %arg2: memref<50x16384xi32, #tpu.memory_space<hbm>>, %arg3: memref<1000000x32xf32, #tpu.memory_space<hbm>>, %arg4: memref<50x32x16384xf32, #tpu.memory_space<hbm>>, %arg5: memref<50x512xi32, #tpu.memory_space<vmem>>, %arg6: memref<512x32xf32, #tpu.memory_space<vmem>>, %arg7: memref<512x32xf32, #tpu.memory_space<vmem>>, %arg8: memref<32x512xf32, #tpu.memory_space<vmem>>, %arg9: memref<32x512xf32, #tpu.memory_space<vmem>>, %arg10: memref<!tpu.dma_semaphore, #tpu.memory_space<semaphore_mem>>, %arg11: memref<!tpu.dma_semaphore, #tpu.memory_space<semaphore_mem>>, %arg12: memref<!tpu.dma_semaphore, #tpu.memory_space<semaphore_mem>>, %arg13: memref<!tpu.dma_semaphore, #tpu.memory_space<semaphore_mem>>) attributes {dimension_semantics = [#tpu.dimension_semantics<core_parallel>, #tpu.dimension_semantics<subcore_parallel>], iteration_bounds = array<i64: 2, 16>, scalar_prefetch = 0 : i64, scratch_operands = 9 : i64, tpu.core_type = #tpu.core_type<sc_vector_subcore>, window_params = [{transform_indices = #map}, {transform_indices = #map}, {transform_indices = #map1}]} {
    %mul3A = arith.constant 2 : i32
    %mul3A_0 = arith.muli %arg1, %mul3A : i32
    %add3A = arith.addi %mul3A_0, %arg0 : i32
    %mul3A_1 = arith.constant 512 : i32
    %mul3A_2 = arith.muli %add3A, %mul3A_1 : i32
    "tpu.region"() ({
      %run_scoped3A = tpu.sem_alloc : memref<!tpu.dma_semaphore, #tpu.memory_space<semaphore_mem>>
      %dma_start3A_129 = arith.constant 0 : i32
      %dma_start3A_130 = tpu.memref_slice %arg2[%dma_start3A_129, %mul3A_2] : memref<50x16384xi32, #tpu.memory_space<hbm>> -> memref<50x512xi32, #tpu.memory_space<hbm>>
      %dma_start3A_131 = arith.constant 0 : i32
      %dma_start3A_132 = tpu.memref_slice %arg2[%dma_start3A_131, %mul3A_2] : memref<50x16384xi32, #tpu.memory_space<hbm>> -> memref<50x512xi32, #tpu.memory_space<hbm>>
      tpu.enqueue_dma source(%dma_start3A_132 : memref<50x512xi32, #tpu.memory_space<hbm>>) target(%arg5 : memref<50x512xi32, #tpu.memory_space<vmem>>) target_semaphore(%run_scoped3A : memref<!tpu.dma_semaphore, #tpu.memory_space<semaphore_mem>>)
      %dma_wait3A_133 = arith.constant 0 : i32
      %dma_wait3A_134 = tpu.memref_slice %arg2[%dma_wait3A_133, %mul3A_2] : memref<50x16384xi32, #tpu.memory_space<hbm>> -> memref<50x512xi32, #tpu.memory_space<hbm>>
      %dma_wait3A_135 = arith.constant 0 : i32
      %dma_wait3A_136 = tpu.memref_slice %arg2[%dma_wait3A_135, %mul3A_2] : memref<50x16384xi32, #tpu.memory_space<hbm>> -> memref<50x512xi32, #tpu.memory_space<hbm>>
      tpu.wait_dma2 semaphore(%run_scoped3A : memref<!tpu.dma_semaphore, #tpu.memory_space<semaphore_mem>>) src(%dma_wait3A_136 : memref<50x512xi32, #tpu.memory_space<hbm>>) dst(%arg5 : memref<50x512xi32, #tpu.memory_space<vmem>>)
      tpu.yield
    }) : () -> ()
    %iota3A = tpu.iota {dimensions = array<i32: 0>} : vector<16xi32>
    %dma_start3A = arith.constant 0 : i32
    %dma_start3A_3 = arith.constant 0 : i32
    %dma_start3A_4 = tpu.memref_slice %arg5[%dma_start3A, %dma_start3A_3] : memref<50x512xi32, #tpu.memory_space<vmem>> -> memref<1x512xi32, #tpu.memory_space<vmem>>
    %dma_start3A_5 = tpu.memref_squeeze %dma_start3A_4 : memref<1x512xi32, #tpu.memory_space<vmem>> -> memref<512xi32, #tpu.memory_space<vmem>>
    %dma_start3A_6 = arith.constant 0 : i32
    %dma_start3A_7 = arith.constant 0 : i32
    %dma_start3A_8 = tpu.memref_slice %arg3[%dma_start3A_6, %dma_start3A_7] : memref<1000000x32xf32, #tpu.memory_space<hbm>> -> memref<1000000x32xf32, #tpu.memory_space<hbm>>
    tpu.enqueue_indirect_dma source(%dma_start3A_8 : memref<1000000x32xf32, #tpu.memory_space<hbm>>) target(%arg6 : memref<512x32xf32, #tpu.memory_space<vmem>>) offsets(%dma_start3A_5 : memref<512xi32, #tpu.memory_space<vmem>>) semaphore(%arg10 : memref<!tpu.dma_semaphore, #tpu.memory_space<semaphore_mem>>)
    %dma_wait3A = arith.constant 0 : i32
    %dma_wait3A_9 = arith.constant 0 : i32
    %dma_wait3A_10 = tpu.memref_slice %arg5[%dma_wait3A, %dma_wait3A_9] : memref<50x512xi32, #tpu.memory_space<vmem>> -> memref<1x512xi32, #tpu.memory_space<vmem>>
    %dma_wait3A_11 = tpu.memref_squeeze %dma_wait3A_10 : memref<1x512xi32, #tpu.memory_space<vmem>> -> memref<512xi32, #tpu.memory_space<vmem>>
    %dma_wait3A_12 = arith.constant 0 : i32
    %dma_wait3A_13 = arith.constant 0 : i32
    %dma_wait3A_14 = tpu.memref_slice %arg3[%dma_wait3A_12, %dma_wait3A_13] : memref<1000000x32xf32, #tpu.memory_space<hbm>> -> memref<1000000x32xf32, #tpu.memory_space<hbm>>
    tpu.wait_indirect_dma semaphore(%arg10 : memref<!tpu.dma_semaphore, #tpu.memory_space<semaphore_mem>>) src(%dma_wait3A_14 : memref<1000000x32xf32, #tpu.memory_space<hbm>>) dst(%arg6 : memref<512x32xf32, #tpu.memory_space<vmem>>)
    %dma_start3A_15 = arith.constant 1 : i32
    %dma_start3A_16 = arith.constant 0 : i32
    %dma_start3A_17 = tpu.memref_slice %arg5[%dma_start3A_15, %dma_start3A_16] : memref<50x512xi32, #tpu.memory_space<vmem>> -> memref<1x512xi32, #tpu.memory_space<vmem>>
    %dma_start3A_18 = tpu.memref_squeeze %dma_start3A_17 : memref<1x512xi32, #tpu.memory_space<vmem>> -> memref<512xi32, #tpu.memory_space<vmem>>
    %dma_start3A_19 = arith.constant 0 : i32
    %dma_start3A_20 = arith.constant 0 : i32
    %dma_start3A_21 = tpu.memref_slice %arg3[%dma_start3A_19, %dma_start3A_20] : memref<1000000x32xf32, #tpu.memory_space<hbm>> -> memref<1000000x32xf32, #tpu.memory_space<hbm>>
    tpu.enqueue_indirect_dma source(%dma_start3A_21 : memref<1000000x32xf32, #tpu.memory_space<hbm>>) target(%arg7 : memref<512x32xf32, #tpu.memory_space<vmem>>) offsets(%dma_start3A_18 : memref<512xi32, #tpu.memory_space<vmem>>) semaphore(%arg11 : memref<!tpu.dma_semaphore, #tpu.memory_space<semaphore_mem>>)
    %parallel_loop3A = arith.constant 0 : i32
    %parallel_loop3A_22 = arith.constant 32 : i32
    %parallel_loop3A_23 = arith.constant 1 : i32
    scf.for %parallel_loop3A_129 = %parallel_loop3A to %parallel_loop3A_22 step %parallel_loop3A_23  : i32 {
      %parallel_loop3A_130 = arith.constant 16 : i32
      %parallel_loop3A_131 = arith.muli %parallel_loop3A_129, %parallel_loop3A_130 : i32
      %parallel_loop3A_132 = vector.broadcast %parallel_loop3A_131 : i32 to vector<16xi32>
      %parallel_loop3A_133 = arith.addi %parallel_loop3A_132, %iota3A : vector<16xi32>
      %parallel_loop3A_134 = arith.constant 0 : i32
      %parallel_loop3A_135 = vector.broadcast %parallel_loop3A_134 : i32 to vector<16xi32>
      %parallel_loop3A_136 = tpu.vector_load_idx %arg6[%parallel_loop3A_133, %parallel_loop3A_135] : memref<512x32xf32, #tpu.memory_space<vmem>>[vector<16xi32>, vector<16xi32>], vector<16xf32>,
      %parallel_loop3A_137 = arith.constant 1 : i32
      %parallel_loop3A_138 = vector.broadcast %parallel_loop3A_137 : i32 to vector<16xi32>
      %parallel_loop3A_139 = tpu.vector_load_idx %arg6[%parallel_loop3A_133, %parallel_loop3A_138] : memref<512x32xf32, #tpu.memory_space<vmem>>[vector<16xi32>, vector<16xi32>], vector<16xf32>,
      %parallel_loop3A_140 = arith.constant 2 : i32
      %parallel_loop3A_141 = vector.broadcast %parallel_loop3A_140 : i32 to vector<16xi32>
      %parallel_loop3A_142 = tpu.vector_load_idx %arg6[%parallel_loop3A_133, %parallel_loop3A_141] : memref<512x32xf32, #tpu.memory_space<vmem>>[vector<16xi32>, vector<16xi32>], vector<16xf32>,
      %parallel_loop3A_143 = arith.constant 3 : i32
      %parallel_loop3A_144 = vector.broadcast %parallel_loop3A_143 : i32 to vector<16xi32>
      %parallel_loop3A_145 = tpu.vector_load_idx %arg6[%parallel_loop3A_133, %parallel_loop3A_144] : memref<512x32xf32, #tpu.memory_space<vmem>>[vector<16xi32>, vector<16xi32>], vector<16xf32>,
      %parallel_loop3A_146 = arith.constant 4 : i32
      %parallel_loop3A_147 = vector.broadcast %parallel_loop3A_146 : i32 to vector<16xi32>
      %parallel_loop3A_148 = tpu.vector_load_idx %arg6[%parallel_loop3A_133, %parallel_loop3A_147] : memref<512x32xf32, #tpu.memory_space<vmem>>[vector<16xi32>, vector<16xi32>], vector<16xf32>,
      %parallel_loop3A_149 = arith.constant 5 : i32
      %parallel_loop3A_150 = vector.broadcast %parallel_loop3A_149 : i32 to vector<16xi32>
      %parallel_loop3A_151 = tpu.vector_load_idx %arg6[%parallel_loop3A_133, %parallel_loop3A_150] : memref<512x32xf32, #tpu.memory_space<vmem>>[vector<16xi32>, vector<16xi32>], vector<16xf32>,
      %parallel_loop3A_152 = arith.constant 6 : i32
      %parallel_loop3A_153 = vector.broadcast %parallel_loop3A_152 : i32 to vector<16xi32>
      %parallel_loop3A_154 = tpu.vector_load_idx %arg6[%parallel_loop3A_133, %parallel_loop3A_153] : memref<512x32xf32, #tpu.memory_space<vmem>>[vector<16xi32>, vector<16xi32>], vector<16xf32>,
      %parallel_loop3A_155 = arith.constant 7 : i32
      %parallel_loop3A_156 = vector.broadcast %parallel_loop3A_155 : i32 to vector<16xi32>
      %parallel_loop3A_157 = tpu.vector_load_idx %arg6[%parallel_loop3A_133, %parallel_loop3A_156] : memref<512x32xf32, #tpu.memory_space<vmem>>[vector<16xi32>, vector<16xi32>], vector<16xf32>,
      %parallel_loop3A_158 = arith.constant 8 : i32
      %parallel_loop3A_159 = vector.broadcast %parallel_loop3A_158 : i32 to vector<16xi32>
      %parallel_loop3A_160 = tpu.vector_load_idx %arg6[%parallel_loop3A_133, %parallel_loop3A_159] : memref<512x32xf32, #tpu.memory_space<vmem>>[vector<16xi32>, vector<16xi32>], vector<16xf32>,
      %parallel_loop3A_161 = arith.constant 9 : i32
      %parallel_loop3A_162 = vector.broadcast %parallel_loop3A_161 : i32 to vector<16xi32>
      %parallel_loop3A_163 = tpu.vector_load_idx %arg6[%parallel_loop3A_133, %parallel_loop3A_162] : memref<512x32xf32, #tpu.memory_space<vmem>>[vector<16xi32>, vector<16xi32>], vector<16xf32>,
      %parallel_loop3A_164 = arith.constant 10 : i32
      %parallel_loop3A_165 = vector.broadcast %parallel_loop3A_164 : i32 to vector<16xi32>
      %parallel_loop3A_166 = tpu.vector_load_idx %arg6[%parallel_loop3A_133, %parallel_loop3A_165] : memref<512x32xf32, #tpu.memory_space<vmem>>[vector<16xi32>, vector<16xi32>], vector<16xf32>,
      %parallel_loop3A_167 = arith.constant 11 : i32
      %parallel_loop3A_168 = vector.broadcast %parallel_loop3A_167 : i32 to vector<16xi32>
      %parallel_loop3A_169 = tpu.vector_load_idx %arg6[%parallel_loop3A_133, %parallel_loop3A_168] : memref<512x32xf32, #tpu.memory_space<vmem>>[vector<16xi32>, vector<16xi32>], vector<16xf32>,
      %parallel_loop3A_170 = arith.constant 12 : i32
      %parallel_loop3A_171 = vector.broadcast %parallel_loop3A_170 : i32 to vector<16xi32>
      %parallel_loop3A_172 = tpu.vector_load_idx %arg6[%parallel_loop3A_133, %parallel_loop3A_171] : memref<512x32xf32, #tpu.memory_space<vmem>>[vector<16xi32>, vector<16xi32>], vector<16xf32>,
      %parallel_loop3A_173 = arith.constant 13 : i32
      %parallel_loop3A_174 = vector.broadcast %parallel_loop3A_173 : i32 to vector<16xi32>
      %parallel_loop3A_175 = tpu.vector_load_idx %arg6[%parallel_loop3A_133, %parallel_loop3A_174] : memref<512x32xf32, #tpu.memory_space<vmem>>[vector<16xi32>, vector<16xi32>], vector<16xf32>,
      %parallel_loop3A_176 = arith.constant 14 : i32
      %parallel_loop3A_177 = vector.broadcast %parallel_loop3A_176 : i32 to vector<16xi32>
      %parallel_loop3A_178 = tpu.vector_load_idx %arg6[%parallel_loop3A_133, %parallel_loop3A_177] : memref<512x32xf32, #tpu.memory_space<vmem>>[vector<16xi32>, vector<16xi32>], vector<16xf32>,
      %parallel_loop3A_179 = arith.constant 15 : i32
      %parallel_loop3A_180 = vector.broadcast %parallel_loop3A_179 : i32 to vector<16xi32>
      %parallel_loop3A_181 = tpu.vector_load_idx %arg6[%parallel_loop3A_133, %parallel_loop3A_180] : memref<512x32xf32, #tpu.memory_space<vmem>>[vector<16xi32>, vector<16xi32>], vector<16xf32>,
      %parallel_loop3A_182 = arith.constant 16 : i32
      %parallel_loop3A_183 = vector.broadcast %parallel_loop3A_182 : i32 to vector<16xi32>
      %parallel_loop3A_184 = tpu.vector_load_idx %arg6[%parallel_loop3A_133, %parallel_loop3A_183] : memref<512x32xf32, #tpu.memory_space<vmem>>[vector<16xi32>, vector<16xi32>], vector<16xf32>,
      %parallel_loop3A_185 = arith.constant 17 : i32
      %parallel_loop3A_186 = vector.broadcast %parallel_loop3A_185 : i32 to vector<16xi32>
      %parallel_loop3A_187 = tpu.vector_load_idx %arg6[%parallel_loop3A_133, %parallel_loop3A_186] : memref<512x32xf32, #tpu.memory_space<vmem>>[vector<16xi32>, vector<16xi32>], vector<16xf32>,
      %parallel_loop3A_188 = arith.constant 18 : i32
      %parallel_loop3A_189 = vector.broadcast %parallel_loop3A_188 : i32 to vector<16xi32>
      %parallel_loop3A_190 = tpu.vector_load_idx %arg6[%parallel_loop3A_133, %parallel_loop3A_189] : memref<512x32xf32, #tpu.memory_space<vmem>>[vector<16xi32>, vector<16xi32>], vector<16xf32>,
      %parallel_loop3A_191 = arith.constant 19 : i32
      %parallel_loop3A_192 = vector.broadcast %parallel_loop3A_191 : i32 to vector<16xi32>
      %parallel_loop3A_193 = tpu.vector_load_idx %arg6[%parallel_loop3A_133, %parallel_loop3A_192] : memref<512x32xf32, #tpu.memory_space<vmem>>[vector<16xi32>, vector<16xi32>], vector<16xf32>,
      %parallel_loop3A_194 = arith.constant 20 : i32
      %parallel_loop3A_195 = vector.broadcast %parallel_loop3A_194 : i32 to vector<16xi32>
      %parallel_loop3A_196 = tpu.vector_load_idx %arg6[%parallel_loop3A_133, %parallel_loop3A_195] : memref<512x32xf32, #tpu.memory_space<vmem>>[vector<16xi32>, vector<16xi32>], vector<16xf32>,
      %parallel_loop3A_197 = arith.constant 21 : i32
      %parallel_loop3A_198 = vector.broadcast %parallel_loop3A_197 : i32 to vector<16xi32>
      %parallel_loop3A_199 = tpu.vector_load_idx %arg6[%parallel_loop3A_133, %parallel_loop3A_198] : memref<512x32xf32, #tpu.memory_space<vmem>>[vector<16xi32>, vector<16xi32>], vector<16xf32>,
      %parallel_loop3A_200 = arith.constant 22 : i32
      %parallel_loop3A_201 = vector.broadcast %parallel_loop3A_200 : i32 to vector<16xi32>
      %parallel_loop3A_202 = tpu.vector_load_idx %arg6[%parallel_loop3A_133, %parallel_loop3A_201] : memref<512x32xf32, #tpu.memory_space<vmem>>[vector<16xi32>, vector<16xi32>], vector<16xf32>,
      %parallel_loop3A_203 = arith.constant 23 : i32
      %parallel_loop3A_204 = vector.broadcast %parallel_loop3A_203 : i32 to vector<16xi32>
      %parallel_loop3A_205 = tpu.vector_load_idx %arg6[%parallel_loop3A_133, %parallel_loop3A_204] : memref<512x32xf32, #tpu.memory_space<vmem>>[vector<16xi32>, vector<16xi32>], vector<16xf32>,
      %parallel_loop3A_206 = arith.constant 24 : i32
      %parallel_loop3A_207 = vector.broadcast %parallel_loop3A_206 : i32 to vector<16xi32>
      %parallel_loop3A_208 = tpu.vector_load_idx %arg6[%parallel_loop3A_133, %parallel_loop3A_207] : memref<512x32xf32, #tpu.memory_space<vmem>>[vector<16xi32>, vector<16xi32>], vector<16xf32>,
      %parallel_loop3A_209 = arith.constant 25 : i32
      %parallel_loop3A_210 = vector.broadcast %parallel_loop3A_209 : i32 to vector<16xi32>
      %parallel_loop3A_211 = tpu.vector_load_idx %arg6[%parallel_loop3A_133, %parallel_loop3A_210] : memref<512x32xf32, #tpu.memory_space<vmem>>[vector<16xi32>, vector<16xi32>], vector<16xf32>,
      %parallel_loop3A_212 = arith.constant 26 : i32
      %parallel_loop3A_213 = vector.broadcast %parallel_loop3A_212 : i32 to vector<16xi32>
      %parallel_loop3A_214 = tpu.vector_load_idx %arg6[%parallel_loop3A_133, %parallel_loop3A_213] : memref<512x32xf32, #tpu.memory_space<vmem>>[vector<16xi32>, vector<16xi32>], vector<16xf32>,
      %parallel_loop3A_215 = arith.constant 27 : i32
      %parallel_loop3A_216 = vector.broadcast %parallel_loop3A_215 : i32 to vector<16xi32>
      %parallel_loop3A_217 = tpu.vector_load_idx %arg6[%parallel_loop3A_133, %parallel_loop3A_216] : memref<512x32xf32, #tpu.memory_space<vmem>>[vector<16xi32>, vector<16xi32>], vector<16xf32>,
      %parallel_loop3A_218 = arith.constant 28 : i32
      %parallel_loop3A_219 = vector.broadcast %parallel_loop3A_218 : i32 to vector<16xi32>
      %parallel_loop3A_220 = tpu.vector_load_idx %arg6[%parallel_loop3A_133, %parallel_loop3A_219] : memref<512x32xf32, #tpu.memory_space<vmem>>[vector<16xi32>, vector<16xi32>], vector<16xf32>,
      %parallel_loop3A_221 = arith.constant 29 : i32
      %parallel_loop3A_222 = vector.broadcast %parallel_loop3A_221 : i32 to vector<16xi32>
      %parallel_loop3A_223 = tpu.vector_load_idx %arg6[%parallel_loop3A_133, %parallel_loop3A_222] : memref<512x32xf32, #tpu.memory_space<vmem>>[vector<16xi32>, vector<16xi32>], vector<16xf32>,
      %parallel_loop3A_224 = arith.constant 30 : i32
      %parallel_loop3A_225 = vector.broadcast %parallel_loop3A_224 : i32 to vector<16xi32>
      %parallel_loop3A_226 = tpu.vector_load_idx %arg6[%parallel_loop3A_133, %parallel_loop3A_225] : memref<512x32xf32, #tpu.memory_space<vmem>>[vector<16xi32>, vector<16xi32>], vector<16xf32>,
      %parallel_loop3A_227 = arith.constant 31 : i32
      %parallel_loop3A_228 = vector.broadcast %parallel_loop3A_227 : i32 to vector<16xi32>
      %parallel_loop3A_229 = tpu.vector_load_idx %arg6[%parallel_loop3A_133, %parallel_loop3A_228] : memref<512x32xf32, #tpu.memory_space<vmem>>[vector<16xi32>, vector<16xi32>], vector<16xf32>,
      %parallel_loop3A_230 = arith.constant 16 : i32
      %parallel_loop3A_231 = arith.muli %parallel_loop3A_129, %parallel_loop3A_230 : i32
      %parallel_loop3A_232 = arith.constant 0 : i32
      %parallel_loop3A_233 = arith.index_cast %parallel_loop3A_232 : i32 to index
      %parallel_loop3A_234 = arith.index_cast %parallel_loop3A_231 : i32 to index
      %parallel_loop3A_235 = tpu.vector_load %arg8[%parallel_loop3A_233, %parallel_loop3A_234] {strides = array<i32>} : memref<32x512xf32, #tpu.memory_space<vmem>>, vector<16xf32>,
      tpu.vector_store %arg8[%parallel_loop3A_233, %parallel_loop3A_234], %parallel_loop3A_136 {strides = array<i32>} : memref<32x512xf32, #tpu.memory_space<vmem>>, vector<16xf32>,
      %parallel_loop3A_236 = arith.constant 16 : i32
      %parallel_loop3A_237 = arith.muli %parallel_loop3A_129, %parallel_loop3A_236 : i32
      %parallel_loop3A_238 = arith.constant 1 : i32
      %parallel_loop3A_239 = arith.index_cast %parallel_loop3A_238 : i32 to index
      %parallel_loop3A_240 = arith.index_cast %parallel_loop3A_237 : i32 to index
      %parallel_loop3A_241 = tpu.vector_load %arg8[%parallel_loop3A_239, %parallel_loop3A_240] {strides = array<i32>} : memref<32x512xf32, #tpu.memory_space<vmem>>, vector<16xf32>,
      tpu.vector_store %arg8[%parallel_loop3A_239, %parallel_loop3A_240], %parallel_loop3A_139 {strides = array<i32>} : memref<32x512xf32, #tpu.memory_space<vmem>>, vector<16xf32>,
      %parallel_loop3A_242 = arith.constant 16 : i32
      %parallel_loop3A_243 = arith.muli %parallel_loop3A_129, %parallel_loop3A_242 : i32
      %parallel_loop3A_244 = arith.constant 2 : i32
      %parallel_loop3A_245 = arith.index_cast %parallel_loop3A_244 : i32 to index
      %parallel_loop3A_246 = arith.index_cast %parallel_loop3A_243 : i32 to index
      %parallel_loop3A_247 = tpu.vector_load %arg8[%parallel_loop3A_245, %parallel_loop3A_246] {strides = array<i32>} : memref<32x512xf32, #tpu.memory_space<vmem>>, vector<16xf32>,
      tpu.vector_store %arg8[%parallel_loop3A_245, %parallel_loop3A_246], %parallel_loop3A_142 {strides = array<i32>} : memref<32x512xf32, #tpu.memory_space<vmem>>, vector<16xf32>,
      %parallel_loop3A_248 = arith.constant 16 : i32
      %parallel_loop3A_249 = arith.muli %parallel_loop3A_129, %parallel_loop3A_248 : i32
      %parallel_loop3A_250 = arith.constant 3 : i32
      %parallel_loop3A_251 = arith.index_cast %parallel_loop3A_250 : i32 to index
      %parallel_loop3A_252 = arith.index_cast %parallel_loop3A_249 : i32 to index
      %parallel_loop3A_253 = tpu.vector_load %arg8[%parallel_loop3A_251, %parallel_loop3A_252] {strides = array<i32>} : memref<32x512xf32, #tpu.memory_space<vmem>>, vector<16xf32>,
      tpu.vector_store %arg8[%parallel_loop3A_251, %parallel_loop3A_252], %parallel_loop3A_145 {strides = array<i32>} : memref<32x512xf32, #tpu.memory_space<vmem>>, vector<16xf32>,
      %parallel_loop3A_254 = arith.constant 16 : i32
      %parallel_loop3A_255 = arith.muli %parallel_loop3A_129, %parallel_loop3A_254 : i32
      %parallel_loop3A_256 = arith.constant 4 : i32
      %parallel_loop3A_257 = arith.index_cast %parallel_loop3A_256 : i32 to index
      %parallel_loop3A_258 = arith.index_cast %parallel_loop3A_255 : i32 to index
      %parallel_loop3A_259 = tpu.vector_load %arg8[%parallel_loop3A_257, %parallel_loop3A_258] {strides = array<i32>} : memref<32x512xf32, #tpu.memory_space<vmem>>, vector<16xf32>,
      tpu.vector_store %arg8[%parallel_loop3A_257, %parallel_loop3A_258], %parallel_loop3A_148 {strides = array<i32>} : memref<32x512xf32, #tpu.memory_space<vmem>>, vector<16xf32>,
      %parallel_loop3A_260 = arith.constant 16 : i32
      %parallel_loop3A_261 = arith.muli %parallel_loop3A_129, %parallel_loop3A_260 : i32
      %parallel_loop3A_262 = arith.constant 5 : i32
      %parallel_loop3A_263 = arith.index_cast %parallel_loop3A_262 : i32 to index
      %parallel_loop3A_264 = arith.index_cast %parallel_loop3A_261 : i32 to index
      %parallel_loop3A_265 = tpu.vector_load %arg8[%parallel_loop3A_263, %parallel_loop3A_264] {strides = array<i32>} : memref<32x512xf32, #tpu.memory_space<vmem>>, vector<16xf32>,
      tpu.vector_store %arg8[%parallel_loop3A_263, %parallel_loop3A_264], %parallel_loop3A_151 {strides = array<i32>} : memref<32x512xf32, #tpu.memory_space<vmem>>, vector<16xf32>,
      %parallel_loop3A_266 = arith.constant 16 : i32
      %parallel_loop3A_267 = arith.muli %parallel_loop3A_129, %parallel_loop3A_266 : i32
      %parallel_loop3A_268 = arith.constant 6 : i32
      %parallel_loop3A_269 = arith.index_cast %parallel_loop3A_268 : i32 to index
      %parallel_loop3A_270 = arith.index_cast %parallel_loop3A_267 : i32 to index
      %parallel_loop3A_271 = tpu.vector_load %arg8[%parallel_loop3A_269, %parallel_loop3A_270] {strides = array<i32>} : memref<32x512xf32, #tpu.memory_space<vmem>>, vector<16xf32>,
      tpu.vector_store %arg8[%parallel_loop3A_269, %parallel_loop3A_270], %parallel_loop3A_154 {strides = array<i32>} : memref<32x512xf32, #tpu.memory_space<vmem>>, vector<16xf32>,
      %parallel_loop3A_272 = arith.constant 16 : i32
      %parallel_loop3A_273 = arith.muli %parallel_loop3A_129, %parallel_loop3A_272 : i32
      %parallel_loop3A_274 = arith.constant 7 : i32
      %parallel_loop3A_275 = arith.index_cast %parallel_loop3A_274 : i32 to index
      %parallel_loop3A_276 = arith.index_cast %parallel_loop3A_273 : i32 to index
      %parallel_loop3A_277 = tpu.vector_load %arg8[%parallel_loop3A_275, %parallel_loop3A_276] {strides = array<i32>} : memref<32x512xf32, #tpu.memory_space<vmem>>, vector<16xf32>,
      tpu.vector_store %arg8[%parallel_loop3A_275, %parallel_loop3A_276], %parallel_loop3A_157 {strides = array<i32>} : memref<32x512xf32, #tpu.memory_space<vmem>>, vector<16xf32>,
      %parallel_loop3A_278 = arith.constant 16 : i32
      %parallel_loop3A_279 = arith.muli %parallel_loop3A_129, %parallel_loop3A_278 : i32
      %parallel_loop3A_280 = arith.constant 8 : i32
      %parallel_loop3A_281 = arith.index_cast %parallel_loop3A_280 : i32 to index
      %parallel_loop3A_282 = arith.index_cast %parallel_loop3A_279 : i32 to index
      %parallel_loop3A_283 = tpu.vector_load %arg8[%parallel_loop3A_281, %parallel_loop3A_282] {strides = array<i32>} : memref<32x512xf32, #tpu.memory_space<vmem>>, vector<16xf32>,
      tpu.vector_store %arg8[%parallel_loop3A_281, %parallel_loop3A_282], %parallel_loop3A_160 {strides = array<i32>} : memref<32x512xf32, #tpu.memory_space<vmem>>, vector<16xf32>,
      %parallel_loop3A_284 = arith.constant 16 : i32
      %parallel_loop3A_285 = arith.muli %parallel_loop3A_129, %parallel_loop3A_284 : i32
      %parallel_loop3A_286 = arith.constant 9 : i32
      %parallel_loop3A_287 = arith.index_cast %parallel_loop3A_286 : i32 to index
      %parallel_loop3A_288 = arith.index_cast %parallel_loop3A_285 : i32 to index
      %parallel_loop3A_289 = tpu.vector_load %arg8[%parallel_loop3A_287, %parallel_loop3A_288] {strides = array<i32>} : memref<32x512xf32, #tpu.memory_space<vmem>>, vector<16xf32>,
      tpu.vector_store %arg8[%parallel_loop3A_287, %parallel_loop3A_288], %parallel_loop3A_163 {strides = array<i32>} : memref<32x512xf32, #tpu.memory_space<vmem>>, vector<16xf32>,
      %parallel_loop3A_290 = arith.constant 16 : i32
      %parallel_loop3A_291 = arith.muli %parallel_loop3A_129, %parallel_loop3A_290 : i32
      %parallel_loop3A_292 = arith.constant 10 : i32
      %parallel_loop3A_293 = arith.index_cast %parallel_loop3A_292 : i32 to index
      %parallel_loop3A_294 = arith.index_cast %parallel_loop3A_291 : i32 to index
      %parallel_loop3A_295 = tpu.vector_load %arg8[%parallel_loop3A_293, %parallel_loop3A_294] {strides = array<i32>} : memref<32x512xf32, #tpu.memory_space<vmem>>, vector<16xf32>,
      tpu.vector_store %arg8[%parallel_loop3A_293, %parallel_loop3A_294], %parallel_loop3A_166 {strides = array<i32>} : memref<32x512xf32, #tpu.memory_space<vmem>>, vector<16xf32>,
      %parallel_loop3A_296 = arith.constant 16 : i32
      %parallel_loop3A_297 = arith.muli %parallel_loop3A_129, %parallel_loop3A_296 : i32
      %parallel_loop3A_298 = arith.constant 11 : i32
      %parallel_loop3A_299 = arith.index_cast %parallel_loop3A_298 : i32 to index
      %parallel_loop3A_300 = arith.index_cast %parallel_loop3A_297 : i32 to index
      %parallel_loop3A_301 = tpu.vector_load %arg8[%parallel_loop3A_299, %parallel_loop3A_300] {strides = array<i32>} : memref<32x512xf32, #tpu.memory_space<vmem>>, vector<16xf32>,
      tpu.vector_store %arg8[%parallel_loop3A_299, %parallel_loop3A_300], %parallel_loop3A_169 {strides = array<i32>} : memref<32x512xf32, #tpu.memory_space<vmem>>, vector<16xf32>,
      %parallel_loop3A_302 = arith.constant 16 : i32
      %parallel_loop3A_303 = arith.muli %parallel_loop3A_129, %parallel_loop3A_302 : i32
      %parallel_loop3A_304 = arith.constant 12 : i32
      %parallel_loop3A_305 = arith.index_cast %parallel_loop3A_304 : i32 to index
      %parallel_loop3A_306 = arith.index_cast %parallel_loop3A_303 : i32 to index
      %parallel_loop3A_307 = tpu.vector_load %arg8[%parallel_loop3A_305, %parallel_loop3A_306] {strides = array<i32>} : memref<32x512xf32, #tpu.memory_space<vmem>>, vector<16xf32>,
      tpu.vector_store %arg8[%parallel_loop3A_305, %parallel_loop3A_306], %parallel_loop3A_172 {strides = array<i32>} : memref<32x512xf32, #tpu.memory_space<vmem>>, vector<16xf32>,
      %parallel_loop3A_308 = arith.constant 16 : i32
      %parallel_loop3A_309 = arith.muli %parallel_loop3A_129, %parallel_loop3A_308 : i32
      %parallel_loop3A_310 = arith.constant 13 : i32
      %parallel_loop3A_311 = arith.index_cast %parallel_loop3A_310 : i32 to index
      %parallel_loop3A_312 = arith.index_cast %parallel_loop3A_309 : i32 to index
      %parallel_loop3A_313 = tpu.vector_load %arg8[%parallel_loop3A_311, %parallel_loop3A_312] {strides = array<i32>} : memref<32x512xf32, #tpu.memory_space<vmem>>, vector<16xf32>,
      tpu.vector_store %arg8[%parallel_loop3A_311, %parallel_loop3A_312], %parallel_loop3A_175 {strides = array<i32>} : memref<32x512xf32, #tpu.memory_space<vmem>>, vector<16xf32>,
      %parallel_loop3A_314 = arith.constant 16 : i32
      %parallel_loop3A_315 = arith.muli %parallel_loop3A_129, %parallel_loop3A_314 : i32
      %parallel_loop3A_316 = arith.constant 14 : i32
      %parallel_loop3A_317 = arith.index_cast %parallel_loop3A_316 : i32 to index
      %parallel_loop3A_318 = arith.index_cast %parallel_loop3A_315 : i32 to index
      %parallel_loop3A_319 = tpu.vector_load %arg8[%parallel_loop3A_317, %parallel_loop3A_318] {strides = array<i32>} : memref<32x512xf32, #tpu.memory_space<vmem>>, vector<16xf32>,
      tpu.vector_store %arg8[%parallel_loop3A_317, %parallel_loop3A_318], %parallel_loop3A_178 {strides = array<i32>} : memref<32x512xf32, #tpu.memory_space<vmem>>, vector<16xf32>,
      %parallel_loop3A_320 = arith.constant 16 : i32
      %parallel_loop3A_321 = arith.muli %parallel_loop3A_129, %parallel_loop3A_320 : i32
      %parallel_loop3A_322 = arith.constant 15 : i32
      %parallel_loop3A_323 = arith.index_cast %parallel_loop3A_322 : i32 to index
      %parallel_loop3A_324 = arith.index_cast %parallel_loop3A_321 : i32 to index
      %parallel_loop3A_325 = tpu.vector_load %arg8[%parallel_loop3A_323, %parallel_loop3A_324] {strides = array<i32>} : memref<32x512xf32, #tpu.memory_space<vmem>>, vector<16xf32>,
      tpu.vector_store %arg8[%parallel_loop3A_323, %parallel_loop3A_324], %parallel_loop3A_181 {strides = array<i32>} : memref<32x512xf32, #tpu.memory_space<vmem>>, vector<16xf32>,
      %parallel_loop3A_326 = arith.constant 16 : i32
      %parallel_loop3A_327 = arith.muli %parallel_loop3A_129, %parallel_loop3A_326 : i32
      %parallel_loop3A_328 = arith.constant 16 : i32
      %parallel_loop3A_329 = arith.index_cast %parallel_loop3A_328 : i32 to index
      %parallel_loop3A_330 = arith.index_cast %parallel_loop3A_327 : i32 to index
      %parallel_loop3A_331 = tpu.vector_load %arg8[%parallel_loop3A_329, %parallel_loop3A_330] {strides = array<i32>} : memref<32x512xf32, #tpu.memory_space<vmem>>, vector<16xf32>,
      tpu.vector_store %arg8[%parallel_loop3A_329, %parallel_loop3A_330], %parallel_loop3A_184 {strides = array<i32>} : memref<32x512xf32, #tpu.memory_space<vmem>>, vector<16xf32>,
      %parallel_loop3A_332 = arith.constant 16 : i32
      %parallel_loop3A_333 = arith.muli %parallel_loop3A_129, %parallel_loop3A_332 : i32
      %parallel_loop3A_334 = arith.constant 17 : i32
      %parallel_loop3A_335 = arith.index_cast %parallel_loop3A_334 : i32 to index
      %parallel_loop3A_336 = arith.index_cast %parallel_loop3A_333 : i32 to index
      %parallel_loop3A_337 = tpu.vector_load %arg8[%parallel_loop3A_335, %parallel_loop3A_336] {strides = array<i32>} : memref<32x512xf32, #tpu.memory_space<vmem>>, vector<16xf32>,
      tpu.vector_store %arg8[%parallel_loop3A_335, %parallel_loop3A_336], %parallel_loop3A_187 {strides = array<i32>} : memref<32x512xf32, #tpu.memory_space<vmem>>, vector<16xf32>,
      %parallel_loop3A_338 = arith.constant 16 : i32
      %parallel_loop3A_339 = arith.muli %parallel_loop3A_129, %parallel_loop3A_338 : i32
      %parallel_loop3A_340 = arith.constant 18 : i32
      %parallel_loop3A_341 = arith.index_cast %parallel_loop3A_340 : i32 to index
      %parallel_loop3A_342 = arith.index_cast %parallel_loop3A_339 : i32 to index
      %parallel_loop3A_343 = tpu.vector_load %arg8[%parallel_loop3A_341, %parallel_loop3A_342] {strides = array<i32>} : memref<32x512xf32, #tpu.memory_space<vmem>>, vector<16xf32>,
      tpu.vector_store %arg8[%parallel_loop3A_341, %parallel_loop3A_342], %parallel_loop3A_190 {strides = array<i32>} : memref<32x512xf32, #tpu.memory_space<vmem>>, vector<16xf32>,
      %parallel_loop3A_344 = arith.constant 16 : i32
      %parallel_loop3A_345 = arith.muli %parallel_loop3A_129, %parallel_loop3A_344 : i32
      %parallel_loop3A_346 = arith.constant 19 : i32
      %parallel_loop3A_347 = arith.index_cast %parallel_loop3A_346 : i32 to index
      %parallel_loop3A_348 = arith.index_cast %parallel_loop3A_345 : i32 to index
      %parallel_loop3A_349 = tpu.vector_load %arg8[%parallel_loop3A_347, %parallel_loop3A_348] {strides = array<i32>} : memref<32x512xf32, #tpu.memory_space<vmem>>, vector<16xf32>,
      tpu.vector_store %arg8[%parallel_loop3A_347, %parallel_loop3A_348], %parallel_loop3A_193 {strides = array<i32>} : memref<32x512xf32, #tpu.memory_space<vmem>>, vector<16xf32>,
      %parallel_loop3A_350 = arith.constant 16 : i32
      %parallel_loop3A_351 = arith.muli %parallel_loop3A_129, %parallel_loop3A_350 : i32
      %parallel_loop3A_352 = arith.constant 20 : i32
      %parallel_loop3A_353 = arith.index_cast %parallel_loop3A_352 : i32 to index
      %parallel_loop3A_354 = arith.index_cast %parallel_loop3A_351 : i32 to index
      %parallel_loop3A_355 = tpu.vector_load %arg8[%parallel_loop3A_353, %parallel_loop3A_354] {strides = array<i32>} : memref<32x512xf32, #tpu.memory_space<vmem>>, vector<16xf32>,
      tpu.vector_store %arg8[%parallel_loop3A_353, %parallel_loop3A_354], %parallel_loop3A_196 {strides = array<i32>} : memref<32x512xf32, #tpu.memory_space<vmem>>, vector<16xf32>,
      %parallel_loop3A_356 = arith.constant 16 : i32
      %parallel_loop3A_357 = arith.muli %parallel_loop3A_129, %parallel_loop3A_356 : i32
      %parallel_loop3A_358 = arith.constant 21 : i32
      %parallel_loop3A_359 = arith.index_cast %parallel_loop3A_358 : i32 to index
      %parallel_loop3A_360 = arith.index_cast %parallel_loop3A_357 : i32 to index
      %parallel_loop3A_361 = tpu.vector_load %arg8[%parallel_loop3A_359, %parallel_loop3A_360] {strides = array<i32>} : memref<32x512xf32, #tpu.memory_space<vmem>>, vector<16xf32>,
      tpu.vector_store %arg8[%parallel_loop3A_359, %parallel_loop3A_360], %parallel_loop3A_199 {strides = array<i32>} : memref<32x512xf32, #tpu.memory_space<vmem>>, vector<16xf32>,
      %parallel_loop3A_362 = arith.constant 16 : i32
      %parallel_loop3A_363 = arith.muli %parallel_loop3A_129, %parallel_loop3A_362 : i32
      %parallel_loop3A_364 = arith.constant 22 : i32
      %parallel_loop3A_365 = arith.index_cast %parallel_loop3A_364 : i32 to index
      %parallel_loop3A_366 = arith.index_cast %parallel_loop3A_363 : i32 to index
      %parallel_loop3A_367 = tpu.vector_load %arg8[%parallel_loop3A_365, %parallel_loop3A_366] {strides = array<i32>} : memref<32x512xf32, #tpu.memory_space<vmem>>, vector<16xf32>,
      tpu.vector_store %arg8[%parallel_loop3A_365, %parallel_loop3A_366], %parallel_loop3A_202 {strides = array<i32>} : memref<32x512xf32, #tpu.memory_space<vmem>>, vector<16xf32>,
      %parallel_loop3A_368 = arith.constant 16 : i32
      %parallel_loop3A_369 = arith.muli %parallel_loop3A_129, %parallel_loop3A_368 : i32
      %parallel_loop3A_370 = arith.constant 23 : i32
      %parallel_loop3A_371 = arith.index_cast %parallel_loop3A_370 : i32 to index
      %parallel_loop3A_372 = arith.index_cast %parallel_loop3A_369 : i32 to index
      %parallel_loop3A_373 = tpu.vector_load %arg8[%parallel_loop3A_371, %parallel_loop3A_372] {strides = array<i32>} : memref<32x512xf32, #tpu.memory_space<vmem>>, vector<16xf32>,
      tpu.vector_store %arg8[%parallel_loop3A_371, %parallel_loop3A_372], %parallel_loop3A_205 {strides = array<i32>} : memref<32x512xf32, #tpu.memory_space<vmem>>, vector<16xf32>,
      %parallel_loop3A_374 = arith.constant 16 : i32
      %parallel_loop3A_375 = arith.muli %parallel_loop3A_129, %parallel_loop3A_374 : i32
      %parallel_loop3A_376 = arith.constant 24 : i32
      %parallel_loop3A_377 = arith.index_cast %parallel_loop3A_376 : i32 to index
      %parallel_loop3A_378 = arith.index_cast %parallel_loop3A_375 : i32 to index
      %parallel_loop3A_379 = tpu.vector_load %arg8[%parallel_loop3A_377, %parallel_loop3A_378] {strides = array<i32>} : memref<32x512xf32, #tpu.memory_space<vmem>>, vector<16xf32>,
      tpu.vector_store %arg8[%parallel_loop3A_377, %parallel_loop3A_378], %parallel_loop3A_208 {strides = array<i32>} : memref<32x512xf32, #tpu.memory_space<vmem>>, vector<16xf32>,
      %parallel_loop3A_380 = arith.constant 16 : i32
      %parallel_loop3A_381 = arith.muli %parallel_loop3A_129, %parallel_loop3A_380 : i32
      %parallel_loop3A_382 = arith.constant 25 : i32
      %parallel_loop3A_383 = arith.index_cast %parallel_loop3A_382 : i32 to index
      %parallel_loop3A_384 = arith.index_cast %parallel_loop3A_381 : i32 to index
      %parallel_loop3A_385 = tpu.vector_load %arg8[%parallel_loop3A_383, %parallel_loop3A_384] {strides = array<i32>} : memref<32x512xf32, #tpu.memory_space<vmem>>, vector<16xf32>,
      tpu.vector_store %arg8[%parallel_loop3A_383, %parallel_loop3A_384], %parallel_loop3A_211 {strides = array<i32>} : memref<32x512xf32, #tpu.memory_space<vmem>>, vector<16xf32>,
      %parallel_loop3A_386 = arith.constant 16 : i32
      %parallel_loop3A_387 = arith.muli %parallel_loop3A_129, %parallel_loop3A_386 : i32
      %parallel_loop3A_388 = arith.constant 26 : i32
      %parallel_loop3A_389 = arith.index_cast %parallel_loop3A_388 : i32 to index
      %parallel_loop3A_390 = arith.index_cast %parallel_loop3A_387 : i32 to index
      %parallel_loop3A_391 = tpu.vector_load %arg8[%parallel_loop3A_389, %parallel_loop3A_390] {strides = array<i32>} : memref<32x512xf32, #tpu.memory_space<vmem>>, vector<16xf32>,
      tpu.vector_store %arg8[%parallel_loop3A_389, %parallel_loop3A_390], %parallel_loop3A_214 {strides = array<i32>} : memref<32x512xf32, #tpu.memory_space<vmem>>, vector<16xf32>,
      %parallel_loop3A_392 = arith.constant 16 : i32
      %parallel_loop3A_393 = arith.muli %parallel_loop3A_129, %parallel_loop3A_392 : i32
      %parallel_loop3A_394 = arith.constant 27 : i32
      %parallel_loop3A_395 = arith.index_cast %parallel_loop3A_394 : i32 to index
      %parallel_loop3A_396 = arith.index_cast %parallel_loop3A_393 : i32 to index
      %parallel_loop3A_397 = tpu.vector_load %arg8[%parallel_loop3A_395, %parallel_loop3A_396] {strides = array<i32>} : memref<32x512xf32, #tpu.memory_space<vmem>>, vector<16xf32>,
      tpu.vector_store %arg8[%parallel_loop3A_395, %parallel_loop3A_396], %parallel_loop3A_217 {strides = array<i32>} : memref<32x512xf32, #tpu.memory_space<vmem>>, vector<16xf32>,
      %parallel_loop3A_398 = arith.constant 16 : i32
      %parallel_loop3A_399 = arith.muli %parallel_loop3A_129, %parallel_loop3A_398 : i32
      %parallel_loop3A_400 = arith.constant 28 : i32
      %parallel_loop3A_401 = arith.index_cast %parallel_loop3A_400 : i32 to index
      %parallel_loop3A_402 = arith.index_cast %parallel_loop3A_399 : i32 to index
      %parallel_loop3A_403 = tpu.vector_load %arg8[%parallel_loop3A_401, %parallel_loop3A_402] {strides = array<i32>} : memref<32x512xf32, #tpu.memory_space<vmem>>, vector<16xf32>,
      tpu.vector_store %arg8[%parallel_loop3A_401, %parallel_loop3A_402], %parallel_loop3A_220 {strides = array<i32>} : memref<32x512xf32, #tpu.memory_space<vmem>>, vector<16xf32>,
      %parallel_loop3A_404 = arith.constant 16 : i32
      %parallel_loop3A_405 = arith.muli %parallel_loop3A_129, %parallel_loop3A_404 : i32
      %parallel_loop3A_406 = arith.constant 29 : i32
      %parallel_loop3A_407 = arith.index_cast %parallel_loop3A_406 : i32 to index
      %parallel_loop3A_408 = arith.index_cast %parallel_loop3A_405 : i32 to index
      %parallel_loop3A_409 = tpu.vector_load %arg8[%parallel_loop3A_407, %parallel_loop3A_408] {strides = array<i32>} : memref<32x512xf32, #tpu.memory_space<vmem>>, vector<16xf32>,
      tpu.vector_store %arg8[%parallel_loop3A_407, %parallel_loop3A_408], %parallel_loop3A_223 {strides = array<i32>} : memref<32x512xf32, #tpu.memory_space<vmem>>, vector<16xf32>,
      %parallel_loop3A_410 = arith.constant 16 : i32
      %parallel_loop3A_411 = arith.muli %parallel_loop3A_129, %parallel_loop3A_410 : i32
      %parallel_loop3A_412 = arith.constant 30 : i32
      %parallel_loop3A_413 = arith.index_cast %parallel_loop3A_412 : i32 to index
      %parallel_loop3A_414 = arith.index_cast %parallel_loop3A_411 : i32 to index
      %parallel_loop3A_415 = tpu.vector_load %arg8[%parallel_loop3A_413, %parallel_loop3A_414] {strides = array<i32>} : memref<32x512xf32, #tpu.memory_space<vmem>>, vector<16xf32>,
      tpu.vector_store %arg8[%parallel_loop3A_413, %parallel_loop3A_414], %parallel_loop3A_226 {strides = array<i32>} : memref<32x512xf32, #tpu.memory_space<vmem>>, vector<16xf32>,
      %parallel_loop3A_416 = arith.constant 16 : i32
      %parallel_loop3A_417 = arith.muli %parallel_loop3A_129, %parallel_loop3A_416 : i32
      %parallel_loop3A_418 = arith.constant 31 : i32
      %parallel_loop3A_419 = arith.index_cast %parallel_loop3A_418 : i32 to index
      %parallel_loop3A_420 = arith.index_cast %parallel_loop3A_417 : i32 to index
      %parallel_loop3A_421 = tpu.vector_load %arg8[%parallel_loop3A_419, %parallel_loop3A_420] {strides = array<i32>} : memref<32x512xf32, #tpu.memory_space<vmem>>, vector<16xf32>,
      tpu.vector_store %arg8[%parallel_loop3A_419, %parallel_loop3A_420], %parallel_loop3A_229 {strides = array<i32>} : memref<32x512xf32, #tpu.memory_space<vmem>>, vector<16xf32>,
    } {sc.loop_unroll_factor = 2 : i64, sc.parallel_access}
    %dma_start3A_24 = arith.constant 0 : i32
    %dma_start3A_25 = arith.constant 0 : i32
    %dma_start3A_26 = tpu.memref_slice %arg4[%dma_start3A_24, %dma_start3A_25, %mul3A_2] : memref<50x32x16384xf32, #tpu.memory_space<hbm>> -> memref<1x32x512xf32, #tpu.memory_space<hbm>>
    %dma_start3A_27 = tpu.memref_squeeze %dma_start3A_26 : memref<1x32x512xf32, #tpu.memory_space<hbm>> -> memref<32x512xf32, #tpu.memory_space<hbm>>
    %dma_start3A_28 = arith.constant 0 : i32
    %dma_start3A_29 = tpu.memref_slice %arg4[%dma_start3A_24, %dma_start3A_28, %mul3A_2] : memref<50x32x16384xf32, #tpu.memory_space<hbm>> -> memref<1x32x512xf32, #tpu.memory_space<hbm>>
    %dma_start3A_30 = tpu.memref_squeeze %dma_start3A_29 : memref<1x32x512xf32, #tpu.memory_space<hbm>> -> memref<32x512xf32, #tpu.memory_space<hbm>>
    tpu.enqueue_dma source(%arg8 : memref<32x512xf32, #tpu.memory_space<vmem>>) target(%dma_start3A_30 : memref<32x512xf32, #tpu.memory_space<hbm>>) target_semaphore(%arg12 : memref<!tpu.dma_semaphore, #tpu.memory_space<semaphore_mem>>)
    %dma_wait3A_31 = arith.constant 1 : i32
    %dma_wait3A_32 = arith.constant 0 : i32
    %dma_wait3A_33 = tpu.memref_slice %arg5[%dma_wait3A_31, %dma_wait3A_32] : memref<50x512xi32, #tpu.memory_space<vmem>> -> memref<1x512xi32, #tpu.memory_space<vmem>>
    %dma_wait3A_34 = tpu.memref_squeeze %dma_wait3A_33 : memref<1x512xi32, #tpu.memory_space<vmem>> -> memref<512xi32, #tpu.memory_space<vmem>>
    %dma_wait3A_35 = arith.constant 0 : i32
    %dma_wait3A_36 = arith.constant 0 : i32
    %dma_wait3A_37 = tpu.memref_slice %arg3[%dma_wait3A_35, %dma_wait3A_36] : memref<1000000x32xf32, #tpu.memory_space<hbm>> -> memref<1000000x32xf32, #tpu.memory_space<hbm>>
    tpu.wait_indirect_dma semaphore(%arg11 : memref<!tpu.dma_semaphore, #tpu.memory_space<semaphore_mem>>) src(%dma_wait3A_37 : memref<1000000x32xf32, #tpu.memory_space<hbm>>) dst(%arg7 : memref<512x32xf32, #tpu.memory_space<vmem>>)
    %dma_start3A_38 = arith.constant 2 : i32
    %dma_start3A_39 = arith.constant 0 : i32
    %dma_start3A_40 = tpu.memref_slice %arg5[%dma_start3A_38, %dma_start3A_39] : memref<50x512xi32, #tpu.memory_space<vmem>> -> memref<1x512xi32, #tpu.memory_space<vmem>>
    %dma_start3A_41 = tpu.memref_squeeze %dma_start3A_40 : memref<1x512xi32, #tpu.memory_space<vmem>> -> memref<512xi32, #tpu.memory_space<vmem>>
    %dma_start3A_42 = arith.constant 0 : i32
    %dma_start3A_43 = arith.constant 0 : i32
    %dma_start3A_44 = tpu.memref_slice %arg3[%dma_start3A_42, %dma_start3A_43] : memref<1000000x32xf32, #tpu.memory_space<hbm>> -> memref<1000000x32xf32, #tpu.memory_space<hbm>>
    tpu.enqueue_indirect_dma source(%dma_start3A_44 : memref<1000000x32xf32, #tpu.memory_space<hbm>>) target(%arg6 : memref<512x32xf32, #tpu.memory_space<vmem>>) offsets(%dma_start3A_41 : memref<512xi32, #tpu.memory_space<vmem>>) semaphore(%arg10 : memref<!tpu.dma_semaphore, #tpu.memory_space<semaphore_mem>>)
    %parallel_loop3A_45 = arith.constant 0 : i32
    %parallel_loop3A_46 = arith.constant 32 : i32
    %parallel_loop3A_47 = arith.constant 1 : i32
    scf.for %parallel_loop3A_129 = %parallel_loop3A_45 to %parallel_loop3A_46 step %parallel_loop3A_47  : i32 {
      %parallel_loop3A_130 = arith.constant 16 : i32
      %parallel_loop3A_131 = arith.muli %parallel_loop3A_129, %parallel_loop3A_130 : i32
      %parallel_loop3A_132 = vector.broadcast %parallel_loop3A_131 : i32 to vector<16xi32>
      %parallel_loop3A_133 = arith.addi %parallel_loop3A_132, %iota3A : vector<16xi32>
      %parallel_loop3A_134 = arith.constant 0 : i32
      %parallel_loop3A_135 = vector.broadcast %parallel_loop3A_134 : i32 to vector<16xi32>
      %parallel_loop3A_136 = tpu.vector_load_idx %arg7[%parallel_loop3A_133, %parallel_loop3A_135] : memref<512x32xf32, #tpu.memory_space<vmem>>[vector<16xi32>, vector<16xi32>], vector<16xf32>,
      %parallel_loop3A_137 = arith.constant 1 : i32
      %parallel_loop3A_138 = vector.broadcast %parallel_loop3A_137 : i32 to vector<16xi32>
      %parallel_loop3A_139 = tpu.vector_load_idx %arg7[%parallel_loop3A_133, %parallel_loop3A_138] : memref<512x32xf32, #tpu.memory_space<vmem>>[vector<16xi32>, vector<16xi32>], vector<16xf32>,
      %parallel_loop3A_140 = arith.constant 2 : i32
      %parallel_loop3A_141 = vector.broadcast %parallel_loop3A_140 : i32 to vector<16xi32>
      %parallel_loop3A_142 = tpu.vector_load_idx %arg7[%parallel_loop3A_133, %parallel_loop3A_141] : memref<512x32xf32, #tpu.memory_space<vmem>>[vector<16xi32>, vector<16xi32>], vector<16xf32>,
      %parallel_loop3A_143 = arith.constant 3 : i32
      %parallel_loop3A_144 = vector.broadcast %parallel_loop3A_143 : i32 to vector<16xi32>
      %parallel_loop3A_145 = tpu.vector_load_idx %arg7[%parallel_loop3A_133, %parallel_loop3A_144] : memref<512x32xf32, #tpu.memory_space<vmem>>[vector<16xi32>, vector<16xi32>], vector<16xf32>,
      %parallel_loop3A_146 = arith.constant 4 : i32
      %parallel_loop3A_147 = vector.broadcast %parallel_loop3A_146 : i32 to vector<16xi32>
      %parallel_loop3A_148 = tpu.vector_load_idx %arg7[%parallel_loop3A_133, %parallel_loop3A_147] : memref<512x32xf32, #tpu.memory_space<vmem>>[vector<16xi32>, vector<16xi32>], vector<16xf32>,
      %parallel_loop3A_149 = arith.constant 5 : i32
      %parallel_loop3A_150 = vector.broadcast %parallel_loop3A_149 : i32 to vector<16xi32>
      %parallel_loop3A_151 = tpu.vector_load_idx %arg7[%parallel_loop3A_133, %parallel_loop3A_150] : memref<512x32xf32, #tpu.memory_space<vmem>>[vector<16xi32>, vector<16xi32>], vector<16xf32>,
      %parallel_loop3A_152 = arith.constant 6 : i32
      %parallel_loop3A_153 = vector.broadcast %parallel_loop3A_152 : i32 to vector<16xi32>
      %parallel_loop3A_154 = tpu.vector_load_idx %arg7[%parallel_loop3A_133, %parallel_loop3A_153] : memref<512x32xf32, #tpu.memory_space<vmem>>[vector<16xi32>, vector<16xi32>], vector<16xf32>,
      %parallel_loop3A_155 = arith.constant 7 : i32
      %parallel_loop3A_156 = vector.broadcast %parallel_loop3A_155 : i32 to vector<16xi32>
      %parallel_loop3A_157 = tpu.vector_load_idx %arg7[%parallel_loop3A_133, %parallel_loop3A_156] : memref<512x32xf32, #tpu.memory_space<vmem>>[vector<16xi32>, vector<16xi32>], vector<16xf32>,
      %parallel_loop3A_158 = arith.constant 8 : i32
      %parallel_loop3A_159 = vector.broadcast %parallel_loop3A_158 : i32 to vector<16xi32>
      %parallel_loop3A_160 = tpu.vector_load_idx %arg7[%parallel_loop3A_133, %parallel_loop3A_159] : memref<512x32xf32, #tpu.memory_space<vmem>>[vector<16xi32>, vector<16xi32>], vector<16xf32>,
      %parallel_loop3A_161 = arith.constant 9 : i32
      %parallel_loop3A_162 = vector.broadcast %parallel_loop3A_161 : i32 to vector<16xi32>
      %parallel_loop3A_163 = tpu.vector_load_idx %arg7[%parallel_loop3A_133, %parallel_loop3A_162] : memref<512x32xf32, #tpu.memory_space<vmem>>[vector<16xi32>, vector<16xi32>], vector<16xf32>,
      %parallel_loop3A_164 = arith.constant 10 : i32
      %parallel_loop3A_165 = vector.broadcast %parallel_loop3A_164 : i32 to vector<16xi32>
      %parallel_loop3A_166 = tpu.vector_load_idx %arg7[%parallel_loop3A_133, %parallel_loop3A_165] : memref<512x32xf32, #tpu.memory_space<vmem>>[vector<16xi32>, vector<16xi32>], vector<16xf32>,
      %parallel_loop3A_167 = arith.constant 11 : i32
      %parallel_loop3A_168 = vector.broadcast %parallel_loop3A_167 : i32 to vector<16xi32>
      %parallel_loop3A_169 = tpu.vector_load_idx %arg7[%parallel_loop3A_133, %parallel_loop3A_168] : memref<512x32xf32, #tpu.memory_space<vmem>>[vector<16xi32>, vector<16xi32>], vector<16xf32>,
      %parallel_loop3A_170 = arith.constant 12 : i32
      %parallel_loop3A_171 = vector.broadcast %parallel_loop3A_170 : i32 to vector<16xi32>
      %parallel_loop3A_172 = tpu.vector_load_idx %arg7[%parallel_loop3A_133, %parallel_loop3A_171] : memref<512x32xf32, #tpu.memory_space<vmem>>[vector<16xi32>, vector<16xi32>], vector<16xf32>,
      %parallel_loop3A_173 = arith.constant 13 : i32
      %parallel_loop3A_174 = vector.broadcast %parallel_loop3A_173 : i32 to vector<16xi32>
      %parallel_loop3A_175 = tpu.vector_load_idx %arg7[%parallel_loop3A_133, %parallel_loop3A_174] : memref<512x32xf32, #tpu.memory_space<vmem>>[vector<16xi32>, vector<16xi32>], vector<16xf32>,
      %parallel_loop3A_176 = arith.constant 14 : i32
      %parallel_loop3A_177 = vector.broadcast %parallel_loop3A_176 : i32 to vector<16xi32>
      %parallel_loop3A_178 = tpu.vector_load_idx %arg7[%parallel_loop3A_133, %parallel_loop3A_177] : memref<512x32xf32, #tpu.memory_space<vmem>>[vector<16xi32>, vector<16xi32>], vector<16xf32>,
      %parallel_loop3A_179 = arith.constant 15 : i32
      %parallel_loop3A_180 = vector.broadcast %parallel_loop3A_179 : i32 to vector<16xi32>
      %parallel_loop3A_181 = tpu.vector_load_idx %arg7[%parallel_loop3A_133, %parallel_loop3A_180] : memref<512x32xf32, #tpu.memory_space<vmem>>[vector<16xi32>, vector<16xi32>], vector<16xf32>,
      %parallel_loop3A_182 = arith.constant 16 : i32
      %parallel_loop3A_183 = vector.broadcast %parallel_loop3A_182 : i32 to vector<16xi32>
      %parallel_loop3A_184 = tpu.vector_load_idx %arg7[%parallel_loop3A_133, %parallel_loop3A_183] : memref<512x32xf32, #tpu.memory_space<vmem>>[vector<16xi32>, vector<16xi32>], vector<16xf32>,
      %parallel_loop3A_185 = arith.constant 17 : i32
      %parallel_loop3A_186 = vector.broadcast %parallel_loop3A_185 : i32 to vector<16xi32>
      %parallel_loop3A_187 = tpu.vector_load_idx %arg7[%parallel_loop3A_133, %parallel_loop3A_186] : memref<512x32xf32, #tpu.memory_space<vmem>>[vector<16xi32>, vector<16xi32>], vector<16xf32>,
      %parallel_loop3A_188 = arith.constant 18 : i32
      %parallel_loop3A_189 = vector.broadcast %parallel_loop3A_188 : i32 to vector<16xi32>
      %parallel_loop3A_190 = tpu.vector_load_idx %arg7[%parallel_loop3A_133, %parallel_loop3A_189] : memref<512x32xf32, #tpu.memory_space<vmem>>[vector<16xi32>, vector<16xi32>], vector<16xf32>,
      %parallel_loop3A_191 = arith.constant 19 : i32
      %parallel_loop3A_192 = vector.broadcast %parallel_loop3A_191 : i32 to vector<16xi32>
      %parallel_loop3A_193 = tpu.vector_load_idx %arg7[%parallel_loop3A_133, %parallel_loop3A_192] : memref<512x32xf32, #tpu.memory_space<vmem>>[vector<16xi32>, vector<16xi32>], vector<16xf32>,
      %parallel_loop3A_194 = arith.constant 20 : i32
      %parallel_loop3A_195 = vector.broadcast %parallel_loop3A_194 : i32 to vector<16xi32>
      %parallel_loop3A_196 = tpu.vector_load_idx %arg7[%parallel_loop3A_133, %parallel_loop3A_195] : memref<512x32xf32, #tpu.memory_space<vmem>>[vector<16xi32>, vector<16xi32>], vector<16xf32>,
      %parallel_loop3A_197 = arith.constant 21 : i32
      %parallel_loop3A_198 = vector.broadcast %parallel_loop3A_197 : i32 to vector<16xi32>
      %parallel_loop3A_199 = tpu.vector_load_idx %arg7[%parallel_loop3A_133, %parallel_loop3A_198] : memref<512x32xf32, #tpu.memory_space<vmem>>[vector<16xi32>, vector<16xi32>], vector<16xf32>,
      %parallel_loop3A_200 = arith.constant 22 : i32
      %parallel_loop3A_201 = vector.broadcast %parallel_loop3A_200 : i32 to vector<16xi32>
      %parallel_loop3A_202 = tpu.vector_load_idx %arg7[%parallel_loop3A_133, %parallel_loop3A_201] : memref<512x32xf32, #tpu.memory_space<vmem>>[vector<16xi32>, vector<16xi32>], vector<16xf32>,
      %parallel_loop3A_203 = arith.constant 23 : i32
      %parallel_loop3A_204 = vector.broadcast %parallel_loop3A_203 : i32 to vector<16xi32>
      %parallel_loop3A_205 = tpu.vector_load_idx %arg7[%parallel_loop3A_133, %parallel_loop3A_204] : memref<512x32xf32, #tpu.memory_space<vmem>>[vector<16xi32>, vector<16xi32>], vector<16xf32>,
      %parallel_loop3A_206 = arith.constant 24 : i32
      %parallel_loop3A_207 = vector.broadcast %parallel_loop3A_206 : i32 to vector<16xi32>
      %parallel_loop3A_208 = tpu.vector_load_idx %arg7[%parallel_loop3A_133, %parallel_loop3A_207] : memref<512x32xf32, #tpu.memory_space<vmem>>[vector<16xi32>, vector<16xi32>], vector<16xf32>,
      %parallel_loop3A_209 = arith.constant 25 : i32
      %parallel_loop3A_210 = vector.broadcast %parallel_loop3A_209 : i32 to vector<16xi32>
      %parallel_loop3A_211 = tpu.vector_load_idx %arg7[%parallel_loop3A_133, %parallel_loop3A_210] : memref<512x32xf32, #tpu.memory_space<vmem>>[vector<16xi32>, vector<16xi32>], vector<16xf32>,
      %parallel_loop3A_212 = arith.constant 26 : i32
      %parallel_loop3A_213 = vector.broadcast %parallel_loop3A_212 : i32 to vector<16xi32>
      %parallel_loop3A_214 = tpu.vector_load_idx %arg7[%parallel_loop3A_133, %parallel_loop3A_213] : memref<512x32xf32, #tpu.memory_space<vmem>>[vector<16xi32>, vector<16xi32>], vector<16xf32>,
      %parallel_loop3A_215 = arith.constant 27 : i32
      %parallel_loop3A_216 = vector.broadcast %parallel_loop3A_215 : i32 to vector<16xi32>
      %parallel_loop3A_217 = tpu.vector_load_idx %arg7[%parallel_loop3A_133, %parallel_loop3A_216] : memref<512x32xf32, #tpu.memory_space<vmem>>[vector<16xi32>, vector<16xi32>], vector<16xf32>,
      %parallel_loop3A_218 = arith.constant 28 : i32
      %parallel_loop3A_219 = vector.broadcast %parallel_loop3A_218 : i32 to vector<16xi32>
      %parallel_loop3A_220 = tpu.vector_load_idx %arg7[%parallel_loop3A_133, %parallel_loop3A_219] : memref<512x32xf32, #tpu.memory_space<vmem>>[vector<16xi32>, vector<16xi32>], vector<16xf32>,
      %parallel_loop3A_221 = arith.constant 29 : i32
      %parallel_loop3A_222 = vector.broadcast %parallel_loop3A_221 : i32 to vector<16xi32>
      %parallel_loop3A_223 = tpu.vector_load_idx %arg7[%parallel_loop3A_133, %parallel_loop3A_222] : memref<512x32xf32, #tpu.memory_space<vmem>>[vector<16xi32>, vector<16xi32>], vector<16xf32>,
      %parallel_loop3A_224 = arith.constant 30 : i32
      %parallel_loop3A_225 = vector.broadcast %parallel_loop3A_224 : i32 to vector<16xi32>
      %parallel_loop3A_226 = tpu.vector_load_idx %arg7[%parallel_loop3A_133, %parallel_loop3A_225] : memref<512x32xf32, #tpu.memory_space<vmem>>[vector<16xi32>, vector<16xi32>], vector<16xf32>,
      %parallel_loop3A_227 = arith.constant 31 : i32
      %parallel_loop3A_228 = vector.broadcast %parallel_loop3A_227 : i32 to vector<16xi32>
      %parallel_loop3A_229 = tpu.vector_load_idx %arg7[%parallel_loop3A_133, %parallel_loop3A_228] : memref<512x32xf32, #tpu.memory_space<vmem>>[vector<16xi32>, vector<16xi32>], vector<16xf32>,
      %parallel_loop3A_230 = arith.constant 16 : i32
      %parallel_loop3A_231 = arith.muli %parallel_loop3A_129, %parallel_loop3A_230 : i32
      %parallel_loop3A_232 = arith.constant 0 : i32
      %parallel_loop3A_233 = arith.index_cast %parallel_loop3A_232 : i32 to index
      %parallel_loop3A_234 = arith.index_cast %parallel_loop3A_231 : i32 to index
      %parallel_loop3A_235 = tpu.vector_load %arg9[%parallel_loop3A_233, %parallel_loop3A_234] {strides = array<i32>} : memref<32x512xf32, #tpu.memory_space<vmem>>, vector<16xf32>,
      tpu.vector_store %arg9[%parallel_loop3A_233, %parallel_loop3A_234], %parallel_loop3A_136 {strides = array<i32>} : memref<32x512xf32, #tpu.memory_space<vmem>>, vector<16xf32>,
      %parallel_loop3A_236 = arith.constant 16 : i32
      %parallel_loop3A_237 = arith.muli %parallel_loop3A_129, %parallel_loop3A_236 : i32
      %parallel_loop3A_238 = arith.constant 1 : i32
      %parallel_loop3A_239 = arith.index_cast %parallel_loop3A_238 : i32 to index
      %parallel_loop3A_240 = arith.index_cast %parallel_loop3A_237 : i32 to index
      %parallel_loop3A_241 = tpu.vector_load %arg9[%parallel_loop3A_239, %parallel_loop3A_240] {strides = array<i32>} : memref<32x512xf32, #tpu.memory_space<vmem>>, vector<16xf32>,
      tpu.vector_store %arg9[%parallel_loop3A_239, %parallel_loop3A_240], %parallel_loop3A_139 {strides = array<i32>} : memref<32x512xf32, #tpu.memory_space<vmem>>, vector<16xf32>,
      %parallel_loop3A_242 = arith.constant 16 : i32
      %parallel_loop3A_243 = arith.muli %parallel_loop3A_129, %parallel_loop3A_242 : i32
      %parallel_loop3A_244 = arith.constant 2 : i32
      %parallel_loop3A_245 = arith.index_cast %parallel_loop3A_244 : i32 to index
      %parallel_loop3A_246 = arith.index_cast %parallel_loop3A_243 : i32 to index
      %parallel_loop3A_247 = tpu.vector_load %arg9[%parallel_loop3A_245, %parallel_loop3A_246] {strides = array<i32>} : memref<32x512xf32, #tpu.memory_space<vmem>>, vector<16xf32>,
      tpu.vector_store %arg9[%parallel_loop3A_245, %parallel_loop3A_246], %parallel_loop3A_142 {strides = array<i32>} : memref<32x512xf32, #tpu.memory_space<vmem>>, vector<16xf32>,
      %parallel_loop3A_248 = arith.constant 16 : i32
      %parallel_loop3A_249 = arith.muli %parallel_loop3A_129, %parallel_loop3A_248 : i32
      %parallel_loop3A_250 = arith.constant 3 : i32
      %parallel_loop3A_251 = arith.index_cast %parallel_loop3A_250 : i32 to index
      %parallel_loop3A_252 = arith.index_cast %parallel_loop3A_249 : i32 to index
      %parallel_loop3A_253 = tpu.vector_load %arg9[%parallel_loop3A_251, %parallel_loop3A_252] {strides = array<i32>} : memref<32x512xf32, #tpu.memory_space<vmem>>, vector<16xf32>,
      tpu.vector_store %arg9[%parallel_loop3A_251, %parallel_loop3A_252], %parallel_loop3A_145 {strides = array<i32>} : memref<32x512xf32, #tpu.memory_space<vmem>>, vector<16xf32>,
      %parallel_loop3A_254 = arith.constant 16 : i32
      %parallel_loop3A_255 = arith.muli %parallel_loop3A_129, %parallel_loop3A_254 : i32
      %parallel_loop3A_256 = arith.constant 4 : i32
      %parallel_loop3A_257 = arith.index_cast %parallel_loop3A_256 : i32 to index
      %parallel_loop3A_258 = arith.index_cast %parallel_loop3A_255 : i32 to index
      %parallel_loop3A_259 = tpu.vector_load %arg9[%parallel_loop3A_257, %parallel_loop3A_258] {strides = array<i32>} : memref<32x512xf32, #tpu.memory_space<vmem>>, vector<16xf32>,
      tpu.vector_store %arg9[%parallel_loop3A_257, %parallel_loop3A_258], %parallel_loop3A_148 {strides = array<i32>} : memref<32x512xf32, #tpu.memory_space<vmem>>, vector<16xf32>,
      %parallel_loop3A_260 = arith.constant 16 : i32
      %parallel_loop3A_261 = arith.muli %parallel_loop3A_129, %parallel_loop3A_260 : i32
      %parallel_loop3A_262 = arith.constant 5 : i32
      %parallel_loop3A_263 = arith.index_cast %parallel_loop3A_262 : i32 to index
      %parallel_loop3A_264 = arith.index_cast %parallel_loop3A_261 : i32 to index
      %parallel_loop3A_265 = tpu.vector_load %arg9[%parallel_loop3A_263, %parallel_loop3A_264] {strides = array<i32>} : memref<32x512xf32, #tpu.memory_space<vmem>>, vector<16xf32>,
      tpu.vector_store %arg9[%parallel_loop3A_263, %parallel_loop3A_264], %parallel_loop3A_151 {strides = array<i32>} : memref<32x512xf32, #tpu.memory_space<vmem>>, vector<16xf32>,
      %parallel_loop3A_266 = arith.constant 16 : i32
      %parallel_loop3A_267 = arith.muli %parallel_loop3A_129, %parallel_loop3A_266 : i32
      %parallel_loop3A_268 = arith.constant 6 : i32
      %parallel_loop3A_269 = arith.index_cast %parallel_loop3A_268 : i32 to index
      %parallel_loop3A_270 = arith.index_cast %parallel_loop3A_267 : i32 to index
      %parallel_loop3A_271 = tpu.vector_load %arg9[%parallel_loop3A_269, %parallel_loop3A_270] {strides = array<i32>} : memref<32x512xf32, #tpu.memory_space<vmem>>, vector<16xf32>,
      tpu.vector_store %arg9[%parallel_loop3A_269, %parallel_loop3A_270], %parallel_loop3A_154 {strides = array<i32>} : memref<32x512xf32, #tpu.memory_space<vmem>>, vector<16xf32>,
      %parallel_loop3A_272 = arith.constant 16 : i32
      %parallel_loop3A_273 = arith.muli %parallel_loop3A_129, %parallel_loop3A_272 : i32
      %parallel_loop3A_274 = arith.constant 7 : i32
      %parallel_loop3A_275 = arith.index_cast %parallel_loop3A_274 : i32 to index
      %parallel_loop3A_276 = arith.index_cast %parallel_loop3A_273 : i32 to index
      %parallel_loop3A_277 = tpu.vector_load %arg9[%parallel_loop3A_275, %parallel_loop3A_276] {strides = array<i32>} : memref<32x512xf32, #tpu.memory_space<vmem>>, vector<16xf32>,
      tpu.vector_store %arg9[%parallel_loop3A_275, %parallel_loop3A_276], %parallel_loop3A_157 {strides = array<i32>} : memref<32x512xf32, #tpu.memory_space<vmem>>, vector<16xf32>,
      %parallel_loop3A_278 = arith.constant 16 : i32
      %parallel_loop3A_279 = arith.muli %parallel_loop3A_129, %parallel_loop3A_278 : i32
      %parallel_loop3A_280 = arith.constant 8 : i32
      %parallel_loop3A_281 = arith.index_cast %parallel_loop3A_280 : i32 to index
      %parallel_loop3A_282 = arith.index_cast %parallel_loop3A_279 : i32 to index
      %parallel_loop3A_283 = tpu.vector_load %arg9[%parallel_loop3A_281, %parallel_loop3A_282] {strides = array<i32>} : memref<32x512xf32, #tpu.memory_space<vmem>>, vector<16xf32>,
      tpu.vector_store %arg9[%parallel_loop3A_281, %parallel_loop3A_282], %parallel_loop3A_160 {strides = array<i32>} : memref<32x512xf32, #tpu.memory_space<vmem>>, vector<16xf32>,
      %parallel_loop3A_284 = arith.constant 16 : i32
      %parallel_loop3A_285 = arith.muli %parallel_loop3A_129, %parallel_loop3A_284 : i32
      %parallel_loop3A_286 = arith.constant 9 : i32
      %parallel_loop3A_287 = arith.index_cast %parallel_loop3A_286 : i32 to index
      %parallel_loop3A_288 = arith.index_cast %parallel_loop3A_285 : i32 to index
      %parallel_loop3A_289 = tpu.vector_load %arg9[%parallel_loop3A_287, %parallel_loop3A_288] {strides = array<i32>} : memref<32x512xf32, #tpu.memory_space<vmem>>, vector<16xf32>,
      tpu.vector_store %arg9[%parallel_loop3A_287, %parallel_loop3A_288], %parallel_loop3A_163 {strides = array<i32>} : memref<32x512xf32, #tpu.memory_space<vmem>>, vector<16xf32>,
      %parallel_loop3A_290 = arith.constant 16 : i32
      %parallel_loop3A_291 = arith.muli %parallel_loop3A_129, %parallel_loop3A_290 : i32
      %parallel_loop3A_292 = arith.constant 10 : i32
      %parallel_loop3A_293 = arith.index_cast %parallel_loop3A_292 : i32 to index
      %parallel_loop3A_294 = arith.index_cast %parallel_loop3A_291 : i32 to index
      %parallel_loop3A_295 = tpu.vector_load %arg9[%parallel_loop3A_293, %parallel_loop3A_294] {strides = array<i32>} : memref<32x512xf32, #tpu.memory_space<vmem>>, vector<16xf32>,
      tpu.vector_store %arg9[%parallel_loop3A_293, %parallel_loop3A_294], %parallel_loop3A_166 {strides = array<i32>} : memref<32x512xf32, #tpu.memory_space<vmem>>, vector<16xf32>,
      %parallel_loop3A_296 = arith.constant 16 : i32
      %parallel_loop3A_297 = arith.muli %parallel_loop3A_129, %parallel_loop3A_296 : i32
      %parallel_loop3A_298 = arith.constant 11 : i32
      %parallel_loop3A_299 = arith.index_cast %parallel_loop3A_298 : i32 to index
      %parallel_loop3A_300 = arith.index_cast %parallel_loop3A_297 : i32 to index
      %parallel_loop3A_301 = tpu.vector_load %arg9[%parallel_loop3A_299, %parallel_loop3A_300] {strides = array<i32>} : memref<32x512xf32, #tpu.memory_space<vmem>>, vector<16xf32>,
      tpu.vector_store %arg9[%parallel_loop3A_299, %parallel_loop3A_300], %parallel_loop3A_169 {strides = array<i32>} : memref<32x512xf32, #tpu.memory_space<vmem>>, vector<16xf32>,
      %parallel_loop3A_302 = arith.constant 16 : i32
      %parallel_loop3A_303 = arith.muli %parallel_loop3A_129, %parallel_loop3A_302 : i32
      %parallel_loop3A_304 = arith.constant 12 : i32
      %parallel_loop3A_305 = arith.index_cast %parallel_loop3A_304 : i32 to index
      %parallel_loop3A_306 = arith.index_cast %parallel_loop3A_303 : i32 to index
      %parallel_loop3A_307 = tpu.vector_load %arg9[%parallel_loop3A_305, %parallel_loop3A_306] {strides = array<i32>} : memref<32x512xf32, #tpu.memory_space<vmem>>, vector<16xf32>,
      tpu.vector_store %arg9[%parallel_loop3A_305, %parallel_loop3A_306], %parallel_loop3A_172 {strides = array<i32>} : memref<32x512xf32, #tpu.memory_space<vmem>>, vector<16xf32>,
      %parallel_loop3A_308 = arith.constant 16 : i32
      %parallel_loop3A_309 = arith.muli %parallel_loop3A_129, %parallel_loop3A_308 : i32
      %parallel_loop3A_310 = arith.constant 13 : i32
      %parallel_loop3A_311 = arith.index_cast %parallel_loop3A_310 : i32 to index
      %parallel_loop3A_312 = arith.index_cast %parallel_loop3A_309 : i32 to index
      %parallel_loop3A_313 = tpu.vector_load %arg9[%parallel_loop3A_311, %parallel_loop3A_312] {strides = array<i32>} : memref<32x512xf32, #tpu.memory_space<vmem>>, vector<16xf32>,
      tpu.vector_store %arg9[%parallel_loop3A_311, %parallel_loop3A_312], %parallel_loop3A_175 {strides = array<i32>} : memref<32x512xf32, #tpu.memory_space<vmem>>, vector<16xf32>,
      %parallel_loop3A_314 = arith.constant 16 : i32
      %parallel_loop3A_315 = arith.muli %parallel_loop3A_129, %parallel_loop3A_314 : i32
      %parallel_loop3A_316 = arith.constant 14 : i32
      %parallel_loop3A_317 = arith.index_cast %parallel_loop3A_316 : i32 to index
      %parallel_loop3A_318 = arith.index_cast %parallel_loop3A_315 : i32 to index
      %parallel_loop3A_319 = tpu.vector_load %arg9[%parallel_loop3A_317, %parallel_loop3A_318] {strides = array<i32>} : memref<32x512xf32, #tpu.memory_space<vmem>>, vector<16xf32>,
      tpu.vector_store %arg9[%parallel_loop3A_317, %parallel_loop3A_318], %parallel_loop3A_178 {strides = array<i32>} : memref<32x512xf32, #tpu.memory_space<vmem>>, vector<16xf32>,
      %parallel_loop3A_320 = arith.constant 16 : i32
      %parallel_loop3A_321 = arith.muli %parallel_loop3A_129, %parallel_loop3A_320 : i32
      %parallel_loop3A_322 = arith.constant 15 : i32
      %parallel_loop3A_323 = arith.index_cast %parallel_loop3A_322 : i32 to index
      %parallel_loop3A_324 = arith.index_cast %parallel_loop3A_321 : i32 to index
      %parallel_loop3A_325 = tpu.vector_load %arg9[%parallel_loop3A_323, %parallel_loop3A_324] {strides = array<i32>} : memref<32x512xf32, #tpu.memory_space<vmem>>, vector<16xf32>,
      tpu.vector_store %arg9[%parallel_loop3A_323, %parallel_loop3A_324], %parallel_loop3A_181 {strides = array<i32>} : memref<32x512xf32, #tpu.memory_space<vmem>>, vector<16xf32>,
      %parallel_loop3A_326 = arith.constant 16 : i32
      %parallel_loop3A_327 = arith.muli %parallel_loop3A_129, %parallel_loop3A_326 : i32
      %parallel_loop3A_328 = arith.constant 16 : i32
      %parallel_loop3A_329 = arith.index_cast %parallel_loop3A_328 : i32 to index
      %parallel_loop3A_330 = arith.index_cast %parallel_loop3A_327 : i32 to index
      %parallel_loop3A_331 = tpu.vector_load %arg9[%parallel_loop3A_329, %parallel_loop3A_330] {strides = array<i32>} : memref<32x512xf32, #tpu.memory_space<vmem>>, vector<16xf32>,
      tpu.vector_store %arg9[%parallel_loop3A_329, %parallel_loop3A_330], %parallel_loop3A_184 {strides = array<i32>} : memref<32x512xf32, #tpu.memory_space<vmem>>, vector<16xf32>,
      %parallel_loop3A_332 = arith.constant 16 : i32
      %parallel_loop3A_333 = arith.muli %parallel_loop3A_129, %parallel_loop3A_332 : i32
      %parallel_loop3A_334 = arith.constant 17 : i32
      %parallel_loop3A_335 = arith.index_cast %parallel_loop3A_334 : i32 to index
      %parallel_loop3A_336 = arith.index_cast %parallel_loop3A_333 : i32 to index
      %parallel_loop3A_337 = tpu.vector_load %arg9[%parallel_loop3A_335, %parallel_loop3A_336] {strides = array<i32>} : memref<32x512xf32, #tpu.memory_space<vmem>>, vector<16xf32>,
      tpu.vector_store %arg9[%parallel_loop3A_335, %parallel_loop3A_336], %parallel_loop3A_187 {strides = array<i32>} : memref<32x512xf32, #tpu.memory_space<vmem>>, vector<16xf32>,
      %parallel_loop3A_338 = arith.constant 16 : i32
      %parallel_loop3A_339 = arith.muli %parallel_loop3A_129, %parallel_loop3A_338 : i32
      %parallel_loop3A_340 = arith.constant 18 : i32
      %parallel_loop3A_341 = arith.index_cast %parallel_loop3A_340 : i32 to index
      %parallel_loop3A_342 = arith.index_cast %parallel_loop3A_339 : i32 to index
      %parallel_loop3A_343 = tpu.vector_load %arg9[%parallel_loop3A_341, %parallel_loop3A_342] {strides = array<i32>} : memref<32x512xf32, #tpu.memory_space<vmem>>, vector<16xf32>,
      tpu.vector_store %arg9[%parallel_loop3A_341, %parallel_loop3A_342], %parallel_loop3A_190 {strides = array<i32>} : memref<32x512xf32, #tpu.memory_space<vmem>>, vector<16xf32>,
      %parallel_loop3A_344 = arith.constant 16 : i32
      %parallel_loop3A_345 = arith.muli %parallel_loop3A_129, %parallel_loop3A_344 : i32
      %parallel_loop3A_346 = arith.constant 19 : i32
      %parallel_loop3A_347 = arith.index_cast %parallel_loop3A_346 : i32 to index
      %parallel_loop3A_348 = arith.index_cast %parallel_loop3A_345 : i32 to index
      %parallel_loop3A_349 = tpu.vector_load %arg9[%parallel_loop3A_347, %parallel_loop3A_348] {strides = array<i32>} : memref<32x512xf32, #tpu.memory_space<vmem>>, vector<16xf32>,
      tpu.vector_store %arg9[%parallel_loop3A_347, %parallel_loop3A_348], %parallel_loop3A_193 {strides = array<i32>} : memref<32x512xf32, #tpu.memory_space<vmem>>, vector<16xf32>,
      %parallel_loop3A_350 = arith.constant 16 : i32
      %parallel_loop3A_351 = arith.muli %parallel_loop3A_129, %parallel_loop3A_350 : i32
      %parallel_loop3A_352 = arith.constant 20 : i32
      %parallel_loop3A_353 = arith.index_cast %parallel_loop3A_352 : i32 to index
      %parallel_loop3A_354 = arith.index_cast %parallel_loop3A_351 : i32 to index
      %parallel_loop3A_355 = tpu.vector_load %arg9[%parallel_loop3A_353, %parallel_loop3A_354] {strides = array<i32>} : memref<32x512xf32, #tpu.memory_space<vmem>>, vector<16xf32>,
      tpu.vector_store %arg9[%parallel_loop3A_353, %parallel_loop3A_354], %parallel_loop3A_196 {strides = array<i32>} : memref<32x512xf32, #tpu.memory_space<vmem>>, vector<16xf32>,
      %parallel_loop3A_356 = arith.constant 16 : i32
      %parallel_loop3A_357 = arith.muli %parallel_loop3A_129, %parallel_loop3A_356 : i32
      %parallel_loop3A_358 = arith.constant 21 : i32
      %parallel_loop3A_359 = arith.index_cast %parallel_loop3A_358 : i32 to index
      %parallel_loop3A_360 = arith.index_cast %parallel_loop3A_357 : i32 to index
      %parallel_loop3A_361 = tpu.vector_load %arg9[%parallel_loop3A_359, %parallel_loop3A_360] {strides = array<i32>} : memref<32x512xf32, #tpu.memory_space<vmem>>, vector<16xf32>,
      tpu.vector_store %arg9[%parallel_loop3A_359, %parallel_loop3A_360], %parallel_loop3A_199 {strides = array<i32>} : memref<32x512xf32, #tpu.memory_space<vmem>>, vector<16xf32>,
      %parallel_loop3A_362 = arith.constant 16 : i32
      %parallel_loop3A_363 = arith.muli %parallel_loop3A_129, %parallel_loop3A_362 : i32
      %parallel_loop3A_364 = arith.constant 22 : i32
      %parallel_loop3A_365 = arith.index_cast %parallel_loop3A_364 : i32 to index
      %parallel_loop3A_366 = arith.index_cast %parallel_loop3A_363 : i32 to index
      %parallel_loop3A_367 = tpu.vector_load %arg9[%parallel_loop3A_365, %parallel_loop3A_366] {strides = array<i32>} : memref<32x512xf32, #tpu.memory_space<vmem>>, vector<16xf32>,
      tpu.vector_store %arg9[%parallel_loop3A_365, %parallel_loop3A_366], %parallel_loop3A_202 {strides = array<i32>} : memref<32x512xf32, #tpu.memory_space<vmem>>, vector<16xf32>,
      %parallel_loop3A_368 = arith.constant 16 : i32
      %parallel_loop3A_369 = arith.muli %parallel_loop3A_129, %parallel_loop3A_368 : i32
      %parallel_loop3A_370 = arith.constant 23 : i32
      %parallel_loop3A_371 = arith.index_cast %parallel_loop3A_370 : i32 to index
      %parallel_loop3A_372 = arith.index_cast %parallel_loop3A_369 : i32 to index
      %parallel_loop3A_373 = tpu.vector_load %arg9[%parallel_loop3A_371, %parallel_loop3A_372] {strides = array<i32>} : memref<32x512xf32, #tpu.memory_space<vmem>>, vector<16xf32>,
      tpu.vector_store %arg9[%parallel_loop3A_371, %parallel_loop3A_372], %parallel_loop3A_205 {strides = array<i32>} : memref<32x512xf32, #tpu.memory_space<vmem>>, vector<16xf32>,
      %parallel_loop3A_374 = arith.constant 16 : i32
      %parallel_loop3A_375 = arith.muli %parallel_loop3A_129, %parallel_loop3A_374 : i32
      %parallel_loop3A_376 = arith.constant 24 : i32
      %parallel_loop3A_377 = arith.index_cast %parallel_loop3A_376 : i32 to index
      %parallel_loop3A_378 = arith.index_cast %parallel_loop3A_375 : i32 to index
      %parallel_loop3A_379 = tpu.vector_load %arg9[%parallel_loop3A_377, %parallel_loop3A_378] {strides = array<i32>} : memref<32x512xf32, #tpu.memory_space<vmem>>, vector<16xf32>,
      tpu.vector_store %arg9[%parallel_loop3A_377, %parallel_loop3A_378], %parallel_loop3A_208 {strides = array<i32>} : memref<32x512xf32, #tpu.memory_space<vmem>>, vector<16xf32>,
      %parallel_loop3A_380 = arith.constant 16 : i32
      %parallel_loop3A_381 = arith.muli %parallel_loop3A_129, %parallel_loop3A_380 : i32
      %parallel_loop3A_382 = arith.constant 25 : i32
      %parallel_loop3A_383 = arith.index_cast %parallel_loop3A_382 : i32 to index
      %parallel_loop3A_384 = arith.index_cast %parallel_loop3A_381 : i32 to index
      %parallel_loop3A_385 = tpu.vector_load %arg9[%parallel_loop3A_383, %parallel_loop3A_384] {strides = array<i32>} : memref<32x512xf32, #tpu.memory_space<vmem>>, vector<16xf32>,
      tpu.vector_store %arg9[%parallel_loop3A_383, %parallel_loop3A_384], %parallel_loop3A_211 {strides = array<i32>} : memref<32x512xf32, #tpu.memory_space<vmem>>, vector<16xf32>,
      %parallel_loop3A_386 = arith.constant 16 : i32
      %parallel_loop3A_387 = arith.muli %parallel_loop3A_129, %parallel_loop3A_386 : i32
      %parallel_loop3A_388 = arith.constant 26 : i32
      %parallel_loop3A_389 = arith.index_cast %parallel_loop3A_388 : i32 to index
      %parallel_loop3A_390 = arith.index_cast %parallel_loop3A_387 : i32 to index
      %parallel_loop3A_391 = tpu.vector_load %arg9[%parallel_loop3A_389, %parallel_loop3A_390] {strides = array<i32>} : memref<32x512xf32, #tpu.memory_space<vmem>>, vector<16xf32>,
      tpu.vector_store %arg9[%parallel_loop3A_389, %parallel_loop3A_390], %parallel_loop3A_214 {strides = array<i32>} : memref<32x512xf32, #tpu.memory_space<vmem>>, vector<16xf32>,
      %parallel_loop3A_392 = arith.constant 16 : i32
      %parallel_loop3A_393 = arith.muli %parallel_loop3A_129, %parallel_loop3A_392 : i32
      %parallel_loop3A_394 = arith.constant 27 : i32
      %parallel_loop3A_395 = arith.index_cast %parallel_loop3A_394 : i32 to index
      %parallel_loop3A_396 = arith.index_cast %parallel_loop3A_393 : i32 to index
      %parallel_loop3A_397 = tpu.vector_load %arg9[%parallel_loop3A_395, %parallel_loop3A_396] {strides = array<i32>} : memref<32x512xf32, #tpu.memory_space<vmem>>, vector<16xf32>,
      tpu.vector_store %arg9[%parallel_loop3A_395, %parallel_loop3A_396], %parallel_loop3A_217 {strides = array<i32>} : memref<32x512xf32, #tpu.memory_space<vmem>>, vector<16xf32>,
      %parallel_loop3A_398 = arith.constant 16 : i32
      %parallel_loop3A_399 = arith.muli %parallel_loop3A_129, %parallel_loop3A_398 : i32
      %parallel_loop3A_400 = arith.constant 28 : i32
      %parallel_loop3A_401 = arith.index_cast %parallel_loop3A_400 : i32 to index
      %parallel_loop3A_402 = arith.index_cast %parallel_loop3A_399 : i32 to index
      %parallel_loop3A_403 = tpu.vector_load %arg9[%parallel_loop3A_401, %parallel_loop3A_402] {strides = array<i32>} : memref<32x512xf32, #tpu.memory_space<vmem>>, vector<16xf32>,
      tpu.vector_store %arg9[%parallel_loop3A_401, %parallel_loop3A_402], %parallel_loop3A_220 {strides = array<i32>} : memref<32x512xf32, #tpu.memory_space<vmem>>, vector<16xf32>,
      %parallel_loop3A_404 = arith.constant 16 : i32
      %parallel_loop3A_405 = arith.muli %parallel_loop3A_129, %parallel_loop3A_404 : i32
      %parallel_loop3A_406 = arith.constant 29 : i32
      %parallel_loop3A_407 = arith.index_cast %parallel_loop3A_406 : i32 to index
      %parallel_loop3A_408 = arith.index_cast %parallel_loop3A_405 : i32 to index
      %parallel_loop3A_409 = tpu.vector_load %arg9[%parallel_loop3A_407, %parallel_loop3A_408] {strides = array<i32>} : memref<32x512xf32, #tpu.memory_space<vmem>>, vector<16xf32>,
      tpu.vector_store %arg9[%parallel_loop3A_407, %parallel_loop3A_408], %parallel_loop3A_223 {strides = array<i32>} : memref<32x512xf32, #tpu.memory_space<vmem>>, vector<16xf32>,
      %parallel_loop3A_410 = arith.constant 16 : i32
      %parallel_loop3A_411 = arith.muli %parallel_loop3A_129, %parallel_loop3A_410 : i32
      %parallel_loop3A_412 = arith.constant 30 : i32
      %parallel_loop3A_413 = arith.index_cast %parallel_loop3A_412 : i32 to index
      %parallel_loop3A_414 = arith.index_cast %parallel_loop3A_411 : i32 to index
      %parallel_loop3A_415 = tpu.vector_load %arg9[%parallel_loop3A_413, %parallel_loop3A_414] {strides = array<i32>} : memref<32x512xf32, #tpu.memory_space<vmem>>, vector<16xf32>,
      tpu.vector_store %arg9[%parallel_loop3A_413, %parallel_loop3A_414], %parallel_loop3A_226 {strides = array<i32>} : memref<32x512xf32, #tpu.memory_space<vmem>>, vector<16xf32>,
      %parallel_loop3A_416 = arith.constant 16 : i32
      %parallel_loop3A_417 = arith.muli %parallel_loop3A_129, %parallel_loop3A_416 : i32
      %parallel_loop3A_418 = arith.constant 31 : i32
      %parallel_loop3A_419 = arith.index_cast %parallel_loop3A_418 : i32 to index
      %parallel_loop3A_420 = arith.index_cast %parallel_loop3A_417 : i32 to index
      %parallel_loop3A_421 = tpu.vector_load %arg9[%parallel_loop3A_419, %parallel_loop3A_420] {strides = array<i32>} : memref<32x512xf32, #tpu.memory_space<vmem>>, vector<16xf32>,
      tpu.vector_store %arg9[%parallel_loop3A_419, %parallel_loop3A_420], %parallel_loop3A_229 {strides = array<i32>} : memref<32x512xf32, #tpu.memory_space<vmem>>, vector<16xf32>,
    } {sc.loop_unroll_factor = 2 : i64, sc.parallel_access}
    %dma_start3A_48 = arith.constant 1 : i32
    %dma_start3A_49 = arith.constant 0 : i32
    %dma_start3A_50 = tpu.memref_slice %arg4[%dma_start3A_48, %dma_start3A_49, %mul3A_2] : memref<50x32x16384xf32, #tpu.memory_space<hbm>> -> memref<1x32x512xf32, #tpu.memory_space<hbm>>
    %dma_start3A_51 = tpu.memref_squeeze %dma_start3A_50 : memref<1x32x512xf32, #tpu.memory_space<hbm>> -> memref<32x512xf32, #tpu.memory_space<hbm>>
    %dma_start3A_52 = arith.constant 0 : i32
    %dma_start3A_53 = tpu.memref_slice %arg4[%dma_start3A_48, %dma_start3A_52, %mul3A_2] : memref<50x32x16384xf32, #tpu.memory_space<hbm>> -> memref<1x32x512xf32, #tpu.memory_space<hbm>>
    %dma_start3A_54 = tpu.memref_squeeze %dma_start3A_53 : memref<1x32x512xf32, #tpu.memory_space<hbm>> -> memref<32x512xf32, #tpu.memory_space<hbm>>
    tpu.enqueue_dma source(%arg9 : memref<32x512xf32, #tpu.memory_space<vmem>>) target(%dma_start3A_54 : memref<32x512xf32, #tpu.memory_space<hbm>>) target_semaphore(%arg13 : memref<!tpu.dma_semaphore, #tpu.memory_space<semaphore_mem>>)
    %scan3A = arith.constant 0 : i32
    %scan3A_55 = arith.constant 0 : i32
    %scan3A_56 = arith.constant 23 : i32
    %scan3A_57 = arith.addi %scan3A_55, %scan3A_56 : i32
    %scan3A_58 = arith.constant 1 : i32
    scf.for %scan3A_129 = %scan3A_55 to %scan3A_57 step %scan3A_58  : i32 {
      %mul3A_130 = arith.constant 2 : i32
      %mul3A_131 = arith.muli %mul3A_130, %scan3A_129 : i32
      %add3A_132 = arith.constant 2 : i32
      %add3A_133 = arith.addi %add3A_132, %mul3A_131 : i32
      %dma_wait3A_134 = arith.constant 0 : i32
      %dma_wait3A_135 = tpu.memref_slice %arg5[%add3A_133, %dma_wait3A_134] : memref<50x512xi32, #tpu.memory_space<vmem>> -> memref<1x512xi32, #tpu.memory_space<vmem>>
      %dma_wait3A_136 = tpu.memref_squeeze %dma_wait3A_135 : memref<1x512xi32, #tpu.memory_space<vmem>> -> memref<512xi32, #tpu.memory_space<vmem>>
      %dma_wait3A_137 = arith.constant 0 : i32
      %dma_wait3A_138 = arith.constant 0 : i32
      %dma_wait3A_139 = tpu.memref_slice %arg3[%dma_wait3A_137, %dma_wait3A_138] : memref<1000000x32xf32, #tpu.memory_space<hbm>> -> memref<1000000x32xf32, #tpu.memory_space<hbm>>
      tpu.wait_indirect_dma semaphore(%arg10 : memref<!tpu.dma_semaphore, #tpu.memory_space<semaphore_mem>>) src(%dma_wait3A_139 : memref<1000000x32xf32, #tpu.memory_space<hbm>>) dst(%arg6 : memref<512x32xf32, #tpu.memory_space<vmem>>)
      %add3A_140 = arith.constant 1 : i32
      %add3A_141 = arith.addi %add3A_133, %add3A_140 : i32
      %dma_start3A_142 = arith.constant 0 : i32
      %dma_start3A_143 = tpu.memref_slice %arg5[%add3A_141, %dma_start3A_142] : memref<50x512xi32, #tpu.memory_space<vmem>> -> memref<1x512xi32, #tpu.memory_space<vmem>>
      %dma_start3A_144 = tpu.memref_squeeze %dma_start3A_143 : memref<1x512xi32, #tpu.memory_space<vmem>> -> memref<512xi32, #tpu.memory_space<vmem>>
      %dma_start3A_145 = arith.constant 0 : i32
      %dma_start3A_146 = arith.constant 0 : i32
      %dma_start3A_147 = tpu.memref_slice %arg3[%dma_start3A_145, %dma_start3A_146] : memref<1000000x32xf32, #tpu.memory_space<hbm>> -> memref<1000000x32xf32, #tpu.memory_space<hbm>>
      tpu.enqueue_indirect_dma source(%dma_start3A_147 : memref<1000000x32xf32, #tpu.memory_space<hbm>>) target(%arg7 : memref<512x32xf32, #tpu.memory_space<vmem>>) offsets(%dma_start3A_144 : memref<512xi32, #tpu.memory_space<vmem>>) semaphore(%arg11 : memref<!tpu.dma_semaphore, #tpu.memory_space<semaphore_mem>>)
      %dma_wait3A_148 = arith.constant 0 : i32
      %dma_wait3A_149 = tpu.memref_slice %arg4[%add3A_133, %dma_wait3A_148, %mul3A_2] : memref<50x32x16384xf32, #tpu.memory_space<hbm>> -> memref<1x32x512xf32, #tpu.memory_space<hbm>>
      %dma_wait3A_150 = tpu.memref_squeeze %dma_wait3A_149 : memref<1x32x512xf32, #tpu.memory_space<hbm>> -> memref<32x512xf32, #tpu.memory_space<hbm>>
      %dma_wait3A_151 = arith.constant 0 : i32
      %dma_wait3A_152 = tpu.memref_slice %arg4[%add3A_133, %dma_wait3A_151, %mul3A_2] : memref<50x32x16384xf32, #tpu.memory_space<hbm>> -> memref<1x32x512xf32, #tpu.memory_space<hbm>>
      %dma_wait3A_153 = tpu.memref_squeeze %dma_wait3A_152 : memref<1x32x512xf32, #tpu.memory_space<hbm>> -> memref<32x512xf32, #tpu.memory_space<hbm>>
      tpu.wait_dma2 semaphore(%arg12 : memref<!tpu.dma_semaphore, #tpu.memory_space<semaphore_mem>>) src(%arg8 : memref<32x512xf32, #tpu.memory_space<vmem>>) dst(%dma_wait3A_153 : memref<32x512xf32, #tpu.memory_space<hbm>>)
      %parallel_loop3A_154 = arith.constant 0 : i32
      %parallel_loop3A_155 = arith.constant 32 : i32
      %parallel_loop3A_156 = arith.constant 1 : i32
      scf.for %parallel_loop3A_194 = %parallel_loop3A_154 to %parallel_loop3A_155 step %parallel_loop3A_156  : i32 {
        %parallel_loop3A_195 = arith.constant 16 : i32
        %parallel_loop3A_196 = arith.muli %parallel_loop3A_194, %parallel_loop3A_195 : i32
        %parallel_loop3A_197 = vector.broadcast %parallel_loop3A_196 : i32 to vector<16xi32>
        %parallel_loop3A_198 = arith.addi %parallel_loop3A_197, %iota3A : vector<16xi32>
        %parallel_loop3A_199 = arith.constant 0 : i32
        %parallel_loop3A_200 = vector.broadcast %parallel_loop3A_199 : i32 to vector<16xi32>
        %parallel_loop3A_201 = tpu.vector_load_idx %arg6[%parallel_loop3A_198, %parallel_loop3A_200] : memref<512x32xf32, #tpu.memory_space<vmem>>[vector<16xi32>, vector<16xi32>], vector<16xf32>,
        %parallel_loop3A_202 = arith.constant 1 : i32
        %parallel_loop3A_203 = vector.broadcast %parallel_loop3A_202 : i32 to vector<16xi32>
        %parallel_loop3A_204 = tpu.vector_load_idx %arg6[%parallel_loop3A_198, %parallel_loop3A_203] : memref<512x32xf32, #tpu.memory_space<vmem>>[vector<16xi32>, vector<16xi32>], vector<16xf32>,
        %parallel_loop3A_205 = arith.constant 2 : i32
        %parallel_loop3A_206 = vector.broadcast %parallel_loop3A_205 : i32 to vector<16xi32>
        %parallel_loop3A_207 = tpu.vector_load_idx %arg6[%parallel_loop3A_198, %parallel_loop3A_206] : memref<512x32xf32, #tpu.memory_space<vmem>>[vector<16xi32>, vector<16xi32>], vector<16xf32>,
        %parallel_loop3A_208 = arith.constant 3 : i32
        %parallel_loop3A_209 = vector.broadcast %parallel_loop3A_208 : i32 to vector<16xi32>
        %parallel_loop3A_210 = tpu.vector_load_idx %arg6[%parallel_loop3A_198, %parallel_loop3A_209] : memref<512x32xf32, #tpu.memory_space<vmem>>[vector<16xi32>, vector<16xi32>], vector<16xf32>,
        %parallel_loop3A_211 = arith.constant 4 : i32
        %parallel_loop3A_212 = vector.broadcast %parallel_loop3A_211 : i32 to vector<16xi32>
        %parallel_loop3A_213 = tpu.vector_load_idx %arg6[%parallel_loop3A_198, %parallel_loop3A_212] : memref<512x32xf32, #tpu.memory_space<vmem>>[vector<16xi32>, vector<16xi32>], vector<16xf32>,
        %parallel_loop3A_214 = arith.constant 5 : i32
        %parallel_loop3A_215 = vector.broadcast %parallel_loop3A_214 : i32 to vector<16xi32>
        %parallel_loop3A_216 = tpu.vector_load_idx %arg6[%parallel_loop3A_198, %parallel_loop3A_215] : memref<512x32xf32, #tpu.memory_space<vmem>>[vector<16xi32>, vector<16xi32>], vector<16xf32>,
        %parallel_loop3A_217 = arith.constant 6 : i32
        %parallel_loop3A_218 = vector.broadcast %parallel_loop3A_217 : i32 to vector<16xi32>
        %parallel_loop3A_219 = tpu.vector_load_idx %arg6[%parallel_loop3A_198, %parallel_loop3A_218] : memref<512x32xf32, #tpu.memory_space<vmem>>[vector<16xi32>, vector<16xi32>], vector<16xf32>,
        %parallel_loop3A_220 = arith.constant 7 : i32
        %parallel_loop3A_221 = vector.broadcast %parallel_loop3A_220 : i32 to vector<16xi32>
        %parallel_loop3A_222 = tpu.vector_load_idx %arg6[%parallel_loop3A_198, %parallel_loop3A_221] : memref<512x32xf32, #tpu.memory_space<vmem>>[vector<16xi32>, vector<16xi32>], vector<16xf32>,
        %parallel_loop3A_223 = arith.constant 8 : i32
        %parallel_loop3A_224 = vector.broadcast %parallel_loop3A_223 : i32 to vector<16xi32>
        %parallel_loop3A_225 = tpu.vector_load_idx %arg6[%parallel_loop3A_198, %parallel_loop3A_224] : memref<512x32xf32, #tpu.memory_space<vmem>>[vector<16xi32>, vector<16xi32>], vector<16xf32>,
        %parallel_loop3A_226 = arith.constant 9 : i32
        %parallel_loop3A_227 = vector.broadcast %parallel_loop3A_226 : i32 to vector<16xi32>
        %parallel_loop3A_228 = tpu.vector_load_idx %arg6[%parallel_loop3A_198, %parallel_loop3A_227] : memref<512x32xf32, #tpu.memory_space<vmem>>[vector<16xi32>, vector<16xi32>], vector<16xf32>,
        %parallel_loop3A_229 = arith.constant 10 : i32
        %parallel_loop3A_230 = vector.broadcast %parallel_loop3A_229 : i32 to vector<16xi32>
        %parallel_loop3A_231 = tpu.vector_load_idx %arg6[%parallel_loop3A_198, %parallel_loop3A_230] : memref<512x32xf32, #tpu.memory_space<vmem>>[vector<16xi32>, vector<16xi32>], vector<16xf32>,
        %parallel_loop3A_232 = arith.constant 11 : i32
        %parallel_loop3A_233 = vector.broadcast %parallel_loop3A_232 : i32 to vector<16xi32>
        %parallel_loop3A_234 = tpu.vector_load_idx %arg6[%parallel_loop3A_198, %parallel_loop3A_233] : memref<512x32xf32, #tpu.memory_space<vmem>>[vector<16xi32>, vector<16xi32>], vector<16xf32>,
        %parallel_loop3A_235 = arith.constant 12 : i32
        %parallel_loop3A_236 = vector.broadcast %parallel_loop3A_235 : i32 to vector<16xi32>
        %parallel_loop3A_237 = tpu.vector_load_idx %arg6[%parallel_loop3A_198, %parallel_loop3A_236] : memref<512x32xf32, #tpu.memory_space<vmem>>[vector<16xi32>, vector<16xi32>], vector<16xf32>,
        %parallel_loop3A_238 = arith.constant 13 : i32
        %parallel_loop3A_239 = vector.broadcast %parallel_loop3A_238 : i32 to vector<16xi32>
        %parallel_loop3A_240 = tpu.vector_load_idx %arg6[%parallel_loop3A_198, %parallel_loop3A_239] : memref<512x32xf32, #tpu.memory_space<vmem>>[vector<16xi32>, vector<16xi32>], vector<16xf32>,
        %parallel_loop3A_241 = arith.constant 14 : i32
        %parallel_loop3A_242 = vector.broadcast %parallel_loop3A_241 : i32 to vector<16xi32>
        %parallel_loop3A_243 = tpu.vector_load_idx %arg6[%parallel_loop3A_198, %parallel_loop3A_242] : memref<512x32xf32, #tpu.memory_space<vmem>>[vector<16xi32>, vector<16xi32>], vector<16xf32>,
        %parallel_loop3A_244 = arith.constant 15 : i32
        %parallel_loop3A_245 = vector.broadcast %parallel_loop3A_244 : i32 to vector<16xi32>
        %parallel_loop3A_246 = tpu.vector_load_idx %arg6[%parallel_loop3A_198, %parallel_loop3A_245] : memref<512x32xf32, #tpu.memory_space<vmem>>[vector<16xi32>, vector<16xi32>], vector<16xf32>,
        %parallel_loop3A_247 = arith.constant 16 : i32
        %parallel_loop3A_248 = vector.broadcast %parallel_loop3A_247 : i32 to vector<16xi32>
        %parallel_loop3A_249 = tpu.vector_load_idx %arg6[%parallel_loop3A_198, %parallel_loop3A_248] : memref<512x32xf32, #tpu.memory_space<vmem>>[vector<16xi32>, vector<16xi32>], vector<16xf32>,
        %parallel_loop3A_250 = arith.constant 17 : i32
        %parallel_loop3A_251 = vector.broadcast %parallel_loop3A_250 : i32 to vector<16xi32>
        %parallel_loop3A_252 = tpu.vector_load_idx %arg6[%parallel_loop3A_198, %parallel_loop3A_251] : memref<512x32xf32, #tpu.memory_space<vmem>>[vector<16xi32>, vector<16xi32>], vector<16xf32>,
        %parallel_loop3A_253 = arith.constant 18 : i32
        %parallel_loop3A_254 = vector.broadcast %parallel_loop3A_253 : i32 to vector<16xi32>
        %parallel_loop3A_255 = tpu.vector_load_idx %arg6[%parallel_loop3A_198, %parallel_loop3A_254] : memref<512x32xf32, #tpu.memory_space<vmem>>[vector<16xi32>, vector<16xi32>], vector<16xf32>,
        %parallel_loop3A_256 = arith.constant 19 : i32
        %parallel_loop3A_257 = vector.broadcast %parallel_loop3A_256 : i32 to vector<16xi32>
        %parallel_loop3A_258 = tpu.vector_load_idx %arg6[%parallel_loop3A_198, %parallel_loop3A_257] : memref<512x32xf32, #tpu.memory_space<vmem>>[vector<16xi32>, vector<16xi32>], vector<16xf32>,
        %parallel_loop3A_259 = arith.constant 20 : i32
        %parallel_loop3A_260 = vector.broadcast %parallel_loop3A_259 : i32 to vector<16xi32>
        %parallel_loop3A_261 = tpu.vector_load_idx %arg6[%parallel_loop3A_198, %parallel_loop3A_260] : memref<512x32xf32, #tpu.memory_space<vmem>>[vector<16xi32>, vector<16xi32>], vector<16xf32>,
        %parallel_loop3A_262 = arith.constant 21 : i32
        %parallel_loop3A_263 = vector.broadcast %parallel_loop3A_262 : i32 to vector<16xi32>
        %parallel_loop3A_264 = tpu.vector_load_idx %arg6[%parallel_loop3A_198, %parallel_loop3A_263] : memref<512x32xf32, #tpu.memory_space<vmem>>[vector<16xi32>, vector<16xi32>], vector<16xf32>,
        %parallel_loop3A_265 = arith.constant 22 : i32
        %parallel_loop3A_266 = vector.broadcast %parallel_loop3A_265 : i32 to vector<16xi32>
        %parallel_loop3A_267 = tpu.vector_load_idx %arg6[%parallel_loop3A_198, %parallel_loop3A_266] : memref<512x32xf32, #tpu.memory_space<vmem>>[vector<16xi32>, vector<16xi32>], vector<16xf32>,
        %parallel_loop3A_268 = arith.constant 23 : i32
        %parallel_loop3A_269 = vector.broadcast %parallel_loop3A_268 : i32 to vector<16xi32>
        %parallel_loop3A_270 = tpu.vector_load_idx %arg6[%parallel_loop3A_198, %parallel_loop3A_269] : memref<512x32xf32, #tpu.memory_space<vmem>>[vector<16xi32>, vector<16xi32>], vector<16xf32>,
        %parallel_loop3A_271 = arith.constant 24 : i32
        %parallel_loop3A_272 = vector.broadcast %parallel_loop3A_271 : i32 to vector<16xi32>
        %parallel_loop3A_273 = tpu.vector_load_idx %arg6[%parallel_loop3A_198, %parallel_loop3A_272] : memref<512x32xf32, #tpu.memory_space<vmem>>[vector<16xi32>, vector<16xi32>], vector<16xf32>,
        %parallel_loop3A_274 = arith.constant 25 : i32
        %parallel_loop3A_275 = vector.broadcast %parallel_loop3A_274 : i32 to vector<16xi32>
        %parallel_loop3A_276 = tpu.vector_load_idx %arg6[%parallel_loop3A_198, %parallel_loop3A_275] : memref<512x32xf32, #tpu.memory_space<vmem>>[vector<16xi32>, vector<16xi32>], vector<16xf32>,
        %parallel_loop3A_277 = arith.constant 26 : i32
        %parallel_loop3A_278 = vector.broadcast %parallel_loop3A_277 : i32 to vector<16xi32>
        %parallel_loop3A_279 = tpu.vector_load_idx %arg6[%parallel_loop3A_198, %parallel_loop3A_278] : memref<512x32xf32, #tpu.memory_space<vmem>>[vector<16xi32>, vector<16xi32>], vector<16xf32>,
        %parallel_loop3A_280 = arith.constant 27 : i32
        %parallel_loop3A_281 = vector.broadcast %parallel_loop3A_280 : i32 to vector<16xi32>
        %parallel_loop3A_282 = tpu.vector_load_idx %arg6[%parallel_loop3A_198, %parallel_loop3A_281] : memref<512x32xf32, #tpu.memory_space<vmem>>[vector<16xi32>, vector<16xi32>], vector<16xf32>,
        %parallel_loop3A_283 = arith.constant 28 : i32
        %parallel_loop3A_284 = vector.broadcast %parallel_loop3A_283 : i32 to vector<16xi32>
        %parallel_loop3A_285 = tpu.vector_load_idx %arg6[%parallel_loop3A_198, %parallel_loop3A_284] : memref<512x32xf32, #tpu.memory_space<vmem>>[vector<16xi32>, vector<16xi32>], vector<16xf32>,
        %parallel_loop3A_286 = arith.constant 29 : i32
        %parallel_loop3A_287 = vector.broadcast %parallel_loop3A_286 : i32 to vector<16xi32>
        %parallel_loop3A_288 = tpu.vector_load_idx %arg6[%parallel_loop3A_198, %parallel_loop3A_287] : memref<512x32xf32, #tpu.memory_space<vmem>>[vector<16xi32>, vector<16xi32>], vector<16xf32>,
        %parallel_loop3A_289 = arith.constant 30 : i32
        %parallel_loop3A_290 = vector.broadcast %parallel_loop3A_289 : i32 to vector<16xi32>
        %parallel_loop3A_291 = tpu.vector_load_idx %arg6[%parallel_loop3A_198, %parallel_loop3A_290] : memref<512x32xf32, #tpu.memory_space<vmem>>[vector<16xi32>, vector<16xi32>], vector<16xf32>,
        %parallel_loop3A_292 = arith.constant 31 : i32
        %parallel_loop3A_293 = vector.broadcast %parallel_loop3A_292 : i32 to vector<16xi32>
        %parallel_loop3A_294 = tpu.vector_load_idx %arg6[%parallel_loop3A_198, %parallel_loop3A_293] : memref<512x32xf32, #tpu.memory_space<vmem>>[vector<16xi32>, vector<16xi32>], vector<16xf32>,
        %parallel_loop3A_295 = arith.constant 16 : i32
        %parallel_loop3A_296 = arith.muli %parallel_loop3A_194, %parallel_loop3A_295 : i32
        %parallel_loop3A_297 = arith.constant 0 : i32
        %parallel_loop3A_298 = arith.index_cast %parallel_loop3A_297 : i32 to index
        %parallel_loop3A_299 = arith.index_cast %parallel_loop3A_296 : i32 to index
        %parallel_loop3A_300 = tpu.vector_load %arg8[%parallel_loop3A_298, %parallel_loop3A_299] {strides = array<i32>} : memref<32x512xf32, #tpu.memory_space<vmem>>, vector<16xf32>,
        tpu.vector_store %arg8[%parallel_loop3A_298, %parallel_loop3A_299], %parallel_loop3A_201 {strides = array<i32>} : memref<32x512xf32, #tpu.memory_space<vmem>>, vector<16xf32>,
        %parallel_loop3A_301 = arith.constant 16 : i32
        %parallel_loop3A_302 = arith.muli %parallel_loop3A_194, %parallel_loop3A_301 : i32
        %parallel_loop3A_303 = arith.constant 1 : i32
        %parallel_loop3A_304 = arith.index_cast %parallel_loop3A_303 : i32 to index
        %parallel_loop3A_305 = arith.index_cast %parallel_loop3A_302 : i32 to index
        %parallel_loop3A_306 = tpu.vector_load %arg8[%parallel_loop3A_304, %parallel_loop3A_305] {strides = array<i32>} : memref<32x512xf32, #tpu.memory_space<vmem>>, vector<16xf32>,
        tpu.vector_store %arg8[%parallel_loop3A_304, %parallel_loop3A_305], %parallel_loop3A_204 {strides = array<i32>} : memref<32x512xf32, #tpu.memory_space<vmem>>, vector<16xf32>,
        %parallel_loop3A_307 = arith.constant 16 : i32
        %parallel_loop3A_308 = arith.muli %parallel_loop3A_194, %parallel_loop3A_307 : i32
        %parallel_loop3A_309 = arith.constant 2 : i32
        %parallel_loop3A_310 = arith.index_cast %parallel_loop3A_309 : i32 to index
        %parallel_loop3A_311 = arith.index_cast %parallel_loop3A_308 : i32 to index
        %parallel_loop3A_312 = tpu.vector_load %arg8[%parallel_loop3A_310, %parallel_loop3A_311] {strides = array<i32>} : memref<32x512xf32, #tpu.memory_space<vmem>>, vector<16xf32>,
        tpu.vector_store %arg8[%parallel_loop3A_310, %parallel_loop3A_311], %parallel_loop3A_207 {strides = array<i32>} : memref<32x512xf32, #tpu.memory_space<vmem>>, vector<16xf32>,
        %parallel_loop3A_313 = arith.constant 16 : i32
        %parallel_loop3A_314 = arith.muli %parallel_loop3A_194, %parallel_loop3A_313 : i32
        %parallel_loop3A_315 = arith.constant 3 : i32
        %parallel_loop3A_316 = arith.index_cast %parallel_loop3A_315 : i32 to index
        %parallel_loop3A_317 = arith.index_cast %parallel_loop3A_314 : i32 to index
        %parallel_loop3A_318 = tpu.vector_load %arg8[%parallel_loop3A_316, %parallel_loop3A_317] {strides = array<i32>} : memref<32x512xf32, #tpu.memory_space<vmem>>, vector<16xf32>,
        tpu.vector_store %arg8[%parallel_loop3A_316, %parallel_loop3A_317], %parallel_loop3A_210 {strides = array<i32>} : memref<32x512xf32, #tpu.memory_space<vmem>>, vector<16xf32>,
        %parallel_loop3A_319 = arith.constant 16 : i32
        %parallel_loop3A_320 = arith.muli %parallel_loop3A_194, %parallel_loop3A_319 : i32
        %parallel_loop3A_321 = arith.constant 4 : i32
        %parallel_loop3A_322 = arith.index_cast %parallel_loop3A_321 : i32 to index
        %parallel_loop3A_323 = arith.index_cast %parallel_loop3A_320 : i32 to index
        %parallel_loop3A_324 = tpu.vector_load %arg8[%parallel_loop3A_322, %parallel_loop3A_323] {strides = array<i32>} : memref<32x512xf32, #tpu.memory_space<vmem>>, vector<16xf32>,
        tpu.vector_store %arg8[%parallel_loop3A_322, %parallel_loop3A_323], %parallel_loop3A_213 {strides = array<i32>} : memref<32x512xf32, #tpu.memory_space<vmem>>, vector<16xf32>,
        %parallel_loop3A_325 = arith.constant 16 : i32
        %parallel_loop3A_326 = arith.muli %parallel_loop3A_194, %parallel_loop3A_325 : i32
        %parallel_loop3A_327 = arith.constant 5 : i32
        %parallel_loop3A_328 = arith.index_cast %parallel_loop3A_327 : i32 to index
        %parallel_loop3A_329 = arith.index_cast %parallel_loop3A_326 : i32 to index
        %parallel_loop3A_330 = tpu.vector_load %arg8[%parallel_loop3A_328, %parallel_loop3A_329] {strides = array<i32>} : memref<32x512xf32, #tpu.memory_space<vmem>>, vector<16xf32>,
        tpu.vector_store %arg8[%parallel_loop3A_328, %parallel_loop3A_329], %parallel_loop3A_216 {strides = array<i32>} : memref<32x512xf32, #tpu.memory_space<vmem>>, vector<16xf32>,
        %parallel_loop3A_331 = arith.constant 16 : i32
        %parallel_loop3A_332 = arith.muli %parallel_loop3A_194, %parallel_loop3A_331 : i32
        %parallel_loop3A_333 = arith.constant 6 : i32
        %parallel_loop3A_334 = arith.index_cast %parallel_loop3A_333 : i32 to index
        %parallel_loop3A_335 = arith.index_cast %parallel_loop3A_332 : i32 to index
        %parallel_loop3A_336 = tpu.vector_load %arg8[%parallel_loop3A_334, %parallel_loop3A_335] {strides = array<i32>} : memref<32x512xf32, #tpu.memory_space<vmem>>, vector<16xf32>,
        tpu.vector_store %arg8[%parallel_loop3A_334, %parallel_loop3A_335], %parallel_loop3A_219 {strides = array<i32>} : memref<32x512xf32, #tpu.memory_space<vmem>>, vector<16xf32>,
        %parallel_loop3A_337 = arith.constant 16 : i32
        %parallel_loop3A_338 = arith.muli %parallel_loop3A_194, %parallel_loop3A_337 : i32
        %parallel_loop3A_339 = arith.constant 7 : i32
        %parallel_loop3A_340 = arith.index_cast %parallel_loop3A_339 : i32 to index
        %parallel_loop3A_341 = arith.index_cast %parallel_loop3A_338 : i32 to index
        %parallel_loop3A_342 = tpu.vector_load %arg8[%parallel_loop3A_340, %parallel_loop3A_341] {strides = array<i32>} : memref<32x512xf32, #tpu.memory_space<vmem>>, vector<16xf32>,
        tpu.vector_store %arg8[%parallel_loop3A_340, %parallel_loop3A_341], %parallel_loop3A_222 {strides = array<i32>} : memref<32x512xf32, #tpu.memory_space<vmem>>, vector<16xf32>,
        %parallel_loop3A_343 = arith.constant 16 : i32
        %parallel_loop3A_344 = arith.muli %parallel_loop3A_194, %parallel_loop3A_343 : i32
        %parallel_loop3A_345 = arith.constant 8 : i32
        %parallel_loop3A_346 = arith.index_cast %parallel_loop3A_345 : i32 to index
        %parallel_loop3A_347 = arith.index_cast %parallel_loop3A_344 : i32 to index
        %parallel_loop3A_348 = tpu.vector_load %arg8[%parallel_loop3A_346, %parallel_loop3A_347] {strides = array<i32>} : memref<32x512xf32, #tpu.memory_space<vmem>>, vector<16xf32>,
        tpu.vector_store %arg8[%parallel_loop3A_346, %parallel_loop3A_347], %parallel_loop3A_225 {strides = array<i32>} : memref<32x512xf32, #tpu.memory_space<vmem>>, vector<16xf32>,
        %parallel_loop3A_349 = arith.constant 16 : i32
        %parallel_loop3A_350 = arith.muli %parallel_loop3A_194, %parallel_loop3A_349 : i32
        %parallel_loop3A_351 = arith.constant 9 : i32
        %parallel_loop3A_352 = arith.index_cast %parallel_loop3A_351 : i32 to index
        %parallel_loop3A_353 = arith.index_cast %parallel_loop3A_350 : i32 to index
        %parallel_loop3A_354 = tpu.vector_load %arg8[%parallel_loop3A_352, %parallel_loop3A_353] {strides = array<i32>} : memref<32x512xf32, #tpu.memory_space<vmem>>, vector<16xf32>,
        tpu.vector_store %arg8[%parallel_loop3A_352, %parallel_loop3A_353], %parallel_loop3A_228 {strides = array<i32>} : memref<32x512xf32, #tpu.memory_space<vmem>>, vector<16xf32>,
        %parallel_loop3A_355 = arith.constant 16 : i32
        %parallel_loop3A_356 = arith.muli %parallel_loop3A_194, %parallel_loop3A_355 : i32
        %parallel_loop3A_357 = arith.constant 10 : i32
        %parallel_loop3A_358 = arith.index_cast %parallel_loop3A_357 : i32 to index
        %parallel_loop3A_359 = arith.index_cast %parallel_loop3A_356 : i32 to index
        %parallel_loop3A_360 = tpu.vector_load %arg8[%parallel_loop3A_358, %parallel_loop3A_359] {strides = array<i32>} : memref<32x512xf32, #tpu.memory_space<vmem>>, vector<16xf32>,
        tpu.vector_store %arg8[%parallel_loop3A_358, %parallel_loop3A_359], %parallel_loop3A_231 {strides = array<i32>} : memref<32x512xf32, #tpu.memory_space<vmem>>, vector<16xf32>,
        %parallel_loop3A_361 = arith.constant 16 : i32
        %parallel_loop3A_362 = arith.muli %parallel_loop3A_194, %parallel_loop3A_361 : i32
        %parallel_loop3A_363 = arith.constant 11 : i32
        %parallel_loop3A_364 = arith.index_cast %parallel_loop3A_363 : i32 to index
        %parallel_loop3A_365 = arith.index_cast %parallel_loop3A_362 : i32 to index
        %parallel_loop3A_366 = tpu.vector_load %arg8[%parallel_loop3A_364, %parallel_loop3A_365] {strides = array<i32>} : memref<32x512xf32, #tpu.memory_space<vmem>>, vector<16xf32>,
        tpu.vector_store %arg8[%parallel_loop3A_364, %parallel_loop3A_365], %parallel_loop3A_234 {strides = array<i32>} : memref<32x512xf32, #tpu.memory_space<vmem>>, vector<16xf32>,
        %parallel_loop3A_367 = arith.constant 16 : i32
        %parallel_loop3A_368 = arith.muli %parallel_loop3A_194, %parallel_loop3A_367 : i32
        %parallel_loop3A_369 = arith.constant 12 : i32
        %parallel_loop3A_370 = arith.index_cast %parallel_loop3A_369 : i32 to index
        %parallel_loop3A_371 = arith.index_cast %parallel_loop3A_368 : i32 to index
        %parallel_loop3A_372 = tpu.vector_load %arg8[%parallel_loop3A_370, %parallel_loop3A_371] {strides = array<i32>} : memref<32x512xf32, #tpu.memory_space<vmem>>, vector<16xf32>,
        tpu.vector_store %arg8[%parallel_loop3A_370, %parallel_loop3A_371], %parallel_loop3A_237 {strides = array<i32>} : memref<32x512xf32, #tpu.memory_space<vmem>>, vector<16xf32>,
        %parallel_loop3A_373 = arith.constant 16 : i32
        %parallel_loop3A_374 = arith.muli %parallel_loop3A_194, %parallel_loop3A_373 : i32
        %parallel_loop3A_375 = arith.constant 13 : i32
        %parallel_loop3A_376 = arith.index_cast %parallel_loop3A_375 : i32 to index
        %parallel_loop3A_377 = arith.index_cast %parallel_loop3A_374 : i32 to index
        %parallel_loop3A_378 = tpu.vector_load %arg8[%parallel_loop3A_376, %parallel_loop3A_377] {strides = array<i32>} : memref<32x512xf32, #tpu.memory_space<vmem>>, vector<16xf32>,
        tpu.vector_store %arg8[%parallel_loop3A_376, %parallel_loop3A_377], %parallel_loop3A_240 {strides = array<i32>} : memref<32x512xf32, #tpu.memory_space<vmem>>, vector<16xf32>,
        %parallel_loop3A_379 = arith.constant 16 : i32
        %parallel_loop3A_380 = arith.muli %parallel_loop3A_194, %parallel_loop3A_379 : i32
        %parallel_loop3A_381 = arith.constant 14 : i32
        %parallel_loop3A_382 = arith.index_cast %parallel_loop3A_381 : i32 to index
        %parallel_loop3A_383 = arith.index_cast %parallel_loop3A_380 : i32 to index
        %parallel_loop3A_384 = tpu.vector_load %arg8[%parallel_loop3A_382, %parallel_loop3A_383] {strides = array<i32>} : memref<32x512xf32, #tpu.memory_space<vmem>>, vector<16xf32>,
        tpu.vector_store %arg8[%parallel_loop3A_382, %parallel_loop3A_383], %parallel_loop3A_243 {strides = array<i32>} : memref<32x512xf32, #tpu.memory_space<vmem>>, vector<16xf32>,
        %parallel_loop3A_385 = arith.constant 16 : i32
        %parallel_loop3A_386 = arith.muli %parallel_loop3A_194, %parallel_loop3A_385 : i32
        %parallel_loop3A_387 = arith.constant 15 : i32
        %parallel_loop3A_388 = arith.index_cast %parallel_loop3A_387 : i32 to index
        %parallel_loop3A_389 = arith.index_cast %parallel_loop3A_386 : i32 to index
        %parallel_loop3A_390 = tpu.vector_load %arg8[%parallel_loop3A_388, %parallel_loop3A_389] {strides = array<i32>} : memref<32x512xf32, #tpu.memory_space<vmem>>, vector<16xf32>,
        tpu.vector_store %arg8[%parallel_loop3A_388, %parallel_loop3A_389], %parallel_loop3A_246 {strides = array<i32>} : memref<32x512xf32, #tpu.memory_space<vmem>>, vector<16xf32>,
        %parallel_loop3A_391 = arith.constant 16 : i32
        %parallel_loop3A_392 = arith.muli %parallel_loop3A_194, %parallel_loop3A_391 : i32
        %parallel_loop3A_393 = arith.constant 16 : i32
        %parallel_loop3A_394 = arith.index_cast %parallel_loop3A_393 : i32 to index
        %parallel_loop3A_395 = arith.index_cast %parallel_loop3A_392 : i32 to index
        %parallel_loop3A_396 = tpu.vector_load %arg8[%parallel_loop3A_394, %parallel_loop3A_395] {strides = array<i32>} : memref<32x512xf32, #tpu.memory_space<vmem>>, vector<16xf32>,
        tpu.vector_store %arg8[%parallel_loop3A_394, %parallel_loop3A_395], %parallel_loop3A_249 {strides = array<i32>} : memref<32x512xf32, #tpu.memory_space<vmem>>, vector<16xf32>,
        %parallel_loop3A_397 = arith.constant 16 : i32
        %parallel_loop3A_398 = arith.muli %parallel_loop3A_194, %parallel_loop3A_397 : i32
        %parallel_loop3A_399 = arith.constant 17 : i32
        %parallel_loop3A_400 = arith.index_cast %parallel_loop3A_399 : i32 to index
        %parallel_loop3A_401 = arith.index_cast %parallel_loop3A_398 : i32 to index
        %parallel_loop3A_402 = tpu.vector_load %arg8[%parallel_loop3A_400, %parallel_loop3A_401] {strides = array<i32>} : memref<32x512xf32, #tpu.memory_space<vmem>>, vector<16xf32>,
        tpu.vector_store %arg8[%parallel_loop3A_400, %parallel_loop3A_401], %parallel_loop3A_252 {strides = array<i32>} : memref<32x512xf32, #tpu.memory_space<vmem>>, vector<16xf32>,
        %parallel_loop3A_403 = arith.constant 16 : i32
        %parallel_loop3A_404 = arith.muli %parallel_loop3A_194, %parallel_loop3A_403 : i32
        %parallel_loop3A_405 = arith.constant 18 : i32
        %parallel_loop3A_406 = arith.index_cast %parallel_loop3A_405 : i32 to index
        %parallel_loop3A_407 = arith.index_cast %parallel_loop3A_404 : i32 to index
        %parallel_loop3A_408 = tpu.vector_load %arg8[%parallel_loop3A_406, %parallel_loop3A_407] {strides = array<i32>} : memref<32x512xf32, #tpu.memory_space<vmem>>, vector<16xf32>,
        tpu.vector_store %arg8[%parallel_loop3A_406, %parallel_loop3A_407], %parallel_loop3A_255 {strides = array<i32>} : memref<32x512xf32, #tpu.memory_space<vmem>>, vector<16xf32>,
        %parallel_loop3A_409 = arith.constant 16 : i32
        %parallel_loop3A_410 = arith.muli %parallel_loop3A_194, %parallel_loop3A_409 : i32
        %parallel_loop3A_411 = arith.constant 19 : i32
        %parallel_loop3A_412 = arith.index_cast %parallel_loop3A_411 : i32 to index
        %parallel_loop3A_413 = arith.index_cast %parallel_loop3A_410 : i32 to index
        %parallel_loop3A_414 = tpu.vector_load %arg8[%parallel_loop3A_412, %parallel_loop3A_413] {strides = array<i32>} : memref<32x512xf32, #tpu.memory_space<vmem>>, vector<16xf32>,
        tpu.vector_store %arg8[%parallel_loop3A_412, %parallel_loop3A_413], %parallel_loop3A_258 {strides = array<i32>} : memref<32x512xf32, #tpu.memory_space<vmem>>, vector<16xf32>,
        %parallel_loop3A_415 = arith.constant 16 : i32
        %parallel_loop3A_416 = arith.muli %parallel_loop3A_194, %parallel_loop3A_415 : i32
        %parallel_loop3A_417 = arith.constant 20 : i32
        %parallel_loop3A_418 = arith.index_cast %parallel_loop3A_417 : i32 to index
        %parallel_loop3A_419 = arith.index_cast %parallel_loop3A_416 : i32 to index
        %parallel_loop3A_420 = tpu.vector_load %arg8[%parallel_loop3A_418, %parallel_loop3A_419] {strides = array<i32>} : memref<32x512xf32, #tpu.memory_space<vmem>>, vector<16xf32>,
        tpu.vector_store %arg8[%parallel_loop3A_418, %parallel_loop3A_419], %parallel_loop3A_261 {strides = array<i32>} : memref<32x512xf32, #tpu.memory_space<vmem>>, vector<16xf32>,
        %parallel_loop3A_421 = arith.constant 16 : i32
        %parallel_loop3A_422 = arith.muli %parallel_loop3A_194, %parallel_loop3A_421 : i32
        %parallel_loop3A_423 = arith.constant 21 : i32
        %parallel_loop3A_424 = arith.index_cast %parallel_loop3A_423 : i32 to index
        %parallel_loop3A_425 = arith.index_cast %parallel_loop3A_422 : i32 to index
        %parallel_loop3A_426 = tpu.vector_load %arg8[%parallel_loop3A_424, %parallel_loop3A_425] {strides = array<i32>} : memref<32x512xf32, #tpu.memory_space<vmem>>, vector<16xf32>,
        tpu.vector_store %arg8[%parallel_loop3A_424, %parallel_loop3A_425], %parallel_loop3A_264 {strides = array<i32>} : memref<32x512xf32, #tpu.memory_space<vmem>>, vector<16xf32>,
        %parallel_loop3A_427 = arith.constant 16 : i32
        %parallel_loop3A_428 = arith.muli %parallel_loop3A_194, %parallel_loop3A_427 : i32
        %parallel_loop3A_429 = arith.constant 22 : i32
        %parallel_loop3A_430 = arith.index_cast %parallel_loop3A_429 : i32 to index
        %parallel_loop3A_431 = arith.index_cast %parallel_loop3A_428 : i32 to index
        %parallel_loop3A_432 = tpu.vector_load %arg8[%parallel_loop3A_430, %parallel_loop3A_431] {strides = array<i32>} : memref<32x512xf32, #tpu.memory_space<vmem>>, vector<16xf32>,
        tpu.vector_store %arg8[%parallel_loop3A_430, %parallel_loop3A_431], %parallel_loop3A_267 {strides = array<i32>} : memref<32x512xf32, #tpu.memory_space<vmem>>, vector<16xf32>,
        %parallel_loop3A_433 = arith.constant 16 : i32
        %parallel_loop3A_434 = arith.muli %parallel_loop3A_194, %parallel_loop3A_433 : i32
        %parallel_loop3A_435 = arith.constant 23 : i32
        %parallel_loop3A_436 = arith.index_cast %parallel_loop3A_435 : i32 to index
        %parallel_loop3A_437 = arith.index_cast %parallel_loop3A_434 : i32 to index
        %parallel_loop3A_438 = tpu.vector_load %arg8[%parallel_loop3A_436, %parallel_loop3A_437] {strides = array<i32>} : memref<32x512xf32, #tpu.memory_space<vmem>>, vector<16xf32>,
        tpu.vector_store %arg8[%parallel_loop3A_436, %parallel_loop3A_437], %parallel_loop3A_270 {strides = array<i32>} : memref<32x512xf32, #tpu.memory_space<vmem>>, vector<16xf32>,
        %parallel_loop3A_439 = arith.constant 16 : i32
        %parallel_loop3A_440 = arith.muli %parallel_loop3A_194, %parallel_loop3A_439 : i32
        %parallel_loop3A_441 = arith.constant 24 : i32
        %parallel_loop3A_442 = arith.index_cast %parallel_loop3A_441 : i32 to index
        %parallel_loop3A_443 = arith.index_cast %parallel_loop3A_440 : i32 to index
        %parallel_loop3A_444 = tpu.vector_load %arg8[%parallel_loop3A_442, %parallel_loop3A_443] {strides = array<i32>} : memref<32x512xf32, #tpu.memory_space<vmem>>, vector<16xf32>,
        tpu.vector_store %arg8[%parallel_loop3A_442, %parallel_loop3A_443], %parallel_loop3A_273 {strides = array<i32>} : memref<32x512xf32, #tpu.memory_space<vmem>>, vector<16xf32>,
        %parallel_loop3A_445 = arith.constant 16 : i32
        %parallel_loop3A_446 = arith.muli %parallel_loop3A_194, %parallel_loop3A_445 : i32
        %parallel_loop3A_447 = arith.constant 25 : i32
        %parallel_loop3A_448 = arith.index_cast %parallel_loop3A_447 : i32 to index
        %parallel_loop3A_449 = arith.index_cast %parallel_loop3A_446 : i32 to index
        %parallel_loop3A_450 = tpu.vector_load %arg8[%parallel_loop3A_448, %parallel_loop3A_449] {strides = array<i32>} : memref<32x512xf32, #tpu.memory_space<vmem>>, vector<16xf32>,
        tpu.vector_store %arg8[%parallel_loop3A_448, %parallel_loop3A_449], %parallel_loop3A_276 {strides = array<i32>} : memref<32x512xf32, #tpu.memory_space<vmem>>, vector<16xf32>,
        %parallel_loop3A_451 = arith.constant 16 : i32
        %parallel_loop3A_452 = arith.muli %parallel_loop3A_194, %parallel_loop3A_451 : i32
        %parallel_loop3A_453 = arith.constant 26 : i32
        %parallel_loop3A_454 = arith.index_cast %parallel_loop3A_453 : i32 to index
        %parallel_loop3A_455 = arith.index_cast %parallel_loop3A_452 : i32 to index
        %parallel_loop3A_456 = tpu.vector_load %arg8[%parallel_loop3A_454, %parallel_loop3A_455] {strides = array<i32>} : memref<32x512xf32, #tpu.memory_space<vmem>>, vector<16xf32>,
        tpu.vector_store %arg8[%parallel_loop3A_454, %parallel_loop3A_455], %parallel_loop3A_279 {strides = array<i32>} : memref<32x512xf32, #tpu.memory_space<vmem>>, vector<16xf32>,
        %parallel_loop3A_457 = arith.constant 16 : i32
        %parallel_loop3A_458 = arith.muli %parallel_loop3A_194, %parallel_loop3A_457 : i32
        %parallel_loop3A_459 = arith.constant 27 : i32
        %parallel_loop3A_460 = arith.index_cast %parallel_loop3A_459 : i32 to index
        %parallel_loop3A_461 = arith.index_cast %parallel_loop3A_458 : i32 to index
        %parallel_loop3A_462 = tpu.vector_load %arg8[%parallel_loop3A_460, %parallel_loop3A_461] {strides = array<i32>} : memref<32x512xf32, #tpu.memory_space<vmem>>, vector<16xf32>,
        tpu.vector_store %arg8[%parallel_loop3A_460, %parallel_loop3A_461], %parallel_loop3A_282 {strides = array<i32>} : memref<32x512xf32, #tpu.memory_space<vmem>>, vector<16xf32>,
        %parallel_loop3A_463 = arith.constant 16 : i32
        %parallel_loop3A_464 = arith.muli %parallel_loop3A_194, %parallel_loop3A_463 : i32
        %parallel_loop3A_465 = arith.constant 28 : i32
        %parallel_loop3A_466 = arith.index_cast %parallel_loop3A_465 : i32 to index
        %parallel_loop3A_467 = arith.index_cast %parallel_loop3A_464 : i32 to index
        %parallel_loop3A_468 = tpu.vector_load %arg8[%parallel_loop3A_466, %parallel_loop3A_467] {strides = array<i32>} : memref<32x512xf32, #tpu.memory_space<vmem>>, vector<16xf32>,
        tpu.vector_store %arg8[%parallel_loop3A_466, %parallel_loop3A_467], %parallel_loop3A_285 {strides = array<i32>} : memref<32x512xf32, #tpu.memory_space<vmem>>, vector<16xf32>,
        %parallel_loop3A_469 = arith.constant 16 : i32
        %parallel_loop3A_470 = arith.muli %parallel_loop3A_194, %parallel_loop3A_469 : i32
        %parallel_loop3A_471 = arith.constant 29 : i32
        %parallel_loop3A_472 = arith.index_cast %parallel_loop3A_471 : i32 to index
        %parallel_loop3A_473 = arith.index_cast %parallel_loop3A_470 : i32 to index
        %parallel_loop3A_474 = tpu.vector_load %arg8[%parallel_loop3A_472, %parallel_loop3A_473] {strides = array<i32>} : memref<32x512xf32, #tpu.memory_space<vmem>>, vector<16xf32>,
        tpu.vector_store %arg8[%parallel_loop3A_472, %parallel_loop3A_473], %parallel_loop3A_288 {strides = array<i32>} : memref<32x512xf32, #tpu.memory_space<vmem>>, vector<16xf32>,
        %parallel_loop3A_475 = arith.constant 16 : i32
        %parallel_loop3A_476 = arith.muli %parallel_loop3A_194, %parallel_loop3A_475 : i32
        %parallel_loop3A_477 = arith.constant 30 : i32
        %parallel_loop3A_478 = arith.index_cast %parallel_loop3A_477 : i32 to index
        %parallel_loop3A_479 = arith.index_cast %parallel_loop3A_476 : i32 to index
        %parallel_loop3A_480 = tpu.vector_load %arg8[%parallel_loop3A_478, %parallel_loop3A_479] {strides = array<i32>} : memref<32x512xf32, #tpu.memory_space<vmem>>, vector<16xf32>,
        tpu.vector_store %arg8[%parallel_loop3A_478, %parallel_loop3A_479], %parallel_loop3A_291 {strides = array<i32>} : memref<32x512xf32, #tpu.memory_space<vmem>>, vector<16xf32>,
        %parallel_loop3A_481 = arith.constant 16 : i32
        %parallel_loop3A_482 = arith.muli %parallel_loop3A_194, %parallel_loop3A_481 : i32
        %parallel_loop3A_483 = arith.constant 31 : i32
        %parallel_loop3A_484 = arith.index_cast %parallel_loop3A_483 : i32 to index
        %parallel_loop3A_485 = arith.index_cast %parallel_loop3A_482 : i32 to index
        %parallel_loop3A_486 = tpu.vector_load %arg8[%parallel_loop3A_484, %parallel_loop3A_485] {strides = array<i32>} : memref<32x512xf32, #tpu.memory_space<vmem>>, vector<16xf32>,
        tpu.vector_store %arg8[%parallel_loop3A_484, %parallel_loop3A_485], %parallel_loop3A_294 {strides = array<i32>} : memref<32x512xf32, #tpu.memory_space<vmem>>, vector<16xf32>,
      } {sc.loop_unroll_factor = 2 : i64, sc.parallel_access}
      %dma_start3A_157 = arith.constant 0 : i32
      %dma_start3A_158 = tpu.memref_slice %arg4[%add3A_133, %dma_start3A_157, %mul3A_2] : memref<50x32x16384xf32, #tpu.memory_space<hbm>> -> memref<1x32x512xf32, #tpu.memory_space<hbm>>
      %dma_start3A_159 = tpu.memref_squeeze %dma_start3A_158 : memref<1x32x512xf32, #tpu.memory_space<hbm>> -> memref<32x512xf32, #tpu.memory_space<hbm>>
      %dma_start3A_160 = arith.constant 0 : i32
      %dma_start3A_161 = tpu.memref_slice %arg4[%add3A_133, %dma_start3A_160, %mul3A_2] : memref<50x32x16384xf32, #tpu.memory_space<hbm>> -> memref<1x32x512xf32, #tpu.memory_space<hbm>>
      %dma_start3A_162 = tpu.memref_squeeze %dma_start3A_161 : memref<1x32x512xf32, #tpu.memory_space<hbm>> -> memref<32x512xf32, #tpu.memory_space<hbm>>
      tpu.enqueue_dma source(%arg8 : memref<32x512xf32, #tpu.memory_space<vmem>>) target(%dma_start3A_162 : memref<32x512xf32, #tpu.memory_space<hbm>>) target_semaphore(%arg12 : memref<!tpu.dma_semaphore, #tpu.memory_space<semaphore_mem>>)
      %add3A_163 = arith.constant 1 : i32
      %add3A_164 = arith.addi %add3A_133, %add3A_163 : i32
      %dma_wait3A_165 = arith.constant 0 : i32
      %dma_wait3A_166 = tpu.memref_slice %arg5[%add3A_164, %dma_wait3A_165] : memref<50x512xi32, #tpu.memory_space<vmem>> -> memref<1x512xi32, #tpu.memory_space<vmem>>
      %dma_wait3A_167 = tpu.memref_squeeze %dma_wait3A_166 : memref<1x512xi32, #tpu.memory_space<vmem>> -> memref<512xi32, #tpu.memory_space<vmem>>
      %dma_wait3A_168 = arith.constant 0 : i32
      %dma_wait3A_169 = arith.constant 0 : i32
      %dma_wait3A_170 = tpu.memref_slice %arg3[%dma_wait3A_168, %dma_wait3A_169] : memref<1000000x32xf32, #tpu.memory_space<hbm>> -> memref<1000000x32xf32, #tpu.memory_space<hbm>>
      tpu.wait_indirect_dma semaphore(%arg11 : memref<!tpu.dma_semaphore, #tpu.memory_space<semaphore_mem>>) src(%dma_wait3A_170 : memref<1000000x32xf32, #tpu.memory_space<hbm>>) dst(%arg7 : memref<512x32xf32, #tpu.memory_space<vmem>>)
      %add3A_171 = arith.constant 1 : i32
      %add3A_172 = arith.addi %add3A_164, %add3A_171 : i32
      %dma_start3A_173 = arith.constant 0 : i32
      %dma_start3A_174 = tpu.memref_slice %arg5[%add3A_172, %dma_start3A_173] : memref<50x512xi32, #tpu.memory_space<vmem>> -> memref<1x512xi32, #tpu.memory_space<vmem>>
      %dma_start3A_175 = tpu.memref_squeeze %dma_start3A_174 : memref<1x512xi32, #tpu.memory_space<vmem>> -> memref<512xi32, #tpu.memory_space<vmem>>
      %dma_start3A_176 = arith.constant 0 : i32
      %dma_start3A_177 = arith.constant 0 : i32
      %dma_start3A_178 = tpu.memref_slice %arg3[%dma_start3A_176, %dma_start3A_177] : memref<1000000x32xf32, #tpu.memory_space<hbm>> -> memref<1000000x32xf32, #tpu.memory_space<hbm>>
      tpu.enqueue_indirect_dma source(%dma_start3A_178 : memref<1000000x32xf32, #tpu.memory_space<hbm>>) target(%arg6 : memref<512x32xf32, #tpu.memory_space<vmem>>) offsets(%dma_start3A_175 : memref<512xi32, #tpu.memory_space<vmem>>) semaphore(%arg10 : memref<!tpu.dma_semaphore, #tpu.memory_space<semaphore_mem>>)
      %dma_wait3A_179 = arith.constant 0 : i32
      %dma_wait3A_180 = tpu.memref_slice %arg4[%add3A_164, %dma_wait3A_179, %mul3A_2] : memref<50x32x16384xf32, #tpu.memory_space<hbm>> -> memref<1x32x512xf32, #tpu.memory_space<hbm>>
      %dma_wait3A_181 = tpu.memref_squeeze %dma_wait3A_180 : memref<1x32x512xf32, #tpu.memory_space<hbm>> -> memref<32x512xf32, #tpu.memory_space<hbm>>
      %dma_wait3A_182 = arith.constant 0 : i32
      %dma_wait3A_183 = tpu.memref_slice %arg4[%add3A_164, %dma_wait3A_182, %mul3A_2] : memref<50x32x16384xf32, #tpu.memory_space<hbm>> -> memref<1x32x512xf32, #tpu.memory_space<hbm>>
      %dma_wait3A_184 = tpu.memref_squeeze %dma_wait3A_183 : memref<1x32x512xf32, #tpu.memory_space<hbm>> -> memref<32x512xf32, #tpu.memory_space<hbm>>
      tpu.wait_dma2 semaphore(%arg13 : memref<!tpu.dma_semaphore, #tpu.memory_space<semaphore_mem>>) src(%arg9 : memref<32x512xf32, #tpu.memory_space<vmem>>) dst(%dma_wait3A_184 : memref<32x512xf32, #tpu.memory_space<hbm>>)
      %parallel_loop3A_185 = arith.constant 0 : i32
      %parallel_loop3A_186 = arith.constant 32 : i32
      %parallel_loop3A_187 = arith.constant 1 : i32
      scf.for %parallel_loop3A_194 = %parallel_loop3A_185 to %parallel_loop3A_186 step %parallel_loop3A_187  : i32 {
        %parallel_loop3A_195 = arith.constant 16 : i32
        %parallel_loop3A_196 = arith.muli %parallel_loop3A_194, %parallel_loop3A_195 : i32
        %parallel_loop3A_197 = vector.broadcast %parallel_loop3A_196 : i32 to vector<16xi32>
        %parallel_loop3A_198 = arith.addi %parallel_loop3A_197, %iota3A : vector<16xi32>
        %parallel_loop3A_199 = arith.constant 0 : i32
        %parallel_loop3A_200 = vector.broadcast %parallel_loop3A_199 : i32 to vector<16xi32>
        %parallel_loop3A_201 = tpu.vector_load_idx %arg7[%parallel_loop3A_198, %parallel_loop3A_200] : memref<512x32xf32, #tpu.memory_space<vmem>>[vector<16xi32>, vector<16xi32>], vector<16xf32>,
        %parallel_loop3A_202 = arith.constant 1 : i32
        %parallel_loop3A_203 = vector.broadcast %parallel_loop3A_202 : i32 to vector<16xi32>
        %parallel_loop3A_204 = tpu.vector_load_idx %arg7[%parallel_loop3A_198, %parallel_loop3A_203] : memref<512x32xf32, #tpu.memory_space<vmem>>[vector<16xi32>, vector<16xi32>], vector<16xf32>,
        %parallel_loop3A_205 = arith.constant 2 : i32
        %parallel_loop3A_206 = vector.broadcast %parallel_loop3A_205 : i32 to vector<16xi32>
        %parallel_loop3A_207 = tpu.vector_load_idx %arg7[%parallel_loop3A_198, %parallel_loop3A_206] : memref<512x32xf32, #tpu.memory_space<vmem>>[vector<16xi32>, vector<16xi32>], vector<16xf32>,
        %parallel_loop3A_208 = arith.constant 3 : i32
        %parallel_loop3A_209 = vector.broadcast %parallel_loop3A_208 : i32 to vector<16xi32>
        %parallel_loop3A_210 = tpu.vector_load_idx %arg7[%parallel_loop3A_198, %parallel_loop3A_209] : memref<512x32xf32, #tpu.memory_space<vmem>>[vector<16xi32>, vector<16xi32>], vector<16xf32>,
        %parallel_loop3A_211 = arith.constant 4 : i32
        %parallel_loop3A_212 = vector.broadcast %parallel_loop3A_211 : i32 to vector<16xi32>
        %parallel_loop3A_213 = tpu.vector_load_idx %arg7[%parallel_loop3A_198, %parallel_loop3A_212] : memref<512x32xf32, #tpu.memory_space<vmem>>[vector<16xi32>, vector<16xi32>], vector<16xf32>,
        %parallel_loop3A_214 = arith.constant 5 : i32
        %parallel_loop3A_215 = vector.broadcast %parallel_loop3A_214 : i32 to vector<16xi32>
        %parallel_loop3A_216 = tpu.vector_load_idx %arg7[%parallel_loop3A_198, %parallel_loop3A_215] : memref<512x32xf32, #tpu.memory_space<vmem>>[vector<16xi32>, vector<16xi32>], vector<16xf32>,
        %parallel_loop3A_217 = arith.constant 6 : i32
        %parallel_loop3A_218 = vector.broadcast %parallel_loop3A_217 : i32 to vector<16xi32>
        %parallel_loop3A_219 = tpu.vector_load_idx %arg7[%parallel_loop3A_198, %parallel_loop3A_218] : memref<512x32xf32, #tpu.memory_space<vmem>>[vector<16xi32>, vector<16xi32>], vector<16xf32>,
        %parallel_loop3A_220 = arith.constant 7 : i32
        %parallel_loop3A_221 = vector.broadcast %parallel_loop3A_220 : i32 to vector<16xi32>
        %parallel_loop3A_222 = tpu.vector_load_idx %arg7[%parallel_loop3A_198, %parallel_loop3A_221] : memref<512x32xf32, #tpu.memory_space<vmem>>[vector<16xi32>, vector<16xi32>], vector<16xf32>,
        %parallel_loop3A_223 = arith.constant 8 : i32
        %parallel_loop3A_224 = vector.broadcast %parallel_loop3A_223 : i32 to vector<16xi32>
        %parallel_loop3A_225 = tpu.vector_load_idx %arg7[%parallel_loop3A_198, %parallel_loop3A_224] : memref<512x32xf32, #tpu.memory_space<vmem>>[vector<16xi32>, vector<16xi32>], vector<16xf32>,
        %parallel_loop3A_226 = arith.constant 9 : i32
        %parallel_loop3A_227 = vector.broadcast %parallel_loop3A_226 : i32 to vector<16xi32>
        %parallel_loop3A_228 = tpu.vector_load_idx %arg7[%parallel_loop3A_198, %parallel_loop3A_227] : memref<512x32xf32, #tpu.memory_space<vmem>>[vector<16xi32>, vector<16xi32>], vector<16xf32>,
        %parallel_loop3A_229 = arith.constant 10 : i32
        %parallel_loop3A_230 = vector.broadcast %parallel_loop3A_229 : i32 to vector<16xi32>
        %parallel_loop3A_231 = tpu.vector_load_idx %arg7[%parallel_loop3A_198, %parallel_loop3A_230] : memref<512x32xf32, #tpu.memory_space<vmem>>[vector<16xi32>, vector<16xi32>], vector<16xf32>,
        %parallel_loop3A_232 = arith.constant 11 : i32
        %parallel_loop3A_233 = vector.broadcast %parallel_loop3A_232 : i32 to vector<16xi32>
        %parallel_loop3A_234 = tpu.vector_load_idx %arg7[%parallel_loop3A_198, %parallel_loop3A_233] : memref<512x32xf32, #tpu.memory_space<vmem>>[vector<16xi32>, vector<16xi32>], vector<16xf32>,
        %parallel_loop3A_235 = arith.constant 12 : i32
        %parallel_loop3A_236 = vector.broadcast %parallel_loop3A_235 : i32 to vector<16xi32>
        %parallel_loop3A_237 = tpu.vector_load_idx %arg7[%parallel_loop3A_198, %parallel_loop3A_236] : memref<512x32xf32, #tpu.memory_space<vmem>>[vector<16xi32>, vector<16xi32>], vector<16xf32>,
        %parallel_loop3A_238 = arith.constant 13 : i32
        %parallel_loop3A_239 = vector.broadcast %parallel_loop3A_238 : i32 to vector<16xi32>
        %parallel_loop3A_240 = tpu.vector_load_idx %arg7[%parallel_loop3A_198, %parallel_loop3A_239] : memref<512x32xf32, #tpu.memory_space<vmem>>[vector<16xi32>, vector<16xi32>], vector<16xf32>,
        %parallel_loop3A_241 = arith.constant 14 : i32
        %parallel_loop3A_242 = vector.broadcast %parallel_loop3A_241 : i32 to vector<16xi32>
        %parallel_loop3A_243 = tpu.vector_load_idx %arg7[%parallel_loop3A_198, %parallel_loop3A_242] : memref<512x32xf32, #tpu.memory_space<vmem>>[vector<16xi32>, vector<16xi32>], vector<16xf32>,
        %parallel_loop3A_244 = arith.constant 15 : i32
        %parallel_loop3A_245 = vector.broadcast %parallel_loop3A_244 : i32 to vector<16xi32>
        %parallel_loop3A_246 = tpu.vector_load_idx %arg7[%parallel_loop3A_198, %parallel_loop3A_245] : memref<512x32xf32, #tpu.memory_space<vmem>>[vector<16xi32>, vector<16xi32>], vector<16xf32>,
        %parallel_loop3A_247 = arith.constant 16 : i32
        %parallel_loop3A_248 = vector.broadcast %parallel_loop3A_247 : i32 to vector<16xi32>
        %parallel_loop3A_249 = tpu.vector_load_idx %arg7[%parallel_loop3A_198, %parallel_loop3A_248] : memref<512x32xf32, #tpu.memory_space<vmem>>[vector<16xi32>, vector<16xi32>], vector<16xf32>,
        %parallel_loop3A_250 = arith.constant 17 : i32
        %parallel_loop3A_251 = vector.broadcast %parallel_loop3A_250 : i32 to vector<16xi32>
        %parallel_loop3A_252 = tpu.vector_load_idx %arg7[%parallel_loop3A_198, %parallel_loop3A_251] : memref<512x32xf32, #tpu.memory_space<vmem>>[vector<16xi32>, vector<16xi32>], vector<16xf32>,
        %parallel_loop3A_253 = arith.constant 18 : i32
        %parallel_loop3A_254 = vector.broadcast %parallel_loop3A_253 : i32 to vector<16xi32>
        %parallel_loop3A_255 = tpu.vector_load_idx %arg7[%parallel_loop3A_198, %parallel_loop3A_254] : memref<512x32xf32, #tpu.memory_space<vmem>>[vector<16xi32>, vector<16xi32>], vector<16xf32>,
        %parallel_loop3A_256 = arith.constant 19 : i32
        %parallel_loop3A_257 = vector.broadcast %parallel_loop3A_256 : i32 to vector<16xi32>
        %parallel_loop3A_258 = tpu.vector_load_idx %arg7[%parallel_loop3A_198, %parallel_loop3A_257] : memref<512x32xf32, #tpu.memory_space<vmem>>[vector<16xi32>, vector<16xi32>], vector<16xf32>,
        %parallel_loop3A_259 = arith.constant 20 : i32
        %parallel_loop3A_260 = vector.broadcast %parallel_loop3A_259 : i32 to vector<16xi32>
        %parallel_loop3A_261 = tpu.vector_load_idx %arg7[%parallel_loop3A_198, %parallel_loop3A_260] : memref<512x32xf32, #tpu.memory_space<vmem>>[vector<16xi32>, vector<16xi32>], vector<16xf32>,
        %parallel_loop3A_262 = arith.constant 21 : i32
        %parallel_loop3A_263 = vector.broadcast %parallel_loop3A_262 : i32 to vector<16xi32>
        %parallel_loop3A_264 = tpu.vector_load_idx %arg7[%parallel_loop3A_198, %parallel_loop3A_263] : memref<512x32xf32, #tpu.memory_space<vmem>>[vector<16xi32>, vector<16xi32>], vector<16xf32>,
        %parallel_loop3A_265 = arith.constant 22 : i32
        %parallel_loop3A_266 = vector.broadcast %parallel_loop3A_265 : i32 to vector<16xi32>
        %parallel_loop3A_267 = tpu.vector_load_idx %arg7[%parallel_loop3A_198, %parallel_loop3A_266] : memref<512x32xf32, #tpu.memory_space<vmem>>[vector<16xi32>, vector<16xi32>], vector<16xf32>,
        %parallel_loop3A_268 = arith.constant 23 : i32
        %parallel_loop3A_269 = vector.broadcast %parallel_loop3A_268 : i32 to vector<16xi32>
        %parallel_loop3A_270 = tpu.vector_load_idx %arg7[%parallel_loop3A_198, %parallel_loop3A_269] : memref<512x32xf32, #tpu.memory_space<vmem>>[vector<16xi32>, vector<16xi32>], vector<16xf32>,
        %parallel_loop3A_271 = arith.constant 24 : i32
        %parallel_loop3A_272 = vector.broadcast %parallel_loop3A_271 : i32 to vector<16xi32>
        %parallel_loop3A_273 = tpu.vector_load_idx %arg7[%parallel_loop3A_198, %parallel_loop3A_272] : memref<512x32xf32, #tpu.memory_space<vmem>>[vector<16xi32>, vector<16xi32>], vector<16xf32>,
        %parallel_loop3A_274 = arith.constant 25 : i32
        %parallel_loop3A_275 = vector.broadcast %parallel_loop3A_274 : i32 to vector<16xi32>
        %parallel_loop3A_276 = tpu.vector_load_idx %arg7[%parallel_loop3A_198, %parallel_loop3A_275] : memref<512x32xf32, #tpu.memory_space<vmem>>[vector<16xi32>, vector<16xi32>], vector<16xf32>,
        %parallel_loop3A_277 = arith.constant 26 : i32
        %parallel_loop3A_278 = vector.broadcast %parallel_loop3A_277 : i32 to vector<16xi32>
        %parallel_loop3A_279 = tpu.vector_load_idx %arg7[%parallel_loop3A_198, %parallel_loop3A_278] : memref<512x32xf32, #tpu.memory_space<vmem>>[vector<16xi32>, vector<16xi32>], vector<16xf32>,
        %parallel_loop3A_280 = arith.constant 27 : i32
        %parallel_loop3A_281 = vector.broadcast %parallel_loop3A_280 : i32 to vector<16xi32>
        %parallel_loop3A_282 = tpu.vector_load_idx %arg7[%parallel_loop3A_198, %parallel_loop3A_281] : memref<512x32xf32, #tpu.memory_space<vmem>>[vector<16xi32>, vector<16xi32>], vector<16xf32>,
        %parallel_loop3A_283 = arith.constant 28 : i32
        %parallel_loop3A_284 = vector.broadcast %parallel_loop3A_283 : i32 to vector<16xi32>
        %parallel_loop3A_285 = tpu.vector_load_idx %arg7[%parallel_loop3A_198, %parallel_loop3A_284] : memref<512x32xf32, #tpu.memory_space<vmem>>[vector<16xi32>, vector<16xi32>], vector<16xf32>,
        %parallel_loop3A_286 = arith.constant 29 : i32
        %parallel_loop3A_287 = vector.broadcast %parallel_loop3A_286 : i32 to vector<16xi32>
        %parallel_loop3A_288 = tpu.vector_load_idx %arg7[%parallel_loop3A_198, %parallel_loop3A_287] : memref<512x32xf32, #tpu.memory_space<vmem>>[vector<16xi32>, vector<16xi32>], vector<16xf32>,
        %parallel_loop3A_289 = arith.constant 30 : i32
        %parallel_loop3A_290 = vector.broadcast %parallel_loop3A_289 : i32 to vector<16xi32>
        %parallel_loop3A_291 = tpu.vector_load_idx %arg7[%parallel_loop3A_198, %parallel_loop3A_290] : memref<512x32xf32, #tpu.memory_space<vmem>>[vector<16xi32>, vector<16xi32>], vector<16xf32>,
        %parallel_loop3A_292 = arith.constant 31 : i32
        %parallel_loop3A_293 = vector.broadcast %parallel_loop3A_292 : i32 to vector<16xi32>
        %parallel_loop3A_294 = tpu.vector_load_idx %arg7[%parallel_loop3A_198, %parallel_loop3A_293] : memref<512x32xf32, #tpu.memory_space<vmem>>[vector<16xi32>, vector<16xi32>], vector<16xf32>,
        %parallel_loop3A_295 = arith.constant 16 : i32
        %parallel_loop3A_296 = arith.muli %parallel_loop3A_194, %parallel_loop3A_295 : i32
        %parallel_loop3A_297 = arith.constant 0 : i32
        %parallel_loop3A_298 = arith.index_cast %parallel_loop3A_297 : i32 to index
        %parallel_loop3A_299 = arith.index_cast %parallel_loop3A_296 : i32 to index
        %parallel_loop3A_300 = tpu.vector_load %arg9[%parallel_loop3A_298, %parallel_loop3A_299] {strides = array<i32>} : memref<32x512xf32, #tpu.memory_space<vmem>>, vector<16xf32>,
        tpu.vector_store %arg9[%parallel_loop3A_298, %parallel_loop3A_299], %parallel_loop3A_201 {strides = array<i32>} : memref<32x512xf32, #tpu.memory_space<vmem>>, vector<16xf32>,
        %parallel_loop3A_301 = arith.constant 16 : i32
        %parallel_loop3A_302 = arith.muli %parallel_loop3A_194, %parallel_loop3A_301 : i32
        %parallel_loop3A_303 = arith.constant 1 : i32
        %parallel_loop3A_304 = arith.index_cast %parallel_loop3A_303 : i32 to index
        %parallel_loop3A_305 = arith.index_cast %parallel_loop3A_302 : i32 to index
        %parallel_loop3A_306 = tpu.vector_load %arg9[%parallel_loop3A_304, %parallel_loop3A_305] {strides = array<i32>} : memref<32x512xf32, #tpu.memory_space<vmem>>, vector<16xf32>,
        tpu.vector_store %arg9[%parallel_loop3A_304, %parallel_loop3A_305], %parallel_loop3A_204 {strides = array<i32>} : memref<32x512xf32, #tpu.memory_space<vmem>>, vector<16xf32>,
        %parallel_loop3A_307 = arith.constant 16 : i32
        %parallel_loop3A_308 = arith.muli %parallel_loop3A_194, %parallel_loop3A_307 : i32
        %parallel_loop3A_309 = arith.constant 2 : i32
        %parallel_loop3A_310 = arith.index_cast %parallel_loop3A_309 : i32 to index
        %parallel_loop3A_311 = arith.index_cast %parallel_loop3A_308 : i32 to index
        %parallel_loop3A_312 = tpu.vector_load %arg9[%parallel_loop3A_310, %parallel_loop3A_311] {strides = array<i32>} : memref<32x512xf32, #tpu.memory_space<vmem>>, vector<16xf32>,
        tpu.vector_store %arg9[%parallel_loop3A_310, %parallel_loop3A_311], %parallel_loop3A_207 {strides = array<i32>} : memref<32x512xf32, #tpu.memory_space<vmem>>, vector<16xf32>,
        %parallel_loop3A_313 = arith.constant 16 : i32
        %parallel_loop3A_314 = arith.muli %parallel_loop3A_194, %parallel_loop3A_313 : i32
        %parallel_loop3A_315 = arith.constant 3 : i32
        %parallel_loop3A_316 = arith.index_cast %parallel_loop3A_315 : i32 to index
        %parallel_loop3A_317 = arith.index_cast %parallel_loop3A_314 : i32 to index
        %parallel_loop3A_318 = tpu.vector_load %arg9[%parallel_loop3A_316, %parallel_loop3A_317] {strides = array<i32>} : memref<32x512xf32, #tpu.memory_space<vmem>>, vector<16xf32>,
        tpu.vector_store %arg9[%parallel_loop3A_316, %parallel_loop3A_317], %parallel_loop3A_210 {strides = array<i32>} : memref<32x512xf32, #tpu.memory_space<vmem>>, vector<16xf32>,
        %parallel_loop3A_319 = arith.constant 16 : i32
        %parallel_loop3A_320 = arith.muli %parallel_loop3A_194, %parallel_loop3A_319 : i32
        %parallel_loop3A_321 = arith.constant 4 : i32
        %parallel_loop3A_322 = arith.index_cast %parallel_loop3A_321 : i32 to index
        %parallel_loop3A_323 = arith.index_cast %parallel_loop3A_320 : i32 to index
        %parallel_loop3A_324 = tpu.vector_load %arg9[%parallel_loop3A_322, %parallel_loop3A_323] {strides = array<i32>} : memref<32x512xf32, #tpu.memory_space<vmem>>, vector<16xf32>,
        tpu.vector_store %arg9[%parallel_loop3A_322, %parallel_loop3A_323], %parallel_loop3A_213 {strides = array<i32>} : memref<32x512xf32, #tpu.memory_space<vmem>>, vector<16xf32>,
        %parallel_loop3A_325 = arith.constant 16 : i32
        %parallel_loop3A_326 = arith.muli %parallel_loop3A_194, %parallel_loop3A_325 : i32
        %parallel_loop3A_327 = arith.constant 5 : i32
        %parallel_loop3A_328 = arith.index_cast %parallel_loop3A_327 : i32 to index
        %parallel_loop3A_329 = arith.index_cast %parallel_loop3A_326 : i32 to index
        %parallel_loop3A_330 = tpu.vector_load %arg9[%parallel_loop3A_328, %parallel_loop3A_329] {strides = array<i32>} : memref<32x512xf32, #tpu.memory_space<vmem>>, vector<16xf32>,
        tpu.vector_store %arg9[%parallel_loop3A_328, %parallel_loop3A_329], %parallel_loop3A_216 {strides = array<i32>} : memref<32x512xf32, #tpu.memory_space<vmem>>, vector<16xf32>,
        %parallel_loop3A_331 = arith.constant 16 : i32
        %parallel_loop3A_332 = arith.muli %parallel_loop3A_194, %parallel_loop3A_331 : i32
        %parallel_loop3A_333 = arith.constant 6 : i32
        %parallel_loop3A_334 = arith.index_cast %parallel_loop3A_333 : i32 to index
        %parallel_loop3A_335 = arith.index_cast %parallel_loop3A_332 : i32 to index
        %parallel_loop3A_336 = tpu.vector_load %arg9[%parallel_loop3A_334, %parallel_loop3A_335] {strides = array<i32>} : memref<32x512xf32, #tpu.memory_space<vmem>>, vector<16xf32>,
        tpu.vector_store %arg9[%parallel_loop3A_334, %parallel_loop3A_335], %parallel_loop3A_219 {strides = array<i32>} : memref<32x512xf32, #tpu.memory_space<vmem>>, vector<16xf32>,
        %parallel_loop3A_337 = arith.constant 16 : i32
        %parallel_loop3A_338 = arith.muli %parallel_loop3A_194, %parallel_loop3A_337 : i32
        %parallel_loop3A_339 = arith.constant 7 : i32
        %parallel_loop3A_340 = arith.index_cast %parallel_loop3A_339 : i32 to index
        %parallel_loop3A_341 = arith.index_cast %parallel_loop3A_338 : i32 to index
        %parallel_loop3A_342 = tpu.vector_load %arg9[%parallel_loop3A_340, %parallel_loop3A_341] {strides = array<i32>} : memref<32x512xf32, #tpu.memory_space<vmem>>, vector<16xf32>,
        tpu.vector_store %arg9[%parallel_loop3A_340, %parallel_loop3A_341], %parallel_loop3A_222 {strides = array<i32>} : memref<32x512xf32, #tpu.memory_space<vmem>>, vector<16xf32>,
        %parallel_loop3A_343 = arith.constant 16 : i32
        %parallel_loop3A_344 = arith.muli %parallel_loop3A_194, %parallel_loop3A_343 : i32
        %parallel_loop3A_345 = arith.constant 8 : i32
        %parallel_loop3A_346 = arith.index_cast %parallel_loop3A_345 : i32 to index
        %parallel_loop3A_347 = arith.index_cast %parallel_loop3A_344 : i32 to index
        %parallel_loop3A_348 = tpu.vector_load %arg9[%parallel_loop3A_346, %parallel_loop3A_347] {strides = array<i32>} : memref<32x512xf32, #tpu.memory_space<vmem>>, vector<16xf32>,
        tpu.vector_store %arg9[%parallel_loop3A_346, %parallel_loop3A_347], %parallel_loop3A_225 {strides = array<i32>} : memref<32x512xf32, #tpu.memory_space<vmem>>, vector<16xf32>,
        %parallel_loop3A_349 = arith.constant 16 : i32
        %parallel_loop3A_350 = arith.muli %parallel_loop3A_194, %parallel_loop3A_349 : i32
        %parallel_loop3A_351 = arith.constant 9 : i32
        %parallel_loop3A_352 = arith.index_cast %parallel_loop3A_351 : i32 to index
        %parallel_loop3A_353 = arith.index_cast %parallel_loop3A_350 : i32 to index
        %parallel_loop3A_354 = tpu.vector_load %arg9[%parallel_loop3A_352, %parallel_loop3A_353] {strides = array<i32>} : memref<32x512xf32, #tpu.memory_space<vmem>>, vector<16xf32>,
        tpu.vector_store %arg9[%parallel_loop3A_352, %parallel_loop3A_353], %parallel_loop3A_228 {strides = array<i32>} : memref<32x512xf32, #tpu.memory_space<vmem>>, vector<16xf32>,
        %parallel_loop3A_355 = arith.constant 16 : i32
        %parallel_loop3A_356 = arith.muli %parallel_loop3A_194, %parallel_loop3A_355 : i32
        %parallel_loop3A_357 = arith.constant 10 : i32
        %parallel_loop3A_358 = arith.index_cast %parallel_loop3A_357 : i32 to index
        %parallel_loop3A_359 = arith.index_cast %parallel_loop3A_356 : i32 to index
        %parallel_loop3A_360 = tpu.vector_load %arg9[%parallel_loop3A_358, %parallel_loop3A_359] {strides = array<i32>} : memref<32x512xf32, #tpu.memory_space<vmem>>, vector<16xf32>,
        tpu.vector_store %arg9[%parallel_loop3A_358, %parallel_loop3A_359], %parallel_loop3A_231 {strides = array<i32>} : memref<32x512xf32, #tpu.memory_space<vmem>>, vector<16xf32>,
        %parallel_loop3A_361 = arith.constant 16 : i32
        %parallel_loop3A_362 = arith.muli %parallel_loop3A_194, %parallel_loop3A_361 : i32
        %parallel_loop3A_363 = arith.constant 11 : i32
        %parallel_loop3A_364 = arith.index_cast %parallel_loop3A_363 : i32 to index
        %parallel_loop3A_365 = arith.index_cast %parallel_loop3A_362 : i32 to index
        %parallel_loop3A_366 = tpu.vector_load %arg9[%parallel_loop3A_364, %parallel_loop3A_365] {strides = array<i32>} : memref<32x512xf32, #tpu.memory_space<vmem>>, vector<16xf32>,
        tpu.vector_store %arg9[%parallel_loop3A_364, %parallel_loop3A_365], %parallel_loop3A_234 {strides = array<i32>} : memref<32x512xf32, #tpu.memory_space<vmem>>, vector<16xf32>,
        %parallel_loop3A_367 = arith.constant 16 : i32
        %parallel_loop3A_368 = arith.muli %parallel_loop3A_194, %parallel_loop3A_367 : i32
        %parallel_loop3A_369 = arith.constant 12 : i32
        %parallel_loop3A_370 = arith.index_cast %parallel_loop3A_369 : i32 to index
        %parallel_loop3A_371 = arith.index_cast %parallel_loop3A_368 : i32 to index
        %parallel_loop3A_372 = tpu.vector_load %arg9[%parallel_loop3A_370, %parallel_loop3A_371] {strides = array<i32>} : memref<32x512xf32, #tpu.memory_space<vmem>>, vector<16xf32>,
        tpu.vector_store %arg9[%parallel_loop3A_370, %parallel_loop3A_371], %parallel_loop3A_237 {strides = array<i32>} : memref<32x512xf32, #tpu.memory_space<vmem>>, vector<16xf32>,
        %parallel_loop3A_373 = arith.constant 16 : i32
        %parallel_loop3A_374 = arith.muli %parallel_loop3A_194, %parallel_loop3A_373 : i32
        %parallel_loop3A_375 = arith.constant 13 : i32
        %parallel_loop3A_376 = arith.index_cast %parallel_loop3A_375 : i32 to index
        %parallel_loop3A_377 = arith.index_cast %parallel_loop3A_374 : i32 to index
        %parallel_loop3A_378 = tpu.vector_load %arg9[%parallel_loop3A_376, %parallel_loop3A_377] {strides = array<i32>} : memref<32x512xf32, #tpu.memory_space<vmem>>, vector<16xf32>,
        tpu.vector_store %arg9[%parallel_loop3A_376, %parallel_loop3A_377], %parallel_loop3A_240 {strides = array<i32>} : memref<32x512xf32, #tpu.memory_space<vmem>>, vector<16xf32>,
        %parallel_loop3A_379 = arith.constant 16 : i32
        %parallel_loop3A_380 = arith.muli %parallel_loop3A_194, %parallel_loop3A_379 : i32
        %parallel_loop3A_381 = arith.constant 14 : i32
        %parallel_loop3A_382 = arith.index_cast %parallel_loop3A_381 : i32 to index
        %parallel_loop3A_383 = arith.index_cast %parallel_loop3A_380 : i32 to index
        %parallel_loop3A_384 = tpu.vector_load %arg9[%parallel_loop3A_382, %parallel_loop3A_383] {strides = array<i32>} : memref<32x512xf32, #tpu.memory_space<vmem>>, vector<16xf32>,
        tpu.vector_store %arg9[%parallel_loop3A_382, %parallel_loop3A_383], %parallel_loop3A_243 {strides = array<i32>} : memref<32x512xf32, #tpu.memory_space<vmem>>, vector<16xf32>,
        %parallel_loop3A_385 = arith.constant 16 : i32
        %parallel_loop3A_386 = arith.muli %parallel_loop3A_194, %parallel_loop3A_385 : i32
        %parallel_loop3A_387 = arith.constant 15 : i32
        %parallel_loop3A_388 = arith.index_cast %parallel_loop3A_387 : i32 to index
        %parallel_loop3A_389 = arith.index_cast %parallel_loop3A_386 : i32 to index
        %parallel_loop3A_390 = tpu.vector_load %arg9[%parallel_loop3A_388, %parallel_loop3A_389] {strides = array<i32>} : memref<32x512xf32, #tpu.memory_space<vmem>>, vector<16xf32>,
        tpu.vector_store %arg9[%parallel_loop3A_388, %parallel_loop3A_389], %parallel_loop3A_246 {strides = array<i32>} : memref<32x512xf32, #tpu.memory_space<vmem>>, vector<16xf32>,
        %parallel_loop3A_391 = arith.constant 16 : i32
        %parallel_loop3A_392 = arith.muli %parallel_loop3A_194, %parallel_loop3A_391 : i32
        %parallel_loop3A_393 = arith.constant 16 : i32
        %parallel_loop3A_394 = arith.index_cast %parallel_loop3A_393 : i32 to index
        %parallel_loop3A_395 = arith.index_cast %parallel_loop3A_392 : i32 to index
        %parallel_loop3A_396 = tpu.vector_load %arg9[%parallel_loop3A_394, %parallel_loop3A_395] {strides = array<i32>} : memref<32x512xf32, #tpu.memory_space<vmem>>, vector<16xf32>,
        tpu.vector_store %arg9[%parallel_loop3A_394, %parallel_loop3A_395], %parallel_loop3A_249 {strides = array<i32>} : memref<32x512xf32, #tpu.memory_space<vmem>>, vector<16xf32>,
        %parallel_loop3A_397 = arith.constant 16 : i32
        %parallel_loop3A_398 = arith.muli %parallel_loop3A_194, %parallel_loop3A_397 : i32
        %parallel_loop3A_399 = arith.constant 17 : i32
        %parallel_loop3A_400 = arith.index_cast %parallel_loop3A_399 : i32 to index
        %parallel_loop3A_401 = arith.index_cast %parallel_loop3A_398 : i32 to index
        %parallel_loop3A_402 = tpu.vector_load %arg9[%parallel_loop3A_400, %parallel_loop3A_401] {strides = array<i32>} : memref<32x512xf32, #tpu.memory_space<vmem>>, vector<16xf32>,
        tpu.vector_store %arg9[%parallel_loop3A_400, %parallel_loop3A_401], %parallel_loop3A_252 {strides = array<i32>} : memref<32x512xf32, #tpu.memory_space<vmem>>, vector<16xf32>,
        %parallel_loop3A_403 = arith.constant 16 : i32
        %parallel_loop3A_404 = arith.muli %parallel_loop3A_194, %parallel_loop3A_403 : i32
        %parallel_loop3A_405 = arith.constant 18 : i32
        %parallel_loop3A_406 = arith.index_cast %parallel_loop3A_405 : i32 to index
        %parallel_loop3A_407 = arith.index_cast %parallel_loop3A_404 : i32 to index
        %parallel_loop3A_408 = tpu.vector_load %arg9[%parallel_loop3A_406, %parallel_loop3A_407] {strides = array<i32>} : memref<32x512xf32, #tpu.memory_space<vmem>>, vector<16xf32>,
        tpu.vector_store %arg9[%parallel_loop3A_406, %parallel_loop3A_407], %parallel_loop3A_255 {strides = array<i32>} : memref<32x512xf32, #tpu.memory_space<vmem>>, vector<16xf32>,
        %parallel_loop3A_409 = arith.constant 16 : i32
        %parallel_loop3A_410 = arith.muli %parallel_loop3A_194, %parallel_loop3A_409 : i32
        %parallel_loop3A_411 = arith.constant 19 : i32
        %parallel_loop3A_412 = arith.index_cast %parallel_loop3A_411 : i32 to index
        %parallel_loop3A_413 = arith.index_cast %parallel_loop3A_410 : i32 to index
        %parallel_loop3A_414 = tpu.vector_load %arg9[%parallel_loop3A_412, %parallel_loop3A_413] {strides = array<i32>} : memref<32x512xf32, #tpu.memory_space<vmem>>, vector<16xf32>,
        tpu.vector_store %arg9[%parallel_loop3A_412, %parallel_loop3A_413], %parallel_loop3A_258 {strides = array<i32>} : memref<32x512xf32, #tpu.memory_space<vmem>>, vector<16xf32>,
        %parallel_loop3A_415 = arith.constant 16 : i32
        %parallel_loop3A_416 = arith.muli %parallel_loop3A_194, %parallel_loop3A_415 : i32
        %parallel_loop3A_417 = arith.constant 20 : i32
        %parallel_loop3A_418 = arith.index_cast %parallel_loop3A_417 : i32 to index
        %parallel_loop3A_419 = arith.index_cast %parallel_loop3A_416 : i32 to index
        %parallel_loop3A_420 = tpu.vector_load %arg9[%parallel_loop3A_418, %parallel_loop3A_419] {strides = array<i32>} : memref<32x512xf32, #tpu.memory_space<vmem>>, vector<16xf32>,
        tpu.vector_store %arg9[%parallel_loop3A_418, %parallel_loop3A_419], %parallel_loop3A_261 {strides = array<i32>} : memref<32x512xf32, #tpu.memory_space<vmem>>, vector<16xf32>,
        %parallel_loop3A_421 = arith.constant 16 : i32
        %parallel_loop3A_422 = arith.muli %parallel_loop3A_194, %parallel_loop3A_421 : i32
        %parallel_loop3A_423 = arith.constant 21 : i32
        %parallel_loop3A_424 = arith.index_cast %parallel_loop3A_423 : i32 to index
        %parallel_loop3A_425 = arith.index_cast %parallel_loop3A_422 : i32 to index
        %parallel_loop3A_426 = tpu.vector_load %arg9[%parallel_loop3A_424, %parallel_loop3A_425] {strides = array<i32>} : memref<32x512xf32, #tpu.memory_space<vmem>>, vector<16xf32>,
        tpu.vector_store %arg9[%parallel_loop3A_424, %parallel_loop3A_425], %parallel_loop3A_264 {strides = array<i32>} : memref<32x512xf32, #tpu.memory_space<vmem>>, vector<16xf32>,
        %parallel_loop3A_427 = arith.constant 16 : i32
        %parallel_loop3A_428 = arith.muli %parallel_loop3A_194, %parallel_loop3A_427 : i32
        %parallel_loop3A_429 = arith.constant 22 : i32
        %parallel_loop3A_430 = arith.index_cast %parallel_loop3A_429 : i32 to index
        %parallel_loop3A_431 = arith.index_cast %parallel_loop3A_428 : i32 to index
        %parallel_loop3A_432 = tpu.vector_load %arg9[%parallel_loop3A_430, %parallel_loop3A_431] {strides = array<i32>} : memref<32x512xf32, #tpu.memory_space<vmem>>, vector<16xf32>,
        tpu.vector_store %arg9[%parallel_loop3A_430, %parallel_loop3A_431], %parallel_loop3A_267 {strides = array<i32>} : memref<32x512xf32, #tpu.memory_space<vmem>>, vector<16xf32>,
        %parallel_loop3A_433 = arith.constant 16 : i32
        %parallel_loop3A_434 = arith.muli %parallel_loop3A_194, %parallel_loop3A_433 : i32
        %parallel_loop3A_435 = arith.constant 23 : i32
        %parallel_loop3A_436 = arith.index_cast %parallel_loop3A_435 : i32 to index
        %parallel_loop3A_437 = arith.index_cast %parallel_loop3A_434 : i32 to index
        %parallel_loop3A_438 = tpu.vector_load %arg9[%parallel_loop3A_436, %parallel_loop3A_437] {strides = array<i32>} : memref<32x512xf32, #tpu.memory_space<vmem>>, vector<16xf32>,
        tpu.vector_store %arg9[%parallel_loop3A_436, %parallel_loop3A_437], %parallel_loop3A_270 {strides = array<i32>} : memref<32x512xf32, #tpu.memory_space<vmem>>, vector<16xf32>,
        %parallel_loop3A_439 = arith.constant 16 : i32
        %parallel_loop3A_440 = arith.muli %parallel_loop3A_194, %parallel_loop3A_439 : i32
        %parallel_loop3A_441 = arith.constant 24 : i32
        %parallel_loop3A_442 = arith.index_cast %parallel_loop3A_441 : i32 to index
        %parallel_loop3A_443 = arith.index_cast %parallel_loop3A_440 : i32 to index
        %parallel_loop3A_444 = tpu.vector_load %arg9[%parallel_loop3A_442, %parallel_loop3A_443] {strides = array<i32>} : memref<32x512xf32, #tpu.memory_space<vmem>>, vector<16xf32>,
        tpu.vector_store %arg9[%parallel_loop3A_442, %parallel_loop3A_443], %parallel_loop3A_273 {strides = array<i32>} : memref<32x512xf32, #tpu.memory_space<vmem>>, vector<16xf32>,
        %parallel_loop3A_445 = arith.constant 16 : i32
        %parallel_loop3A_446 = arith.muli %parallel_loop3A_194, %parallel_loop3A_445 : i32
        %parallel_loop3A_447 = arith.constant 25 : i32
        %parallel_loop3A_448 = arith.index_cast %parallel_loop3A_447 : i32 to index
        %parallel_loop3A_449 = arith.index_cast %parallel_loop3A_446 : i32 to index
        %parallel_loop3A_450 = tpu.vector_load %arg9[%parallel_loop3A_448, %parallel_loop3A_449] {strides = array<i32>} : memref<32x512xf32, #tpu.memory_space<vmem>>, vector<16xf32>,
        tpu.vector_store %arg9[%parallel_loop3A_448, %parallel_loop3A_449], %parallel_loop3A_276 {strides = array<i32>} : memref<32x512xf32, #tpu.memory_space<vmem>>, vector<16xf32>,
        %parallel_loop3A_451 = arith.constant 16 : i32
        %parallel_loop3A_452 = arith.muli %parallel_loop3A_194, %parallel_loop3A_451 : i32
        %parallel_loop3A_453 = arith.constant 26 : i32
        %parallel_loop3A_454 = arith.index_cast %parallel_loop3A_453 : i32 to index
        %parallel_loop3A_455 = arith.index_cast %parallel_loop3A_452 : i32 to index
        %parallel_loop3A_456 = tpu.vector_load %arg9[%parallel_loop3A_454, %parallel_loop3A_455] {strides = array<i32>} : memref<32x512xf32, #tpu.memory_space<vmem>>, vector<16xf32>,
        tpu.vector_store %arg9[%parallel_loop3A_454, %parallel_loop3A_455], %parallel_loop3A_279 {strides = array<i32>} : memref<32x512xf32, #tpu.memory_space<vmem>>, vector<16xf32>,
        %parallel_loop3A_457 = arith.constant 16 : i32
        %parallel_loop3A_458 = arith.muli %parallel_loop3A_194, %parallel_loop3A_457 : i32
        %parallel_loop3A_459 = arith.constant 27 : i32
        %parallel_loop3A_460 = arith.index_cast %parallel_loop3A_459 : i32 to index
        %parallel_loop3A_461 = arith.index_cast %parallel_loop3A_458 : i32 to index
        %parallel_loop3A_462 = tpu.vector_load %arg9[%parallel_loop3A_460, %parallel_loop3A_461] {strides = array<i32>} : memref<32x512xf32, #tpu.memory_space<vmem>>, vector<16xf32>,
        tpu.vector_store %arg9[%parallel_loop3A_460, %parallel_loop3A_461], %parallel_loop3A_282 {strides = array<i32>} : memref<32x512xf32, #tpu.memory_space<vmem>>, vector<16xf32>,
        %parallel_loop3A_463 = arith.constant 16 : i32
        %parallel_loop3A_464 = arith.muli %parallel_loop3A_194, %parallel_loop3A_463 : i32
        %parallel_loop3A_465 = arith.constant 28 : i32
        %parallel_loop3A_466 = arith.index_cast %parallel_loop3A_465 : i32 to index
        %parallel_loop3A_467 = arith.index_cast %parallel_loop3A_464 : i32 to index
        %parallel_loop3A_468 = tpu.vector_load %arg9[%parallel_loop3A_466, %parallel_loop3A_467] {strides = array<i32>} : memref<32x512xf32, #tpu.memory_space<vmem>>, vector<16xf32>,
        tpu.vector_store %arg9[%parallel_loop3A_466, %parallel_loop3A_467], %parallel_loop3A_285 {strides = array<i32>} : memref<32x512xf32, #tpu.memory_space<vmem>>, vector<16xf32>,
        %parallel_loop3A_469 = arith.constant 16 : i32
        %parallel_loop3A_470 = arith.muli %parallel_loop3A_194, %parallel_loop3A_469 : i32
        %parallel_loop3A_471 = arith.constant 29 : i32
        %parallel_loop3A_472 = arith.index_cast %parallel_loop3A_471 : i32 to index
        %parallel_loop3A_473 = arith.index_cast %parallel_loop3A_470 : i32 to index
        %parallel_loop3A_474 = tpu.vector_load %arg9[%parallel_loop3A_472, %parallel_loop3A_473] {strides = array<i32>} : memref<32x512xf32, #tpu.memory_space<vmem>>, vector<16xf32>,
        tpu.vector_store %arg9[%parallel_loop3A_472, %parallel_loop3A_473], %parallel_loop3A_288 {strides = array<i32>} : memref<32x512xf32, #tpu.memory_space<vmem>>, vector<16xf32>,
        %parallel_loop3A_475 = arith.constant 16 : i32
        %parallel_loop3A_476 = arith.muli %parallel_loop3A_194, %parallel_loop3A_475 : i32
        %parallel_loop3A_477 = arith.constant 30 : i32
        %parallel_loop3A_478 = arith.index_cast %parallel_loop3A_477 : i32 to index
        %parallel_loop3A_479 = arith.index_cast %parallel_loop3A_476 : i32 to index
        %parallel_loop3A_480 = tpu.vector_load %arg9[%parallel_loop3A_478, %parallel_loop3A_479] {strides = array<i32>} : memref<32x512xf32, #tpu.memory_space<vmem>>, vector<16xf32>,
        tpu.vector_store %arg9[%parallel_loop3A_478, %parallel_loop3A_479], %parallel_loop3A_291 {strides = array<i32>} : memref<32x512xf32, #tpu.memory_space<vmem>>, vector<16xf32>,
        %parallel_loop3A_481 = arith.constant 16 : i32
        %parallel_loop3A_482 = arith.muli %parallel_loop3A_194, %parallel_loop3A_481 : i32
        %parallel_loop3A_483 = arith.constant 31 : i32
        %parallel_loop3A_484 = arith.index_cast %parallel_loop3A_483 : i32 to index
        %parallel_loop3A_485 = arith.index_cast %parallel_loop3A_482 : i32 to index
        %parallel_loop3A_486 = tpu.vector_load %arg9[%parallel_loop3A_484, %parallel_loop3A_485] {strides = array<i32>} : memref<32x512xf32, #tpu.memory_space<vmem>>, vector<16xf32>,
        tpu.vector_store %arg9[%parallel_loop3A_484, %parallel_loop3A_485], %parallel_loop3A_294 {strides = array<i32>} : memref<32x512xf32, #tpu.memory_space<vmem>>, vector<16xf32>,
      } {sc.loop_unroll_factor = 2 : i64, sc.parallel_access}
      %dma_start3A_188 = arith.constant 0 : i32
      %dma_start3A_189 = tpu.memref_slice %arg4[%add3A_164, %dma_start3A_188, %mul3A_2] : memref<50x32x16384xf32, #tpu.memory_space<hbm>> -> memref<1x32x512xf32, #tpu.memory_space<hbm>>
      %dma_start3A_190 = tpu.memref_squeeze %dma_start3A_189 : memref<1x32x512xf32, #tpu.memory_space<hbm>> -> memref<32x512xf32, #tpu.memory_space<hbm>>
      %dma_start3A_191 = arith.constant 0 : i32
      %dma_start3A_192 = tpu.memref_slice %arg4[%add3A_164, %dma_start3A_191, %mul3A_2] : memref<50x32x16384xf32, #tpu.memory_space<hbm>> -> memref<1x32x512xf32, #tpu.memory_space<hbm>>
      %dma_start3A_193 = tpu.memref_squeeze %dma_start3A_192 : memref<1x32x512xf32, #tpu.memory_space<hbm>> -> memref<32x512xf32, #tpu.memory_space<hbm>>
      tpu.enqueue_dma source(%arg9 : memref<32x512xf32, #tpu.memory_space<vmem>>) target(%dma_start3A_193 : memref<32x512xf32, #tpu.memory_space<hbm>>) target_semaphore(%arg13 : memref<!tpu.dma_semaphore, #tpu.memory_space<semaphore_mem>>)
    }
    %scan3A_59 = arith.constant 23 : i32
    %dma_wait3A_60 = arith.constant 48 : i32
    %dma_wait3A_61 = arith.constant 0 : i32
    %dma_wait3A_62 = tpu.memref_slice %arg5[%dma_wait3A_60, %dma_wait3A_61] : memref<50x512xi32, #tpu.memory_space<vmem>> -> memref<1x512xi32, #tpu.memory_space<vmem>>
    %dma_wait3A_63 = tpu.memref_squeeze %dma_wait3A_62 : memref<1x512xi32, #tpu.memory_space<vmem>> -> memref<512xi32, #tpu.memory_space<vmem>>
    %dma_wait3A_64 = arith.constant 0 : i32
    %dma_wait3A_65 = arith.constant 0 : i32
    %dma_wait3A_66 = tpu.memref_slice %arg3[%dma_wait3A_64, %dma_wait3A_65] : memref<1000000x32xf32, #tpu.memory_space<hbm>> -> memref<1000000x32xf32, #tpu.memory_space<hbm>>
    tpu.wait_indirect_dma semaphore(%arg10 : memref<!tpu.dma_semaphore, #tpu.memory_space<semaphore_mem>>) src(%dma_wait3A_66 : memref<1000000x32xf32, #tpu.memory_space<hbm>>) dst(%arg6 : memref<512x32xf32, #tpu.memory_space<vmem>>)
    %dma_start3A_67 = arith.constant 49 : i32
    %dma_start3A_68 = arith.constant 0 : i32
    %dma_start3A_69 = tpu.memref_slice %arg5[%dma_start3A_67, %dma_start3A_68] : memref<50x512xi32, #tpu.memory_space<vmem>> -> memref<1x512xi32, #tpu.memory_space<vmem>>
    %dma_start3A_70 = tpu.memref_squeeze %dma_start3A_69 : memref<1x512xi32, #tpu.memory_space<vmem>> -> memref<512xi32, #tpu.memory_space<vmem>>
    %dma_start3A_71 = arith.constant 0 : i32
    %dma_start3A_72 = arith.constant 0 : i32
    %dma_start3A_73 = tpu.memref_slice %arg3[%dma_start3A_71, %dma_start3A_72] : memref<1000000x32xf32, #tpu.memory_space<hbm>> -> memref<1000000x32xf32, #tpu.memory_space<hbm>>
    tpu.enqueue_indirect_dma source(%dma_start3A_73 : memref<1000000x32xf32, #tpu.memory_space<hbm>>) target(%arg7 : memref<512x32xf32, #tpu.memory_space<vmem>>) offsets(%dma_start3A_70 : memref<512xi32, #tpu.memory_space<vmem>>) semaphore(%arg11 : memref<!tpu.dma_semaphore, #tpu.memory_space<semaphore_mem>>)
    %dma_wait3A_74 = arith.constant 48 : i32
    %dma_wait3A_75 = arith.constant 0 : i32
    %dma_wait3A_76 = tpu.memref_slice %arg4[%dma_wait3A_74, %dma_wait3A_75, %mul3A_2] : memref<50x32x16384xf32, #tpu.memory_space<hbm>> -> memref<1x32x512xf32, #tpu.memory_space<hbm>>
    %dma_wait3A_77 = tpu.memref_squeeze %dma_wait3A_76 : memref<1x32x512xf32, #tpu.memory_space<hbm>> -> memref<32x512xf32, #tpu.memory_space<hbm>>
    %dma_wait3A_78 = arith.constant 0 : i32
    %dma_wait3A_79 = tpu.memref_slice %arg4[%dma_wait3A_74, %dma_wait3A_78, %mul3A_2] : memref<50x32x16384xf32, #tpu.memory_space<hbm>> -> memref<1x32x512xf32, #tpu.memory_space<hbm>>
    %dma_wait3A_80 = tpu.memref_squeeze %dma_wait3A_79 : memref<1x32x512xf32, #tpu.memory_space<hbm>> -> memref<32x512xf32, #tpu.memory_space<hbm>>
    tpu.wait_dma2 semaphore(%arg12 : memref<!tpu.dma_semaphore, #tpu.memory_space<semaphore_mem>>) src(%arg8 : memref<32x512xf32, #tpu.memory_space<vmem>>) dst(%dma_wait3A_80 : memref<32x512xf32, #tpu.memory_space<hbm>>)
    %parallel_loop3A_81 = arith.constant 0 : i32
    %parallel_loop3A_82 = arith.constant 32 : i32
    %parallel_loop3A_83 = arith.constant 1 : i32
    scf.for %parallel_loop3A_129 = %parallel_loop3A_81 to %parallel_loop3A_82 step %parallel_loop3A_83  : i32 {
      %parallel_loop3A_130 = arith.constant 16 : i32
      %parallel_loop3A_131 = arith.muli %parallel_loop3A_129, %parallel_loop3A_130 : i32
      %parallel_loop3A_132 = vector.broadcast %parallel_loop3A_131 : i32 to vector<16xi32>
      %parallel_loop3A_133 = arith.addi %parallel_loop3A_132, %iota3A : vector<16xi32>
      %parallel_loop3A_134 = arith.constant 0 : i32
      %parallel_loop3A_135 = vector.broadcast %parallel_loop3A_134 : i32 to vector<16xi32>
      %parallel_loop3A_136 = tpu.vector_load_idx %arg6[%parallel_loop3A_133, %parallel_loop3A_135] : memref<512x32xf32, #tpu.memory_space<vmem>>[vector<16xi32>, vector<16xi32>], vector<16xf32>,
      %parallel_loop3A_137 = arith.constant 1 : i32
      %parallel_loop3A_138 = vector.broadcast %parallel_loop3A_137 : i32 to vector<16xi32>
      %parallel_loop3A_139 = tpu.vector_load_idx %arg6[%parallel_loop3A_133, %parallel_loop3A_138] : memref<512x32xf32, #tpu.memory_space<vmem>>[vector<16xi32>, vector<16xi32>], vector<16xf32>,
      %parallel_loop3A_140 = arith.constant 2 : i32
      %parallel_loop3A_141 = vector.broadcast %parallel_loop3A_140 : i32 to vector<16xi32>
      %parallel_loop3A_142 = tpu.vector_load_idx %arg6[%parallel_loop3A_133, %parallel_loop3A_141] : memref<512x32xf32, #tpu.memory_space<vmem>>[vector<16xi32>, vector<16xi32>], vector<16xf32>,
      %parallel_loop3A_143 = arith.constant 3 : i32
      %parallel_loop3A_144 = vector.broadcast %parallel_loop3A_143 : i32 to vector<16xi32>
      %parallel_loop3A_145 = tpu.vector_load_idx %arg6[%parallel_loop3A_133, %parallel_loop3A_144] : memref<512x32xf32, #tpu.memory_space<vmem>>[vector<16xi32>, vector<16xi32>], vector<16xf32>,
      %parallel_loop3A_146 = arith.constant 4 : i32
      %parallel_loop3A_147 = vector.broadcast %parallel_loop3A_146 : i32 to vector<16xi32>
      %parallel_loop3A_148 = tpu.vector_load_idx %arg6[%parallel_loop3A_133, %parallel_loop3A_147] : memref<512x32xf32, #tpu.memory_space<vmem>>[vector<16xi32>, vector<16xi32>], vector<16xf32>,
      %parallel_loop3A_149 = arith.constant 5 : i32
      %parallel_loop3A_150 = vector.broadcast %parallel_loop3A_149 : i32 to vector<16xi32>
      %parallel_loop3A_151 = tpu.vector_load_idx %arg6[%parallel_loop3A_133, %parallel_loop3A_150] : memref<512x32xf32, #tpu.memory_space<vmem>>[vector<16xi32>, vector<16xi32>], vector<16xf32>,
      %parallel_loop3A_152 = arith.constant 6 : i32
      %parallel_loop3A_153 = vector.broadcast %parallel_loop3A_152 : i32 to vector<16xi32>
      %parallel_loop3A_154 = tpu.vector_load_idx %arg6[%parallel_loop3A_133, %parallel_loop3A_153] : memref<512x32xf32, #tpu.memory_space<vmem>>[vector<16xi32>, vector<16xi32>], vector<16xf32>,
      %parallel_loop3A_155 = arith.constant 7 : i32
      %parallel_loop3A_156 = vector.broadcast %parallel_loop3A_155 : i32 to vector<16xi32>
      %parallel_loop3A_157 = tpu.vector_load_idx %arg6[%parallel_loop3A_133, %parallel_loop3A_156] : memref<512x32xf32, #tpu.memory_space<vmem>>[vector<16xi32>, vector<16xi32>], vector<16xf32>,
      %parallel_loop3A_158 = arith.constant 8 : i32
      %parallel_loop3A_159 = vector.broadcast %parallel_loop3A_158 : i32 to vector<16xi32>
      %parallel_loop3A_160 = tpu.vector_load_idx %arg6[%parallel_loop3A_133, %parallel_loop3A_159] : memref<512x32xf32, #tpu.memory_space<vmem>>[vector<16xi32>, vector<16xi32>], vector<16xf32>,
      %parallel_loop3A_161 = arith.constant 9 : i32
      %parallel_loop3A_162 = vector.broadcast %parallel_loop3A_161 : i32 to vector<16xi32>
      %parallel_loop3A_163 = tpu.vector_load_idx %arg6[%parallel_loop3A_133, %parallel_loop3A_162] : memref<512x32xf32, #tpu.memory_space<vmem>>[vector<16xi32>, vector<16xi32>], vector<16xf32>,
      %parallel_loop3A_164 = arith.constant 10 : i32
      %parallel_loop3A_165 = vector.broadcast %parallel_loop3A_164 : i32 to vector<16xi32>
      %parallel_loop3A_166 = tpu.vector_load_idx %arg6[%parallel_loop3A_133, %parallel_loop3A_165] : memref<512x32xf32, #tpu.memory_space<vmem>>[vector<16xi32>, vector<16xi32>], vector<16xf32>,
      %parallel_loop3A_167 = arith.constant 11 : i32
      %parallel_loop3A_168 = vector.broadcast %parallel_loop3A_167 : i32 to vector<16xi32>
      %parallel_loop3A_169 = tpu.vector_load_idx %arg6[%parallel_loop3A_133, %parallel_loop3A_168] : memref<512x32xf32, #tpu.memory_space<vmem>>[vector<16xi32>, vector<16xi32>], vector<16xf32>,
      %parallel_loop3A_170 = arith.constant 12 : i32
      %parallel_loop3A_171 = vector.broadcast %parallel_loop3A_170 : i32 to vector<16xi32>
      %parallel_loop3A_172 = tpu.vector_load_idx %arg6[%parallel_loop3A_133, %parallel_loop3A_171] : memref<512x32xf32, #tpu.memory_space<vmem>>[vector<16xi32>, vector<16xi32>], vector<16xf32>,
      %parallel_loop3A_173 = arith.constant 13 : i32
      %parallel_loop3A_174 = vector.broadcast %parallel_loop3A_173 : i32 to vector<16xi32>
      %parallel_loop3A_175 = tpu.vector_load_idx %arg6[%parallel_loop3A_133, %parallel_loop3A_174] : memref<512x32xf32, #tpu.memory_space<vmem>>[vector<16xi32>, vector<16xi32>], vector<16xf32>,
      %parallel_loop3A_176 = arith.constant 14 : i32
      %parallel_loop3A_177 = vector.broadcast %parallel_loop3A_176 : i32 to vector<16xi32>
      %parallel_loop3A_178 = tpu.vector_load_idx %arg6[%parallel_loop3A_133, %parallel_loop3A_177] : memref<512x32xf32, #tpu.memory_space<vmem>>[vector<16xi32>, vector<16xi32>], vector<16xf32>,
      %parallel_loop3A_179 = arith.constant 15 : i32
      %parallel_loop3A_180 = vector.broadcast %parallel_loop3A_179 : i32 to vector<16xi32>
      %parallel_loop3A_181 = tpu.vector_load_idx %arg6[%parallel_loop3A_133, %parallel_loop3A_180] : memref<512x32xf32, #tpu.memory_space<vmem>>[vector<16xi32>, vector<16xi32>], vector<16xf32>,
      %parallel_loop3A_182 = arith.constant 16 : i32
      %parallel_loop3A_183 = vector.broadcast %parallel_loop3A_182 : i32 to vector<16xi32>
      %parallel_loop3A_184 = tpu.vector_load_idx %arg6[%parallel_loop3A_133, %parallel_loop3A_183] : memref<512x32xf32, #tpu.memory_space<vmem>>[vector<16xi32>, vector<16xi32>], vector<16xf32>,
      %parallel_loop3A_185 = arith.constant 17 : i32
      %parallel_loop3A_186 = vector.broadcast %parallel_loop3A_185 : i32 to vector<16xi32>
      %parallel_loop3A_187 = tpu.vector_load_idx %arg6[%parallel_loop3A_133, %parallel_loop3A_186] : memref<512x32xf32, #tpu.memory_space<vmem>>[vector<16xi32>, vector<16xi32>], vector<16xf32>,
      %parallel_loop3A_188 = arith.constant 18 : i32
      %parallel_loop3A_189 = vector.broadcast %parallel_loop3A_188 : i32 to vector<16xi32>
      %parallel_loop3A_190 = tpu.vector_load_idx %arg6[%parallel_loop3A_133, %parallel_loop3A_189] : memref<512x32xf32, #tpu.memory_space<vmem>>[vector<16xi32>, vector<16xi32>], vector<16xf32>,
      %parallel_loop3A_191 = arith.constant 19 : i32
      %parallel_loop3A_192 = vector.broadcast %parallel_loop3A_191 : i32 to vector<16xi32>
      %parallel_loop3A_193 = tpu.vector_load_idx %arg6[%parallel_loop3A_133, %parallel_loop3A_192] : memref<512x32xf32, #tpu.memory_space<vmem>>[vector<16xi32>, vector<16xi32>], vector<16xf32>,
      %parallel_loop3A_194 = arith.constant 20 : i32
      %parallel_loop3A_195 = vector.broadcast %parallel_loop3A_194 : i32 to vector<16xi32>
      %parallel_loop3A_196 = tpu.vector_load_idx %arg6[%parallel_loop3A_133, %parallel_loop3A_195] : memref<512x32xf32, #tpu.memory_space<vmem>>[vector<16xi32>, vector<16xi32>], vector<16xf32>,
      %parallel_loop3A_197 = arith.constant 21 : i32
      %parallel_loop3A_198 = vector.broadcast %parallel_loop3A_197 : i32 to vector<16xi32>
      %parallel_loop3A_199 = tpu.vector_load_idx %arg6[%parallel_loop3A_133, %parallel_loop3A_198] : memref<512x32xf32, #tpu.memory_space<vmem>>[vector<16xi32>, vector<16xi32>], vector<16xf32>,
      %parallel_loop3A_200 = arith.constant 22 : i32
      %parallel_loop3A_201 = vector.broadcast %parallel_loop3A_200 : i32 to vector<16xi32>
      %parallel_loop3A_202 = tpu.vector_load_idx %arg6[%parallel_loop3A_133, %parallel_loop3A_201] : memref<512x32xf32, #tpu.memory_space<vmem>>[vector<16xi32>, vector<16xi32>], vector<16xf32>,
      %parallel_loop3A_203 = arith.constant 23 : i32
      %parallel_loop3A_204 = vector.broadcast %parallel_loop3A_203 : i32 to vector<16xi32>
      %parallel_loop3A_205 = tpu.vector_load_idx %arg6[%parallel_loop3A_133, %parallel_loop3A_204] : memref<512x32xf32, #tpu.memory_space<vmem>>[vector<16xi32>, vector<16xi32>], vector<16xf32>,
      %parallel_loop3A_206 = arith.constant 24 : i32
      %parallel_loop3A_207 = vector.broadcast %parallel_loop3A_206 : i32 to vector<16xi32>
      %parallel_loop3A_208 = tpu.vector_load_idx %arg6[%parallel_loop3A_133, %parallel_loop3A_207] : memref<512x32xf32, #tpu.memory_space<vmem>>[vector<16xi32>, vector<16xi32>], vector<16xf32>,
      %parallel_loop3A_209 = arith.constant 25 : i32
      %parallel_loop3A_210 = vector.broadcast %parallel_loop3A_209 : i32 to vector<16xi32>
      %parallel_loop3A_211 = tpu.vector_load_idx %arg6[%parallel_loop3A_133, %parallel_loop3A_210] : memref<512x32xf32, #tpu.memory_space<vmem>>[vector<16xi32>, vector<16xi32>], vector<16xf32>,
      %parallel_loop3A_212 = arith.constant 26 : i32
      %parallel_loop3A_213 = vector.broadcast %parallel_loop3A_212 : i32 to vector<16xi32>
      %parallel_loop3A_214 = tpu.vector_load_idx %arg6[%parallel_loop3A_133, %parallel_loop3A_213] : memref<512x32xf32, #tpu.memory_space<vmem>>[vector<16xi32>, vector<16xi32>], vector<16xf32>,
      %parallel_loop3A_215 = arith.constant 27 : i32
      %parallel_loop3A_216 = vector.broadcast %parallel_loop3A_215 : i32 to vector<16xi32>
      %parallel_loop3A_217 = tpu.vector_load_idx %arg6[%parallel_loop3A_133, %parallel_loop3A_216] : memref<512x32xf32, #tpu.memory_space<vmem>>[vector<16xi32>, vector<16xi32>], vector<16xf32>,
      %parallel_loop3A_218 = arith.constant 28 : i32
      %parallel_loop3A_219 = vector.broadcast %parallel_loop3A_218 : i32 to vector<16xi32>
      %parallel_loop3A_220 = tpu.vector_load_idx %arg6[%parallel_loop3A_133, %parallel_loop3A_219] : memref<512x32xf32, #tpu.memory_space<vmem>>[vector<16xi32>, vector<16xi32>], vector<16xf32>,
      %parallel_loop3A_221 = arith.constant 29 : i32
      %parallel_loop3A_222 = vector.broadcast %parallel_loop3A_221 : i32 to vector<16xi32>
      %parallel_loop3A_223 = tpu.vector_load_idx %arg6[%parallel_loop3A_133, %parallel_loop3A_222] : memref<512x32xf32, #tpu.memory_space<vmem>>[vector<16xi32>, vector<16xi32>], vector<16xf32>,
      %parallel_loop3A_224 = arith.constant 30 : i32
      %parallel_loop3A_225 = vector.broadcast %parallel_loop3A_224 : i32 to vector<16xi32>
      %parallel_loop3A_226 = tpu.vector_load_idx %arg6[%parallel_loop3A_133, %parallel_loop3A_225] : memref<512x32xf32, #tpu.memory_space<vmem>>[vector<16xi32>, vector<16xi32>], vector<16xf32>,
      %parallel_loop3A_227 = arith.constant 31 : i32
      %parallel_loop3A_228 = vector.broadcast %parallel_loop3A_227 : i32 to vector<16xi32>
      %parallel_loop3A_229 = tpu.vector_load_idx %arg6[%parallel_loop3A_133, %parallel_loop3A_228] : memref<512x32xf32, #tpu.memory_space<vmem>>[vector<16xi32>, vector<16xi32>], vector<16xf32>,
      %parallel_loop3A_230 = arith.constant 16 : i32
      %parallel_loop3A_231 = arith.muli %parallel_loop3A_129, %parallel_loop3A_230 : i32
      %parallel_loop3A_232 = arith.constant 0 : i32
      %parallel_loop3A_233 = arith.index_cast %parallel_loop3A_232 : i32 to index
      %parallel_loop3A_234 = arith.index_cast %parallel_loop3A_231 : i32 to index
      %parallel_loop3A_235 = tpu.vector_load %arg8[%parallel_loop3A_233, %parallel_loop3A_234] {strides = array<i32>} : memref<32x512xf32, #tpu.memory_space<vmem>>, vector<16xf32>,
      tpu.vector_store %arg8[%parallel_loop3A_233, %parallel_loop3A_234], %parallel_loop3A_136 {strides = array<i32>} : memref<32x512xf32, #tpu.memory_space<vmem>>, vector<16xf32>,
      %parallel_loop3A_236 = arith.constant 16 : i32
      %parallel_loop3A_237 = arith.muli %parallel_loop3A_129, %parallel_loop3A_236 : i32
      %parallel_loop3A_238 = arith.constant 1 : i32
      %parallel_loop3A_239 = arith.index_cast %parallel_loop3A_238 : i32 to index
      %parallel_loop3A_240 = arith.index_cast %parallel_loop3A_237 : i32 to index
      %parallel_loop3A_241 = tpu.vector_load %arg8[%parallel_loop3A_239, %parallel_loop3A_240] {strides = array<i32>} : memref<32x512xf32, #tpu.memory_space<vmem>>, vector<16xf32>,
      tpu.vector_store %arg8[%parallel_loop3A_239, %parallel_loop3A_240], %parallel_loop3A_139 {strides = array<i32>} : memref<32x512xf32, #tpu.memory_space<vmem>>, vector<16xf32>,
      %parallel_loop3A_242 = arith.constant 16 : i32
      %parallel_loop3A_243 = arith.muli %parallel_loop3A_129, %parallel_loop3A_242 : i32
      %parallel_loop3A_244 = arith.constant 2 : i32
      %parallel_loop3A_245 = arith.index_cast %parallel_loop3A_244 : i32 to index
      %parallel_loop3A_246 = arith.index_cast %parallel_loop3A_243 : i32 to index
      %parallel_loop3A_247 = tpu.vector_load %arg8[%parallel_loop3A_245, %parallel_loop3A_246] {strides = array<i32>} : memref<32x512xf32, #tpu.memory_space<vmem>>, vector<16xf32>,
      tpu.vector_store %arg8[%parallel_loop3A_245, %parallel_loop3A_246], %parallel_loop3A_142 {strides = array<i32>} : memref<32x512xf32, #tpu.memory_space<vmem>>, vector<16xf32>,
      %parallel_loop3A_248 = arith.constant 16 : i32
      %parallel_loop3A_249 = arith.muli %parallel_loop3A_129, %parallel_loop3A_248 : i32
      %parallel_loop3A_250 = arith.constant 3 : i32
      %parallel_loop3A_251 = arith.index_cast %parallel_loop3A_250 : i32 to index
      %parallel_loop3A_252 = arith.index_cast %parallel_loop3A_249 : i32 to index
      %parallel_loop3A_253 = tpu.vector_load %arg8[%parallel_loop3A_251, %parallel_loop3A_252] {strides = array<i32>} : memref<32x512xf32, #tpu.memory_space<vmem>>, vector<16xf32>,
      tpu.vector_store %arg8[%parallel_loop3A_251, %parallel_loop3A_252], %parallel_loop3A_145 {strides = array<i32>} : memref<32x512xf32, #tpu.memory_space<vmem>>, vector<16xf32>,
      %parallel_loop3A_254 = arith.constant 16 : i32
      %parallel_loop3A_255 = arith.muli %parallel_loop3A_129, %parallel_loop3A_254 : i32
      %parallel_loop3A_256 = arith.constant 4 : i32
      %parallel_loop3A_257 = arith.index_cast %parallel_loop3A_256 : i32 to index
      %parallel_loop3A_258 = arith.index_cast %parallel_loop3A_255 : i32 to index
      %parallel_loop3A_259 = tpu.vector_load %arg8[%parallel_loop3A_257, %parallel_loop3A_258] {strides = array<i32>} : memref<32x512xf32, #tpu.memory_space<vmem>>, vector<16xf32>,
      tpu.vector_store %arg8[%parallel_loop3A_257, %parallel_loop3A_258], %parallel_loop3A_148 {strides = array<i32>} : memref<32x512xf32, #tpu.memory_space<vmem>>, vector<16xf32>,
      %parallel_loop3A_260 = arith.constant 16 : i32
      %parallel_loop3A_261 = arith.muli %parallel_loop3A_129, %parallel_loop3A_260 : i32
      %parallel_loop3A_262 = arith.constant 5 : i32
      %parallel_loop3A_263 = arith.index_cast %parallel_loop3A_262 : i32 to index
      %parallel_loop3A_264 = arith.index_cast %parallel_loop3A_261 : i32 to index
      %parallel_loop3A_265 = tpu.vector_load %arg8[%parallel_loop3A_263, %parallel_loop3A_264] {strides = array<i32>} : memref<32x512xf32, #tpu.memory_space<vmem>>, vector<16xf32>,
      tpu.vector_store %arg8[%parallel_loop3A_263, %parallel_loop3A_264], %parallel_loop3A_151 {strides = array<i32>} : memref<32x512xf32, #tpu.memory_space<vmem>>, vector<16xf32>,
      %parallel_loop3A_266 = arith.constant 16 : i32
      %parallel_loop3A_267 = arith.muli %parallel_loop3A_129, %parallel_loop3A_266 : i32
      %parallel_loop3A_268 = arith.constant 6 : i32
      %parallel_loop3A_269 = arith.index_cast %parallel_loop3A_268 : i32 to index
      %parallel_loop3A_270 = arith.index_cast %parallel_loop3A_267 : i32 to index
      %parallel_loop3A_271 = tpu.vector_load %arg8[%parallel_loop3A_269, %parallel_loop3A_270] {strides = array<i32>} : memref<32x512xf32, #tpu.memory_space<vmem>>, vector<16xf32>,
      tpu.vector_store %arg8[%parallel_loop3A_269, %parallel_loop3A_270], %parallel_loop3A_154 {strides = array<i32>} : memref<32x512xf32, #tpu.memory_space<vmem>>, vector<16xf32>,
      %parallel_loop3A_272 = arith.constant 16 : i32
      %parallel_loop3A_273 = arith.muli %parallel_loop3A_129, %parallel_loop3A_272 : i32
      %parallel_loop3A_274 = arith.constant 7 : i32
      %parallel_loop3A_275 = arith.index_cast %parallel_loop3A_274 : i32 to index
      %parallel_loop3A_276 = arith.index_cast %parallel_loop3A_273 : i32 to index
      %parallel_loop3A_277 = tpu.vector_load %arg8[%parallel_loop3A_275, %parallel_loop3A_276] {strides = array<i32>} : memref<32x512xf32, #tpu.memory_space<vmem>>, vector<16xf32>,
      tpu.vector_store %arg8[%parallel_loop3A_275, %parallel_loop3A_276], %parallel_loop3A_157 {strides = array<i32>} : memref<32x512xf32, #tpu.memory_space<vmem>>, vector<16xf32>,
      %parallel_loop3A_278 = arith.constant 16 : i32
      %parallel_loop3A_279 = arith.muli %parallel_loop3A_129, %parallel_loop3A_278 : i32
      %parallel_loop3A_280 = arith.constant 8 : i32
      %parallel_loop3A_281 = arith.index_cast %parallel_loop3A_280 : i32 to index
      %parallel_loop3A_282 = arith.index_cast %parallel_loop3A_279 : i32 to index
      %parallel_loop3A_283 = tpu.vector_load %arg8[%parallel_loop3A_281, %parallel_loop3A_282] {strides = array<i32>} : memref<32x512xf32, #tpu.memory_space<vmem>>, vector<16xf32>,
      tpu.vector_store %arg8[%parallel_loop3A_281, %parallel_loop3A_282], %parallel_loop3A_160 {strides = array<i32>} : memref<32x512xf32, #tpu.memory_space<vmem>>, vector<16xf32>,
      %parallel_loop3A_284 = arith.constant 16 : i32
      %parallel_loop3A_285 = arith.muli %parallel_loop3A_129, %parallel_loop3A_284 : i32
      %parallel_loop3A_286 = arith.constant 9 : i32
      %parallel_loop3A_287 = arith.index_cast %parallel_loop3A_286 : i32 to index
      %parallel_loop3A_288 = arith.index_cast %parallel_loop3A_285 : i32 to index
      %parallel_loop3A_289 = tpu.vector_load %arg8[%parallel_loop3A_287, %parallel_loop3A_288] {strides = array<i32>} : memref<32x512xf32, #tpu.memory_space<vmem>>, vector<16xf32>,
      tpu.vector_store %arg8[%parallel_loop3A_287, %parallel_loop3A_288], %parallel_loop3A_163 {strides = array<i32>} : memref<32x512xf32, #tpu.memory_space<vmem>>, vector<16xf32>,
      %parallel_loop3A_290 = arith.constant 16 : i32
      %parallel_loop3A_291 = arith.muli %parallel_loop3A_129, %parallel_loop3A_290 : i32
      %parallel_loop3A_292 = arith.constant 10 : i32
      %parallel_loop3A_293 = arith.index_cast %parallel_loop3A_292 : i32 to index
      %parallel_loop3A_294 = arith.index_cast %parallel_loop3A_291 : i32 to index
      %parallel_loop3A_295 = tpu.vector_load %arg8[%parallel_loop3A_293, %parallel_loop3A_294] {strides = array<i32>} : memref<32x512xf32, #tpu.memory_space<vmem>>, vector<16xf32>,
      tpu.vector_store %arg8[%parallel_loop3A_293, %parallel_loop3A_294], %parallel_loop3A_166 {strides = array<i32>} : memref<32x512xf32, #tpu.memory_space<vmem>>, vector<16xf32>,
      %parallel_loop3A_296 = arith.constant 16 : i32
      %parallel_loop3A_297 = arith.muli %parallel_loop3A_129, %parallel_loop3A_296 : i32
      %parallel_loop3A_298 = arith.constant 11 : i32
      %parallel_loop3A_299 = arith.index_cast %parallel_loop3A_298 : i32 to index
      %parallel_loop3A_300 = arith.index_cast %parallel_loop3A_297 : i32 to index
      %parallel_loop3A_301 = tpu.vector_load %arg8[%parallel_loop3A_299, %parallel_loop3A_300] {strides = array<i32>} : memref<32x512xf32, #tpu.memory_space<vmem>>, vector<16xf32>,
      tpu.vector_store %arg8[%parallel_loop3A_299, %parallel_loop3A_300], %parallel_loop3A_169 {strides = array<i32>} : memref<32x512xf32, #tpu.memory_space<vmem>>, vector<16xf32>,
      %parallel_loop3A_302 = arith.constant 16 : i32
      %parallel_loop3A_303 = arith.muli %parallel_loop3A_129, %parallel_loop3A_302 : i32
      %parallel_loop3A_304 = arith.constant 12 : i32
      %parallel_loop3A_305 = arith.index_cast %parallel_loop3A_304 : i32 to index
      %parallel_loop3A_306 = arith.index_cast %parallel_loop3A_303 : i32 to index
      %parallel_loop3A_307 = tpu.vector_load %arg8[%parallel_loop3A_305, %parallel_loop3A_306] {strides = array<i32>} : memref<32x512xf32, #tpu.memory_space<vmem>>, vector<16xf32>,
      tpu.vector_store %arg8[%parallel_loop3A_305, %parallel_loop3A_306], %parallel_loop3A_172 {strides = array<i32>} : memref<32x512xf32, #tpu.memory_space<vmem>>, vector<16xf32>,
      %parallel_loop3A_308 = arith.constant 16 : i32
      %parallel_loop3A_309 = arith.muli %parallel_loop3A_129, %parallel_loop3A_308 : i32
      %parallel_loop3A_310 = arith.constant 13 : i32
      %parallel_loop3A_311 = arith.index_cast %parallel_loop3A_310 : i32 to index
      %parallel_loop3A_312 = arith.index_cast %parallel_loop3A_309 : i32 to index
      %parallel_loop3A_313 = tpu.vector_load %arg8[%parallel_loop3A_311, %parallel_loop3A_312] {strides = array<i32>} : memref<32x512xf32, #tpu.memory_space<vmem>>, vector<16xf32>,
      tpu.vector_store %arg8[%parallel_loop3A_311, %parallel_loop3A_312], %parallel_loop3A_175 {strides = array<i32>} : memref<32x512xf32, #tpu.memory_space<vmem>>, vector<16xf32>,
      %parallel_loop3A_314 = arith.constant 16 : i32
      %parallel_loop3A_315 = arith.muli %parallel_loop3A_129, %parallel_loop3A_314 : i32
      %parallel_loop3A_316 = arith.constant 14 : i32
      %parallel_loop3A_317 = arith.index_cast %parallel_loop3A_316 : i32 to index
      %parallel_loop3A_318 = arith.index_cast %parallel_loop3A_315 : i32 to index
      %parallel_loop3A_319 = tpu.vector_load %arg8[%parallel_loop3A_317, %parallel_loop3A_318] {strides = array<i32>} : memref<32x512xf32, #tpu.memory_space<vmem>>, vector<16xf32>,
      tpu.vector_store %arg8[%parallel_loop3A_317, %parallel_loop3A_318], %parallel_loop3A_178 {strides = array<i32>} : memref<32x512xf32, #tpu.memory_space<vmem>>, vector<16xf32>,
      %parallel_loop3A_320 = arith.constant 16 : i32
      %parallel_loop3A_321 = arith.muli %parallel_loop3A_129, %parallel_loop3A_320 : i32
      %parallel_loop3A_322 = arith.constant 15 : i32
      %parallel_loop3A_323 = arith.index_cast %parallel_loop3A_322 : i32 to index
      %parallel_loop3A_324 = arith.index_cast %parallel_loop3A_321 : i32 to index
      %parallel_loop3A_325 = tpu.vector_load %arg8[%parallel_loop3A_323, %parallel_loop3A_324] {strides = array<i32>} : memref<32x512xf32, #tpu.memory_space<vmem>>, vector<16xf32>,
      tpu.vector_store %arg8[%parallel_loop3A_323, %parallel_loop3A_324], %parallel_loop3A_181 {strides = array<i32>} : memref<32x512xf32, #tpu.memory_space<vmem>>, vector<16xf32>,
      %parallel_loop3A_326 = arith.constant 16 : i32
      %parallel_loop3A_327 = arith.muli %parallel_loop3A_129, %parallel_loop3A_326 : i32
      %parallel_loop3A_328 = arith.constant 16 : i32
      %parallel_loop3A_329 = arith.index_cast %parallel_loop3A_328 : i32 to index
      %parallel_loop3A_330 = arith.index_cast %parallel_loop3A_327 : i32 to index
      %parallel_loop3A_331 = tpu.vector_load %arg8[%parallel_loop3A_329, %parallel_loop3A_330] {strides = array<i32>} : memref<32x512xf32, #tpu.memory_space<vmem>>, vector<16xf32>,
      tpu.vector_store %arg8[%parallel_loop3A_329, %parallel_loop3A_330], %parallel_loop3A_184 {strides = array<i32>} : memref<32x512xf32, #tpu.memory_space<vmem>>, vector<16xf32>,
      %parallel_loop3A_332 = arith.constant 16 : i32
      %parallel_loop3A_333 = arith.muli %parallel_loop3A_129, %parallel_loop3A_332 : i32
      %parallel_loop3A_334 = arith.constant 17 : i32
      %parallel_loop3A_335 = arith.index_cast %parallel_loop3A_334 : i32 to index
      %parallel_loop3A_336 = arith.index_cast %parallel_loop3A_333 : i32 to index
      %parallel_loop3A_337 = tpu.vector_load %arg8[%parallel_loop3A_335, %parallel_loop3A_336] {strides = array<i32>} : memref<32x512xf32, #tpu.memory_space<vmem>>, vector<16xf32>,
      tpu.vector_store %arg8[%parallel_loop3A_335, %parallel_loop3A_336], %parallel_loop3A_187 {strides = array<i32>} : memref<32x512xf32, #tpu.memory_space<vmem>>, vector<16xf32>,
      %parallel_loop3A_338 = arith.constant 16 : i32
      %parallel_loop3A_339 = arith.muli %parallel_loop3A_129, %parallel_loop3A_338 : i32
      %parallel_loop3A_340 = arith.constant 18 : i32
      %parallel_loop3A_341 = arith.index_cast %parallel_loop3A_340 : i32 to index
      %parallel_loop3A_342 = arith.index_cast %parallel_loop3A_339 : i32 to index
      %parallel_loop3A_343 = tpu.vector_load %arg8[%parallel_loop3A_341, %parallel_loop3A_342] {strides = array<i32>} : memref<32x512xf32, #tpu.memory_space<vmem>>, vector<16xf32>,
      tpu.vector_store %arg8[%parallel_loop3A_341, %parallel_loop3A_342], %parallel_loop3A_190 {strides = array<i32>} : memref<32x512xf32, #tpu.memory_space<vmem>>, vector<16xf32>,
      %parallel_loop3A_344 = arith.constant 16 : i32
      %parallel_loop3A_345 = arith.muli %parallel_loop3A_129, %parallel_loop3A_344 : i32
      %parallel_loop3A_346 = arith.constant 19 : i32
      %parallel_loop3A_347 = arith.index_cast %parallel_loop3A_346 : i32 to index
      %parallel_loop3A_348 = arith.index_cast %parallel_loop3A_345 : i32 to index
      %parallel_loop3A_349 = tpu.vector_load %arg8[%parallel_loop3A_347, %parallel_loop3A_348] {strides = array<i32>} : memref<32x512xf32, #tpu.memory_space<vmem>>, vector<16xf32>,
      tpu.vector_store %arg8[%parallel_loop3A_347, %parallel_loop3A_348], %parallel_loop3A_193 {strides = array<i32>} : memref<32x512xf32, #tpu.memory_space<vmem>>, vector<16xf32>,
      %parallel_loop3A_350 = arith.constant 16 : i32
      %parallel_loop3A_351 = arith.muli %parallel_loop3A_129, %parallel_loop3A_350 : i32
      %parallel_loop3A_352 = arith.constant 20 : i32
      %parallel_loop3A_353 = arith.index_cast %parallel_loop3A_352 : i32 to index
      %parallel_loop3A_354 = arith.index_cast %parallel_loop3A_351 : i32 to index
      %parallel_loop3A_355 = tpu.vector_load %arg8[%parallel_loop3A_353, %parallel_loop3A_354] {strides = array<i32>} : memref<32x512xf32, #tpu.memory_space<vmem>>, vector<16xf32>,
      tpu.vector_store %arg8[%parallel_loop3A_353, %parallel_loop3A_354], %parallel_loop3A_196 {strides = array<i32>} : memref<32x512xf32, #tpu.memory_space<vmem>>, vector<16xf32>,
      %parallel_loop3A_356 = arith.constant 16 : i32
      %parallel_loop3A_357 = arith.muli %parallel_loop3A_129, %parallel_loop3A_356 : i32
      %parallel_loop3A_358 = arith.constant 21 : i32
      %parallel_loop3A_359 = arith.index_cast %parallel_loop3A_358 : i32 to index
      %parallel_loop3A_360 = arith.index_cast %parallel_loop3A_357 : i32 to index
      %parallel_loop3A_361 = tpu.vector_load %arg8[%parallel_loop3A_359, %parallel_loop3A_360] {strides = array<i32>} : memref<32x512xf32, #tpu.memory_space<vmem>>, vector<16xf32>,
      tpu.vector_store %arg8[%parallel_loop3A_359, %parallel_loop3A_360], %parallel_loop3A_199 {strides = array<i32>} : memref<32x512xf32, #tpu.memory_space<vmem>>, vector<16xf32>,
      %parallel_loop3A_362 = arith.constant 16 : i32
      %parallel_loop3A_363 = arith.muli %parallel_loop3A_129, %parallel_loop3A_362 : i32
      %parallel_loop3A_364 = arith.constant 22 : i32
      %parallel_loop3A_365 = arith.index_cast %parallel_loop3A_364 : i32 to index
      %parallel_loop3A_366 = arith.index_cast %parallel_loop3A_363 : i32 to index
      %parallel_loop3A_367 = tpu.vector_load %arg8[%parallel_loop3A_365, %parallel_loop3A_366] {strides = array<i32>} : memref<32x512xf32, #tpu.memory_space<vmem>>, vector<16xf32>,
      tpu.vector_store %arg8[%parallel_loop3A_365, %parallel_loop3A_366], %parallel_loop3A_202 {strides = array<i32>} : memref<32x512xf32, #tpu.memory_space<vmem>>, vector<16xf32>,
      %parallel_loop3A_368 = arith.constant 16 : i32
      %parallel_loop3A_369 = arith.muli %parallel_loop3A_129, %parallel_loop3A_368 : i32
      %parallel_loop3A_370 = arith.constant 23 : i32
      %parallel_loop3A_371 = arith.index_cast %parallel_loop3A_370 : i32 to index
      %parallel_loop3A_372 = arith.index_cast %parallel_loop3A_369 : i32 to index
      %parallel_loop3A_373 = tpu.vector_load %arg8[%parallel_loop3A_371, %parallel_loop3A_372] {strides = array<i32>} : memref<32x512xf32, #tpu.memory_space<vmem>>, vector<16xf32>,
      tpu.vector_store %arg8[%parallel_loop3A_371, %parallel_loop3A_372], %parallel_loop3A_205 {strides = array<i32>} : memref<32x512xf32, #tpu.memory_space<vmem>>, vector<16xf32>,
      %parallel_loop3A_374 = arith.constant 16 : i32
      %parallel_loop3A_375 = arith.muli %parallel_loop3A_129, %parallel_loop3A_374 : i32
      %parallel_loop3A_376 = arith.constant 24 : i32
      %parallel_loop3A_377 = arith.index_cast %parallel_loop3A_376 : i32 to index
      %parallel_loop3A_378 = arith.index_cast %parallel_loop3A_375 : i32 to index
      %parallel_loop3A_379 = tpu.vector_load %arg8[%parallel_loop3A_377, %parallel_loop3A_378] {strides = array<i32>} : memref<32x512xf32, #tpu.memory_space<vmem>>, vector<16xf32>,
      tpu.vector_store %arg8[%parallel_loop3A_377, %parallel_loop3A_378], %parallel_loop3A_208 {strides = array<i32>} : memref<32x512xf32, #tpu.memory_space<vmem>>, vector<16xf32>,
      %parallel_loop3A_380 = arith.constant 16 : i32
      %parallel_loop3A_381 = arith.muli %parallel_loop3A_129, %parallel_loop3A_380 : i32
      %parallel_loop3A_382 = arith.constant 25 : i32
      %parallel_loop3A_383 = arith.index_cast %parallel_loop3A_382 : i32 to index
      %parallel_loop3A_384 = arith.index_cast %parallel_loop3A_381 : i32 to index
      %parallel_loop3A_385 = tpu.vector_load %arg8[%parallel_loop3A_383, %parallel_loop3A_384] {strides = array<i32>} : memref<32x512xf32, #tpu.memory_space<vmem>>, vector<16xf32>,
      tpu.vector_store %arg8[%parallel_loop3A_383, %parallel_loop3A_384], %parallel_loop3A_211 {strides = array<i32>} : memref<32x512xf32, #tpu.memory_space<vmem>>, vector<16xf32>,
      %parallel_loop3A_386 = arith.constant 16 : i32
      %parallel_loop3A_387 = arith.muli %parallel_loop3A_129, %parallel_loop3A_386 : i32
      %parallel_loop3A_388 = arith.constant 26 : i32
      %parallel_loop3A_389 = arith.index_cast %parallel_loop3A_388 : i32 to index
      %parallel_loop3A_390 = arith.index_cast %parallel_loop3A_387 : i32 to index
      %parallel_loop3A_391 = tpu.vector_load %arg8[%parallel_loop3A_389, %parallel_loop3A_390] {strides = array<i32>} : memref<32x512xf32, #tpu.memory_space<vmem>>, vector<16xf32>,
      tpu.vector_store %arg8[%parallel_loop3A_389, %parallel_loop3A_390], %parallel_loop3A_214 {strides = array<i32>} : memref<32x512xf32, #tpu.memory_space<vmem>>, vector<16xf32>,
      %parallel_loop3A_392 = arith.constant 16 : i32
      %parallel_loop3A_393 = arith.muli %parallel_loop3A_129, %parallel_loop3A_392 : i32
      %parallel_loop3A_394 = arith.constant 27 : i32
      %parallel_loop3A_395 = arith.index_cast %parallel_loop3A_394 : i32 to index
      %parallel_loop3A_396 = arith.index_cast %parallel_loop3A_393 : i32 to index
      %parallel_loop3A_397 = tpu.vector_load %arg8[%parallel_loop3A_395, %parallel_loop3A_396] {strides = array<i32>} : memref<32x512xf32, #tpu.memory_space<vmem>>, vector<16xf32>,
      tpu.vector_store %arg8[%parallel_loop3A_395, %parallel_loop3A_396], %parallel_loop3A_217 {strides = array<i32>} : memref<32x512xf32, #tpu.memory_space<vmem>>, vector<16xf32>,
      %parallel_loop3A_398 = arith.constant 16 : i32
      %parallel_loop3A_399 = arith.muli %parallel_loop3A_129, %parallel_loop3A_398 : i32
      %parallel_loop3A_400 = arith.constant 28 : i32
      %parallel_loop3A_401 = arith.index_cast %parallel_loop3A_400 : i32 to index
      %parallel_loop3A_402 = arith.index_cast %parallel_loop3A_399 : i32 to index
      %parallel_loop3A_403 = tpu.vector_load %arg8[%parallel_loop3A_401, %parallel_loop3A_402] {strides = array<i32>} : memref<32x512xf32, #tpu.memory_space<vmem>>, vector<16xf32>,
      tpu.vector_store %arg8[%parallel_loop3A_401, %parallel_loop3A_402], %parallel_loop3A_220 {strides = array<i32>} : memref<32x512xf32, #tpu.memory_space<vmem>>, vector<16xf32>,
      %parallel_loop3A_404 = arith.constant 16 : i32
      %parallel_loop3A_405 = arith.muli %parallel_loop3A_129, %parallel_loop3A_404 : i32
      %parallel_loop3A_406 = arith.constant 29 : i32
      %parallel_loop3A_407 = arith.index_cast %parallel_loop3A_406 : i32 to index
      %parallel_loop3A_408 = arith.index_cast %parallel_loop3A_405 : i32 to index
      %parallel_loop3A_409 = tpu.vector_load %arg8[%parallel_loop3A_407, %parallel_loop3A_408] {strides = array<i32>} : memref<32x512xf32, #tpu.memory_space<vmem>>, vector<16xf32>,
      tpu.vector_store %arg8[%parallel_loop3A_407, %parallel_loop3A_408], %parallel_loop3A_223 {strides = array<i32>} : memref<32x512xf32, #tpu.memory_space<vmem>>, vector<16xf32>,
      %parallel_loop3A_410 = arith.constant 16 : i32
      %parallel_loop3A_411 = arith.muli %parallel_loop3A_129, %parallel_loop3A_410 : i32
      %parallel_loop3A_412 = arith.constant 30 : i32
      %parallel_loop3A_413 = arith.index_cast %parallel_loop3A_412 : i32 to index
      %parallel_loop3A_414 = arith.index_cast %parallel_loop3A_411 : i32 to index
      %parallel_loop3A_415 = tpu.vector_load %arg8[%parallel_loop3A_413, %parallel_loop3A_414] {strides = array<i32>} : memref<32x512xf32, #tpu.memory_space<vmem>>, vector<16xf32>,
      tpu.vector_store %arg8[%parallel_loop3A_413, %parallel_loop3A_414], %parallel_loop3A_226 {strides = array<i32>} : memref<32x512xf32, #tpu.memory_space<vmem>>, vector<16xf32>,
      %parallel_loop3A_416 = arith.constant 16 : i32
      %parallel_loop3A_417 = arith.muli %parallel_loop3A_129, %parallel_loop3A_416 : i32
      %parallel_loop3A_418 = arith.constant 31 : i32
      %parallel_loop3A_419 = arith.index_cast %parallel_loop3A_418 : i32 to index
      %parallel_loop3A_420 = arith.index_cast %parallel_loop3A_417 : i32 to index
      %parallel_loop3A_421 = tpu.vector_load %arg8[%parallel_loop3A_419, %parallel_loop3A_420] {strides = array<i32>} : memref<32x512xf32, #tpu.memory_space<vmem>>, vector<16xf32>,
      tpu.vector_store %arg8[%parallel_loop3A_419, %parallel_loop3A_420], %parallel_loop3A_229 {strides = array<i32>} : memref<32x512xf32, #tpu.memory_space<vmem>>, vector<16xf32>,
    } {sc.loop_unroll_factor = 2 : i64, sc.parallel_access}
    %dma_start3A_84 = arith.constant 48 : i32
    %dma_start3A_85 = arith.constant 0 : i32
    %dma_start3A_86 = tpu.memref_slice %arg4[%dma_start3A_84, %dma_start3A_85, %mul3A_2] : memref<50x32x16384xf32, #tpu.memory_space<hbm>> -> memref<1x32x512xf32, #tpu.memory_space<hbm>>
    %dma_start3A_87 = tpu.memref_squeeze %dma_start3A_86 : memref<1x32x512xf32, #tpu.memory_space<hbm>> -> memref<32x512xf32, #tpu.memory_space<hbm>>
    %dma_start3A_88 = arith.constant 0 : i32
    %dma_start3A_89 = tpu.memref_slice %arg4[%dma_start3A_84, %dma_start3A_88, %mul3A_2] : memref<50x32x16384xf32, #tpu.memory_space<hbm>> -> memref<1x32x512xf32, #tpu.memory_space<hbm>>
    %dma_start3A_90 = tpu.memref_squeeze %dma_start3A_89 : memref<1x32x512xf32, #tpu.memory_space<hbm>> -> memref<32x512xf32, #tpu.memory_space<hbm>>
    tpu.enqueue_dma source(%arg8 : memref<32x512xf32, #tpu.memory_space<vmem>>) target(%dma_start3A_90 : memref<32x512xf32, #tpu.memory_space<hbm>>) target_semaphore(%arg12 : memref<!tpu.dma_semaphore, #tpu.memory_space<semaphore_mem>>)
    %dma_wait3A_91 = arith.constant 49 : i32
    %dma_wait3A_92 = arith.constant 0 : i32
    %dma_wait3A_93 = tpu.memref_slice %arg5[%dma_wait3A_91, %dma_wait3A_92] : memref<50x512xi32, #tpu.memory_space<vmem>> -> memref<1x512xi32, #tpu.memory_space<vmem>>
    %dma_wait3A_94 = tpu.memref_squeeze %dma_wait3A_93 : memref<1x512xi32, #tpu.memory_space<vmem>> -> memref<512xi32, #tpu.memory_space<vmem>>
    %dma_wait3A_95 = arith.constant 0 : i32
    %dma_wait3A_96 = arith.constant 0 : i32
    %dma_wait3A_97 = tpu.memref_slice %arg3[%dma_wait3A_95, %dma_wait3A_96] : memref<1000000x32xf32, #tpu.memory_space<hbm>> -> memref<1000000x32xf32, #tpu.memory_space<hbm>>
    tpu.wait_indirect_dma semaphore(%arg11 : memref<!tpu.dma_semaphore, #tpu.memory_space<semaphore_mem>>) src(%dma_wait3A_97 : memref<1000000x32xf32, #tpu.memory_space<hbm>>) dst(%arg7 : memref<512x32xf32, #tpu.memory_space<vmem>>)
    %dma_wait3A_98 = arith.constant 49 : i32
    %dma_wait3A_99 = arith.constant 0 : i32
    %dma_wait3A_100 = tpu.memref_slice %arg4[%dma_wait3A_98, %dma_wait3A_99, %mul3A_2] : memref<50x32x16384xf32, #tpu.memory_space<hbm>> -> memref<1x32x512xf32, #tpu.memory_space<hbm>>
    %dma_wait3A_101 = tpu.memref_squeeze %dma_wait3A_100 : memref<1x32x512xf32, #tpu.memory_space<hbm>> -> memref<32x512xf32, #tpu.memory_space<hbm>>
    %dma_wait3A_102 = arith.constant 0 : i32
    %dma_wait3A_103 = tpu.memref_slice %arg4[%dma_wait3A_98, %dma_wait3A_102, %mul3A_2] : memref<50x32x16384xf32, #tpu.memory_space<hbm>> -> memref<1x32x512xf32, #tpu.memory_space<hbm>>
    %dma_wait3A_104 = tpu.memref_squeeze %dma_wait3A_103 : memref<1x32x512xf32, #tpu.memory_space<hbm>> -> memref<32x512xf32, #tpu.memory_space<hbm>>
    tpu.wait_dma2 semaphore(%arg13 : memref<!tpu.dma_semaphore, #tpu.memory_space<semaphore_mem>>) src(%arg9 : memref<32x512xf32, #tpu.memory_space<vmem>>) dst(%dma_wait3A_104 : memref<32x512xf32, #tpu.memory_space<hbm>>)
    %parallel_loop3A_105 = arith.constant 0 : i32
    %parallel_loop3A_106 = arith.constant 32 : i32
    %parallel_loop3A_107 = arith.constant 1 : i32
    scf.for %parallel_loop3A_129 = %parallel_loop3A_105 to %parallel_loop3A_106 step %parallel_loop3A_107  : i32 {
      %parallel_loop3A_130 = arith.constant 16 : i32
      %parallel_loop3A_131 = arith.muli %parallel_loop3A_129, %parallel_loop3A_130 : i32
      %parallel_loop3A_132 = vector.broadcast %parallel_loop3A_131 : i32 to vector<16xi32>
      %parallel_loop3A_133 = arith.addi %parallel_loop3A_132, %iota3A : vector<16xi32>
      %parallel_loop3A_134 = arith.constant 0 : i32
      %parallel_loop3A_135 = vector.broadcast %parallel_loop3A_134 : i32 to vector<16xi32>
      %parallel_loop3A_136 = tpu.vector_load_idx %arg7[%parallel_loop3A_133, %parallel_loop3A_135] : memref<512x32xf32, #tpu.memory_space<vmem>>[vector<16xi32>, vector<16xi32>], vector<16xf32>,
      %parallel_loop3A_137 = arith.constant 1 : i32
      %parallel_loop3A_138 = vector.broadcast %parallel_loop3A_137 : i32 to vector<16xi32>
      %parallel_loop3A_139 = tpu.vector_load_idx %arg7[%parallel_loop3A_133, %parallel_loop3A_138] : memref<512x32xf32, #tpu.memory_space<vmem>>[vector<16xi32>, vector<16xi32>], vector<16xf32>,
      %parallel_loop3A_140 = arith.constant 2 : i32
      %parallel_loop3A_141 = vector.broadcast %parallel_loop3A_140 : i32 to vector<16xi32>
      %parallel_loop3A_142 = tpu.vector_load_idx %arg7[%parallel_loop3A_133, %parallel_loop3A_141] : memref<512x32xf32, #tpu.memory_space<vmem>>[vector<16xi32>, vector<16xi32>], vector<16xf32>,
      %parallel_loop3A_143 = arith.constant 3 : i32
      %parallel_loop3A_144 = vector.broadcast %parallel_loop3A_143 : i32 to vector<16xi32>
      %parallel_loop3A_145 = tpu.vector_load_idx %arg7[%parallel_loop3A_133, %parallel_loop3A_144] : memref<512x32xf32, #tpu.memory_space<vmem>>[vector<16xi32>, vector<16xi32>], vector<16xf32>,
      %parallel_loop3A_146 = arith.constant 4 : i32
      %parallel_loop3A_147 = vector.broadcast %parallel_loop3A_146 : i32 to vector<16xi32>
      %parallel_loop3A_148 = tpu.vector_load_idx %arg7[%parallel_loop3A_133, %parallel_loop3A_147] : memref<512x32xf32, #tpu.memory_space<vmem>>[vector<16xi32>, vector<16xi32>], vector<16xf32>,
      %parallel_loop3A_149 = arith.constant 5 : i32
      %parallel_loop3A_150 = vector.broadcast %parallel_loop3A_149 : i32 to vector<16xi32>
      %parallel_loop3A_151 = tpu.vector_load_idx %arg7[%parallel_loop3A_133, %parallel_loop3A_150] : memref<512x32xf32, #tpu.memory_space<vmem>>[vector<16xi32>, vector<16xi32>], vector<16xf32>,
      %parallel_loop3A_152 = arith.constant 6 : i32
      %parallel_loop3A_153 = vector.broadcast %parallel_loop3A_152 : i32 to vector<16xi32>
      %parallel_loop3A_154 = tpu.vector_load_idx %arg7[%parallel_loop3A_133, %parallel_loop3A_153] : memref<512x32xf32, #tpu.memory_space<vmem>>[vector<16xi32>, vector<16xi32>], vector<16xf32>,
      %parallel_loop3A_155 = arith.constant 7 : i32
      %parallel_loop3A_156 = vector.broadcast %parallel_loop3A_155 : i32 to vector<16xi32>
      %parallel_loop3A_157 = tpu.vector_load_idx %arg7[%parallel_loop3A_133, %parallel_loop3A_156] : memref<512x32xf32, #tpu.memory_space<vmem>>[vector<16xi32>, vector<16xi32>], vector<16xf32>,
      %parallel_loop3A_158 = arith.constant 8 : i32
      %parallel_loop3A_159 = vector.broadcast %parallel_loop3A_158 : i32 to vector<16xi32>
      %parallel_loop3A_160 = tpu.vector_load_idx %arg7[%parallel_loop3A_133, %parallel_loop3A_159] : memref<512x32xf32, #tpu.memory_space<vmem>>[vector<16xi32>, vector<16xi32>], vector<16xf32>,
      %parallel_loop3A_161 = arith.constant 9 : i32
      %parallel_loop3A_162 = vector.broadcast %parallel_loop3A_161 : i32 to vector<16xi32>
      %parallel_loop3A_163 = tpu.vector_load_idx %arg7[%parallel_loop3A_133, %parallel_loop3A_162] : memref<512x32xf32, #tpu.memory_space<vmem>>[vector<16xi32>, vector<16xi32>], vector<16xf32>,
      %parallel_loop3A_164 = arith.constant 10 : i32
      %parallel_loop3A_165 = vector.broadcast %parallel_loop3A_164 : i32 to vector<16xi32>
      %parallel_loop3A_166 = tpu.vector_load_idx %arg7[%parallel_loop3A_133, %parallel_loop3A_165] : memref<512x32xf32, #tpu.memory_space<vmem>>[vector<16xi32>, vector<16xi32>], vector<16xf32>,
      %parallel_loop3A_167 = arith.constant 11 : i32
      %parallel_loop3A_168 = vector.broadcast %parallel_loop3A_167 : i32 to vector<16xi32>
      %parallel_loop3A_169 = tpu.vector_load_idx %arg7[%parallel_loop3A_133, %parallel_loop3A_168] : memref<512x32xf32, #tpu.memory_space<vmem>>[vector<16xi32>, vector<16xi32>], vector<16xf32>,
      %parallel_loop3A_170 = arith.constant 12 : i32
      %parallel_loop3A_171 = vector.broadcast %parallel_loop3A_170 : i32 to vector<16xi32>
      %parallel_loop3A_172 = tpu.vector_load_idx %arg7[%parallel_loop3A_133, %parallel_loop3A_171] : memref<512x32xf32, #tpu.memory_space<vmem>>[vector<16xi32>, vector<16xi32>], vector<16xf32>,
      %parallel_loop3A_173 = arith.constant 13 : i32
      %parallel_loop3A_174 = vector.broadcast %parallel_loop3A_173 : i32 to vector<16xi32>
      %parallel_loop3A_175 = tpu.vector_load_idx %arg7[%parallel_loop3A_133, %parallel_loop3A_174] : memref<512x32xf32, #tpu.memory_space<vmem>>[vector<16xi32>, vector<16xi32>], vector<16xf32>,
      %parallel_loop3A_176 = arith.constant 14 : i32
      %parallel_loop3A_177 = vector.broadcast %parallel_loop3A_176 : i32 to vector<16xi32>
      %parallel_loop3A_178 = tpu.vector_load_idx %arg7[%parallel_loop3A_133, %parallel_loop3A_177] : memref<512x32xf32, #tpu.memory_space<vmem>>[vector<16xi32>, vector<16xi32>], vector<16xf32>,
      %parallel_loop3A_179 = arith.constant 15 : i32
      %parallel_loop3A_180 = vector.broadcast %parallel_loop3A_179 : i32 to vector<16xi32>
      %parallel_loop3A_181 = tpu.vector_load_idx %arg7[%parallel_loop3A_133, %parallel_loop3A_180] : memref<512x32xf32, #tpu.memory_space<vmem>>[vector<16xi32>, vector<16xi32>], vector<16xf32>,
      %parallel_loop3A_182 = arith.constant 16 : i32
      %parallel_loop3A_183 = vector.broadcast %parallel_loop3A_182 : i32 to vector<16xi32>
      %parallel_loop3A_184 = tpu.vector_load_idx %arg7[%parallel_loop3A_133, %parallel_loop3A_183] : memref<512x32xf32, #tpu.memory_space<vmem>>[vector<16xi32>, vector<16xi32>], vector<16xf32>,
      %parallel_loop3A_185 = arith.constant 17 : i32
      %parallel_loop3A_186 = vector.broadcast %parallel_loop3A_185 : i32 to vector<16xi32>
      %parallel_loop3A_187 = tpu.vector_load_idx %arg7[%parallel_loop3A_133, %parallel_loop3A_186] : memref<512x32xf32, #tpu.memory_space<vmem>>[vector<16xi32>, vector<16xi32>], vector<16xf32>,
      %parallel_loop3A_188 = arith.constant 18 : i32
      %parallel_loop3A_189 = vector.broadcast %parallel_loop3A_188 : i32 to vector<16xi32>
      %parallel_loop3A_190 = tpu.vector_load_idx %arg7[%parallel_loop3A_133, %parallel_loop3A_189] : memref<512x32xf32, #tpu.memory_space<vmem>>[vector<16xi32>, vector<16xi32>], vector<16xf32>,
      %parallel_loop3A_191 = arith.constant 19 : i32
      %parallel_loop3A_192 = vector.broadcast %parallel_loop3A_191 : i32 to vector<16xi32>
      %parallel_loop3A_193 = tpu.vector_load_idx %arg7[%parallel_loop3A_133, %parallel_loop3A_192] : memref<512x32xf32, #tpu.memory_space<vmem>>[vector<16xi32>, vector<16xi32>], vector<16xf32>,
      %parallel_loop3A_194 = arith.constant 20 : i32
      %parallel_loop3A_195 = vector.broadcast %parallel_loop3A_194 : i32 to vector<16xi32>
      %parallel_loop3A_196 = tpu.vector_load_idx %arg7[%parallel_loop3A_133, %parallel_loop3A_195] : memref<512x32xf32, #tpu.memory_space<vmem>>[vector<16xi32>, vector<16xi32>], vector<16xf32>,
      %parallel_loop3A_197 = arith.constant 21 : i32
      %parallel_loop3A_198 = vector.broadcast %parallel_loop3A_197 : i32 to vector<16xi32>
      %parallel_loop3A_199 = tpu.vector_load_idx %arg7[%parallel_loop3A_133, %parallel_loop3A_198] : memref<512x32xf32, #tpu.memory_space<vmem>>[vector<16xi32>, vector<16xi32>], vector<16xf32>,
      %parallel_loop3A_200 = arith.constant 22 : i32
      %parallel_loop3A_201 = vector.broadcast %parallel_loop3A_200 : i32 to vector<16xi32>
      %parallel_loop3A_202 = tpu.vector_load_idx %arg7[%parallel_loop3A_133, %parallel_loop3A_201] : memref<512x32xf32, #tpu.memory_space<vmem>>[vector<16xi32>, vector<16xi32>], vector<16xf32>,
      %parallel_loop3A_203 = arith.constant 23 : i32
      %parallel_loop3A_204 = vector.broadcast %parallel_loop3A_203 : i32 to vector<16xi32>
      %parallel_loop3A_205 = tpu.vector_load_idx %arg7[%parallel_loop3A_133, %parallel_loop3A_204] : memref<512x32xf32, #tpu.memory_space<vmem>>[vector<16xi32>, vector<16xi32>], vector<16xf32>,
      %parallel_loop3A_206 = arith.constant 24 : i32
      %parallel_loop3A_207 = vector.broadcast %parallel_loop3A_206 : i32 to vector<16xi32>
      %parallel_loop3A_208 = tpu.vector_load_idx %arg7[%parallel_loop3A_133, %parallel_loop3A_207] : memref<512x32xf32, #tpu.memory_space<vmem>>[vector<16xi32>, vector<16xi32>], vector<16xf32>,
      %parallel_loop3A_209 = arith.constant 25 : i32
      %parallel_loop3A_210 = vector.broadcast %parallel_loop3A_209 : i32 to vector<16xi32>
      %parallel_loop3A_211 = tpu.vector_load_idx %arg7[%parallel_loop3A_133, %parallel_loop3A_210] : memref<512x32xf32, #tpu.memory_space<vmem>>[vector<16xi32>, vector<16xi32>], vector<16xf32>,
      %parallel_loop3A_212 = arith.constant 26 : i32
      %parallel_loop3A_213 = vector.broadcast %parallel_loop3A_212 : i32 to vector<16xi32>
      %parallel_loop3A_214 = tpu.vector_load_idx %arg7[%parallel_loop3A_133, %parallel_loop3A_213] : memref<512x32xf32, #tpu.memory_space<vmem>>[vector<16xi32>, vector<16xi32>], vector<16xf32>,
      %parallel_loop3A_215 = arith.constant 27 : i32
      %parallel_loop3A_216 = vector.broadcast %parallel_loop3A_215 : i32 to vector<16xi32>
      %parallel_loop3A_217 = tpu.vector_load_idx %arg7[%parallel_loop3A_133, %parallel_loop3A_216] : memref<512x32xf32, #tpu.memory_space<vmem>>[vector<16xi32>, vector<16xi32>], vector<16xf32>,
      %parallel_loop3A_218 = arith.constant 28 : i32
      %parallel_loop3A_219 = vector.broadcast %parallel_loop3A_218 : i32 to vector<16xi32>
      %parallel_loop3A_220 = tpu.vector_load_idx %arg7[%parallel_loop3A_133, %parallel_loop3A_219] : memref<512x32xf32, #tpu.memory_space<vmem>>[vector<16xi32>, vector<16xi32>], vector<16xf32>,
      %parallel_loop3A_221 = arith.constant 29 : i32
      %parallel_loop3A_222 = vector.broadcast %parallel_loop3A_221 : i32 to vector<16xi32>
      %parallel_loop3A_223 = tpu.vector_load_idx %arg7[%parallel_loop3A_133, %parallel_loop3A_222] : memref<512x32xf32, #tpu.memory_space<vmem>>[vector<16xi32>, vector<16xi32>], vector<16xf32>,
      %parallel_loop3A_224 = arith.constant 30 : i32
      %parallel_loop3A_225 = vector.broadcast %parallel_loop3A_224 : i32 to vector<16xi32>
      %parallel_loop3A_226 = tpu.vector_load_idx %arg7[%parallel_loop3A_133, %parallel_loop3A_225] : memref<512x32xf32, #tpu.memory_space<vmem>>[vector<16xi32>, vector<16xi32>], vector<16xf32>,
      %parallel_loop3A_227 = arith.constant 31 : i32
      %parallel_loop3A_228 = vector.broadcast %parallel_loop3A_227 : i32 to vector<16xi32>
      %parallel_loop3A_229 = tpu.vector_load_idx %arg7[%parallel_loop3A_133, %parallel_loop3A_228] : memref<512x32xf32, #tpu.memory_space<vmem>>[vector<16xi32>, vector<16xi32>], vector<16xf32>,
      %parallel_loop3A_230 = arith.constant 16 : i32
      %parallel_loop3A_231 = arith.muli %parallel_loop3A_129, %parallel_loop3A_230 : i32
      %parallel_loop3A_232 = arith.constant 0 : i32
      %parallel_loop3A_233 = arith.index_cast %parallel_loop3A_232 : i32 to index
      %parallel_loop3A_234 = arith.index_cast %parallel_loop3A_231 : i32 to index
      %parallel_loop3A_235 = tpu.vector_load %arg9[%parallel_loop3A_233, %parallel_loop3A_234] {strides = array<i32>} : memref<32x512xf32, #tpu.memory_space<vmem>>, vector<16xf32>,
      tpu.vector_store %arg9[%parallel_loop3A_233, %parallel_loop3A_234], %parallel_loop3A_136 {strides = array<i32>} : memref<32x512xf32, #tpu.memory_space<vmem>>, vector<16xf32>,
      %parallel_loop3A_236 = arith.constant 16 : i32
      %parallel_loop3A_237 = arith.muli %parallel_loop3A_129, %parallel_loop3A_236 : i32
      %parallel_loop3A_238 = arith.constant 1 : i32
      %parallel_loop3A_239 = arith.index_cast %parallel_loop3A_238 : i32 to index
      %parallel_loop3A_240 = arith.index_cast %parallel_loop3A_237 : i32 to index
      %parallel_loop3A_241 = tpu.vector_load %arg9[%parallel_loop3A_239, %parallel_loop3A_240] {strides = array<i32>} : memref<32x512xf32, #tpu.memory_space<vmem>>, vector<16xf32>,
      tpu.vector_store %arg9[%parallel_loop3A_239, %parallel_loop3A_240], %parallel_loop3A_139 {strides = array<i32>} : memref<32x512xf32, #tpu.memory_space<vmem>>, vector<16xf32>,
      %parallel_loop3A_242 = arith.constant 16 : i32
      %parallel_loop3A_243 = arith.muli %parallel_loop3A_129, %parallel_loop3A_242 : i32
      %parallel_loop3A_244 = arith.constant 2 : i32
      %parallel_loop3A_245 = arith.index_cast %parallel_loop3A_244 : i32 to index
      %parallel_loop3A_246 = arith.index_cast %parallel_loop3A_243 : i32 to index
      %parallel_loop3A_247 = tpu.vector_load %arg9[%parallel_loop3A_245, %parallel_loop3A_246] {strides = array<i32>} : memref<32x512xf32, #tpu.memory_space<vmem>>, vector<16xf32>,
      tpu.vector_store %arg9[%parallel_loop3A_245, %parallel_loop3A_246], %parallel_loop3A_142 {strides = array<i32>} : memref<32x512xf32, #tpu.memory_space<vmem>>, vector<16xf32>,
      %parallel_loop3A_248 = arith.constant 16 : i32
      %parallel_loop3A_249 = arith.muli %parallel_loop3A_129, %parallel_loop3A_248 : i32
      %parallel_loop3A_250 = arith.constant 3 : i32
      %parallel_loop3A_251 = arith.index_cast %parallel_loop3A_250 : i32 to index
      %parallel_loop3A_252 = arith.index_cast %parallel_loop3A_249 : i32 to index
      %parallel_loop3A_253 = tpu.vector_load %arg9[%parallel_loop3A_251, %parallel_loop3A_252] {strides = array<i32>} : memref<32x512xf32, #tpu.memory_space<vmem>>, vector<16xf32>,
      tpu.vector_store %arg9[%parallel_loop3A_251, %parallel_loop3A_252], %parallel_loop3A_145 {strides = array<i32>} : memref<32x512xf32, #tpu.memory_space<vmem>>, vector<16xf32>,
      %parallel_loop3A_254 = arith.constant 16 : i32
      %parallel_loop3A_255 = arith.muli %parallel_loop3A_129, %parallel_loop3A_254 : i32
      %parallel_loop3A_256 = arith.constant 4 : i32
      %parallel_loop3A_257 = arith.index_cast %parallel_loop3A_256 : i32 to index
      %parallel_loop3A_258 = arith.index_cast %parallel_loop3A_255 : i32 to index
      %parallel_loop3A_259 = tpu.vector_load %arg9[%parallel_loop3A_257, %parallel_loop3A_258] {strides = array<i32>} : memref<32x512xf32, #tpu.memory_space<vmem>>, vector<16xf32>,
      tpu.vector_store %arg9[%parallel_loop3A_257, %parallel_loop3A_258], %parallel_loop3A_148 {strides = array<i32>} : memref<32x512xf32, #tpu.memory_space<vmem>>, vector<16xf32>,
      %parallel_loop3A_260 = arith.constant 16 : i32
      %parallel_loop3A_261 = arith.muli %parallel_loop3A_129, %parallel_loop3A_260 : i32
      %parallel_loop3A_262 = arith.constant 5 : i32
      %parallel_loop3A_263 = arith.index_cast %parallel_loop3A_262 : i32 to index
      %parallel_loop3A_264 = arith.index_cast %parallel_loop3A_261 : i32 to index
      %parallel_loop3A_265 = tpu.vector_load %arg9[%parallel_loop3A_263, %parallel_loop3A_264] {strides = array<i32>} : memref<32x512xf32, #tpu.memory_space<vmem>>, vector<16xf32>,
      tpu.vector_store %arg9[%parallel_loop3A_263, %parallel_loop3A_264], %parallel_loop3A_151 {strides = array<i32>} : memref<32x512xf32, #tpu.memory_space<vmem>>, vector<16xf32>,
      %parallel_loop3A_266 = arith.constant 16 : i32
      %parallel_loop3A_267 = arith.muli %parallel_loop3A_129, %parallel_loop3A_266 : i32
      %parallel_loop3A_268 = arith.constant 6 : i32
      %parallel_loop3A_269 = arith.index_cast %parallel_loop3A_268 : i32 to index
      %parallel_loop3A_270 = arith.index_cast %parallel_loop3A_267 : i32 to index
      %parallel_loop3A_271 = tpu.vector_load %arg9[%parallel_loop3A_269, %parallel_loop3A_270] {strides = array<i32>} : memref<32x512xf32, #tpu.memory_space<vmem>>, vector<16xf32>,
      tpu.vector_store %arg9[%parallel_loop3A_269, %parallel_loop3A_270], %parallel_loop3A_154 {strides = array<i32>} : memref<32x512xf32, #tpu.memory_space<vmem>>, vector<16xf32>,
      %parallel_loop3A_272 = arith.constant 16 : i32
      %parallel_loop3A_273 = arith.muli %parallel_loop3A_129, %parallel_loop3A_272 : i32
      %parallel_loop3A_274 = arith.constant 7 : i32
      %parallel_loop3A_275 = arith.index_cast %parallel_loop3A_274 : i32 to index
      %parallel_loop3A_276 = arith.index_cast %parallel_loop3A_273 : i32 to index
      %parallel_loop3A_277 = tpu.vector_load %arg9[%parallel_loop3A_275, %parallel_loop3A_276] {strides = array<i32>} : memref<32x512xf32, #tpu.memory_space<vmem>>, vector<16xf32>,
      tpu.vector_store %arg9[%parallel_loop3A_275, %parallel_loop3A_276], %parallel_loop3A_157 {strides = array<i32>} : memref<32x512xf32, #tpu.memory_space<vmem>>, vector<16xf32>,
      %parallel_loop3A_278 = arith.constant 16 : i32
      %parallel_loop3A_279 = arith.muli %parallel_loop3A_129, %parallel_loop3A_278 : i32
      %parallel_loop3A_280 = arith.constant 8 : i32
      %parallel_loop3A_281 = arith.index_cast %parallel_loop3A_280 : i32 to index
      %parallel_loop3A_282 = arith.index_cast %parallel_loop3A_279 : i32 to index
      %parallel_loop3A_283 = tpu.vector_load %arg9[%parallel_loop3A_281, %parallel_loop3A_282] {strides = array<i32>} : memref<32x512xf32, #tpu.memory_space<vmem>>, vector<16xf32>,
      tpu.vector_store %arg9[%parallel_loop3A_281, %parallel_loop3A_282], %parallel_loop3A_160 {strides = array<i32>} : memref<32x512xf32, #tpu.memory_space<vmem>>, vector<16xf32>,
      %parallel_loop3A_284 = arith.constant 16 : i32
      %parallel_loop3A_285 = arith.muli %parallel_loop3A_129, %parallel_loop3A_284 : i32
      %parallel_loop3A_286 = arith.constant 9 : i32
      %parallel_loop3A_287 = arith.index_cast %parallel_loop3A_286 : i32 to index
      %parallel_loop3A_288 = arith.index_cast %parallel_loop3A_285 : i32 to index
      %parallel_loop3A_289 = tpu.vector_load %arg9[%parallel_loop3A_287, %parallel_loop3A_288] {strides = array<i32>} : memref<32x512xf32, #tpu.memory_space<vmem>>, vector<16xf32>,
      tpu.vector_store %arg9[%parallel_loop3A_287, %parallel_loop3A_288], %parallel_loop3A_163 {strides = array<i32>} : memref<32x512xf32, #tpu.memory_space<vmem>>, vector<16xf32>,
      %parallel_loop3A_290 = arith.constant 16 : i32
      %parallel_loop3A_291 = arith.muli %parallel_loop3A_129, %parallel_loop3A_290 : i32
      %parallel_loop3A_292 = arith.constant 10 : i32
      %parallel_loop3A_293 = arith.index_cast %parallel_loop3A_292 : i32 to index
      %parallel_loop3A_294 = arith.index_cast %parallel_loop3A_291 : i32 to index
      %parallel_loop3A_295 = tpu.vector_load %arg9[%parallel_loop3A_293, %parallel_loop3A_294] {strides = array<i32>} : memref<32x512xf32, #tpu.memory_space<vmem>>, vector<16xf32>,
      tpu.vector_store %arg9[%parallel_loop3A_293, %parallel_loop3A_294], %parallel_loop3A_166 {strides = array<i32>} : memref<32x512xf32, #tpu.memory_space<vmem>>, vector<16xf32>,
      %parallel_loop3A_296 = arith.constant 16 : i32
      %parallel_loop3A_297 = arith.muli %parallel_loop3A_129, %parallel_loop3A_296 : i32
      %parallel_loop3A_298 = arith.constant 11 : i32
      %parallel_loop3A_299 = arith.index_cast %parallel_loop3A_298 : i32 to index
      %parallel_loop3A_300 = arith.index_cast %parallel_loop3A_297 : i32 to index
      %parallel_loop3A_301 = tpu.vector_load %arg9[%parallel_loop3A_299, %parallel_loop3A_300] {strides = array<i32>} : memref<32x512xf32, #tpu.memory_space<vmem>>, vector<16xf32>,
      tpu.vector_store %arg9[%parallel_loop3A_299, %parallel_loop3A_300], %parallel_loop3A_169 {strides = array<i32>} : memref<32x512xf32, #tpu.memory_space<vmem>>, vector<16xf32>,
      %parallel_loop3A_302 = arith.constant 16 : i32
      %parallel_loop3A_303 = arith.muli %parallel_loop3A_129, %parallel_loop3A_302 : i32
      %parallel_loop3A_304 = arith.constant 12 : i32
      %parallel_loop3A_305 = arith.index_cast %parallel_loop3A_304 : i32 to index
      %parallel_loop3A_306 = arith.index_cast %parallel_loop3A_303 : i32 to index
      %parallel_loop3A_307 = tpu.vector_load %arg9[%parallel_loop3A_305, %parallel_loop3A_306] {strides = array<i32>} : memref<32x512xf32, #tpu.memory_space<vmem>>, vector<16xf32>,
      tpu.vector_store %arg9[%parallel_loop3A_305, %parallel_loop3A_306], %parallel_loop3A_172 {strides = array<i32>} : memref<32x512xf32, #tpu.memory_space<vmem>>, vector<16xf32>,
      %parallel_loop3A_308 = arith.constant 16 : i32
      %parallel_loop3A_309 = arith.muli %parallel_loop3A_129, %parallel_loop3A_308 : i32
      %parallel_loop3A_310 = arith.constant 13 : i32
      %parallel_loop3A_311 = arith.index_cast %parallel_loop3A_310 : i32 to index
      %parallel_loop3A_312 = arith.index_cast %parallel_loop3A_309 : i32 to index
      %parallel_loop3A_313 = tpu.vector_load %arg9[%parallel_loop3A_311, %parallel_loop3A_312] {strides = array<i32>} : memref<32x512xf32, #tpu.memory_space<vmem>>, vector<16xf32>,
      tpu.vector_store %arg9[%parallel_loop3A_311, %parallel_loop3A_312], %parallel_loop3A_175 {strides = array<i32>} : memref<32x512xf32, #tpu.memory_space<vmem>>, vector<16xf32>,
      %parallel_loop3A_314 = arith.constant 16 : i32
      %parallel_loop3A_315 = arith.muli %parallel_loop3A_129, %parallel_loop3A_314 : i32
      %parallel_loop3A_316 = arith.constant 14 : i32
      %parallel_loop3A_317 = arith.index_cast %parallel_loop3A_316 : i32 to index
      %parallel_loop3A_318 = arith.index_cast %parallel_loop3A_315 : i32 to index
      %parallel_loop3A_319 = tpu.vector_load %arg9[%parallel_loop3A_317, %parallel_loop3A_318] {strides = array<i32>} : memref<32x512xf32, #tpu.memory_space<vmem>>, vector<16xf32>,
      tpu.vector_store %arg9[%parallel_loop3A_317, %parallel_loop3A_318], %parallel_loop3A_178 {strides = array<i32>} : memref<32x512xf32, #tpu.memory_space<vmem>>, vector<16xf32>,
      %parallel_loop3A_320 = arith.constant 16 : i32
      %parallel_loop3A_321 = arith.muli %parallel_loop3A_129, %parallel_loop3A_320 : i32
      %parallel_loop3A_322 = arith.constant 15 : i32
      %parallel_loop3A_323 = arith.index_cast %parallel_loop3A_322 : i32 to index
      %parallel_loop3A_324 = arith.index_cast %parallel_loop3A_321 : i32 to index
      %parallel_loop3A_325 = tpu.vector_load %arg9[%parallel_loop3A_323, %parallel_loop3A_324] {strides = array<i32>} : memref<32x512xf32, #tpu.memory_space<vmem>>, vector<16xf32>,
      tpu.vector_store %arg9[%parallel_loop3A_323, %parallel_loop3A_324], %parallel_loop3A_181 {strides = array<i32>} : memref<32x512xf32, #tpu.memory_space<vmem>>, vector<16xf32>,
      %parallel_loop3A_326 = arith.constant 16 : i32
      %parallel_loop3A_327 = arith.muli %parallel_loop3A_129, %parallel_loop3A_326 : i32
      %parallel_loop3A_328 = arith.constant 16 : i32
      %parallel_loop3A_329 = arith.index_cast %parallel_loop3A_328 : i32 to index
      %parallel_loop3A_330 = arith.index_cast %parallel_loop3A_327 : i32 to index
      %parallel_loop3A_331 = tpu.vector_load %arg9[%parallel_loop3A_329, %parallel_loop3A_330] {strides = array<i32>} : memref<32x512xf32, #tpu.memory_space<vmem>>, vector<16xf32>,
      tpu.vector_store %arg9[%parallel_loop3A_329, %parallel_loop3A_330], %parallel_loop3A_184 {strides = array<i32>} : memref<32x512xf32, #tpu.memory_space<vmem>>, vector<16xf32>,
      %parallel_loop3A_332 = arith.constant 16 : i32
      %parallel_loop3A_333 = arith.muli %parallel_loop3A_129, %parallel_loop3A_332 : i32
      %parallel_loop3A_334 = arith.constant 17 : i32
      %parallel_loop3A_335 = arith.index_cast %parallel_loop3A_334 : i32 to index
      %parallel_loop3A_336 = arith.index_cast %parallel_loop3A_333 : i32 to index
      %parallel_loop3A_337 = tpu.vector_load %arg9[%parallel_loop3A_335, %parallel_loop3A_336] {strides = array<i32>} : memref<32x512xf32, #tpu.memory_space<vmem>>, vector<16xf32>,
      tpu.vector_store %arg9[%parallel_loop3A_335, %parallel_loop3A_336], %parallel_loop3A_187 {strides = array<i32>} : memref<32x512xf32, #tpu.memory_space<vmem>>, vector<16xf32>,
      %parallel_loop3A_338 = arith.constant 16 : i32
      %parallel_loop3A_339 = arith.muli %parallel_loop3A_129, %parallel_loop3A_338 : i32
      %parallel_loop3A_340 = arith.constant 18 : i32
      %parallel_loop3A_341 = arith.index_cast %parallel_loop3A_340 : i32 to index
      %parallel_loop3A_342 = arith.index_cast %parallel_loop3A_339 : i32 to index
      %parallel_loop3A_343 = tpu.vector_load %arg9[%parallel_loop3A_341, %parallel_loop3A_342] {strides = array<i32>} : memref<32x512xf32, #tpu.memory_space<vmem>>, vector<16xf32>,
      tpu.vector_store %arg9[%parallel_loop3A_341, %parallel_loop3A_342], %parallel_loop3A_190 {strides = array<i32>} : memref<32x512xf32, #tpu.memory_space<vmem>>, vector<16xf32>,
      %parallel_loop3A_344 = arith.constant 16 : i32
      %parallel_loop3A_345 = arith.muli %parallel_loop3A_129, %parallel_loop3A_344 : i32
      %parallel_loop3A_346 = arith.constant 19 : i32
      %parallel_loop3A_347 = arith.index_cast %parallel_loop3A_346 : i32 to index
      %parallel_loop3A_348 = arith.index_cast %parallel_loop3A_345 : i32 to index
      %parallel_loop3A_349 = tpu.vector_load %arg9[%parallel_loop3A_347, %parallel_loop3A_348] {strides = array<i32>} : memref<32x512xf32, #tpu.memory_space<vmem>>, vector<16xf32>,
      tpu.vector_store %arg9[%parallel_loop3A_347, %parallel_loop3A_348], %parallel_loop3A_193 {strides = array<i32>} : memref<32x512xf32, #tpu.memory_space<vmem>>, vector<16xf32>,
      %parallel_loop3A_350 = arith.constant 16 : i32
      %parallel_loop3A_351 = arith.muli %parallel_loop3A_129, %parallel_loop3A_350 : i32
      %parallel_loop3A_352 = arith.constant 20 : i32
      %parallel_loop3A_353 = arith.index_cast %parallel_loop3A_352 : i32 to index
      %parallel_loop3A_354 = arith.index_cast %parallel_loop3A_351 : i32 to index
      %parallel_loop3A_355 = tpu.vector_load %arg9[%parallel_loop3A_353, %parallel_loop3A_354] {strides = array<i32>} : memref<32x512xf32, #tpu.memory_space<vmem>>, vector<16xf32>,
      tpu.vector_store %arg9[%parallel_loop3A_353, %parallel_loop3A_354], %parallel_loop3A_196 {strides = array<i32>} : memref<32x512xf32, #tpu.memory_space<vmem>>, vector<16xf32>,
      %parallel_loop3A_356 = arith.constant 16 : i32
      %parallel_loop3A_357 = arith.muli %parallel_loop3A_129, %parallel_loop3A_356 : i32
      %parallel_loop3A_358 = arith.constant 21 : i32
      %parallel_loop3A_359 = arith.index_cast %parallel_loop3A_358 : i32 to index
      %parallel_loop3A_360 = arith.index_cast %parallel_loop3A_357 : i32 to index
      %parallel_loop3A_361 = tpu.vector_load %arg9[%parallel_loop3A_359, %parallel_loop3A_360] {strides = array<i32>} : memref<32x512xf32, #tpu.memory_space<vmem>>, vector<16xf32>,
      tpu.vector_store %arg9[%parallel_loop3A_359, %parallel_loop3A_360], %parallel_loop3A_199 {strides = array<i32>} : memref<32x512xf32, #tpu.memory_space<vmem>>, vector<16xf32>,
      %parallel_loop3A_362 = arith.constant 16 : i32
      %parallel_loop3A_363 = arith.muli %parallel_loop3A_129, %parallel_loop3A_362 : i32
      %parallel_loop3A_364 = arith.constant 22 : i32
      %parallel_loop3A_365 = arith.index_cast %parallel_loop3A_364 : i32 to index
      %parallel_loop3A_366 = arith.index_cast %parallel_loop3A_363 : i32 to index
      %parallel_loop3A_367 = tpu.vector_load %arg9[%parallel_loop3A_365, %parallel_loop3A_366] {strides = array<i32>} : memref<32x512xf32, #tpu.memory_space<vmem>>, vector<16xf32>,
      tpu.vector_store %arg9[%parallel_loop3A_365, %parallel_loop3A_366], %parallel_loop3A_202 {strides = array<i32>} : memref<32x512xf32, #tpu.memory_space<vmem>>, vector<16xf32>,
      %parallel_loop3A_368 = arith.constant 16 : i32
      %parallel_loop3A_369 = arith.muli %parallel_loop3A_129, %parallel_loop3A_368 : i32
      %parallel_loop3A_370 = arith.constant 23 : i32
      %parallel_loop3A_371 = arith.index_cast %parallel_loop3A_370 : i32 to index
      %parallel_loop3A_372 = arith.index_cast %parallel_loop3A_369 : i32 to index
      %parallel_loop3A_373 = tpu.vector_load %arg9[%parallel_loop3A_371, %parallel_loop3A_372] {strides = array<i32>} : memref<32x512xf32, #tpu.memory_space<vmem>>, vector<16xf32>,
      tpu.vector_store %arg9[%parallel_loop3A_371, %parallel_loop3A_372], %parallel_loop3A_205 {strides = array<i32>} : memref<32x512xf32, #tpu.memory_space<vmem>>, vector<16xf32>,
      %parallel_loop3A_374 = arith.constant 16 : i32
      %parallel_loop3A_375 = arith.muli %parallel_loop3A_129, %parallel_loop3A_374 : i32
      %parallel_loop3A_376 = arith.constant 24 : i32
      %parallel_loop3A_377 = arith.index_cast %parallel_loop3A_376 : i32 to index
      %parallel_loop3A_378 = arith.index_cast %parallel_loop3A_375 : i32 to index
      %parallel_loop3A_379 = tpu.vector_load %arg9[%parallel_loop3A_377, %parallel_loop3A_378] {strides = array<i32>} : memref<32x512xf32, #tpu.memory_space<vmem>>, vector<16xf32>,
      tpu.vector_store %arg9[%parallel_loop3A_377, %parallel_loop3A_378], %parallel_loop3A_208 {strides = array<i32>} : memref<32x512xf32, #tpu.memory_space<vmem>>, vector<16xf32>,
      %parallel_loop3A_380 = arith.constant 16 : i32
      %parallel_loop3A_381 = arith.muli %parallel_loop3A_129, %parallel_loop3A_380 : i32
      %parallel_loop3A_382 = arith.constant 25 : i32
      %parallel_loop3A_383 = arith.index_cast %parallel_loop3A_382 : i32 to index
      %parallel_loop3A_384 = arith.index_cast %parallel_loop3A_381 : i32 to index
      %parallel_loop3A_385 = tpu.vector_load %arg9[%parallel_loop3A_383, %parallel_loop3A_384] {strides = array<i32>} : memref<32x512xf32, #tpu.memory_space<vmem>>, vector<16xf32>,
      tpu.vector_store %arg9[%parallel_loop3A_383, %parallel_loop3A_384], %parallel_loop3A_211 {strides = array<i32>} : memref<32x512xf32, #tpu.memory_space<vmem>>, vector<16xf32>,
      %parallel_loop3A_386 = arith.constant 16 : i32
      %parallel_loop3A_387 = arith.muli %parallel_loop3A_129, %parallel_loop3A_386 : i32
      %parallel_loop3A_388 = arith.constant 26 : i32
      %parallel_loop3A_389 = arith.index_cast %parallel_loop3A_388 : i32 to index
      %parallel_loop3A_390 = arith.index_cast %parallel_loop3A_387 : i32 to index
      %parallel_loop3A_391 = tpu.vector_load %arg9[%parallel_loop3A_389, %parallel_loop3A_390] {strides = array<i32>} : memref<32x512xf32, #tpu.memory_space<vmem>>, vector<16xf32>,
      tpu.vector_store %arg9[%parallel_loop3A_389, %parallel_loop3A_390], %parallel_loop3A_214 {strides = array<i32>} : memref<32x512xf32, #tpu.memory_space<vmem>>, vector<16xf32>,
      %parallel_loop3A_392 = arith.constant 16 : i32
      %parallel_loop3A_393 = arith.muli %parallel_loop3A_129, %parallel_loop3A_392 : i32
      %parallel_loop3A_394 = arith.constant 27 : i32
      %parallel_loop3A_395 = arith.index_cast %parallel_loop3A_394 : i32 to index
      %parallel_loop3A_396 = arith.index_cast %parallel_loop3A_393 : i32 to index
      %parallel_loop3A_397 = tpu.vector_load %arg9[%parallel_loop3A_395, %parallel_loop3A_396] {strides = array<i32>} : memref<32x512xf32, #tpu.memory_space<vmem>>, vector<16xf32>,
      tpu.vector_store %arg9[%parallel_loop3A_395, %parallel_loop3A_396], %parallel_loop3A_217 {strides = array<i32>} : memref<32x512xf32, #tpu.memory_space<vmem>>, vector<16xf32>,
      %parallel_loop3A_398 = arith.constant 16 : i32
      %parallel_loop3A_399 = arith.muli %parallel_loop3A_129, %parallel_loop3A_398 : i32
      %parallel_loop3A_400 = arith.constant 28 : i32
      %parallel_loop3A_401 = arith.index_cast %parallel_loop3A_400 : i32 to index
      %parallel_loop3A_402 = arith.index_cast %parallel_loop3A_399 : i32 to index
      %parallel_loop3A_403 = tpu.vector_load %arg9[%parallel_loop3A_401, %parallel_loop3A_402] {strides = array<i32>} : memref<32x512xf32, #tpu.memory_space<vmem>>, vector<16xf32>,
      tpu.vector_store %arg9[%parallel_loop3A_401, %parallel_loop3A_402], %parallel_loop3A_220 {strides = array<i32>} : memref<32x512xf32, #tpu.memory_space<vmem>>, vector<16xf32>,
      %parallel_loop3A_404 = arith.constant 16 : i32
      %parallel_loop3A_405 = arith.muli %parallel_loop3A_129, %parallel_loop3A_404 : i32
      %parallel_loop3A_406 = arith.constant 29 : i32
      %parallel_loop3A_407 = arith.index_cast %parallel_loop3A_406 : i32 to index
      %parallel_loop3A_408 = arith.index_cast %parallel_loop3A_405 : i32 to index
      %parallel_loop3A_409 = tpu.vector_load %arg9[%parallel_loop3A_407, %parallel_loop3A_408] {strides = array<i32>} : memref<32x512xf32, #tpu.memory_space<vmem>>, vector<16xf32>,
      tpu.vector_store %arg9[%parallel_loop3A_407, %parallel_loop3A_408], %parallel_loop3A_223 {strides = array<i32>} : memref<32x512xf32, #tpu.memory_space<vmem>>, vector<16xf32>,
      %parallel_loop3A_410 = arith.constant 16 : i32
      %parallel_loop3A_411 = arith.muli %parallel_loop3A_129, %parallel_loop3A_410 : i32
      %parallel_loop3A_412 = arith.constant 30 : i32
      %parallel_loop3A_413 = arith.index_cast %parallel_loop3A_412 : i32 to index
      %parallel_loop3A_414 = arith.index_cast %parallel_loop3A_411 : i32 to index
      %parallel_loop3A_415 = tpu.vector_load %arg9[%parallel_loop3A_413, %parallel_loop3A_414] {strides = array<i32>} : memref<32x512xf32, #tpu.memory_space<vmem>>, vector<16xf32>,
      tpu.vector_store %arg9[%parallel_loop3A_413, %parallel_loop3A_414], %parallel_loop3A_226 {strides = array<i32>} : memref<32x512xf32, #tpu.memory_space<vmem>>, vector<16xf32>,
      %parallel_loop3A_416 = arith.constant 16 : i32
      %parallel_loop3A_417 = arith.muli %parallel_loop3A_129, %parallel_loop3A_416 : i32
      %parallel_loop3A_418 = arith.constant 31 : i32
      %parallel_loop3A_419 = arith.index_cast %parallel_loop3A_418 : i32 to index
      %parallel_loop3A_420 = arith.index_cast %parallel_loop3A_417 : i32 to index
      %parallel_loop3A_421 = tpu.vector_load %arg9[%parallel_loop3A_419, %parallel_loop3A_420] {strides = array<i32>} : memref<32x512xf32, #tpu.memory_space<vmem>>, vector<16xf32>,
      tpu.vector_store %arg9[%parallel_loop3A_419, %parallel_loop3A_420], %parallel_loop3A_229 {strides = array<i32>} : memref<32x512xf32, #tpu.memory_space<vmem>>, vector<16xf32>,
    } {sc.loop_unroll_factor = 2 : i64, sc.parallel_access}
    %dma_start3A_108 = arith.constant 49 : i32
    %dma_start3A_109 = arith.constant 0 : i32
    %dma_start3A_110 = tpu.memref_slice %arg4[%dma_start3A_108, %dma_start3A_109, %mul3A_2] : memref<50x32x16384xf32, #tpu.memory_space<hbm>> -> memref<1x32x512xf32, #tpu.memory_space<hbm>>
    %dma_start3A_111 = tpu.memref_squeeze %dma_start3A_110 : memref<1x32x512xf32, #tpu.memory_space<hbm>> -> memref<32x512xf32, #tpu.memory_space<hbm>>
    %dma_start3A_112 = arith.constant 0 : i32
    %dma_start3A_113 = tpu.memref_slice %arg4[%dma_start3A_108, %dma_start3A_112, %mul3A_2] : memref<50x32x16384xf32, #tpu.memory_space<hbm>> -> memref<1x32x512xf32, #tpu.memory_space<hbm>>
    %dma_start3A_114 = tpu.memref_squeeze %dma_start3A_113 : memref<1x32x512xf32, #tpu.memory_space<hbm>> -> memref<32x512xf32, #tpu.memory_space<hbm>>
    tpu.enqueue_dma source(%arg9 : memref<32x512xf32, #tpu.memory_space<vmem>>) target(%dma_start3A_114 : memref<32x512xf32, #tpu.memory_space<hbm>>) target_semaphore(%arg13 : memref<!tpu.dma_semaphore, #tpu.memory_space<semaphore_mem>>)
    %dma_wait3A_115 = arith.constant 48 : i32
    %dma_wait3A_116 = arith.constant 0 : i32
    %dma_wait3A_117 = tpu.memref_slice %arg4[%dma_wait3A_115, %dma_wait3A_116, %mul3A_2] : memref<50x32x16384xf32, #tpu.memory_space<hbm>> -> memref<1x32x512xf32, #tpu.memory_space<hbm>>
    %dma_wait3A_118 = tpu.memref_squeeze %dma_wait3A_117 : memref<1x32x512xf32, #tpu.memory_space<hbm>> -> memref<32x512xf32, #tpu.memory_space<hbm>>
    %dma_wait3A_119 = arith.constant 0 : i32
    %dma_wait3A_120 = tpu.memref_slice %arg4[%dma_wait3A_115, %dma_wait3A_119, %mul3A_2] : memref<50x32x16384xf32, #tpu.memory_space<hbm>> -> memref<1x32x512xf32, #tpu.memory_space<hbm>>
    %dma_wait3A_121 = tpu.memref_squeeze %dma_wait3A_120 : memref<1x32x512xf32, #tpu.memory_space<hbm>> -> memref<32x512xf32, #tpu.memory_space<hbm>>
    tpu.wait_dma2 semaphore(%arg12 : memref<!tpu.dma_semaphore, #tpu.memory_space<semaphore_mem>>) src(%arg8 : memref<32x512xf32, #tpu.memory_space<vmem>>) dst(%dma_wait3A_121 : memref<32x512xf32, #tpu.memory_space<hbm>>)
    %dma_wait3A_122 = arith.constant 49 : i32
    %dma_wait3A_123 = arith.constant 0 : i32
    %dma_wait3A_124 = tpu.memref_slice %arg4[%dma_wait3A_122, %dma_wait3A_123, %mul3A_2] : memref<50x32x16384xf32, #tpu.memory_space<hbm>> -> memref<1x32x512xf32, #tpu.memory_space<hbm>>
    %dma_wait3A_125 = tpu.memref_squeeze %dma_wait3A_124 : memref<1x32x512xf32, #tpu.memory_space<hbm>> -> memref<32x512xf32, #tpu.memory_space<hbm>>
    %dma_wait3A_126 = arith.constant 0 : i32
    %dma_wait3A_127 = tpu.memref_slice %arg4[%dma_wait3A_122, %dma_wait3A_126, %mul3A_2] : memref<50x32x16384xf32, #tpu.memory_space<hbm>> -> memref<1x32x512xf32, #tpu.memory_space<hbm>>
    %dma_wait3A_128 = tpu.memref_squeeze %dma_wait3A_127 : memref<1x32x512xf32, #tpu.memory_space<hbm>> -> memref<32x512xf32, #tpu.memory_space<hbm>>
    tpu.wait_dma2 semaphore(%arg13 : memref<!tpu.dma_semaphore, #tpu.memory_space<semaphore_mem>>) src(%arg9 : memref<32x512xf32, #tpu.memory_space<vmem>>) dst(%dma_wait3A_128 : memref<32x512xf32, #tpu.memory_space<hbm>>)
    return
  }
}

</mosaic_0001>

<sc_bundles>
// kernel: kernel.3.cloned.1.call-start
scs
__scs_entry_jumppad:
0x0: {  	(pc) =	sbr.rel $0x88, $3  }
0x1: {  	(tag) =	ssettag $0x0;
	lr =	simm.s32 $0x1  }
0x2: {  	[smem:$0x3F9F] =	sst lr;
	_ =	strace $0xD0000000  }
0x3: {  	_ = 	snop  }
0x4: {  	_ = 	snop  }
0x5: {  	_ = 	snop  }
0x6: {  	_ = 	snop  }
0x7: {  	_ = 	snop  }
__scs_overlays_trampoline_lowered:
0x8: {  	[smem:$0x3FAE] =	sst s0  }
0x9: {  	[smem:$0x3FAF] =	sst s1  }
0xa: {  	[smem:$0x3FB0] =	sst s2  }
0xb: {  	[smem:$0x3FB1] =	sst s3  }
0xc: {  	[smem:$0x3FB2] =	sst s4  }
0xd: {  	[smem:$0x3FB3] =	sst s5  }
0xe: {  	[smem:$0x3FB4] =	sst s6  }
0xf: {  	[smem:$0x3FB5] =	sst s7  }
0x10: {  	[smem:$0x3FB6] =	sst s8  }
0x11: {  	[smem:$0x3FB7] =	sst s9;
	s0 =	simm.s32 @!p0 $0x0  }
0x12: {  	s1 =	sld [smem:$0x3F9D];
	s0 =	simm.s32 @p0 $0x1  }
0x13: {  	[smem:$0x3FB8] =	sst s0;
	s0 =	simm.s32 @!p1 $0x0  }
0x14: {  	s2 =	sld [smem:$0x3F9C];
	s0 =	simm.s32 @p1 $0x1  }
0x15: {  	[smem:$0x3FB9] =	sst s0;
	s0 =	simm.s32 @!p2 $0x0  }
0x16: {  	s3 =	sld [smem:$0x3FDB];
	s0 =	simm.s32 @p2 $0x1  }
0x17: {  	s4 =	simm.s32 $0x1BF5;
	[smem:$0x3FBB] =	sst s0  }
0x18: {  	s0 =	sld [smem:$0x3F9E];
	_ =	swait.ge [sflag:s4], $0x0  }
0x19: {  	s7 =	sld [smem:$0x3F9F]  }
0x1a: {  	s8 =	sadd.s32 $0xFFFFE003, lr  }
0x1b: {  	s9 =	sadd.s32 $0xFFFFFEF7, lr;
	s5 =	simm.s32 $0xFFFFFFFF;
	p2 =	slt.u32 s8, $0xFFFFF086  }
0x1c: {  	p1 =	slt.u32 s9, $0xF7A;
	s5 =	simm.s32 @!p2 $0x0  }
0x1d: {  	s5 =	simm.s32 @p1 $0x1;
	p0 =	seq.s32 s7, s2  }
0x1e: {  	s7 =	smul.u32 @!p0 $0xF7A, s2;
	p2 =	seq.s32 @!p0 s5, $0x0  }
0x1f: {  	s9 =	smul.u32 $0xF7A, s1;
	s8 =	simm.s32 @!p0 $0x1BF5;
	p2 =	por !p2, p0  }
0x20: {  	[sflag:s8] =	ssyncset.s32 @!p0 $0xFFFFF086;
	s6 =	sadd.s32 @!p0 s3, s7;
	s7 =	simm.s32 @!p0 $0x108  }
0x21: {  	s3 =	sadd.s32 s3, s9;
	s6 =	sadd.s32 @!p0 $0x88, s6;
	s7 =	simm.s32 @p2 $0x1082  }
0x22: {  	[simem:s7], [sflag:s8] =	dma.local @!p0 [hbm:s6], $0xF7A  }
0x23: {  	s9 =	sor.u32 $0xD0000000, s2;
	s6 =	simm.s32 $0x108;
	_ =	swait.ge @!p0 [sflag:s8], $0x0  }
0x24: {  	s3 =	sadd.s32 $0x88, s3;
	s6 =	simm.s32 @!p1 $0x1082;
	[sflag:s4] =	ssyncset.s32 $0xFFFFF086  }
0x25: {  	[simem:s6], [sflag:s4] =	dma.local [hbm:s3], $0xF7A  }
0x26: {  	[smem:$0x3F9F] =	sst s1;
	(tag) =	ssettag s2;
	_ =	strace s9  }
0x27: {  	s1 =	sld [smem:$0x3FAF]  }
0x28: {  	s2 =	sld [smem:$0x3FB0]  }
0x29: {  	s4 =	sld [smem:$0x3FB2]  }
0x2a: {  	p0 =	seq.s32 s5, $0x0;
	s5 =	sld [smem:$0x3FB3]  }
0x2b: {  	s6 =	sld [smem:$0x3FB4]  }
0x2c: {  	s7 =	sld [smem:$0x3FB5]  }
0x2d: {  	s3 =	simm.s32 $0x108;
	s8 =	sld [smem:$0x3FB6]  }
0x2e: {  	s3 =	simm.s32 @!p0 $0x1082;
	s9 =	sld [smem:$0x3FB7]  }
0x2f: {  	lr =	sadd.s32 s0, s3;
	s0 =	sld [smem:$0x3FAE]  }
0x30: {  	s3 =	sld [smem:$0x3FB1]  }
0x31: {  	[smem:$0x3FBA] =	sst s10  }
0x32: {  	s10 =	sld [smem:$0x3FB8];
	_ =	sdelay $0x3  }
0x33: {  	p0 =	seq.s32 s10, $0x1;
	s10 =	sld [smem:$0x3FBA];
	_ =	sdelay $0x3  }
0x34: {  	[smem:$0x3FBA] =	sst s10  }
0x35: {  	s10 =	sld [smem:$0x3FB9];
	_ =	sdelay $0x3  }
0x36: {  	p1 =	seq.s32 s10, $0x1;
	s10 =	sld [smem:$0x3FBA];
	_ =	sdelay $0x3  }
0x37: {  	[smem:$0x3FBA] =	sst s10  }
0x38: {  	s10 =	sld [smem:$0x3FBB]  }
0x39: {  	_ = 	snop;
	(pc) =	sbr.ind lr, $3  }
0x3a: {  	_ = 	snop  }
0x3b: {  	_ = 	snop  }
0x3c: {  	p2 =	seq.s32 s10, $0x1;
	s10 =	sld [smem:$0x3FBA]  }
0x3d: {  	_ =	shalt  }
0x3e: {  	_ =	shalt  }
0x3f: {  	_ =	shalt  }
0x40: {  	_ =	shalt  }
0x41: {  	_ =	shalt  }
0x42: {  	_ =	shalt  }
0x43: {  	_ =	shalt  }
0x44: {  	_ =	shalt  }
0x45: {  	_ =	shalt  }
0x46: {  	_ =	shalt  }
0x47: {  	_ =	shalt  }
0x48: {  	_ =	shalt  }
0x49: {  	_ =	shalt  }
0x4a: {  	_ =	shalt  }
0x4b: {  	_ =	shalt  }
0x4c: {  	_ =	shalt  }
0x4d: {  	_ =	shalt  }
0x4e: {  	_ =	shalt  }
0x4f: {  	_ =	shalt  }
0x50: {  	_ =	shalt  }
0x51: {  	_ =	shalt  }
0x52: {  	_ =	shalt  }
0x53: {  	_ =	shalt  }
0x54: {  	_ =	shalt  }
0x55: {  	_ =	shalt  }
0x56: {  	_ =	shalt  }
0x57: {  	_ =	shalt  }
0x58: {  	_ =	shalt  }
0x59: {  	_ =	shalt  }
0x5a: {  	_ =	shalt  }
0x5b: {  	_ =	shalt  }
0x5c: {  	_ =	shalt  }
0x5d: {  	_ =	shalt  }
0x5e: {  	_ =	shalt  }
0x5f: {  	_ =	shalt  }
0x60: {  	_ =	shalt  }
0x61: {  	_ =	shalt  }
0x62: {  	_ =	shalt  }
0x63: {  	_ =	shalt  }
0x64: {  	_ =	shalt  }
0x65: {  	_ =	shalt  }
0x66: {  	_ =	shalt  }
0x67: {  	_ =	shalt  }
0x68: {  	_ =	shalt  }
0x69: {  	_ =	shalt  }
0x6a: {  	_ =	shalt  }
0x6b: {  	_ =	shalt  }
0x6c: {  	_ =	shalt  }
0x6d: {  	_ =	shalt  }
0x6e: {  	_ =	shalt  }
0x6f: {  	_ =	shalt  }
0x70: {  	_ =	shalt  }
0x71: {  	_ =	shalt  }
0x72: {  	_ =	shalt  }
0x73: {  	_ =	shalt  }
0x74: {  	_ =	shalt  }
0x75: {  	_ =	shalt  }
0x76: {  	_ =	shalt  }
0x77: {  	_ =	shalt  }
0x78: {  	_ =	shalt  }
0x79: {  	_ =	shalt  }
0x7a: {  	_ =	shalt  }
0x7b: {  	_ =	shalt  }
0x7c: {  	_ =	shalt  }
0x7d: {  	_ =	shalt  }
0x7e: {  	_ =	shalt  }
0x7f: {  	_ =	shalt  }
0x80: {  	_ =	shalt  }
0x81: {  	_ =	shalt  }
0x82: {  	_ =	shalt  }
0x83: {  	_ =	shalt  }
0x84: {  	_ =	shalt  }
0x85: {  	_ =	shalt  }
0x86: {  	_ =	shalt  }
0x87: {  	_ =	shalt  }
.Lfunc_end0:
.L_simem_size_0:
called_computation_lowered:
.L_overlay_start_0:
0x88: {  	s2 =	sld [smem:$0x3FD9]  }
0x89: {  	s3 =	sld [smem:$0x3FFE];
	_ =	sdelay $0x1  }
0x8a: {  	s1 =	srdreg.scid  }
0x8b: {  	s0 =	sand.u32 $0x1, s1  }
0x8c: {  	s17 =	sshll.u32 s0, $0xA;
	s2 =	sadd.s32 s3, s2  }
0x8d: {  	s2 =	sadd.s32 s2, s17  }
0x8e: {  	[smem:$0x3FC6] =	sst s2  }
0x8f: {  	_ = 	snop  }
0x90: {  	s2 =	sld [smem:$0x3FD0];
	(tm) =	ssettm $0x1  }
0x91: {  	s18 =	sld [smem:$0x3FFB];
	_ =	sdelay $0x3  }
0x92: {  	_ =	strace s18  }
0x93: {  	s3 =	sld [smem:$0x3FFC];
	_ =	sdelay $0x3  }
0x94: {  	_ =	strace s3  }
0x95: {  	s3 =	sld [smem:$0x3FFD];
	_ =	sdelay $0x3  }
0x96: {  	_ =	strace s3  }
0x97: {  	_ =	strace $0x8FFFFFFF  }
0x98: {  	s19 =	sld [smem:$0x3FDB];
	_ =	sdelay $0x1  }
0x99: {  	s4 =	simm.s32 $_scs_section_size  }
0x9a: {  	s5 =	simm.s32 $_size__tile_overlayer_lowered;
	s6 =	simm.s32 $_tile_overlayer_lowered  }
0x9b: {  	s22 =	simm.s32 $0x1BFF;
	s21 =	sshll.u32 s6, $0x1;
	s3 =	sadd.s32 s4, s19  }
0x9c: {  	s7 =	simm.s32 $0x0;
	s20 =	sshll.u32 s5, $0x1;
	s5 =	sadd.s32 s21, s3  }
0x9d: {  	[timem:s7], [sflag:s22] =	dma.local [hbm:s5], s20  }
0x9e: {  	_ =	swait.ge [sflag:s22], s20  }
0x9f: {  	s4 =	ssub.s32 $0x0, s20;
	[sflag:s22] =	ssyncset.done $0x0  }
0xa0: {  	[sflag:s22] =	ssyncadd.s32 s4;
	_ =	sdelay $0x1  }
0xa1: {  	s23 =	simm.s32 $0x1B8B  }
0xa2: {  	_ =	swait.ge [sflag:s23], $0x1  }
0xa3: {  	[sflag:s23] =	ssyncset.done $0x0  }
0xa4: {  	s25 =	simm.s32 $0x1B8E;
	s24 =	sld [smem:$0x3FFE];
	[sflag:s23] =	ssyncadd.s32 $0xFFFFFFFF  }
0xa5: {  	s26 =	simm.s32 $execute0_lowered;
	[smem:$0x3FD2] =	sst s25  }
0xa6: {  	s5 =	sshll.u32 s26, $0x1;
	_ =	strace $0x80000046;
	[dreg:$0x1] =	wrdreg $0xFFFFFFFF  }
0xa7: {  	s28 =	simm.s32 $_size_execute0_lowered;
	s3 =	sadd.s32 s3, s5;
	[dreg:$0x0] =	wrdreg $0x0  }
0xa8: {  	s5 =	sshll.u32 s28, $0x1;
	[dreg:$0x2] =	wrdreg s3  }
0xa9: {  	[dreg:$0x3] =	wrdreg s5  }
0xaa: {  	[dreg:$0x4] =	wrdreg $0xC0  }
0xab: {  	_ =	task [dreg:s7], $0x5FFFF  }
0xac: {  	[dreg:$0x1] =	wrdreg $0xFFFFFFFF  }
0xad: {  	[dreg:$0x0] =	wrdreg $0x60  }
0xae: {  	[dreg:$0x2] =	wrdreg s2  }
0xaf: {  	[dreg:$0x3] =	wrdreg s24  }
0xb0: {  	[dreg:$0x4] =	wrdreg $0x9  }
0xb1: {  	_ =	task.clear_ibuf [dreg:s7], $0x5FFFF;
	_ =	strace $0x90000046  }
0xb2: {  	s29 =	simm.s32 $0x9;
	_ =	strace $0x80000048  }
0xb3: {  	_ =	swait.ge [sflag:s29], $0x1  }
0xb4: {  	[sflag:s29] =	ssyncadd.s32 $0xFFFFFFFF  }
0xb5: {  	_ =	strace $0x90000048  }
0xb6: {  	_ =	sfence  }
0xb7: {  	s30 =	sld [smem:$0x0];
	_ =	sdelay $0x2  }
0xb8: {  	s31 =	sshll.u32 s1, $0xD;
	s1 =	sshrl.u32 s1, $0x2  }
0xb9: {  	s3 =	sand.u32 $0x4000, s31;
	s1 =	sadd.s32 s1, s30  }
0xba: {  	s0 =	sor.u32 s3, s0;
	s1 =	sshll.u32 s1, $0x11  }
0xbb: {  	s0 =	sor.u32 s1, s0  }
0xbc: {  	s0 =	sadd.s32 $0x8F2B, s0  }
0xbd: {  	[sflag:s0] =	ssyncadd.remote.s32 $0x1  }
0xbe: {  	_ =	sfence.sel $0xFFFF  }
0xbf: {  	[dreg:$0x0] =	wrdreg $0xFFFFFFFF;
	(pc) =	sbr.abs _section_cstart, $3  }
0xc0: {  	[dreg:$0x1] =	wrdreg $0xFFFFFFFF  }
0xc1: {  	_ =	task.clear_ibuf [dreg:s7], $0x2FFFF;
	_ =	strace $0x9FFFFFFF  }
0xc2: {  	(tm) =	ssettm $0x7FFFFFFF  }
0xc3: {  	_ =	shalt  }
tec
execute0_lowered:
.L_overlay_start_1:
0x0: {  	(tag) =	ssettag $0x1  }
0x1: {  	s0 =	rddreg [dreg:$0x0]  }
0x2: {  	s1 =	rddreg [dreg:$0x1];
	s3 =	srdreg.scid  }
0x3: {  	s2 =	simm.s32 $0x0;
	s4 =	stileid.u32;
	s13 =	simm.s32 $0x200  }
0x4: {  	s14 =	simm.s32 $0x4000;
	s15 =	simm.s32 $0x5;
	s16 =	simm.s32 $0x6400  }
0x5: {  	s17 =	simm.s32 $0x1;
	s18 =	simm.s32 $0xA400;
	s19 =	simm.s32 $0xE400  }
0x6: {  	s20 =	simm.s32 $0x2;
	s22 =	simm.s32 $0x12400;
	s23 =	simm.s32 $0x3  }
0x7: {  	s24 =	simm.s32 $0x4;
	s26 =	simm.s32 $0x0;
	s5 =	sand.u32 $0x1, s3  }
0x8: {  	[smem:$0x7FF] =	sst s2;
	s29 =	sshll.u32 s4, $0xA;
	s4 =	sadd.s32 $0x600, s1  }
0x9: {  	s30 =	sshll.u32 s5, $0x9;
	_ =	strace $0x80000047;
	s7 =	ssub.s32 $0x2, s5  }
0xa: {  	v0 =	vlaneseq.u32;
	s5 =	sadd.s32 $0xF42A00, s1;
	s3 =	sor.u32 s30, s29;
	s31 =	sshrl.u32 s7, $0x1  }
0xb: {  	v45 =	vmul.u32 $0x20, v0;
	s8 =	sshrl.u32 s3, $0x3;
	s1 =	ssub.s32 s7, s31;
	s9 =	sor.u32 $0x100000, s3  }
0xc: {  	s6 =	sadd.s32 s4, s8;
	s7 =	sadd.s32 s0, s8;
	s12 =	smax.u32 s1, $0x1  }
0xd: {  	[tilespmem:$0x1FFF0] =	vst v45;
	s8 =	sadd.s32 $0x10000, s6;
	s10 =	sadd.s32 $0x300000, s6;
	s11 =	sadd.s32 $0x310000, s6  }
.LBB2_1:
0xe: {  	[tilespmem:s2], [sflag:$0x5] =	stream.strided.gather [hbm4b:s7+s13], $0x6400, s14, s13, $0x38;
	[tilespmem:$0x16400] =	vst v63  }
0xf: {  	s0 =	simm.s32 $0x10;
	_ =	swait.ge [sflag:s15], $0x6400  }
0x10: {  	v0 =	vmov s0;
	[sflag:s15] =	ssyncset.done $0x0  }
0x11: {  	v0 =	vshll.u32 v0, $0x5;
	[sflag:s15] =	ssyncadd.s32 $0xFFFF9C00  }
0x12: {  	v0 =	vor.u32 v45, v0;
	[tilespmem:s16], [sflag:$0x1] =	stream.indirect.gather [hbm4b:s5+s13], $0x20, s2, s13, $0xb8;
	[tilespmem:$0x16400] =	vst v63  }
0x13: {  	_ =	swait.ge [sflag:s17], $0x4000  }
0x14: {  	[sflag:s17] =	ssyncset.done $0x0  }
0x15: {  	[sflag:s17] =	ssyncadd.s32 $0xFFFFC000  }
0x16: {  	[tilespmem:s18], [sflag:$0x2] =	stream.indirect.gather [hbm4b:s5+s13], $0x20, s13, s13, $0xb8;
	[tilespmem:$0x16400] =	vst v63  }
0x17: {  	v5 =	vld.idx.msk [tilespmem:v0+s16+$0x0], $0xffff  }
0x18: {  	v1 =	vor.u32 $0x1, v0  }
0x19: {  	v2 =	vor.u32 $0x2, v0  }
0x1a: {  	v3 =	vor.u32 $0x3, v0  }
0x1b: {  	v4 =	vor.u32 $0x4, v0  }
0x1c: {  	v6 =	vor.u32 $0x6, v0;
	[tilespmem:$0x1FFD0] =	vst v5  }
0x1d: {  	v7 =	vor.u32 $0x7, v0;
	v1 =	vld.idx.msk [tilespmem:v1+s16+$0x0], $0xffff  }
0x1e: {  	v8 =	vor.u32 $0x8, v0;
	v2 =	vld.idx.msk [tilespmem:v2+s16+$0x0], $0xffff  }
0x1f: {  	v9 =	vor.u32 $0x9, v0;
	v3 =	vld.idx.msk [tilespmem:v3+s16+$0x0], $0xffff  }
0x20: {  	v10 =	vor.u32 $0xA, v0;
	v4 =	vld.idx.msk [tilespmem:v4+s16+$0x0], $0xffff  }
0x21: {  	v11 =	vor.u32 $0xB, v0;
	v6 =	vld.idx.msk [tilespmem:v6+s16+$0x0], $0xffff  }
0x22: {  	v12 =	vor.u32 $0xC, v0;
	v7 =	vld.idx.msk [tilespmem:v7+s16+$0x0], $0xffff  }
0x23: {  	v13 =	vor.u32 $0xD, v0;
	v8 =	vld.idx.msk [tilespmem:v8+s16+$0x0], $0xffff  }
0x24: {  	v14 =	vor.u32 $0xE, v0;
	v9 =	vld.idx.msk [tilespmem:v9+s16+$0x0], $0xffff  }
0x25: {  	v15 =	vor.u32 $0xF, v0;
	v10 =	vld.idx.msk [tilespmem:v10+s16+$0x0], $0xffff  }
0x26: {  	v17 =	vor.u32 $0x11, v0;
	v16 =	vld.idx.msk [tilespmem:v11+s16+$0x0], $0xffff  }
0x27: {  	v19 =	vor.u32 $0x13, v0;
	v12 =	vld.idx.msk [tilespmem:v12+s16+$0x0], $0xffff  }
0x28: {  	v23 =	vmov s2;
	v22 =	vor.u32 $0x16, v0;
	v18 =	vld.idx.msk [tilespmem:v13+s16+$0x0], $0xffff  }
0x29: {  	v23 =	vshll.u32 v23, $0x5;
	v24 =	vor.u32 $0x1D, v0;
	v14 =	vld.idx.msk [tilespmem:v14+s16+$0x0], $0xffff  }
0x2a: {  	v44 =	vor.u32 v45, v23;
	v20 =	vld.idx.msk [tilespmem:v15+s16+$0x0], $0xffff  }
0x2b: {  	v11 =	vor.u32 $0x10, v0;
	v17 =	vld.idx.msk [tilespmem:v17+s16+$0x0], $0xffff  }
0x2c: {  	v13 =	vor.u32 $0x12, v0;
	v27 =	vld.idx.msk [tilespmem:v19+s16+$0x0], $0xffff  }
0x2d: {  	v5 =	vor.u32 $0x5, v0;
	v36 =	vld.idx.msk [tilespmem:v22+s16+$0x0], $0xffff  }
0x2e: {  	v15 =	vor.u32 $0x14, v0;
	v31 =	vld.idx.msk [tilespmem:v24+s16+$0x0], $0xffff  }
0x2f: {  	v19 =	vor.u32 $0x18, v0;
	v23 =	vld.idx.msk [tilespmem:v44+s16+$0x0], $0xffff  }
0x30: {  	v21 =	vld.idx.msk [tilespmem:v11+s16+$0x0], $0xffff;
	v11 =	vor.u32 $0x15, v0  }
0x31: {  	v25 =	vld.idx.msk [tilespmem:v13+s16+$0x0], $0xffff;
	v13 =	vor.u32 $0x17, v0  }
0x32: {  	v22 =	vor.u32 $0x1A, v0;
	v5 =	vld.idx.msk [tilespmem:v5+s16+$0x0], $0xffff  }
0x33: {  	v28 =	vld.idx.msk [tilespmem:v15+s16+$0x0], $0xffff;
	v15 =	vor.u32 $0x1F, v0  }
0x34: {  	v41 =	vld.idx.msk [tilespmem:v19+s16+$0x0], $0xffff;
	v19 =	vor.u32 $0x1C, v0  }
0x35: {  	v34 =	vld.idx.msk [tilespmem:v11+s16+$0x0], $0xffff;
	v11 =	vor.u32 $0x19, v0  }
0x36: {  	v40 =	vld.idx.msk [tilespmem:v13+s16+$0x0], $0xffff;
	v13 =	vor.u32 $0x1B, v0  }
0x37: {  	v39 =	vld.idx.msk [tilespmem:v22+s16+$0x0], $0xffff;
	v0 =	vor.u32 $0x1E, v0  }
0x38: {  	v15 =	vld.idx.msk [tilespmem:v15+s16+$0x0], $0xffff  }
0x39: {  	v35 =	vld.idx.msk [tilespmem:v19+s16+$0x0], $0xffff;
	v19 =	vor.u32 $0x3, v44  }
0x3a: {  	v22 =	vor.u32 $0x4, v44;
	v38 =	vld.idx.msk [tilespmem:v11+s16+$0x0], $0xffff  }
0x3b: {  	v51 =	vor.u32 $0x5, v44;
	v37 =	vld.idx.msk [tilespmem:v13+s16+$0x0], $0xffff  }
0x3c: {  	s28 =	simm.s32 $0x10400;
	v52 =	vor.u32 $0x7, v44;
	v32 =	vld.idx.msk [tilespmem:v0+s16+$0x0], $0xffff;
	[tilespmem:$0x1FFE0] =	vst v23  }
0x3d: {  	v55 =	vor.u32 $0xB, v44;
	[tilespmem:s28+$0x1E10] =	vst v15  }
0x3e: {  	v56 =	vor.u32 $0xD, v44;
	[tilespmem:s28+$0xFFFFE210] =	vst v1;
	v29 =	vld.idx.msk [tilespmem:v19+s16+$0x0], $0xffff  }
0x3f: {  	v57 =	vor.u32 $0xE, v44;
	[tilespmem:s28+$0xFFFFE410] =	vst v2;
	v26 =	vld.idx.msk [tilespmem:v22+s16+$0x0], $0xffff  }
0x40: {  	v58 =	vor.u32 $0xF, v44;
	[tilespmem:s28+$0xFFFFE610] =	vst v3;
	v24 =	vld.idx.msk [tilespmem:v51+s16+$0x0], $0xffff  }
0x41: {  	v59 =	vor.u32 $0x11, v44;
	[tilespmem:s28+$0xFFFFE810] =	vst v4;
	v19 =	vld.idx.msk [tilespmem:v52+s16+$0x0], $0xffff  }
0x42: {  	v60 =	vor.u32 $0x13, v44;
	[tilespmem:s28+$0xFFFFEE10] =	vst v7;
	v7 =	vld.idx.msk [tilespmem:v55+s16+$0x0], $0xffff  }
0x43: {  	v61 =	vor.u32 $0x14, v44;
	[tilespmem:s28+$0xFFFFEC10] =	vst v6;
	v6 =	vld.idx.msk [tilespmem:v56+s16+$0x0], $0xffff  }
0x44: {  	v62 =	vor.u32 $0x15, v44;
	[tilespmem:s28+$0xFFFFF010] =	vst v8;
	v8 =	vld.idx.msk [tilespmem:v57+s16+$0x0], $0xffff  }
0x45: {  	v11 =	vor.u32 $0x1, v44;
	[tilespmem:s28+$0xFFFFF810] =	vst v12;
	v12 =	vld.idx.msk [tilespmem:v58+s16+$0x0], $0xffff  }
0x46: {  	v4 =	vor.u32 $0xA, v44;
	[tilespmem:s28+$0xFFFFF610] =	vst v16;
	v16 =	vld.idx.msk [tilespmem:v59+s16+$0x0], $0xffff  }
0x47: {  	v63 =	vor.u32 $0x17, v44;
	[tilespmem:s28+$0x10] =	vst v21;
	v21 =	vld.idx.msk [tilespmem:v60+s16+$0x0], $0xffff  }
0x48: {  	v13 =	vor.u32 $0x2, v44;
	[tilespmem:s28+$0x210] =	vst v17;
	v17 =	vld.idx.msk [tilespmem:v61+s16+$0x0], $0xffff  }
0x49: {  	v54 =	vor.u32 $0x9, v44;
	[tilespmem:s28+$0xFFFFFA10] =	vst v18;
	v18 =	vld.idx.msk [tilespmem:v62+s16+$0x0], $0xffff  }
0x4a: {  	[tilespmem:s28+$0xFFFFEA10] =	vst v5;
	v5 =	vor.u32 $0xC, v44;
	v33 =	vld.idx.msk [tilespmem:v11+s16+$0x0], $0xffff  }
0x4b: {  	[tilespmem:s28+$0xFFFFF210] =	vst v9;
	v11 =	vld.idx.msk [tilespmem:v4+s16+$0x0], $0xffff;
	v4 =	vor.u32 $0x10, v44  }
0x4c: {  	v15 =	vor.u32 $0x6, v44;
	[tilespmem:s28+$0x610] =	vst v27;
	v27 =	vld.idx.msk [tilespmem:v63+s16+$0x0], $0xffff  }
0x4d: {  	v53 =	vor.u32 $0x8, v44;
	[tilespmem:s28+$0xFFFFF410] =	vst v10;
	v30 =	vld.idx.msk [tilespmem:v13+s16+$0x0], $0xffff  }
0x4e: {  	v9 =	vor.u32 $0x12, v44;
	[tilespmem:s28+$0xFFFFFC10] =	vst v14;
	v13 =	vld.idx.msk [tilespmem:v54+s16+$0x0], $0xffff  }
0x4f: {  	[tilespmem:s28+$0xFFFFFE10] =	vst v20;
	v42 =	vld.idx.msk [tilespmem:v5+s16+$0x0], $0xffff;
	v5 =	vor.u32 $0x18, v44  }
0x50: {  	[tilespmem:s28+$0x410] =	vst v25;
	v14 =	vld.idx.msk [tilespmem:v4+s16+$0x0], $0xffff;
	v4 =	vor.u32 $0x16, v44  }
0x51: {  	[tilespmem:s28+$0xA10] =	vst v34;
	v34 =	vor.u32 $0x19, v44;
	v23 =	vld.idx.msk [tilespmem:v15+s16+$0x0], $0xffff  }
0x52: {  	[tilespmem:s28+$0x810] =	vst v28;
	v28 =	vor.u32 $0x1A, v44;
	v15 =	vld.idx.msk [tilespmem:v53+s16+$0x0], $0xffff  }
0x53: {  	[tilespmem:s28+$0xC10] =	vst v36;
	v25 =	vor.u32 $0x1B, v44;
	v20 =	vld.idx.msk [tilespmem:v9+s16+$0x0], $0xffff  }
0x54: {  	[tilespmem:s28+$0xE10] =	vst v40;
	v9 =	vor.u32 $0x1C, v44;
	v36 =	vld.idx.msk [tilespmem:v5+s16+$0x0], $0xffff  }
0x55: {  	s1 =	simm.s32 $0x20;
	s0 =	simm.s32 $0x0;
	v43 =	vor.u32 $0x1E, v44;
	v10 =	vor.u32 $0x1D, v44;
	[tilespmem:s28+$0x1010] =	vst v41;
	v44 =	vor.u32 $0x1F, v44;
	v22 =	vld.idx.msk [tilespmem:v4+s16+$0x0], $0xffff  }
.LBB2_2:
0x56: {  	v41 =	vld.idx.msk [tilespmem:v34+s16+$0x0], $0xffff;
	[tilespmem:s28+$0x1210] =	vst v38  }
0x57: {  	v40 =	vld.idx.msk [tilespmem:v28+s16+$0x0], $0xffff;
	[tilespmem:s28+$0x1410] =	vst v39  }
0x58: {  	v38 =	vld.idx.msk [tilespmem:v25+s16+$0x0], $0xffff;
	[tilespmem:s28+$0x1610] =	vst v37  }
0x59: {  	v0 =	vmov s1;
	v39 =	vld.idx.msk [tilespmem:v9+s16+$0x0], $0xffff;
	[tilespmem:s28+$0x1810] =	vst v35  }
0x5a: {  	v35 =	vld.idx.msk [tilespmem:v10+s16+$0x0], $0xffff;
	[tilespmem:s28+$0x1A10] =	vst v31;
	v2 =	vshll.u32 v0, $0x5  }
0x5b: {  	v31 =	vld.idx.msk [tilespmem:v43+s16+$0x0], $0xffff;
	[tilespmem:s28+$0x1C10] =	vst v32;
	v0 =	vor.u32 v45, v2  }
0x5c: {  	v2 =	vld.idx.msk [tilespmem:v44+s16+$0x0], $0xffff;
	[tilespmem:s28+$0xFFFFE200] =	vst v33;
	v1 =	vor.u32 $0x2, v0  }
0x5d: {  	s21 =	sadd.s32 $0x10, s1;
	v62 =	vor.u32 $0x4, v0;
	[tilespmem:$0x1FF80] =	vst v1  }
0x5e: {  	v60 =	vmov s21;
	v63 =	vor.u32 $0x6, v0;
	[tilespmem:$0x1FF90] =	vst v62  }
0x5f: {  	v61 =	vshll.u32 v60, $0x5;
	v32 =	vor.u32 $0x8, v0;
	[tilespmem:$0x1FFA0] =	vst v63  }
0x60: {  	v37 =	vor.u32 v45, v61;
	v34 =	vor.u32 $0xC, v0;
	[tilespmem:$0x1FFB0] =	vst v32  }
0x61: {  	[tilespmem:$0x1FFC0] =	vst v34  }
0x62: {  	v9 =	vor.u32 $0x1, v37;
	v32 =	vld.idx.msk [tilespmem:v0+s16+$0x0], $0xffff;
	[tilespmem:s28+$0xFFFFE400] =	vst v30  }
0x63: {  	v10 =	vor.u32 $0x2, v37;
	[tilespmem:s28+$0xFFFFE600] =	vst v29  }
0x64: {  	v4 =	vor.u32 $0x3, v37;
	[tilespmem:s28+$0xFFFFE800] =	vst v26  }
0x65: {  	v3 =	vor.u32 $0x4, v37;
	v30 =	vld.idx.msk [tilespmem:v37+s16+$0x0], $0xffff;
	[tilespmem:s28+$0xFFFFEA00] =	vst v24  }
0x66: {  	v25 =	vor.u32 $0x5, v37;
	[tilespmem:s28+$0x1E00] =	vst v2;
	v2 =	vld [tilespmem:$0x1FFD0]  }
0x67: {  	v5 =	vor.u32 $0xC, v37;
	[tilespmem:s28+$0xFFFFEC00] =	vst v23;
	v29 =	vld.idx.msk [tilespmem:v9+s16+$0x0], $0xffff  }
0x68: {  	v1 =	vor.u32 $0xB, v37;
	[tilespmem:s28+$0xFFFFEE00] =	vst v19;
	v26 =	vld.idx.msk [tilespmem:v10+s16+$0x0], $0xffff  }
0x69: {  	[tilespmem:s28+$0xFFFFF800] =	vst v42;
	v42 =	vor.u32 $0xF, v37;
	v24 =	vld.idx.msk [tilespmem:v4+s16+$0x0], $0xffff  }
0x6a: {  	[tilespmem:s28+$0xFFFFFA00] =	vst v6;
	v6 =	vor.u32 $0x10, v37;
	v23 =	vld.idx.msk [tilespmem:v3+s16+$0x0], $0xffff  }
0x6b: {  	v52 =	vor.u32 $0x1, v0;
	v53 =	vor.u32 $0x3, v0;
	[tilespmem:s28+$0xFFFFFC00] =	vst v8;
	v8 =	vor.u32 $0x11, v37;
	v19 =	vld.idx.msk [tilespmem:v25+s16+$0x0], $0xffff  }
0x6c: {  	v54 =	vor.u32 $0x5, v0;
	v55 =	vor.u32 $0x7, v0;
	[tilespmem:s28+$0xFFFFFE00] =	vst v12;
	v12 =	vor.u32 $0x12, v37;
	v5 =	vld.idx.msk [tilespmem:v5+s16+$0x0], $0xffff  }
0x6d: {  	v51 =	vor.u32 $0xA, v0;
	v56 =	vor.u32 $0xB, v0;
	[tilespmem:s28+$0x0] =	vst v14;
	v14 =	vor.u32 $0x13, v37;
	v1 =	vld.idx.msk [tilespmem:v1+s16+$0x0], $0xffff  }
0x6e: {  	v57 =	vor.u32 $0xD, v0;
	v45 =	vor.u32 $0xE, v0;
	[tilespmem:s28+$0x200] =	vst v16;
	v9 =	vor.u32 $0x6, v37;
	v16 =	vld.idx.msk [tilespmem:v42+s16+$0x0], $0xffff  }
0x6f: {  	v58 =	vor.u32 $0xF, v0;
	v46 =	vor.u32 $0x10, v0;
	[tilespmem:s28+$0x400] =	vst v20;
	v10 =	vor.u32 $0x7, v37;
	v20 =	vld.idx.msk [tilespmem:v6+s16+$0x0], $0xffff  }
0x70: {  	v59 =	vor.u32 $0x11, v0;
	v47 =	vor.u32 $0x12, v0;
	[tilespmem:s28+$0x600] =	vst v21;
	v4 =	vor.u32 $0x8, v37;
	v21 =	vld.idx.msk [tilespmem:v8+s16+$0x0], $0xffff  }
0x71: {  	v60 =	vor.u32 $0x13, v0;
	v48 =	vor.u32 $0x14, v0;
	[tilespmem:s28+$0x800] =	vst v17;
	v3 =	vor.u32 $0x9, v37;
	v17 =	vld.idx.msk [tilespmem:v12+s16+$0x0], $0xffff  }
0x72: {  	v61 =	vor.u32 $0x15, v0;
	v49 =	vor.u32 $0x16, v0;
	v33 =	vor.u32 $0xA, v37;
	[tilespmem:s28+$0xA00] =	vst v18;
	v18 =	vld.idx.msk [tilespmem:v14+s16+$0x0], $0xffff  }
0x73: {  	v50 =	vor.u32 $0x18, v0;
	v28 =	vor.u32 $0x1A, v0;
	[tilespmem:s28+$0xFFFFF000] =	vst v15;
	v42 =	vor.u32 $0x14, v37;
	v15 =	vld.idx.msk [tilespmem:v9+s16+$0x0], $0xffff  }
0x74: {  	v43 =	vor.u32 $0x1E, v0;
	v44 =	vor.u32 $0x1F, v0;
	[tilespmem:s28+$0xFFFFF200] =	vst v13;
	v6 =	vor.u32 $0x15, v37;
	v13 =	vld.idx.msk [tilespmem:v10+s16+$0x0], $0xffff  }
0x75: {  	v63 =	vor.u32 $0x9, v0;
	v62 =	vor.u32 $0x17, v0;
	[tilespmem:s28+$0xFFFFF400] =	vst v11;
	v8 =	vor.u32 $0x16, v37;
	v11 =	vld.idx.msk [tilespmem:v4+s16+$0x0], $0xffff  }
0x76: {  	v34 =	vor.u32 $0x19, v0;
	[tilespmem:s28+$0xFFFFF600] =	vst v7;
	v25 =	vor.u32 $0x1B, v0;
	v12 =	vor.u32 $0x17, v37;
	v7 =	vld.idx.msk [tilespmem:v3+s16+$0x0], $0xffff  }
0x77: {  	v14 =	vor.u32 $0x18, v37;
	v9 =	vor.u32 $0x1C, v0;
	v10 =	vor.u32 $0x1D, v0;
	v0 =	vld.idx.msk [tilespmem:v33+s16+$0x0], $0xffff  }
0x78: {  	[tilespmem:s28+$0xC00] =	vst v22;
	v4 =	vor.u32 $0xD, v37;
	v22 =	vld.idx.msk [tilespmem:v42+s16+$0x0], $0xffff  }
0x79: {  	[tilespmem:s28+$0xE00] =	vst v27;
	v3 =	vor.u32 $0xE, v37;
	v27 =	vld.idx.msk [tilespmem:v6+s16+$0x0], $0xffff  }
0x7a: {  	[tilespmem:s28+$0x1000] =	vst v36;
	v33 =	vor.u32 $0x1F, v37;
	v36 =	vld.idx.msk [tilespmem:v8+s16+$0x0], $0xffff  }
0x7b: {  	[tilespmem:s28+$0x1200] =	vst v41;
	v6 =	vor.u32 $0x19, v37;
	v41 =	vld.idx.msk [tilespmem:v12+s16+$0x0], $0xffff  }
0x7c: {  	[tilespmem:s28+$0x1400] =	vst v40;
	v8 =	vor.u32 $0x1A, v37;
	v40 =	vld.idx.msk [tilespmem:v14+s16+$0x0], $0xffff  }
0x7d: {  	v12 =	vor.u32 $0x1B, v37;
	v4 =	vld.idx.msk [tilespmem:v4+s16+$0x0], $0xffff  }
0x7e: {  	v14 =	vor.u32 $0x1C, v37;
	v3 =	vld.idx.msk [tilespmem:v3+s16+$0x0], $0xffff  }
0x7f: {  	v42 =	vor.u32 $0x1D, v37;
	v33 =	vld.idx.msk [tilespmem:v33+s16+$0x0], $0xffff  }
0x80: {  	[tilespmem:s28+$0x1600] =	vst v38;
	v38 =	vld.idx.msk [tilespmem:v6+s16+$0x0], $0xffff  }
0x81: {  	[tilespmem:s28+$0x1800] =	vst v39;
	v39 =	vld.idx.msk [tilespmem:v8+s16+$0x0], $0xffff  }
0x82: {  	[tilespmem:s28+$0x1A00] =	vst v35;
	v6 =	vor.u32 $0x1E, v37;
	v37 =	vld.idx.msk [tilespmem:v12+s16+$0x0], $0xffff  }
0x83: {  	v35 =	vld.idx.msk [tilespmem:v14+s16+$0x0], $0xffff;
	[tilespmem:s28+$0xFFFFE010] =	vst v2  }
0x84: {  	[tilespmem:s28+$0x1C00] =	vst v31;
	v31 =	vld.idx.msk [tilespmem:v42+s16+$0x0], $0xffff  }
0x85: {  	v42 =	vld [tilespmem:$0x1FFE0];
	_ =	sdelay $0x4  }
0x86: {  	[tilespmem:s28+$0xFFFFE000] =	vst v42;
	s28 =	sadd.s32 $0x20, s28;
	v42 =	vmov v32;
	v32 =	vld.idx.msk [tilespmem:v6+s16+$0x0], $0xffff  }
0x87: {  	[tilespmem:s28+$0x1E10] =	vst v33;
	v33 =	vld.idx.msk [tilespmem:v52+s16+$0x0], $0xffff  }
0x88: {  	v52 =	vld [tilespmem:$0x1FF80]  }
0x89: {  	[tilespmem:s28+$0xFFFFE210] =	vst v29;
	v29 =	vld.idx.msk [tilespmem:v53+s16+$0x0], $0xffff  }
0x8a: {  	v53 =	vld [tilespmem:$0x1FF90]  }
0x8b: {  	[tilespmem:s28+$0xFFFFE610] =	vst v24;
	v24 =	vld.idx.msk [tilespmem:v54+s16+$0x0], $0xffff  }
0x8c: {  	v54 =	vld [tilespmem:$0x1FFA0]  }
0x8d: {  	v2 =	vmov v30;
	[tilespmem:s28+$0xFFFFEA10] =	vst v19;
	v19 =	vld.idx.msk [tilespmem:v55+s16+$0x0], $0xffff  }
0x8e: {  	[tilespmem:$0x1FFD0] =	vst v2;
	v55 =	vld [tilespmem:$0x1FFB0]  }
0x8f: {  	[tilespmem:s28+$0xFFFFEE10] =	vst v13;
	v13 =	vld.idx.msk [tilespmem:v63+s16+$0x0], $0xffff  }
0x90: {  	[tilespmem:s28+$0xFFFFF010] =	vst v11;
	v11 =	vld.idx.msk [tilespmem:v51+s16+$0x0], $0xffff  }
0x91: {  	[tilespmem:s28+$0xFFFFF210] =	vst v7;
	v7 =	vld.idx.msk [tilespmem:v56+s16+$0x0], $0xffff  }
0x92: {  	[tilespmem:$0x1FFE0] =	vst v42;
	v63 =	vld [tilespmem:$0x1FFC0]  }
0x93: {  	[tilespmem:s28+$0xFFFFE410] =	vst v26;
	v6 =	vld.idx.msk [tilespmem:v57+s16+$0x0], $0xffff  }
0x94: {  	[tilespmem:s28+$0xFFFFE810] =	vst v23;
	v8 =	vld.idx.msk [tilespmem:v45+s16+$0x0], $0xffff  }
0x95: {  	[tilespmem:s28+$0xFFFFEC10] =	vst v15;
	v45 =	vld [tilespmem:$0x1FFF0]  }
0x96: {  	[tilespmem:s28+$0xFFFFF410] =	vst v0;
	v12 =	vld.idx.msk [tilespmem:v58+s16+$0x0], $0xffff  }
0x97: {  	[tilespmem:s28+$0xFFFFF610] =	vst v1;
	v14 =	vld.idx.msk [tilespmem:v46+s16+$0x0], $0xffff  }
0x98: {  	[tilespmem:s28+$0xFFFFFE10] =	vst v16;
	v16 =	vld.idx.msk [tilespmem:v59+s16+$0x0], $0xffff  }
0x99: {  	[tilespmem:s28+$0x10] =	vst v20;
	v20 =	vld.idx.msk [tilespmem:v47+s16+$0x0], $0xffff  }
0x9a: {  	[tilespmem:s28+$0x210] =	vst v21;
	v21 =	vld.idx.msk [tilespmem:v60+s16+$0x0], $0xffff  }
0x9b: {  	[tilespmem:s28+$0x410] =	vst v17;
	v17 =	vld.idx.msk [tilespmem:v48+s16+$0x0], $0xffff  }
0x9c: {  	[tilespmem:s28+$0x610] =	vst v18;
	v18 =	vld.idx.msk [tilespmem:v61+s16+$0x0], $0xffff  }
0x9d: {  	[tilespmem:s28+$0x810] =	vst v22;
	v22 =	vld.idx.msk [tilespmem:v49+s16+$0x0], $0xffff  }
0x9e: {  	s0 =	sadd.s32 $0x2, s0;
	[tilespmem:s28+$0xA10] =	vst v27;
	v27 =	vld.idx.msk [tilespmem:v62+s16+$0x0], $0xffff  }
0x9f: {  	p0 =	slt.u32 s0, $0x1E;
	[tilespmem:s28+$0xC10] =	vst v36;
	v36 =	vld.idx.msk [tilespmem:v50+s16+$0x0], $0xffff  }
.Ltmp0:
0xa0: {  	[tilespmem:s28+$0xFFFFF810] =	vst v5;
	v30 =	vld.idx.msk [tilespmem:v52+s16+$0x0], $0xffff;
	(pc) =	sbr.rel @p0 .LBB2_2-.Ltmp0, $4  }
0xa1: {  	[tilespmem:s28+$0xFFFFFA10] =	vst v4;
	v26 =	vld.idx.msk [tilespmem:v53+s16+$0x0], $0xffff  }
0xa2: {  	[tilespmem:s28+$0xFFFFFC10] =	vst v3;
	v23 =	vld.idx.msk [tilespmem:v54+s16+$0x0], $0xffff  }
0xa3: {  	[tilespmem:s28+$0xE10] =	vst v41;
	v15 =	vld.idx.msk [tilespmem:v55+s16+$0x0], $0xffff  }
0xa4: {  	s1 =	sadd.s32 $0x20, s1;
	[tilespmem:s28+$0x1010] =	vst v40;
	v42 =	vld.idx.msk [tilespmem:v63+s16+$0x0], $0xffff  }
0xa5: {  	_ =	sdelay $0x3  }
0xa6: {  	v0 =	vld.idx.msk [tilespmem:v34+s16+$0x0], $0xffff;
	[tilespmem:s28+$0x1210] =	vst v38  }
0xa7: {  	v1 =	vld.idx.msk [tilespmem:v28+s16+$0x0], $0xffff;
	[tilespmem:s28+$0x1410] =	vst v39  }
0xa8: {  	v2 =	vld.idx.msk [tilespmem:v25+s16+$0x0], $0xffff;
	[tilespmem:s28+$0x1610] =	vst v37  }
0xa9: {  	v3 =	vld.idx.msk [tilespmem:v9+s16+$0x0], $0xffff;
	[tilespmem:s28+$0x1810] =	vst v35  }
0xaa: {  	v4 =	vld.idx.msk [tilespmem:v10+s16+$0x0], $0xffff;
	[tilespmem:s28+$0x1A10] =	vst v31  }
0xab: {  	v5 =	vld.idx.msk [tilespmem:v43+s16+$0x0], $0xffff;
	[tilespmem:s28+$0x1C10] =	vst v32  }
0xac: {  	v9 =	vld.idx.msk [tilespmem:v44+s16+$0x0], $0xffff;
	[tilespmem:s28+$0xFFFFE200] =	vst v33  }
0xad: {  	[tilespmem:s28+$0xFFFFE400] =	vst v30  }
0xae: {  	[tilespmem:s28+$0xFFFFE600] =	vst v29  }
0xaf: {  	[tilespmem:s28+$0xFFFFEA00] =	vst v24  }
0xb0: {  	[tilespmem:s28+$0xFFFFEE00] =	vst v19  }
0xb1: {  	[tilespmem:s28+$0xFFFFF200] =	vst v13  }
0xb2: {  	[tilespmem:s28+$0xFFFFF400] =	vst v11  }
0xb3: {  	[tilespmem:s28+$0xFFFFF600] =	vst v7  }
0xb4: {  	[tilespmem:s28+$0xFFFFFA00] =	vst v6  }
0xb5: {  	[tilespmem:s28+$0xFFFFFC00] =	vst v8  }
0xb6: {  	[tilespmem:s28+$0xFFFFFE00] =	vst v12  }
0xb7: {  	[tilespmem:s28+$0x0] =	vst v14  }
0xb8: {  	[tilespmem:s28+$0x200] =	vst v16  }
0xb9: {  	[tilespmem:s28+$0x400] =	vst v20  }
0xba: {  	[tilespmem:s28+$0x600] =	vst v21  }
0xbb: {  	[tilespmem:s28+$0x800] =	vst v17  }
0xbc: {  	[tilespmem:s28+$0xA00] =	vst v18  }
0xbd: {  	[tilespmem:s28+$0xC00] =	vst v22  }
0xbe: {  	[tilespmem:s28+$0xE00] =	vst v27  }
0xbf: {  	[tilespmem:s28+$0x1000] =	vst v36  }
0xc0: {  	[tilespmem:s28+$0xFFFFE800] =	vst v26  }
0xc1: {  	[tilespmem:s28+$0xFFFFEC00] =	vst v23  }
0xc2: {  	[tilespmem:s28+$0xFFFFF000] =	vst v15  }
0xc3: {  	[tilespmem:s28+$0xFFFFF800] =	vst v42  }
0xc4: {  	[tilespmem:s28+$0x1200] =	vst v0  }
0xc5: {  	[tilespmem:s28+$0x1400] =	vst v1  }
0xc6: {  	[tilespmem:s28+$0x1600] =	vst v2  }
0xc7: {  	[tilespmem:s28+$0x1800] =	vst v3  }
0xc8: {  	[tilespmem:s28+$0x1A00] =	vst v4  }
0xc9: {  	[tilespmem:s28+$0x1C00] =	vst v5  }
0xca: {  	[tilespmem:s28+$0x1E00] =	vst v9  }
0xcb: {  	v0 =	vld [tilespmem:$0x1FFD0];
	_ =	sdelay $0x4  }
0xcc: {  	[tilespmem:s28+$0xFFFFE010] =	vst v0  }
0xcd: {  	v1 =	vld [tilespmem:$0x1FFE0];
	_ =	sdelay $0x2  }
0xce: {  	s0 =	simm.s32 $0x10  }
0xcf: {  	v43 =	vmov s0  }
0xd0: {  	v0 =	vshll.u32 v43, $0x5;
	[tilespmem:s28+$0xFFFFE000] =	vst v1  }
0xd1: {  	v0 =	vor.u32 v45, v0;
	[hbm4b:s6+s13] =	stream.strided.scatter [tilespmem:s19], [sflag:$0x3], $0x4000, s14, s13, $0x38;
	[tilespmem:$0x16400] =	vst v63  }
0xd2: {  	_ =	swait.ge [sflag:s20], $0x4000  }
0xd3: {  	[sflag:s20] =	ssyncset.done $0x0  }
0xd4: {  	s30 =	simm.s32 $0x400;
	[sflag:s20] =	ssyncadd.s32 $0xFFFFC000  }
0xd5: {  	[tilespmem:s16], [sflag:$0x1] =	stream.indirect.gather [hbm4b:s5+s13], $0x20, s30, s13, $0xb8;
	[tilespmem:$0x16400] =	vst v63  }
0xd6: {  	v5 =	vld.idx.msk [tilespmem:v0+s18+$0x0], $0xffff  }
0xd7: {  	v44 =	vor.u32 $0x1, v0  }
0xd8: {  	v46 =	vor.u32 $0x2, v0  }
0xd9: {  	v47 =	vor.u32 $0x3, v0  }
0xda: {  	v4 =	vor.u32 $0x4, v0  }
0xdb: {  	v6 =	vor.u32 $0x6, v0;
	[tilespmem:$0x1FF60] =	vst v5  }
0xdc: {  	v7 =	vor.u32 $0x7, v0;
	v1 =	vld.idx.msk [tilespmem:v44+s18+$0x0], $0xffff  }
0xdd: {  	v8 =	vor.u32 $0x8, v0;
	v2 =	vld.idx.msk [tilespmem:v46+s18+$0x0], $0xffff  }
0xde: {  	v9 =	vor.u32 $0x9, v0;
	v3 =	vld.idx.msk [tilespmem:v47+s18+$0x0], $0xffff  }
0xdf: {  	v10 =	vor.u32 $0xA, v0;
	v4 =	vld.idx.msk [tilespmem:v4+s18+$0x0], $0xffff  }
0xe0: {  	v11 =	vor.u32 $0xB, v0;
	v6 =	vld.idx.msk [tilespmem:v6+s18+$0x0], $0xffff  }
0xe1: {  	v12 =	vor.u32 $0xC, v0;
	v7 =	vld.idx.msk [tilespmem:v7+s18+$0x0], $0xffff  }
0xe2: {  	v13 =	vor.u32 $0xD, v0;
	v8 =	vld.idx.msk [tilespmem:v8+s18+$0x0], $0xffff  }
0xe3: {  	v14 =	vor.u32 $0xE, v0;
	v9 =	vld.idx.msk [tilespmem:v9+s18+$0x0], $0xffff  }
0xe4: {  	v15 =	vor.u32 $0xF, v0;
	v10 =	vld.idx.msk [tilespmem:v10+s18+$0x0], $0xffff  }
0xe5: {  	v17 =	vor.u32 $0x11, v0;
	v16 =	vld.idx.msk [tilespmem:v11+s18+$0x0], $0xffff  }
0xe6: {  	s31 =	simm.s32 $0x0;
	v19 =	vor.u32 $0x13, v0;
	v12 =	vld.idx.msk [tilespmem:v12+s18+$0x0], $0xffff  }
0xe7: {  	v23 =	vmov s31;
	v22 =	vor.u32 $0x16, v0;
	v18 =	vld.idx.msk [tilespmem:v13+s18+$0x0], $0xffff  }
0xe8: {  	v23 =	vshll.u32 v23, $0x5;
	v24 =	vor.u32 $0x1D, v0;
	v14 =	vld.idx.msk [tilespmem:v14+s18+$0x0], $0xffff  }
0xe9: {  	v50 =	vor.u32 v45, v23;
	v20 =	vld.idx.msk [tilespmem:v15+s18+$0x0], $0xffff  }
0xea: {  	v11 =	vor.u32 $0x10, v0;
	v17 =	vld.idx.msk [tilespmem:v17+s18+$0x0], $0xffff  }
0xeb: {  	v13 =	vor.u32 $0x12, v0;
	v27 =	vld.idx.msk [tilespmem:v19+s18+$0x0], $0xffff  }
0xec: {  	v5 =	vor.u32 $0x5, v0;
	v49 =	vld.idx.msk [tilespmem:v22+s18+$0x0], $0xffff  }
0xed: {  	v15 =	vor.u32 $0x14, v0;
	v31 =	vld.idx.msk [tilespmem:v24+s18+$0x0], $0xffff  }
0xee: {  	v19 =	vor.u32 $0x18, v0;
	v23 =	vld.idx.msk [tilespmem:v50+s18+$0x0], $0xffff  }
0xef: {  	v21 =	vld.idx.msk [tilespmem:v11+s18+$0x0], $0xffff;
	v11 =	vor.u32 $0x15, v0  }
0xf0: {  	v25 =	vld.idx.msk [tilespmem:v13+s18+$0x0], $0xffff;
	v13 =	vor.u32 $0x17, v0  }
0xf1: {  	v22 =	vor.u32 $0x1A, v0;
	v5 =	vld.idx.msk [tilespmem:v5+s18+$0x0], $0xffff  }
0xf2: {  	v28 =	vld.idx.msk [tilespmem:v15+s18+$0x0], $0xffff;
	v15 =	vor.u32 $0x1F, v0  }
0xf3: {  	v41 =	vld.idx.msk [tilespmem:v19+s18+$0x0], $0xffff;
	v19 =	vor.u32 $0x1C, v0  }
0xf4: {  	v48 =	vld.idx.msk [tilespmem:v11+s18+$0x0], $0xffff;
	v11 =	vor.u32 $0x19, v0  }
0xf5: {  	v40 =	vld.idx.msk [tilespmem:v13+s18+$0x0], $0xffff;
	v13 =	vor.u32 $0x1B, v0  }
0xf6: {  	v39 =	vld.idx.msk [tilespmem:v22+s18+$0x0], $0xffff;
	v0 =	vor.u32 $0x1E, v0  }
0xf7: {  	v15 =	vld.idx.msk [tilespmem:v15+s18+$0x0], $0xffff  }
0xf8: {  	v35 =	vld.idx.msk [tilespmem:v19+s18+$0x0], $0xffff;
	v19 =	vor.u32 $0x3, v50  }
0xf9: {  	v22 =	vor.u32 $0x4, v50;
	v38 =	vld.idx.msk [tilespmem:v11+s18+$0x0], $0xffff  }
0xfa: {  	v51 =	vor.u32 $0x5, v50;
	v37 =	vld.idx.msk [tilespmem:v13+s18+$0x0], $0xffff  }
0xfb: {  	v52 =	vor.u32 $0x7, v50;
	s28 =	simm.s32 $0x14400;
	v32 =	vld.idx.msk [tilespmem:v0+s18+$0x0], $0xffff;
	[tilespmem:$0x1FF70] =	vst v23  }
0xfc: {  	v55 =	vor.u32 $0xB, v50;
	[tilespmem:s28+$0x1E10] =	vst v15  }
0xfd: {  	v56 =	vor.u32 $0xD, v50;
	[tilespmem:s28+$0xFFFFE210] =	vst v1;
	v29 =	vld.idx.msk [tilespmem:v19+s18+$0x0], $0xffff  }
0xfe: {  	v57 =	vor.u32 $0xE, v50;
	[tilespmem:s28+$0xFFFFE410] =	vst v2;
	v26 =	vld.idx.msk [tilespmem:v22+s18+$0x0], $0xffff  }
0xff: {  	v58 =	vor.u32 $0xF, v50;
	[tilespmem:s28+$0xFFFFE610] =	vst v3;
	v24 =	vld.idx.msk [tilespmem:v51+s18+$0x0], $0xffff  }
0x100: {  	v59 =	vor.u32 $0x11, v50;
	[tilespmem:s28+$0xFFFFE810] =	vst v4;
	v19 =	vld.idx.msk [tilespmem:v52+s18+$0x0], $0xffff  }
0x101: {  	v60 =	vor.u32 $0x13, v50;
	[tilespmem:s28+$0xFFFFEE10] =	vst v7;
	v7 =	vld.idx.msk [tilespmem:v55+s18+$0x0], $0xffff  }
0x102: {  	v61 =	vor.u32 $0x14, v50;
	[tilespmem:s28+$0xFFFFEC10] =	vst v6;
	v6 =	vld.idx.msk [tilespmem:v56+s18+$0x0], $0xffff  }
0x103: {  	v62 =	vor.u32 $0x15, v50;
	[tilespmem:s28+$0xFFFFF010] =	vst v8;
	v8 =	vld.idx.msk [tilespmem:v57+s18+$0x0], $0xffff  }
0x104: {  	v11 =	vor.u32 $0x1, v50;
	[tilespmem:s28+$0xFFFFF810] =	vst v12;
	v12 =	vld.idx.msk [tilespmem:v58+s18+$0x0], $0xffff  }
0x105: {  	v4 =	vor.u32 $0xA, v50;
	[tilespmem:s28+$0xFFFFF610] =	vst v16;
	v16 =	vld.idx.msk [tilespmem:v59+s18+$0x0], $0xffff  }
0x106: {  	v63 =	vor.u32 $0x17, v50;
	[tilespmem:s28+$0x10] =	vst v21;
	v21 =	vld.idx.msk [tilespmem:v60+s18+$0x0], $0xffff  }
0x107: {  	v13 =	vor.u32 $0x2, v50;
	[tilespmem:s28+$0x210] =	vst v17;
	v17 =	vld.idx.msk [tilespmem:v61+s18+$0x0], $0xffff  }
0x108: {  	v54 =	vor.u32 $0x9, v50;
	[tilespmem:s28+$0xFFFFFA10] =	vst v18;
	v18 =	vld.idx.msk [tilespmem:v62+s18+$0x0], $0xffff  }
0x109: {  	[tilespmem:s28+$0xFFFFEA10] =	vst v5;
	v5 =	vor.u32 $0xC, v50;
	v33 =	vld.idx.msk [tilespmem:v11+s18+$0x0], $0xffff  }
0x10a: {  	[tilespmem:s28+$0xFFFFF210] =	vst v9;
	v11 =	vld.idx.msk [tilespmem:v4+s18+$0x0], $0xffff;
	v4 =	vor.u32 $0x10, v50  }
0x10b: {  	v15 =	vor.u32 $0x6, v50;
	[tilespmem:s28+$0x610] =	vst v27;
	v27 =	vld.idx.msk [tilespmem:v63+s18+$0x0], $0xffff  }
0x10c: {  	v53 =	vor.u32 $0x8, v50;
	[tilespmem:s28+$0xFFFFF410] =	vst v10;
	v30 =	vld.idx.msk [tilespmem:v13+s18+$0x0], $0xffff  }
0x10d: {  	v9 =	vor.u32 $0x12, v50;
	[tilespmem:s28+$0xFFFFFC10] =	vst v14;
	v13 =	vld.idx.msk [tilespmem:v54+s18+$0x0], $0xffff  }
0x10e: {  	[tilespmem:s28+$0xFFFFFE10] =	vst v20;
	v42 =	vld.idx.msk [tilespmem:v5+s18+$0x0], $0xffff;
	v5 =	vor.u32 $0x18, v50  }
0x10f: {  	[tilespmem:s28+$0x410] =	vst v25;
	v14 =	vld.idx.msk [tilespmem:v4+s18+$0x0], $0xffff;
	v4 =	vor.u32 $0x16, v50  }
0x110: {  	v34 =	vor.u32 $0x19, v50;
	[tilespmem:s28+$0x810] =	vst v28;
	v23 =	vld.idx.msk [tilespmem:v15+s18+$0x0], $0xffff  }
0x111: {  	[tilespmem:s28+$0xA10] =	vst v48;
	v28 =	vor.u32 $0x1A, v50;
	v15 =	vld.idx.msk [tilespmem:v53+s18+$0x0], $0xffff  }
0x112: {  	[tilespmem:s28+$0xC10] =	vst v49;
	v25 =	vor.u32 $0x1B, v50;
	v20 =	vld.idx.msk [tilespmem:v9+s18+$0x0], $0xffff  }
0x113: {  	[tilespmem:s28+$0xE10] =	vst v40;
	v9 =	vor.u32 $0x1C, v50;
	v36 =	vld.idx.msk [tilespmem:v5+s18+$0x0], $0xffff  }
0x114: {  	s1 =	simm.s32 $0x20;
	s0 =	simm.s32 $0x0;
	v43 =	vor.u32 $0x1E, v50;
	v44 =	vor.u32 $0x1F, v50;
	v10 =	vor.u32 $0x1D, v50;
	[tilespmem:s28+$0x1010] =	vst v41;
	v22 =	vld.idx.msk [tilespmem:v4+s18+$0x0], $0xffff  }
.LBB2_4:
0x115: {  	v41 =	vld.idx.msk [tilespmem:v34+s18+$0x0], $0xffff;
	[tilespmem:s28+$0x1210] =	vst v38  }
0x116: {  	v40 =	vld.idx.msk [tilespmem:v28+s18+$0x0], $0xffff;
	[tilespmem:s28+$0x1410] =	vst v39  }
0x117: {  	v38 =	vld.idx.msk [tilespmem:v25+s18+$0x0], $0xffff;
	[tilespmem:s28+$0x1610] =	vst v37  }
0x118: {  	v0 =	vmov s1;
	v39 =	vld.idx.msk [tilespmem:v9+s18+$0x0], $0xffff;
	[tilespmem:s28+$0x1810] =	vst v35  }
0x119: {  	v35 =	vld.idx.msk [tilespmem:v10+s18+$0x0], $0xffff;
	[tilespmem:s28+$0x1A10] =	vst v31;
	v2 =	vshll.u32 v0, $0x5  }
0x11a: {  	v31 =	vld.idx.msk [tilespmem:v43+s18+$0x0], $0xffff;
	[tilespmem:s28+$0x1C10] =	vst v32;
	v0 =	vor.u32 v45, v2  }
0x11b: {  	v2 =	vld.idx.msk [tilespmem:v44+s18+$0x0], $0xffff;
	[tilespmem:s28+$0xFFFFE200] =	vst v33;
	v1 =	vor.u32 $0x2, v0  }
0x11c: {  	s21 =	sadd.s32 $0x10, s1;
	v62 =	vor.u32 $0x4, v0;
	[tilespmem:$0x1FF10] =	vst v1  }
0x11d: {  	v60 =	vmov s21;
	v63 =	vor.u32 $0x6, v0;
	[tilespmem:$0x1FF20] =	vst v62  }
0x11e: {  	v61 =	vshll.u32 v60, $0x5;
	v32 =	vor.u32 $0x8, v0;
	[tilespmem:$0x1FF30] =	vst v63  }
0x11f: {  	v37 =	vor.u32 v45, v61;
	v34 =	vor.u32 $0xC, v0;
	[tilespmem:$0x1FF40] =	vst v32  }
0x120: {  	[tilespmem:$0x1FF50] =	vst v34  }
0x121: {  	v9 =	vor.u32 $0x1, v37;
	v32 =	vld.idx.msk [tilespmem:v0+s18+$0x0], $0xffff;
	[tilespmem:s28+$0xFFFFE400] =	vst v30  }
0x122: {  	v10 =	vor.u32 $0x2, v37;
	[tilespmem:s28+$0xFFFFE600] =	vst v29  }
0x123: {  	v4 =	vor.u32 $0x3, v37;
	[tilespmem:s28+$0xFFFFE800] =	vst v26  }
0x124: {  	v3 =	vor.u32 $0x4, v37;
	v30 =	vld.idx.msk [tilespmem:v37+s18+$0x0], $0xffff;
	[tilespmem:s28+$0xFFFFEA00] =	vst v24  }
0x125: {  	v25 =	vor.u32 $0x5, v37;
	[tilespmem:s28+$0x1E00] =	vst v2;
	v2 =	vld [tilespmem:$0x1FF60]  }
0x126: {  	v5 =	vor.u32 $0xC, v37;
	[tilespmem:s28+$0xFFFFEC00] =	vst v23;
	v29 =	vld.idx.msk [tilespmem:v9+s18+$0x0], $0xffff  }
0x127: {  	v1 =	vor.u32 $0xB, v37;
	[tilespmem:s28+$0xFFFFEE00] =	vst v19;
	v26 =	vld.idx.msk [tilespmem:v10+s18+$0x0], $0xffff  }
0x128: {  	[tilespmem:s28+$0xFFFFF800] =	vst v42;
	v42 =	vor.u32 $0xF, v37;
	v24 =	vld.idx.msk [tilespmem:v4+s18+$0x0], $0xffff  }
0x129: {  	[tilespmem:s28+$0xFFFFFA00] =	vst v6;
	v6 =	vor.u32 $0x10, v37;
	v23 =	vld.idx.msk [tilespmem:v3+s18+$0x0], $0xffff  }
0x12a: {  	v52 =	vor.u32 $0x1, v0;
	v53 =	vor.u32 $0x3, v0;
	[tilespmem:s28+$0xFFFFFC00] =	vst v8;
	v8 =	vor.u32 $0x11, v37;
	v19 =	vld.idx.msk [tilespmem:v25+s18+$0x0], $0xffff  }
0x12b: {  	v54 =	vor.u32 $0x5, v0;
	v55 =	vor.u32 $0x7, v0;
	[tilespmem:s28+$0xFFFFFE00] =	vst v12;
	v12 =	vor.u32 $0x12, v37;
	v5 =	vld.idx.msk [tilespmem:v5+s18+$0x0], $0xffff  }
0x12c: {  	v51 =	vor.u32 $0xA, v0;
	v56 =	vor.u32 $0xB, v0;
	[tilespmem:s28+$0x0] =	vst v14;
	v14 =	vor.u32 $0x13, v37;
	v1 =	vld.idx.msk [tilespmem:v1+s18+$0x0], $0xffff  }
0x12d: {  	v57 =	vor.u32 $0xD, v0;
	v45 =	vor.u32 $0xE, v0;
	[tilespmem:s28+$0x200] =	vst v16;
	v9 =	vor.u32 $0x6, v37;
	v16 =	vld.idx.msk [tilespmem:v42+s18+$0x0], $0xffff  }
0x12e: {  	v58 =	vor.u32 $0xF, v0;
	v46 =	vor.u32 $0x10, v0;
	[tilespmem:s28+$0x400] =	vst v20;
	v10 =	vor.u32 $0x7, v37;
	v20 =	vld.idx.msk [tilespmem:v6+s18+$0x0], $0xffff  }
0x12f: {  	v59 =	vor.u32 $0x11, v0;
	v47 =	vor.u32 $0x12, v0;
	[tilespmem:s28+$0x600] =	vst v21;
	v4 =	vor.u32 $0x8, v37;
	v21 =	vld.idx.msk [tilespmem:v8+s18+$0x0], $0xffff  }
0x130: {  	v60 =	vor.u32 $0x13, v0;
	v48 =	vor.u32 $0x14, v0;
	[tilespmem:s28+$0x800] =	vst v17;
	v3 =	vor.u32 $0x9, v37;
	v17 =	vld.idx.msk [tilespmem:v12+s18+$0x0], $0xffff  }
0x131: {  	v61 =	vor.u32 $0x15, v0;
	v49 =	vor.u32 $0x16, v0;
	v33 =	vor.u32 $0xA, v37;
	[tilespmem:s28+$0xA00] =	vst v18;
	v18 =	vld.idx.msk [tilespmem:v14+s18+$0x0], $0xffff  }
0x132: {  	v50 =	vor.u32 $0x18, v0;
	v28 =	vor.u32 $0x1A, v0;
	[tilespmem:s28+$0xFFFFF000] =	vst v15;
	v42 =	vor.u32 $0x14, v37;
	v15 =	vld.idx.msk [tilespmem:v9+s18+$0x0], $0xffff  }
0x133: {  	v43 =	vor.u32 $0x1E, v0;
	v44 =	vor.u32 $0x1F, v0;
	[tilespmem:s28+$0xFFFFF200] =	vst v13;
	v6 =	vor.u32 $0x15, v37;
	v13 =	vld.idx.msk [tilespmem:v10+s18+$0x0], $0xffff  }
0x134: {  	v63 =	vor.u32 $0x9, v0;
	v62 =	vor.u32 $0x17, v0;
	[tilespmem:s28+$0xFFFFF400] =	vst v11;
	v8 =	vor.u32 $0x16, v37;
	v11 =	vld.idx.msk [tilespmem:v4+s18+$0x0], $0xffff  }
0x135: {  	v34 =	vor.u32 $0x19, v0;
	[tilespmem:s28+$0xFFFFF600] =	vst v7;
	v25 =	vor.u32 $0x1B, v0;
	v12 =	vor.u32 $0x17, v37;
	v7 =	vld.idx.msk [tilespmem:v3+s18+$0x0], $0xffff  }
0x136: {  	v14 =	vor.u32 $0x18, v37;
	v9 =	vor.u32 $0x1C, v0;
	v10 =	vor.u32 $0x1D, v0;
	v0 =	vld.idx.msk [tilespmem:v33+s18+$0x0], $0xffff  }
0x137: {  	[tilespmem:s28+$0xC00] =	vst v22;
	v4 =	vor.u32 $0xD, v37;
	v22 =	vld.idx.msk [tilespmem:v42+s18+$0x0], $0xffff  }
0x138: {  	[tilespmem:s28+$0xE00] =	vst v27;
	v3 =	vor.u32 $0xE, v37;
	v27 =	vld.idx.msk [tilespmem:v6+s18+$0x0], $0xffff  }
0x139: {  	[tilespmem:s28+$0x1000] =	vst v36;
	v33 =	vor.u32 $0x1F, v37;
	v36 =	vld.idx.msk [tilespmem:v8+s18+$0x0], $0xffff  }
0x13a: {  	[tilespmem:s28+$0x1200] =	vst v41;
	v6 =	vor.u32 $0x19, v37;
	v41 =	vld.idx.msk [tilespmem:v12+s18+$0x0], $0xffff  }
0x13b: {  	[tilespmem:s28+$0x1400] =	vst v40;
	v8 =	vor.u32 $0x1A, v37;
	v40 =	vld.idx.msk [tilespmem:v14+s18+$0x0], $0xffff  }
0x13c: {  	v12 =	vor.u32 $0x1B, v37;
	v4 =	vld.idx.msk [tilespmem:v4+s18+$0x0], $0xffff  }
0x13d: {  	v14 =	vor.u32 $0x1C, v37;
	v3 =	vld.idx.msk [tilespmem:v3+s18+$0x0], $0xffff  }
0x13e: {  	v42 =	vor.u32 $0x1D, v37;
	v33 =	vld.idx.msk [tilespmem:v33+s18+$0x0], $0xffff  }
0x13f: {  	[tilespmem:s28+$0x1600] =	vst v38;
	v38 =	vld.idx.msk [tilespmem:v6+s18+$0x0], $0xffff  }
0x140: {  	[tilespmem:s28+$0x1800] =	vst v39;
	v39 =	vld.idx.msk [tilespmem:v8+s18+$0x0], $0xffff  }
0x141: {  	[tilespmem:s28+$0x1A00] =	vst v35;
	v6 =	vor.u32 $0x1E, v37;
	v37 =	vld.idx.msk [tilespmem:v12+s18+$0x0], $0xffff  }
0x142: {  	v35 =	vld.idx.msk [tilespmem:v14+s18+$0x0], $0xffff;
	[tilespmem:s28+$0xFFFFE010] =	vst v2  }
0x143: {  	[tilespmem:s28+$0x1C00] =	vst v31;
	v31 =	vld.idx.msk [tilespmem:v42+s18+$0x0], $0xffff  }
0x144: {  	v42 =	vld [tilespmem:$0x1FF70];
	_ =	sdelay $0x4  }
0x145: {  	[tilespmem:s28+$0xFFFFE000] =	vst v42;
	s28 =	sadd.s32 $0x20, s28;
	v42 =	vmov v32;
	v32 =	vld.idx.msk [tilespmem:v6+s18+$0x0], $0xffff  }
0x146: {  	[tilespmem:s28+$0x1E10] =	vst v33;
	v33 =	vld.idx.msk [tilespmem:v52+s18+$0x0], $0xffff  }
0x147: {  	v52 =	vld [tilespmem:$0x1FF10]  }
0x148: {  	[tilespmem:s28+$0xFFFFE210] =	vst v29;
	v29 =	vld.idx.msk [tilespmem:v53+s18+$0x0], $0xffff  }
0x149: {  	v53 =	vld [tilespmem:$0x1FF20]  }
0x14a: {  	[tilespmem:s28+$0xFFFFE610] =	vst v24;
	v24 =	vld.idx.msk [tilespmem:v54+s18+$0x0], $0xffff  }
0x14b: {  	v54 =	vld [tilespmem:$0x1FF30]  }
0x14c: {  	v2 =	vmov v30;
	[tilespmem:s28+$0xFFFFEA10] =	vst v19;
	v19 =	vld.idx.msk [tilespmem:v55+s18+$0x0], $0xffff  }
0x14d: {  	[tilespmem:$0x1FF60] =	vst v2;
	v55 =	vld [tilespmem:$0x1FF40]  }
0x14e: {  	[tilespmem:s28+$0xFFFFEE10] =	vst v13;
	v13 =	vld.idx.msk [tilespmem:v63+s18+$0x0], $0xffff  }
0x14f: {  	[tilespmem:s28+$0xFFFFF010] =	vst v11;
	v11 =	vld.idx.msk [tilespmem:v51+s18+$0x0], $0xffff  }
0x150: {  	[tilespmem:s28+$0xFFFFF210] =	vst v7;
	v7 =	vld.idx.msk [tilespmem:v56+s18+$0x0], $0xffff  }
0x151: {  	[tilespmem:$0x1FF70] =	vst v42;
	v63 =	vld [tilespmem:$0x1FF50]  }
0x152: {  	[tilespmem:s28+$0xFFFFE410] =	vst v26;
	v6 =	vld.idx.msk [tilespmem:v57+s18+$0x0], $0xffff  }
0x153: {  	[tilespmem:s28+$0xFFFFE810] =	vst v23;
	v8 =	vld.idx.msk [tilespmem:v45+s18+$0x0], $0xffff  }
0x154: {  	[tilespmem:s28+$0xFFFFEC10] =	vst v15;
	v45 =	vld [tilespmem:$0x1FFF0]  }
0x155: {  	[tilespmem:s28+$0xFFFFF410] =	vst v0;
	v12 =	vld.idx.msk [tilespmem:v58+s18+$0x0], $0xffff  }
0x156: {  	[tilespmem:s28+$0xFFFFF610] =	vst v1;
	v14 =	vld.idx.msk [tilespmem:v46+s18+$0x0], $0xffff  }
0x157: {  	[tilespmem:s28+$0xFFFFFE10] =	vst v16;
	v16 =	vld.idx.msk [tilespmem:v59+s18+$0x0], $0xffff  }
0x158: {  	[tilespmem:s28+$0x10] =	vst v20;
	v20 =	vld.idx.msk [tilespmem:v47+s18+$0x0], $0xffff  }
0x159: {  	[tilespmem:s28+$0x210] =	vst v21;
	v21 =	vld.idx.msk [tilespmem:v60+s18+$0x0], $0xffff  }
0x15a: {  	[tilespmem:s28+$0x410] =	vst v17;
	v17 =	vld.idx.msk [tilespmem:v48+s18+$0x0], $0xffff  }
0x15b: {  	[tilespmem:s28+$0x610] =	vst v18;
	v18 =	vld.idx.msk [tilespmem:v61+s18+$0x0], $0xffff  }
0x15c: {  	[tilespmem:s28+$0x810] =	vst v22;
	v22 =	vld.idx.msk [tilespmem:v49+s18+$0x0], $0xffff  }
0x15d: {  	s0 =	sadd.s32 $0x2, s0;
	[tilespmem:s28+$0xA10] =	vst v27;
	v27 =	vld.idx.msk [tilespmem:v62+s18+$0x0], $0xffff  }
0x15e: {  	p0 =	slt.u32 s0, $0x1E;
	[tilespmem:s28+$0xC10] =	vst v36;
	v36 =	vld.idx.msk [tilespmem:v50+s18+$0x0], $0xffff  }
.Ltmp1:
0x15f: {  	[tilespmem:s28+$0xFFFFF810] =	vst v5;
	v30 =	vld.idx.msk [tilespmem:v52+s18+$0x0], $0xffff;
	(pc) =	sbr.rel @p0 .LBB2_4-.Ltmp1, $4  }
0x160: {  	[tilespmem:s28+$0xFFFFFA10] =	vst v4;
	v26 =	vld.idx.msk [tilespmem:v53+s18+$0x0], $0xffff  }
0x161: {  	[tilespmem:s28+$0xFFFFFC10] =	vst v3;
	v23 =	vld.idx.msk [tilespmem:v54+s18+$0x0], $0xffff  }
0x162: {  	[tilespmem:s28+$0xE10] =	vst v41;
	v15 =	vld.idx.msk [tilespmem:v55+s18+$0x0], $0xffff  }
0x163: {  	s1 =	sadd.s32 $0x20, s1;
	[tilespmem:s28+$0x1010] =	vst v40;
	v42 =	vld.idx.msk [tilespmem:v63+s18+$0x0], $0xffff  }
0x164: {  	_ =	sdelay $0x3  }
0x165: {  	v0 =	vld.idx.msk [tilespmem:v34+s18+$0x0], $0xffff;
	[tilespmem:s28+$0x1210] =	vst v38  }
0x166: {  	v1 =	vld.idx.msk [tilespmem:v28+s18+$0x0], $0xffff;
	[tilespmem:s28+$0x1410] =	vst v39  }
0x167: {  	v2 =	vld.idx.msk [tilespmem:v25+s18+$0x0], $0xffff;
	[tilespmem:s28+$0x1610] =	vst v37  }
0x168: {  	v3 =	vld.idx.msk [tilespmem:v9+s18+$0x0], $0xffff;
	[tilespmem:s28+$0x1810] =	vst v35  }
0x169: {  	v4 =	vld.idx.msk [tilespmem:v10+s18+$0x0], $0xffff;
	[tilespmem:s28+$0x1A10] =	vst v31  }
0x16a: {  	v5 =	vld.idx.msk [tilespmem:v43+s18+$0x0], $0xffff;
	[tilespmem:s28+$0x1C10] =	vst v32  }
0x16b: {  	v63 =	vld.idx.msk [tilespmem:v44+s18+$0x0], $0xffff;
	[tilespmem:s28+$0xFFFFE200] =	vst v33  }
0x16c: {  	[tilespmem:s28+$0xFFFFE400] =	vst v30  }
0x16d: {  	[tilespmem:s28+$0xFFFFE600] =	vst v29  }
0x16e: {  	[tilespmem:s28+$0xFFFFEA00] =	vst v24  }
0x16f: {  	[tilespmem:s28+$0xFFFFEE00] =	vst v19  }
0x170: {  	[tilespmem:s28+$0xFFFFF200] =	vst v13  }
0x171: {  	[tilespmem:s28+$0xFFFFF400] =	vst v11  }
0x172: {  	[tilespmem:s28+$0xFFFFF600] =	vst v7  }
0x173: {  	[tilespmem:s28+$0xFFFFFA00] =	vst v6  }
0x174: {  	[tilespmem:s28+$0xFFFFFC00] =	vst v8  }
0x175: {  	[tilespmem:s28+$0xFFFFFE00] =	vst v12  }
0x176: {  	[tilespmem:s28+$0x0] =	vst v14  }
0x177: {  	[tilespmem:s28+$0x200] =	vst v16  }
0x178: {  	[tilespmem:s28+$0x400] =	vst v20  }
0x179: {  	[tilespmem:s28+$0x600] =	vst v21  }
0x17a: {  	[tilespmem:s28+$0x800] =	vst v17  }
0x17b: {  	[tilespmem:s28+$0xA00] =	vst v18  }
0x17c: {  	[tilespmem:s28+$0xC00] =	vst v22  }
0x17d: {  	[tilespmem:s28+$0xE00] =	vst v27  }
0x17e: {  	[tilespmem:s28+$0x1000] =	vst v36  }
0x17f: {  	[tilespmem:s28+$0xFFFFE800] =	vst v26  }
0x180: {  	[tilespmem:s28+$0xFFFFEC00] =	vst v23  }
0x181: {  	[tilespmem:s28+$0xFFFFF000] =	vst v15  }
0x182: {  	[tilespmem:s28+$0xFFFFF800] =	vst v42  }
0x183: {  	[tilespmem:s28+$0x1200] =	vst v0  }
0x184: {  	[tilespmem:s28+$0x1400] =	vst v1  }
0x185: {  	[tilespmem:s28+$0x1600] =	vst v2  }
0x186: {  	[tilespmem:s28+$0x1800] =	vst v3  }
0x187: {  	[tilespmem:s28+$0x1A00] =	vst v4  }
0x188: {  	[tilespmem:s28+$0x1C00] =	vst v5  }
0x189: {  	[tilespmem:s28+$0x1E00] =	vst v63  }
0x18a: {  	v0 =	vld [tilespmem:$0x1FF60];
	_ =	sdelay $0x4  }
0x18b: {  	[tilespmem:s28+$0xFFFFE010] =	vst v0  }
0x18c: {  	v0 =	vld [tilespmem:$0x1FF70];
	_ =	sdelay $0x4  }
0x18d: {  	s29 =	simm.s32 $0x0;
	[tilespmem:s28+$0xFFFFE000] =	vst v0;
	s28 =	simm.s32 $0x0  }
0x18e: {  	[hbm4b:s8+s13] =	stream.strided.scatter [tilespmem:s22], [sflag:$0x4], $0x4000, s14, s13, $0x38;
	[tilespmem:$0x16400] =	vst v63  }
.LBB2_6:
0x18f: {  	s0 =	sshll.u32 s29, $0x1;
	s1 =	simm.s32 $0x10  }
0x190: {  	_ =	swait.ge [sflag:s17], $0x4000;
	s30 =	sadd.s32 $0x3, s0;
	v0 =	vmov s1  }
0x191: {  	[sflag:s17] =	ssyncset.done $0x0;
	s0 =	sshll.u32 s30, $0x9;
	v0 =	vshll.u32 v0, $0x5  }
0x192: {  	[sflag:s17] =	ssyncadd.s32 $0xFFFFC000;
	s0 =	sand.u32 $0x3FFFFE00, s0;
	v0 =	vor.u32 v45, v0  }
0x193: {  	[tilespmem:s18], [sflag:$0x2] =	stream.indirect.gather [hbm4b:s5+s13], $0x20, s0, s13, $0xb8;
	[tilespmem:$0x16400] =	vst v63  }
0x194: {  	_ =	swait.ge [sflag:s23], $0x4000  }
0x195: {  	[sflag:s23] =	ssyncset.done $0x0  }
0x196: {  	[sflag:s23] =	ssyncadd.s32 $0xFFFFC000  }
0x197: {  	v5 =	vld.idx.msk [tilespmem:v0+s16+$0x0], $0xffff  }
0x198: {  	v1 =	vor.u32 $0x1, v0  }
0x199: {  	v2 =	vor.u32 $0x2, v0  }
0x19a: {  	v3 =	vor.u32 $0x3, v0  }
0x19b: {  	v4 =	vor.u32 $0x4, v0  }
0x19c: {  	v6 =	vor.u32 $0x6, v0;
	[tilespmem:$0x1FEF0] =	vst v5  }
0x19d: {  	v7 =	vor.u32 $0x7, v0;
	v1 =	vld.idx.msk [tilespmem:v1+s16+$0x0], $0xffff  }
0x19e: {  	v8 =	vor.u32 $0x8, v0;
	v2 =	vld.idx.msk [tilespmem:v2+s16+$0x0], $0xffff  }
0x19f: {  	v9 =	vor.u32 $0x9, v0;
	v3 =	vld.idx.msk [tilespmem:v3+s16+$0x0], $0xffff  }
0x1a0: {  	v10 =	vor.u32 $0xA, v0;
	v4 =	vld.idx.msk [tilespmem:v4+s16+$0x0], $0xffff  }
0x1a1: {  	v11 =	vor.u32 $0xB, v0;
	v6 =	vld.idx.msk [tilespmem:v6+s16+$0x0], $0xffff  }
0x1a2: {  	v12 =	vor.u32 $0xC, v0;
	v7 =	vld.idx.msk [tilespmem:v7+s16+$0x0], $0xffff  }
0x1a3: {  	v13 =	vor.u32 $0xD, v0;
	v8 =	vld.idx.msk [tilespmem:v8+s16+$0x0], $0xffff  }
0x1a4: {  	v14 =	vor.u32 $0xE, v0;
	v9 =	vld.idx.msk [tilespmem:v9+s16+$0x0], $0xffff  }
0x1a5: {  	v15 =	vor.u32 $0xF, v0;
	v10 =	vld.idx.msk [tilespmem:v10+s16+$0x0], $0xffff  }
0x1a6: {  	v17 =	vor.u32 $0x11, v0;
	v16 =	vld.idx.msk [tilespmem:v11+s16+$0x0], $0xffff  }
0x1a7: {  	v19 =	vor.u32 $0x13, v0;
	v12 =	vld.idx.msk [tilespmem:v12+s16+$0x0], $0xffff  }
0x1a8: {  	v20 =	vor.u32 $0x14, v0;
	v18 =	vld.idx.msk [tilespmem:v13+s16+$0x0], $0xffff  }
0x1a9: {  	v22 =	vor.u32 $0x1F, v0;
	v14 =	vld.idx.msk [tilespmem:v14+s16+$0x0], $0xffff  }
0x1aa: {  	v25 =	vor.u32 $0x1D, v0;
	v15 =	vld.idx.msk [tilespmem:v15+s16+$0x0], $0xffff  }
0x1ab: {  	v23 =	vmov s28;
	v11 =	vor.u32 $0x10, v0;
	v24 =	vld.idx.msk [tilespmem:v17+s16+$0x0], $0xffff  }
0x1ac: {  	v23 =	vshll.u32 v23, $0x5;
	v13 =	vor.u32 $0x12, v0;
	v32 =	vld.idx.msk [tilespmem:v19+s16+$0x0], $0xffff  }
0x1ad: {  	v44 =	vor.u32 v45, v23;
	v20 =	vld.idx.msk [tilespmem:v20+s16+$0x0], $0xffff  }
0x1ae: {  	v17 =	vor.u32 $0x16, v0;
	v22 =	vld.idx.msk [tilespmem:v22+s16+$0x0], $0xffff  }
0x1af: {  	v19 =	vor.u32 $0x18, v0;
	v29 =	vld.idx.msk [tilespmem:v25+s16+$0x0], $0xffff  }
0x1b0: {  	v21 =	vld.idx.msk [tilespmem:v11+s16+$0x0], $0xffff;
	v11 =	vor.u32 $0x15, v0  }
0x1b1: {  	v28 =	vld.idx.msk [tilespmem:v13+s16+$0x0], $0xffff;
	v13 =	vor.u32 $0x17, v0  }
0x1b2: {  	v5 =	vor.u32 $0x5, v0;
	v23 =	vld.idx.msk [tilespmem:v44+s16+$0x0], $0xffff  }
0x1b3: {  	v37 =	vld.idx.msk [tilespmem:v17+s16+$0x0], $0xffff;
	v17 =	vor.u32 $0x1A, v0  }
0x1b4: {  	v41 =	vld.idx.msk [tilespmem:v19+s16+$0x0], $0xffff;
	v19 =	vor.u32 $0x1C, v0  }
0x1b5: {  	v33 =	vld.idx.msk [tilespmem:v11+s16+$0x0], $0xffff;
	v11 =	vor.u32 $0x19, v0  }
0x1b6: {  	v40 =	vld.idx.msk [tilespmem:v13+s16+$0x0], $0xffff;
	v13 =	vor.u32 $0x1B, v0  }
0x1b7: {  	v5 =	vld.idx.msk [tilespmem:v5+s16+$0x0], $0xffff;
	v0 =	vor.u32 $0x1E, v0  }
0x1b8: {  	v39 =	vld.idx.msk [tilespmem:v17+s16+$0x0], $0xffff  }
0x1b9: {  	v34 =	vld.idx.msk [tilespmem:v19+s16+$0x0], $0xffff;
	v17 =	vor.u32 $0x3, v44  }
0x1ba: {  	v19 =	vor.u32 $0x4, v44;
	v38 =	vld.idx.msk [tilespmem:v11+s16+$0x0], $0xffff  }
0x1bb: {  	v51 =	vor.u32 $0x5, v44;
	v36 =	vld.idx.msk [tilespmem:v13+s16+$0x0], $0xffff  }
0x1bc: {  	s31 =	simm.s32 $0x10400;
	v52 =	vor.u32 $0x7, v44;
	v30 =	vld.idx.msk [tilespmem:v0+s16+$0x0], $0xffff;
	[tilespmem:$0x1FF00] =	vst v23  }
0x1bd: {  	v55 =	vor.u32 $0xB, v44;
	[tilespmem:s31+$0x1E10] =	vst v22  }
0x1be: {  	v56 =	vor.u32 $0xD, v44;
	[tilespmem:s31+$0xFFFFE210] =	vst v1;
	v26 =	vld.idx.msk [tilespmem:v17+s16+$0x0], $0xffff  }
0x1bf: {  	v57 =	vor.u32 $0xE, v44;
	[tilespmem:s31+$0xFFFFE410] =	vst v2;
	v25 =	vld.idx.msk [tilespmem:v19+s16+$0x0], $0xffff  }
0x1c0: {  	v58 =	vor.u32 $0xF, v44;
	[tilespmem:s31+$0xFFFFE610] =	vst v3;
	v23 =	vld.idx.msk [tilespmem:v51+s16+$0x0], $0xffff  }
0x1c1: {  	v59 =	vor.u32 $0x11, v44;
	[tilespmem:s31+$0xFFFFE810] =	vst v4;
	v17 =	vld.idx.msk [tilespmem:v52+s16+$0x0], $0xffff  }
0x1c2: {  	v60 =	vor.u32 $0x13, v44;
	[tilespmem:s31+$0xFFFFEE10] =	vst v7;
	v7 =	vld.idx.msk [tilespmem:v55+s16+$0x0], $0xffff  }
0x1c3: {  	v61 =	vor.u32 $0x14, v44;
	[tilespmem:s31+$0xFFFFEA10] =	vst v5;
	v43 =	vld.idx.msk [tilespmem:v56+s16+$0x0], $0xffff  }
0x1c4: {  	v62 =	vor.u32 $0x15, v44;
	[tilespmem:s31+$0xFFFFF010] =	vst v8;
	v8 =	vld.idx.msk [tilespmem:v57+s16+$0x0], $0xffff  }
0x1c5: {  	v63 =	vor.u32 $0x17, v44;
	[tilespmem:s31+$0xFFFFF410] =	vst v10;
	v10 =	vld.idx.msk [tilespmem:v58+s16+$0x0], $0xffff  }
0x1c6: {  	v11 =	vor.u32 $0x1, v44;
	[tilespmem:s31+$0xFFFFFC10] =	vst v14;
	v14 =	vld.idx.msk [tilespmem:v59+s16+$0x0], $0xffff  }
0x1c7: {  	v13 =	vor.u32 $0x2, v44;
	[tilespmem:s31+$0xFFFFEC10] =	vst v6;
	v19 =	vld.idx.msk [tilespmem:v60+s16+$0x0], $0xffff  }
0x1c8: {  	v53 =	vor.u32 $0x8, v44;
	[tilespmem:s31+$0xFFFFFE10] =	vst v15;
	v15 =	vld.idx.msk [tilespmem:v61+s16+$0x0], $0xffff  }
0x1c9: {  	v54 =	vor.u32 $0x9, v44;
	[tilespmem:s31+$0x810] =	vst v20;
	v20 =	vld.idx.msk [tilespmem:v62+s16+$0x0], $0xffff  }
0x1ca: {  	v6 =	vor.u32 $0x10, v44;
	[tilespmem:s31+$0x610] =	vst v32;
	v32 =	vld.idx.msk [tilespmem:v63+s16+$0x0], $0xffff  }
0x1cb: {  	v4 =	vor.u32 $0xA, v44;
	[tilespmem:s31+$0xFFFFF210] =	vst v9;
	v31 =	vld.idx.msk [tilespmem:v11+s16+$0x0], $0xffff  }
0x1cc: {  	v22 =	vor.u32 $0x6, v44;
	[tilespmem:s31+$0xFFFFF610] =	vst v16;
	v27 =	vld.idx.msk [tilespmem:v13+s16+$0x0], $0xffff  }
0x1cd: {  	v5 =	vor.u32 $0xC, v44;
	[tilespmem:s31+$0xFFFFF810] =	vst v12;
	v13 =	vld.idx.msk [tilespmem:v53+s16+$0x0], $0xffff  }
0x1ce: {  	v16 =	vor.u32 $0x12, v44;
	[tilespmem:s31+$0xFFFFFA10] =	vst v18;
	v11 =	vld.idx.msk [tilespmem:v54+s16+$0x0], $0xffff  }
0x1cf: {  	[tilespmem:s31+$0x10] =	vst v21;
	v12 =	vld.idx.msk [tilespmem:v6+s16+$0x0], $0xffff;
	v6 =	vor.u32 $0x16, v44  }
0x1d0: {  	[tilespmem:s31+$0x210] =	vst v24;
	v9 =	vld.idx.msk [tilespmem:v4+s16+$0x0], $0xffff;
	v4 =	vor.u32 $0x18, v44  }
0x1d1: {  	v35 =	vor.u32 $0x19, v44;
	[tilespmem:s31+$0x410] =	vst v28;
	v22 =	vld.idx.msk [tilespmem:v22+s16+$0x0], $0xffff  }
0x1d2: {  	s25 =	sshll.u32 s29, $0x14;
	[tilespmem:s31+$0xA10] =	vst v33;
	v33 =	vor.u32 $0x1A, v44;
	v42 =	vld.idx.msk [tilespmem:v5+s16+$0x0], $0xffff  }
0x1d3: {  	s0 =	sadd.s32 s9, s25;
	[tilespmem:s31+$0xC10] =	vst v37;
	v28 =	vor.u32 $0x1B, v44;
	v18 =	vld.idx.msk [tilespmem:v16+s16+$0x0], $0xffff  }
0x1d4: {  	s0 =	sshrl.u32 s0, $0x3;
	[tilespmem:s31+$0xE10] =	vst v40;
	v16 =	vor.u32 $0x1C, v44;
	v24 =	vld.idx.msk [tilespmem:v6+s16+$0x0], $0xffff  }
0x1d5: {  	s21 =	simm.s32 $0x20;
	s1 =	simm.s32 $0x0;
	s0 =	sadd.s32 s4, s0;
	v21 =	vor.u32 $0x1D, v44;
	[tilespmem:s31+$0x1010] =	vst v41;
	v6 =	vor.u32 $0x1E, v44;
	v44 =	vor.u32 $0x1F, v44;
	v37 =	vld.idx.msk [tilespmem:v4+s16+$0x0], $0xffff  }
.LBB2_7:
0x1d6: {  	v41 =	vld.idx.msk [tilespmem:v35+s16+$0x0], $0xffff;
	[tilespmem:s31+$0x1210] =	vst v38  }
0x1d7: {  	v40 =	vld.idx.msk [tilespmem:v33+s16+$0x0], $0xffff;
	[tilespmem:s31+$0x1410] =	vst v39  }
0x1d8: {  	v39 =	vld.idx.msk [tilespmem:v28+s16+$0x0], $0xffff;
	[tilespmem:s31+$0x1610] =	vst v36  }
0x1d9: {  	v1 =	vmov s21;
	v38 =	vld.idx.msk [tilespmem:v16+s16+$0x0], $0xffff;
	[tilespmem:s31+$0x1810] =	vst v34  }
0x1da: {  	s25 =	sadd.s32 $0x10, s21;
	v34 =	vld.idx.msk [tilespmem:v21+s16+$0x0], $0xffff;
	[tilespmem:s31+$0x1A10] =	vst v29;
	v1 =	vshll.u32 v1, $0x5  }
0x1db: {  	v29 =	vld.idx.msk [tilespmem:v6+s16+$0x0], $0xffff;
	[tilespmem:s31+$0x1C10] =	vst v30;
	v2 =	vmov s25;
	v0 =	vor.u32 v45, v1  }
0x1dc: {  	v60 =	vshll.u32 v2, $0x5;
	v2 =	vld.idx.msk [tilespmem:v44+s16+$0x0], $0xffff;
	[tilespmem:s31+$0xFFFFE200] =	vst v31;
	v61 =	vor.u32 $0x2, v0  }
0x1dd: {  	v62 =	vor.u32 $0x4, v0;
	[tilespmem:$0x1FEA0] =	vst v61  }
0x1de: {  	v36 =	vor.u32 v45, v60;
	v63 =	vor.u32 $0x6, v0;
	[tilespmem:$0x1FEB0] =	vst v62  }
0x1df: {  	v33 =	vor.u32 $0x8, v0;
	[tilespmem:$0x1FEC0] =	vst v63  }
0x1e0: {  	v16 =	vor.u32 $0x1, v36;
	v35 =	vor.u32 $0xC, v0;
	[tilespmem:$0x1FED0] =	vst v33  }
0x1e1: {  	v21 =	vor.u32 $0x2, v36;
	[tilespmem:$0x1FEE0] =	vst v35  }
0x1e2: {  	v6 =	vor.u32 $0x3, v36;
	v30 =	vld.idx.msk [tilespmem:v0+s16+$0x0], $0xffff;
	[tilespmem:s31+$0xFFFFE400] =	vst v27  }
0x1e3: {  	v3 =	vor.u32 $0x4, v36;
	v27 =	vld.idx.msk [tilespmem:v36+s16+$0x0], $0xffff;
	[tilespmem:s31+$0xFFFFE600] =	vst v26  }
0x1e4: {  	v28 =	vor.u32 $0x5, v36;
	[tilespmem:s31+$0x1E00] =	vst v2;
	v2 =	vld [tilespmem:$0x1FEF0]  }
0x1e5: {  	v44 =	vor.u32 $0x9, v36;
	[tilespmem:s31+$0xFFFFE800] =	vst v25;
	v26 =	vld.idx.msk [tilespmem:v16+s16+$0x0], $0xffff  }
0x1e6: {  	v52 =	vor.u32 $0x1, v0;
	v53 =	vor.u32 $0x3, v0;
	v1 =	vor.u32 $0xB, v36;
	[tilespmem:s31+$0xFFFFEA00] =	vst v23;
	v25 =	vld.idx.msk [tilespmem:v21+s16+$0x0], $0xffff  }
0x1e7: {  	v54 =	vor.u32 $0x5, v0;
	v55 =	vor.u32 $0x7, v0;
	v4 =	vor.u32 $0xC, v36;
	[tilespmem:s31+$0xFFFFEC00] =	vst v22;
	v23 =	vld.idx.msk [tilespmem:v6+s16+$0x0], $0xffff  }
0x1e8: {  	v51 =	vor.u32 $0xA, v0;
	v56 =	vor.u32 $0xB, v0;
	v5 =	vor.u32 $0xD, v36;
	[tilespmem:s31+$0xFFFFEE00] =	vst v17;
	v22 =	vld.idx.msk [tilespmem:v3+s16+$0x0], $0xffff  }
0x1e9: {  	v57 =	vor.u32 $0xD, v0;
	v45 =	vor.u32 $0xE, v0;
	[tilespmem:s31+$0xFFFFF800] =	vst v42;
	v42 =	vor.u32 $0x10, v36;
	v17 =	vld.idx.msk [tilespmem:v28+s16+$0x0], $0xffff  }
0x1ea: {  	v58 =	vor.u32 $0xF, v0;
	v46 =	vor.u32 $0x10, v0;
	[tilespmem:s31+$0xFFFFF600] =	vst v7;
	v16 =	vor.u32 $0x6, v36;
	v7 =	vld.idx.msk [tilespmem:v44+s16+$0x0], $0xffff  }
0x1eb: {  	v59 =	vor.u32 $0x11, v0;
	v47 =	vor.u32 $0x12, v0;
	[tilespmem:s31+$0xFFFFF000] =	vst v13;
	v21 =	vor.u32 $0x7, v36;
	v1 =	vld.idx.msk [tilespmem:v1+s16+$0x0], $0xffff  }
0x1ec: {  	v60 =	vor.u32 $0x13, v0;
	v48 =	vor.u32 $0x14, v0;
	[tilespmem:s31+$0xFFFFF200] =	vst v11;
	v6 =	vor.u32 $0x8, v36;
	v4 =	vld.idx.msk [tilespmem:v4+s16+$0x0], $0xffff  }
0x1ed: {  	v49 =	vor.u32 $0x16, v0;
	v31 =	vor.u32 $0xA, v36;
	v50 =	vor.u32 $0x18, v0;
	[tilespmem:s31+$0xFFFFFC00] =	vst v8;
	v5 =	vld.idx.msk [tilespmem:v5+s16+$0x0], $0xffff  }
0x1ee: {  	v63 =	vor.u32 $0x9, v0;
	v61 =	vor.u32 $0x15, v0;
	v8 =	vor.u32 $0x11, v36;
	[tilespmem:s31+$0x400] =	vst v18;
	v18 =	vld.idx.msk [tilespmem:v42+s16+$0x0], $0xffff  }
0x1ef: {  	v62 =	vor.u32 $0x17, v0;
	v35 =	vor.u32 $0x19, v0;
	[tilespmem:s31+$0xFFFFFE00] =	vst v10;
	v10 =	vor.u32 $0x12, v36;
	v13 =	vld.idx.msk [tilespmem:v16+s16+$0x0], $0xffff  }
0x1f0: {  	v33 =	vor.u32 $0x1A, v0;
	[tilespmem:s31+$0x0] =	vst v12;
	v12 =	vor.u32 $0x13, v36;
	v28 =	vor.u32 $0x1B, v0;
	v11 =	vld.idx.msk [tilespmem:v21+s16+$0x0], $0xffff  }
0x1f1: {  	[tilespmem:s31+$0xFFFFF400] =	vst v9;
	v3 =	vor.u32 $0xE, v36;
	v44 =	vor.u32 $0x1F, v0;
	v16 =	vor.u32 $0x1C, v0;
	v9 =	vld.idx.msk [tilespmem:v6+s16+$0x0], $0xffff  }
0x1f2: {  	v21 =	vor.u32 $0x1D, v0;
	v6 =	vor.u32 $0x1E, v0;
	v0 =	vld.idx.msk [tilespmem:v31+s16+$0x0], $0xffff;
	v31 =	vor.u32 $0xF, v36  }
0x1f3: {  	[tilespmem:s31+$0x600] =	vst v19;
	v42 =	vor.u32 $0x15, v36;
	v19 =	vld.idx.msk [tilespmem:v8+s16+$0x0], $0xffff  }
0x1f4: {  	[tilespmem:s31+$0x800] =	vst v15;
	v8 =	vor.u32 $0x16, v36;
	v15 =	vld.idx.msk [tilespmem:v10+s16+$0x0], $0xffff  }
0x1f5: {  	[tilespmem:s31+$0xA00] =	vst v20;
	v20 =	vld.idx.msk [tilespmem:v12+s16+$0x0], $0xffff;
	v12 =	vor.u32 $0x18, v36  }
0x1f6: {  	[tilespmem:s31+$0xFFFFFA00] =	vst v43;
	v10 =	vor.u32 $0x17, v36;
	v3 =	vld.idx.msk [tilespmem:v3+s16+$0x0], $0xffff  }
0x1f7: {  	[tilespmem:s31+$0x200] =	vst v14;
	v14 =	vld.idx.msk [tilespmem:v31+s16+$0x0], $0xffff;
	v31 =	vor.u32 $0x14, v36  }
0x1f8: {  	[tilespmem:s31+$0xE00] =	vst v32;
	v32 =	vld.idx.msk [tilespmem:v42+s16+$0x0], $0xffff;
	v42 =	vor.u32 $0x19, v36  }
0x1f9: {  	[tilespmem:s31+$0x1000] =	vst v37;
	v37 =	vld.idx.msk [tilespmem:v8+s16+$0x0], $0xffff;
	v8 =	vor.u32 $0x1A, v36  }
0x1fa: {  	[tilespmem:s31+$0x1400] =	vst v40;
	v40 =	vld.idx.msk [tilespmem:v12+s16+$0x0], $0xffff;
	v12 =	vor.u32 $0x1C, v36  }
0x1fb: {  	[tilespmem:s31+$0x1200] =	vst v41;
	v41 =	vld.idx.msk [tilespmem:v10+s16+$0x0], $0xffff;
	v10 =	vor.u32 $0x1B, v36  }
0x1fc: {  	[tilespmem:s31+$0xC00] =	vst v24;
	v24 =	vld.idx.msk [tilespmem:v31+s16+$0x0], $0xffff;
	v31 =	vor.u32 $0x1F, v36  }
0x1fd: {  	v43 =	vor.u32 $0x1D, v36;
	[tilespmem:s31+$0x1800] =	vst v38;
	v38 =	vld.idx.msk [tilespmem:v42+s16+$0x0], $0xffff  }
0x1fe: {  	[tilespmem:s31+$0x1600] =	vst v39;
	v39 =	vld.idx.msk [tilespmem:v8+s16+$0x0], $0xffff  }
0x1ff: {  	[tilespmem:s31+$0x1A00] =	vst v34;
	v34 =	vld.idx.msk [tilespmem:v12+s16+$0x0], $0xffff  }
0x200: {  	v42 =	vor.u32 $0x1E, v36;
	v36 =	vld.idx.msk [tilespmem:v10+s16+$0x0], $0xffff  }
0x201: {  	v31 =	vld.idx.msk [tilespmem:v31+s16+$0x0], $0xffff;
	[tilespmem:s31+$0xFFFFE010] =	vst v2  }
0x202: {  	[tilespmem:s31+$0x1C00] =	vst v29;
	v29 =	vld.idx.msk [tilespmem:v43+s16+$0x0], $0xffff  }
0x203: {  	v43 =	vld [tilespmem:$0x1FF00];
	_ =	sdelay $0x4  }
0x204: {  	[tilespmem:s31+$0xFFFFE000] =	vst v43;
	s31 =	sadd.s32 $0x20, s31;
	v43 =	vmov v30;
	v30 =	vld.idx.msk [tilespmem:v42+s16+$0x0], $0xffff  }
0x205: {  	[tilespmem:s31+$0x1E10] =	vst v31;
	v31 =	vld.idx.msk [tilespmem:v52+s16+$0x0], $0xffff  }
0x206: {  	v52 =	vld [tilespmem:$0x1FEA0]  }
0x207: {  	[tilespmem:s31+$0xFFFFE210] =	vst v26;
	v26 =	vld.idx.msk [tilespmem:v53+s16+$0x0], $0xffff  }
0x208: {  	v53 =	vld [tilespmem:$0x1FEB0]  }
0x209: {  	[tilespmem:s31+$0xFFFFE610] =	vst v23;
	v23 =	vld.idx.msk [tilespmem:v54+s16+$0x0], $0xffff  }
0x20a: {  	v54 =	vld [tilespmem:$0x1FEC0]  }
0x20b: {  	v2 =	vmov v27;
	[tilespmem:s31+$0xFFFFEA10] =	vst v17;
	v17 =	vld.idx.msk [tilespmem:v55+s16+$0x0], $0xffff  }
0x20c: {  	[tilespmem:$0x1FEF0] =	vst v2;
	v55 =	vld [tilespmem:$0x1FED0]  }
0x20d: {  	[tilespmem:s31+$0xFFFFEE10] =	vst v11;
	v11 =	vld.idx.msk [tilespmem:v63+s16+$0x0], $0xffff  }
0x20e: {  	[tilespmem:s31+$0xFFFFF010] =	vst v9;
	v9 =	vld.idx.msk [tilespmem:v51+s16+$0x0], $0xffff  }
0x20f: {  	[tilespmem:s31+$0xFFFFF210] =	vst v7;
	v7 =	vld.idx.msk [tilespmem:v56+s16+$0x0], $0xffff  }
0x210: {  	[tilespmem:$0x1FF00] =	vst v43;
	v63 =	vld [tilespmem:$0x1FEE0]  }
0x211: {  	[tilespmem:s31+$0xFFFFE410] =	vst v25;
	v43 =	vld.idx.msk [tilespmem:v57+s16+$0x0], $0xffff  }
0x212: {  	[tilespmem:s31+$0xFFFFE810] =	vst v22;
	v8 =	vld.idx.msk [tilespmem:v45+s16+$0x0], $0xffff  }
0x213: {  	[tilespmem:s31+$0xFFFFEC10] =	vst v13;
	v45 =	vld [tilespmem:$0x1FFF0]  }
0x214: {  	[tilespmem:s31+$0xFFFFF410] =	vst v0;
	v10 =	vld.idx.msk [tilespmem:v58+s16+$0x0], $0xffff  }
0x215: {  	[tilespmem:s31+$0xFFFFF610] =	vst v1;
	v12 =	vld.idx.msk [tilespmem:v46+s16+$0x0], $0xffff  }
0x216: {  	[tilespmem:s31+$0xFFFFFE10] =	vst v14;
	v14 =	vld.idx.msk [tilespmem:v59+s16+$0x0], $0xffff  }
0x217: {  	[tilespmem:s31+$0x10] =	vst v18;
	v18 =	vld.idx.msk [tilespmem:v47+s16+$0x0], $0xffff  }
0x218: {  	[tilespmem:s31+$0x210] =	vst v19;
	v19 =	vld.idx.msk [tilespmem:v60+s16+$0x0], $0xffff  }
0x219: {  	[tilespmem:s31+$0x410] =	vst v15;
	v15 =	vld.idx.msk [tilespmem:v48+s16+$0x0], $0xffff  }
0x21a: {  	[tilespmem:s31+$0x610] =	vst v20;
	v20 =	vld.idx.msk [tilespmem:v61+s16+$0x0], $0xffff  }
0x21b: {  	[tilespmem:s31+$0x810] =	vst v24;
	v24 =	vld.idx.msk [tilespmem:v49+s16+$0x0], $0xffff  }
0x21c: {  	s1 =	sadd.s32 $0x2, s1;
	[tilespmem:s31+$0xA10] =	vst v32;
	v32 =	vld.idx.msk [tilespmem:v62+s16+$0x0], $0xffff  }
0x21d: {  	p0 =	slt.u32 s1, $0x1E;
	[tilespmem:s31+$0xC10] =	vst v37;
	v37 =	vld.idx.msk [tilespmem:v50+s16+$0x0], $0xffff  }
.Ltmp2:
0x21e: {  	[tilespmem:s31+$0xFFFFF810] =	vst v4;
	v27 =	vld.idx.msk [tilespmem:v52+s16+$0x0], $0xffff;
	(pc) =	sbr.rel @p0 .LBB2_7-.Ltmp2, $4  }
0x21f: {  	[tilespmem:s31+$0xFFFFFA10] =	vst v5;
	v25 =	vld.idx.msk [tilespmem:v53+s16+$0x0], $0xffff  }
0x220: {  	[tilespmem:s31+$0xFFFFFC10] =	vst v3;
	v22 =	vld.idx.msk [tilespmem:v54+s16+$0x0], $0xffff  }
0x221: {  	[tilespmem:s31+$0xE10] =	vst v41;
	v13 =	vld.idx.msk [tilespmem:v55+s16+$0x0], $0xffff  }
0x222: {  	s21 =	sadd.s32 $0x20, s21;
	[tilespmem:s31+$0x1010] =	vst v40;
	v42 =	vld.idx.msk [tilespmem:v63+s16+$0x0], $0xffff  }
0x223: {  	_ =	sdelay $0x3  }
0x224: {  	v0 =	vld.idx.msk [tilespmem:v35+s16+$0x0], $0xffff;
	[tilespmem:s31+$0x1210] =	vst v38  }
0x225: {  	v1 =	vld.idx.msk [tilespmem:v33+s16+$0x0], $0xffff;
	[tilespmem:s31+$0x1410] =	vst v39  }
0x226: {  	v2 =	vld.idx.msk [tilespmem:v28+s16+$0x0], $0xffff;
	[tilespmem:s31+$0x1610] =	vst v36  }
0x227: {  	v3 =	vld.idx.msk [tilespmem:v16+s16+$0x0], $0xffff;
	[tilespmem:s31+$0x1810] =	vst v34  }
0x228: {  	v4 =	vld.idx.msk [tilespmem:v21+s16+$0x0], $0xffff;
	[tilespmem:s31+$0x1A10] =	vst v29  }
0x229: {  	v5 =	vld.idx.msk [tilespmem:v6+s16+$0x0], $0xffff;
	[tilespmem:s31+$0x1C10] =	vst v30  }
0x22a: {  	v6 =	vld.idx.msk [tilespmem:v44+s16+$0x0], $0xffff;
	[tilespmem:s31+$0xFFFFE200] =	vst v31  }
0x22b: {  	[tilespmem:s31+$0xFFFFE400] =	vst v27  }
0x22c: {  	[tilespmem:s31+$0xFFFFE600] =	vst v26  }
0x22d: {  	[tilespmem:s31+$0xFFFFEA00] =	vst v23  }
0x22e: {  	[tilespmem:s31+$0xFFFFEE00] =	vst v17  }
0x22f: {  	[tilespmem:s31+$0xFFFFF200] =	vst v11  }
0x230: {  	[tilespmem:s31+$0xFFFFF400] =	vst v9  }
0x231: {  	[tilespmem:s31+$0xFFFFF600] =	vst v7  }
0x232: {  	[tilespmem:s31+$0xFFFFFA00] =	vst v43  }
0x233: {  	[tilespmem:s31+$0xFFFFFC00] =	vst v8  }
0x234: {  	[tilespmem:s31+$0xFFFFFE00] =	vst v10  }
0x235: {  	[tilespmem:s31+$0x0] =	vst v12  }
0x236: {  	[tilespmem:s31+$0x200] =	vst v14  }
0x237: {  	[tilespmem:s31+$0x400] =	vst v18  }
0x238: {  	[tilespmem:s31+$0x600] =	vst v19  }
0x239: {  	[tilespmem:s31+$0x800] =	vst v15  }
0x23a: {  	[tilespmem:s31+$0xA00] =	vst v20  }
0x23b: {  	[tilespmem:s31+$0xC00] =	vst v24  }
0x23c: {  	[tilespmem:s31+$0xE00] =	vst v32  }
0x23d: {  	[tilespmem:s31+$0x1000] =	vst v37  }
0x23e: {  	[tilespmem:s31+$0xFFFFE800] =	vst v25  }
0x23f: {  	[tilespmem:s31+$0xFFFFEC00] =	vst v22  }
0x240: {  	[tilespmem:s31+$0xFFFFF000] =	vst v13  }
0x241: {  	[tilespmem:s31+$0xFFFFF800] =	vst v42  }
0x242: {  	[tilespmem:s31+$0x1200] =	vst v0  }
0x243: {  	[tilespmem:s31+$0x1400] =	vst v1  }
0x244: {  	[tilespmem:s31+$0x1600] =	vst v2  }
0x245: {  	[tilespmem:s31+$0x1800] =	vst v3  }
0x246: {  	[tilespmem:s31+$0x1A00] =	vst v4  }
0x247: {  	[tilespmem:s31+$0x1C00] =	vst v5  }
0x248: {  	[tilespmem:s31+$0x1E00] =	vst v6  }
0x249: {  	v0 =	vld [tilespmem:$0x1FEF0];
	_ =	sdelay $0x4  }
0x24a: {  	[tilespmem:s31+$0xFFFFE010] =	vst v0  }
0x24b: {  	v0 =	vld [tilespmem:$0x1FF00];
	_ =	sdelay $0x4  }
0x24c: {  	s25 =	simm.s32 $0x10;
	[tilespmem:s31+$0xFFFFE000] =	vst v0  }
0x24d: {  	[hbm4b:s0+s13] =	stream.strided.scatter [tilespmem:s19], [sflag:$0x3], $0x4000, s14, s13, $0x38;
	[tilespmem:$0x16400] =	vst v63  }
0x24e: {  	s1 =	sshll.u32 s29, $0xA;
	v43 =	vmov s25;
	_ =	swait.ge [sflag:s20], $0x4000  }
0x24f: {  	s21 =	sand.u32 $0x3FFFFC00, s1;
	v0 =	vshll.u32 v43, $0x5;
	[sflag:s20] =	ssyncset.done $0x0  }
0x250: {  	s0 =	sadd.s32 $0x800, s21;
	v0 =	vor.u32 v45, v0;
	[sflag:s20] =	ssyncadd.s32 $0xFFFFC000  }
0x251: {  	[tilespmem:s16], [sflag:$0x1] =	stream.indirect.gather [hbm4b:s5+s13], $0x20, s0, s13, $0xb8;
	[tilespmem:$0x16400] =	vst v63  }
0x252: {  	_ =	swait.ge [sflag:s24], $0x4000  }
0x253: {  	[sflag:s24] =	ssyncset.done $0x0  }
0x254: {  	[sflag:s24] =	ssyncadd.s32 $0xFFFFC000  }
0x255: {  	v5 =	vld.idx.msk [tilespmem:v0+s18+$0x0], $0xffff  }
0x256: {  	v44 =	vor.u32 $0x1, v0  }
0x257: {  	v46 =	vor.u32 $0x2, v0  }
0x258: {  	v47 =	vor.u32 $0x3, v0  }
0x259: {  	v4 =	vor.u32 $0x4, v0  }
0x25a: {  	v6 =	vor.u32 $0x6, v0;
	[tilespmem:$0x1FE80] =	vst v5  }
0x25b: {  	v7 =	vor.u32 $0x7, v0;
	v1 =	vld.idx.msk [tilespmem:v44+s18+$0x0], $0xffff  }
0x25c: {  	v8 =	vor.u32 $0x8, v0;
	v2 =	vld.idx.msk [tilespmem:v46+s18+$0x0], $0xffff  }
0x25d: {  	v9 =	vor.u32 $0x9, v0;
	v3 =	vld.idx.msk [tilespmem:v47+s18+$0x0], $0xffff  }
0x25e: {  	v10 =	vor.u32 $0xA, v0;
	v4 =	vld.idx.msk [tilespmem:v4+s18+$0x0], $0xffff  }
0x25f: {  	v11 =	vor.u32 $0xB, v0;
	v6 =	vld.idx.msk [tilespmem:v6+s18+$0x0], $0xffff  }
0x260: {  	v12 =	vor.u32 $0xC, v0;
	v7 =	vld.idx.msk [tilespmem:v7+s18+$0x0], $0xffff  }
0x261: {  	v13 =	vor.u32 $0xD, v0;
	v8 =	vld.idx.msk [tilespmem:v8+s18+$0x0], $0xffff  }
0x262: {  	v14 =	vor.u32 $0xE, v0;
	v9 =	vld.idx.msk [tilespmem:v9+s18+$0x0], $0xffff  }
0x263: {  	v15 =	vor.u32 $0xF, v0;
	v10 =	vld.idx.msk [tilespmem:v10+s18+$0x0], $0xffff  }
0x264: {  	v17 =	vor.u32 $0x11, v0;
	v16 =	vld.idx.msk [tilespmem:v11+s18+$0x0], $0xffff  }
0x265: {  	v19 =	vor.u32 $0x13, v0;
	v12 =	vld.idx.msk [tilespmem:v12+s18+$0x0], $0xffff  }
0x266: {  	v20 =	vor.u32 $0x14, v0;
	v18 =	vld.idx.msk [tilespmem:v13+s18+$0x0], $0xffff  }
0x267: {  	v22 =	vor.u32 $0x1F, v0;
	v14 =	vld.idx.msk [tilespmem:v14+s18+$0x0], $0xffff  }
0x268: {  	s25 =	simm.s32 $0x0;
	v25 =	vor.u32 $0x1D, v0;
	v15 =	vld.idx.msk [tilespmem:v15+s18+$0x0], $0xffff  }
0x269: {  	v23 =	vmov s25;
	v11 =	vor.u32 $0x10, v0;
	v24 =	vld.idx.msk [tilespmem:v17+s18+$0x0], $0xffff  }
0x26a: {  	v23 =	vshll.u32 v23, $0x5;
	v13 =	vor.u32 $0x12, v0;
	v32 =	vld.idx.msk [tilespmem:v19+s18+$0x0], $0xffff  }
0x26b: {  	v50 =	vor.u32 v45, v23;
	v20 =	vld.idx.msk [tilespmem:v20+s18+$0x0], $0xffff  }
0x26c: {  	v17 =	vor.u32 $0x16, v0;
	v22 =	vld.idx.msk [tilespmem:v22+s18+$0x0], $0xffff  }
0x26d: {  	v19 =	vor.u32 $0x18, v0;
	v29 =	vld.idx.msk [tilespmem:v25+s18+$0x0], $0xffff  }
0x26e: {  	v21 =	vld.idx.msk [tilespmem:v11+s18+$0x0], $0xffff;
	v11 =	vor.u32 $0x15, v0  }
0x26f: {  	v28 =	vld.idx.msk [tilespmem:v13+s18+$0x0], $0xffff;
	v13 =	vor.u32 $0x17, v0  }
0x270: {  	v5 =	vor.u32 $0x5, v0;
	v23 =	vld.idx.msk [tilespmem:v50+s18+$0x0], $0xffff  }
0x271: {  	v49 =	vld.idx.msk [tilespmem:v17+s18+$0x0], $0xffff;
	v17 =	vor.u32 $0x1A, v0  }
0x272: {  	v41 =	vld.idx.msk [tilespmem:v19+s18+$0x0], $0xffff;
	v19 =	vor.u32 $0x1C, v0  }
0x273: {  	v48 =	vld.idx.msk [tilespmem:v11+s18+$0x0], $0xffff;
	v11 =	vor.u32 $0x19, v0  }
0x274: {  	v40 =	vld.idx.msk [tilespmem:v13+s18+$0x0], $0xffff;
	v13 =	vor.u32 $0x1B, v0  }
0x275: {  	v5 =	vld.idx.msk [tilespmem:v5+s18+$0x0], $0xffff;
	v0 =	vor.u32 $0x1E, v0  }
0x276: {  	v39 =	vld.idx.msk [tilespmem:v17+s18+$0x0], $0xffff  }
0x277: {  	v34 =	vld.idx.msk [tilespmem:v19+s18+$0x0], $0xffff;
	v17 =	vor.u32 $0x3, v50  }
0x278: {  	v19 =	vor.u32 $0x4, v50;
	v38 =	vld.idx.msk [tilespmem:v11+s18+$0x0], $0xffff  }
0x279: {  	v51 =	vor.u32 $0x5, v50;
	v36 =	vld.idx.msk [tilespmem:v13+s18+$0x0], $0xffff  }
0x27a: {  	v52 =	vor.u32 $0x7, v50;
	s31 =	simm.s32 $0x14400;
	v30 =	vld.idx.msk [tilespmem:v0+s18+$0x0], $0xffff;
	[tilespmem:$0x1FE90] =	vst v23  }
0x27b: {  	v55 =	vor.u32 $0xB, v50;
	[tilespmem:s31+$0x1E10] =	vst v22  }
0x27c: {  	v56 =	vor.u32 $0xD, v50;
	[tilespmem:s31+$0xFFFFE210] =	vst v1;
	v26 =	vld.idx.msk [tilespmem:v17+s18+$0x0], $0xffff  }
0x27d: {  	v57 =	vor.u32 $0xE, v50;
	[tilespmem:s31+$0xFFFFE410] =	vst v2;
	v25 =	vld.idx.msk [tilespmem:v19+s18+$0x0], $0xffff  }
0x27e: {  	v58 =	vor.u32 $0xF, v50;
	[tilespmem:s31+$0xFFFFE610] =	vst v3;
	v23 =	vld.idx.msk [tilespmem:v51+s18+$0x0], $0xffff  }
0x27f: {  	v59 =	vor.u32 $0x11, v50;
	[tilespmem:s31+$0xFFFFE810] =	vst v4;
	v17 =	vld.idx.msk [tilespmem:v52+s18+$0x0], $0xffff  }
0x280: {  	v60 =	vor.u32 $0x13, v50;
	[tilespmem:s31+$0xFFFFEE10] =	vst v7;
	v7 =	vld.idx.msk [tilespmem:v55+s18+$0x0], $0xffff  }
0x281: {  	v61 =	vor.u32 $0x14, v50;
	[tilespmem:s31+$0xFFFFEA10] =	vst v5;
	v43 =	vld.idx.msk [tilespmem:v56+s18+$0x0], $0xffff  }
0x282: {  	v62 =	vor.u32 $0x15, v50;
	[tilespmem:s31+$0xFFFFF010] =	vst v8;
	v8 =	vld.idx.msk [tilespmem:v57+s18+$0x0], $0xffff  }
0x283: {  	v63 =	vor.u32 $0x17, v50;
	[tilespmem:s31+$0xFFFFF410] =	vst v10;
	v10 =	vld.idx.msk [tilespmem:v58+s18+$0x0], $0xffff  }
0x284: {  	v11 =	vor.u32 $0x1, v50;
	[tilespmem:s31+$0xFFFFFC10] =	vst v14;
	v14 =	vld.idx.msk [tilespmem:v59+s18+$0x0], $0xffff  }
0x285: {  	v13 =	vor.u32 $0x2, v50;
	[tilespmem:s31+$0xFFFFEC10] =	vst v6;
	v19 =	vld.idx.msk [tilespmem:v60+s18+$0x0], $0xffff  }
0x286: {  	v53 =	vor.u32 $0x8, v50;
	[tilespmem:s31+$0xFFFFFE10] =	vst v15;
	v15 =	vld.idx.msk [tilespmem:v61+s18+$0x0], $0xffff  }
0x287: {  	v54 =	vor.u32 $0x9, v50;
	[tilespmem:s31+$0x810] =	vst v20;
	v20 =	vld.idx.msk [tilespmem:v62+s18+$0x0], $0xffff  }
0x288: {  	v6 =	vor.u32 $0x10, v50;
	[tilespmem:s31+$0x610] =	vst v32;
	v32 =	vld.idx.msk [tilespmem:v63+s18+$0x0], $0xffff  }
0x289: {  	v4 =	vor.u32 $0xA, v50;
	[tilespmem:s31+$0xFFFFF210] =	vst v9;
	v31 =	vld.idx.msk [tilespmem:v11+s18+$0x0], $0xffff  }
0x28a: {  	v22 =	vor.u32 $0x6, v50;
	[tilespmem:s31+$0xFFFFF610] =	vst v16;
	v27 =	vld.idx.msk [tilespmem:v13+s18+$0x0], $0xffff  }
0x28b: {  	v5 =	vor.u32 $0xC, v50;
	[tilespmem:s31+$0xFFFFF810] =	vst v12;
	v13 =	vld.idx.msk [tilespmem:v53+s18+$0x0], $0xffff  }
0x28c: {  	v16 =	vor.u32 $0x12, v50;
	[tilespmem:s31+$0xFFFFFA10] =	vst v18;
	v11 =	vld.idx.msk [tilespmem:v54+s18+$0x0], $0xffff  }
0x28d: {  	[tilespmem:s31+$0x10] =	vst v21;
	v12 =	vld.idx.msk [tilespmem:v6+s18+$0x0], $0xffff;
	v6 =	vor.u32 $0x16, v50  }
0x28e: {  	[tilespmem:s31+$0x210] =	vst v24;
	v9 =	vld.idx.msk [tilespmem:v4+s18+$0x0], $0xffff;
	v4 =	vor.u32 $0x18, v50  }
0x28f: {  	v35 =	vor.u32 $0x19, v50;
	[tilespmem:s31+$0x410] =	vst v28;
	v22 =	vld.idx.msk [tilespmem:v22+s18+$0x0], $0xffff  }
0x290: {  	s30 =	sshll.u32 s30, $0x13;
	v33 =	vor.u32 $0x1A, v50;
	[tilespmem:s31+$0xA10] =	vst v48;
	v42 =	vld.idx.msk [tilespmem:v5+s18+$0x0], $0xffff  }
0x291: {  	s0 =	sor.u32 s3, s30;
	[tilespmem:s31+$0xC10] =	vst v49;
	v28 =	vor.u32 $0x1B, v50;
	v18 =	vld.idx.msk [tilespmem:v16+s18+$0x0], $0xffff  }
0x292: {  	s0 =	sshrl.u32 s0, $0x3;
	[tilespmem:s31+$0xE10] =	vst v40;
	v16 =	vor.u32 $0x1C, v50;
	v24 =	vld.idx.msk [tilespmem:v6+s18+$0x0], $0xffff  }
0x293: {  	s1 =	simm.s32 $0x0;
	s21 =	simm.s32 $0x20;
	s0 =	sadd.s32 s4, s0;
	v44 =	vor.u32 $0x1F, v50;
	v21 =	vor.u32 $0x1D, v50;
	[tilespmem:s31+$0x1010] =	vst v41;
	v6 =	vor.u32 $0x1E, v50;
	v37 =	vld.idx.msk [tilespmem:v4+s18+$0x0], $0xffff  }
.LBB2_9:
0x294: {  	v41 =	vld.idx.msk [tilespmem:v35+s18+$0x0], $0xffff;
	[tilespmem:s31+$0x1210] =	vst v38  }
0x295: {  	v40 =	vld.idx.msk [tilespmem:v33+s18+$0x0], $0xffff;
	[tilespmem:s31+$0x1410] =	vst v39  }
0x296: {  	v39 =	vld.idx.msk [tilespmem:v28+s18+$0x0], $0xffff;
	[tilespmem:s31+$0x1610] =	vst v36  }
0x297: {  	v1 =	vmov s21;
	v38 =	vld.idx.msk [tilespmem:v16+s18+$0x0], $0xffff;
	[tilespmem:s31+$0x1810] =	vst v34  }
0x298: {  	s25 =	sadd.s32 $0x10, s21;
	v34 =	vld.idx.msk [tilespmem:v21+s18+$0x0], $0xffff;
	[tilespmem:s31+$0x1A10] =	vst v29;
	v1 =	vshll.u32 v1, $0x5  }
0x299: {  	v29 =	vld.idx.msk [tilespmem:v6+s18+$0x0], $0xffff;
	[tilespmem:s31+$0x1C10] =	vst v30;
	v2 =	vmov s25;
	v0 =	vor.u32 v45, v1  }
0x29a: {  	v60 =	vshll.u32 v2, $0x5;
	v2 =	vld.idx.msk [tilespmem:v44+s18+$0x0], $0xffff;
	[tilespmem:s31+$0xFFFFE200] =	vst v31;
	v61 =	vor.u32 $0x2, v0  }
0x29b: {  	v62 =	vor.u32 $0x4, v0;
	[tilespmem:$0x1FE30] =	vst v61  }
0x29c: {  	v36 =	vor.u32 v45, v60;
	v63 =	vor.u32 $0x6, v0;
	[tilespmem:$0x1FE40] =	vst v62  }
0x29d: {  	v33 =	vor.u32 $0x8, v0;
	[tilespmem:$0x1FE50] =	vst v63  }
0x29e: {  	v16 =	vor.u32 $0x1, v36;
	v35 =	vor.u32 $0xC, v0;
	[tilespmem:$0x1FE60] =	vst v33  }
0x29f: {  	v21 =	vor.u32 $0x2, v36;
	[tilespmem:$0x1FE70] =	vst v35  }
0x2a0: {  	v6 =	vor.u32 $0x3, v36;
	v30 =	vld.idx.msk [tilespmem:v0+s18+$0x0], $0xffff;
	[tilespmem:s31+$0xFFFFE400] =	vst v27  }
0x2a1: {  	v3 =	vor.u32 $0x4, v36;
	v27 =	vld.idx.msk [tilespmem:v36+s18+$0x0], $0xffff;
	[tilespmem:s31+$0xFFFFE600] =	vst v26  }
0x2a2: {  	v28 =	vor.u32 $0x5, v36;
	[tilespmem:s31+$0x1E00] =	vst v2;
	v2 =	vld [tilespmem:$0x1FE80]  }
0x2a3: {  	v44 =	vor.u32 $0x9, v36;
	[tilespmem:s31+$0xFFFFE800] =	vst v25;
	v26 =	vld.idx.msk [tilespmem:v16+s18+$0x0], $0xffff  }
0x2a4: {  	v52 =	vor.u32 $0x1, v0;
	v53 =	vor.u32 $0x3, v0;
	v1 =	vor.u32 $0xB, v36;
	[tilespmem:s31+$0xFFFFEA00] =	vst v23;
	v25 =	vld.idx.msk [tilespmem:v21+s18+$0x0], $0xffff  }
0x2a5: {  	v54 =	vor.u32 $0x5, v0;
	v55 =	vor.u32 $0x7, v0;
	v4 =	vor.u32 $0xC, v36;
	[tilespmem:s31+$0xFFFFEC00] =	vst v22;
	v23 =	vld.idx.msk [tilespmem:v6+s18+$0x0], $0xffff  }
0x2a6: {  	v51 =	vor.u32 $0xA, v0;
	v56 =	vor.u32 $0xB, v0;
	v5 =	vor.u32 $0xD, v36;
	[tilespmem:s31+$0xFFFFEE00] =	vst v17;
	v22 =	vld.idx.msk [tilespmem:v3+s18+$0x0], $0xffff  }
0x2a7: {  	v57 =	vor.u32 $0xD, v0;
	v45 =	vor.u32 $0xE, v0;
	[tilespmem:s31+$0xFFFFF800] =	vst v42;
	v42 =	vor.u32 $0x10, v36;
	v17 =	vld.idx.msk [tilespmem:v28+s18+$0x0], $0xffff  }
0x2a8: {  	v58 =	vor.u32 $0xF, v0;
	v46 =	vor.u32 $0x10, v0;
	[tilespmem:s31+$0xFFFFF600] =	vst v7;
	v16 =	vor.u32 $0x6, v36;
	v7 =	vld.idx.msk [tilespmem:v44+s18+$0x0], $0xffff  }
0x2a9: {  	v59 =	vor.u32 $0x11, v0;
	v47 =	vor.u32 $0x12, v0;
	[tilespmem:s31+$0xFFFFF000] =	vst v13;
	v21 =	vor.u32 $0x7, v36;
	v1 =	vld.idx.msk [tilespmem:v1+s18+$0x0], $0xffff  }
0x2aa: {  	v60 =	vor.u32 $0x13, v0;
	v48 =	vor.u32 $0x14, v0;
	[tilespmem:s31+$0xFFFFF200] =	vst v11;
	v6 =	vor.u32 $0x8, v36;
	v4 =	vld.idx.msk [tilespmem:v4+s18+$0x0], $0xffff  }
0x2ab: {  	v49 =	vor.u32 $0x16, v0;
	v31 =	vor.u32 $0xA, v36;
	v50 =	vor.u32 $0x18, v0;
	[tilespmem:s31+$0xFFFFFC00] =	vst v8;
	v5 =	vld.idx.msk [tilespmem:v5+s18+$0x0], $0xffff  }
0x2ac: {  	v63 =	vor.u32 $0x9, v0;
	v61 =	vor.u32 $0x15, v0;
	v8 =	vor.u32 $0x11, v36;
	[tilespmem:s31+$0x400] =	vst v18;
	v18 =	vld.idx.msk [tilespmem:v42+s18+$0x0], $0xffff  }
0x2ad: {  	v62 =	vor.u32 $0x17, v0;
	v35 =	vor.u32 $0x19, v0;
	[tilespmem:s31+$0xFFFFFE00] =	vst v10;
	v10 =	vor.u32 $0x12, v36;
	v13 =	vld.idx.msk [tilespmem:v16+s18+$0x0], $0xffff  }
0x2ae: {  	v33 =	vor.u32 $0x1A, v0;
	[tilespmem:s31+$0x0] =	vst v12;
	v12 =	vor.u32 $0x13, v36;
	v28 =	vor.u32 $0x1B, v0;
	v11 =	vld.idx.msk [tilespmem:v21+s18+$0x0], $0xffff  }
0x2af: {  	[tilespmem:s31+$0xFFFFF400] =	vst v9;
	v3 =	vor.u32 $0xE, v36;
	v44 =	vor.u32 $0x1F, v0;
	v16 =	vor.u32 $0x1C, v0;
	v9 =	vld.idx.msk [tilespmem:v6+s18+$0x0], $0xffff  }
0x2b0: {  	v21 =	vor.u32 $0x1D, v0;
	v6 =	vor.u32 $0x1E, v0;
	v0 =	vld.idx.msk [tilespmem:v31+s18+$0x0], $0xffff;
	v31 =	vor.u32 $0xF, v36  }
0x2b1: {  	[tilespmem:s31+$0x600] =	vst v19;
	v42 =	vor.u32 $0x15, v36;
	v19 =	vld.idx.msk [tilespmem:v8+s18+$0x0], $0xffff  }
0x2b2: {  	[tilespmem:s31+$0x800] =	vst v15;
	v8 =	vor.u32 $0x16, v36;
	v15 =	vld.idx.msk [tilespmem:v10+s18+$0x0], $0xffff  }
0x2b3: {  	[tilespmem:s31+$0xA00] =	vst v20;
	v20 =	vld.idx.msk [tilespmem:v12+s18+$0x0], $0xffff;
	v12 =	vor.u32 $0x18, v36  }
0x2b4: {  	[tilespmem:s31+$0xFFFFFA00] =	vst v43;
	v10 =	vor.u32 $0x17, v36;
	v3 =	vld.idx.msk [tilespmem:v3+s18+$0x0], $0xffff  }
0x2b5: {  	[tilespmem:s31+$0x200] =	vst v14;
	v14 =	vld.idx.msk [tilespmem:v31+s18+$0x0], $0xffff;
	v31 =	vor.u32 $0x14, v36  }
0x2b6: {  	[tilespmem:s31+$0xE00] =	vst v32;
	v32 =	vld.idx.msk [tilespmem:v42+s18+$0x0], $0xffff;
	v42 =	vor.u32 $0x19, v36  }
0x2b7: {  	[tilespmem:s31+$0x1000] =	vst v37;
	v37 =	vld.idx.msk [tilespmem:v8+s18+$0x0], $0xffff;
	v8 =	vor.u32 $0x1A, v36  }
0x2b8: {  	[tilespmem:s31+$0x1400] =	vst v40;
	v40 =	vld.idx.msk [tilespmem:v12+s18+$0x0], $0xffff;
	v12 =	vor.u32 $0x1C, v36  }
0x2b9: {  	[tilespmem:s31+$0x1200] =	vst v41;
	v41 =	vld.idx.msk [tilespmem:v10+s18+$0x0], $0xffff;
	v10 =	vor.u32 $0x1B, v36  }
0x2ba: {  	[tilespmem:s31+$0xC00] =	vst v24;
	v24 =	vld.idx.msk [tilespmem:v31+s18+$0x0], $0xffff;
	v31 =	vor.u32 $0x1F, v36  }
0x2bb: {  	v43 =	vor.u32 $0x1D, v36;
	[tilespmem:s31+$0x1800] =	vst v38;
	v38 =	vld.idx.msk [tilespmem:v42+s18+$0x0], $0xffff  }
0x2bc: {  	[tilespmem:s31+$0x1600] =	vst v39;
	v39 =	vld.idx.msk [tilespmem:v8+s18+$0x0], $0xffff  }
0x2bd: {  	[tilespmem:s31+$0x1A00] =	vst v34;
	v34 =	vld.idx.msk [tilespmem:v12+s18+$0x0], $0xffff  }
0x2be: {  	v42 =	vor.u32 $0x1E, v36;
	v36 =	vld.idx.msk [tilespmem:v10+s18+$0x0], $0xffff  }
0x2bf: {  	v31 =	vld.idx.msk [tilespmem:v31+s18+$0x0], $0xffff;
	[tilespmem:s31+$0xFFFFE010] =	vst v2  }
0x2c0: {  	[tilespmem:s31+$0x1C00] =	vst v29;
	v29 =	vld.idx.msk [tilespmem:v43+s18+$0x0], $0xffff  }
0x2c1: {  	v43 =	vld [tilespmem:$0x1FE90];
	_ =	sdelay $0x4  }
0x2c2: {  	[tilespmem:s31+$0xFFFFE000] =	vst v43;
	s31 =	sadd.s32 $0x20, s31;
	v43 =	vmov v30;
	v30 =	vld.idx.msk [tilespmem:v42+s18+$0x0], $0xffff  }
0x2c3: {  	[tilespmem:s31+$0x1E10] =	vst v31;
	v31 =	vld.idx.msk [tilespmem:v52+s18+$0x0], $0xffff  }
0x2c4: {  	v52 =	vld [tilespmem:$0x1FE30]  }
0x2c5: {  	[tilespmem:s31+$0xFFFFE210] =	vst v26;
	v26 =	vld.idx.msk [tilespmem:v53+s18+$0x0], $0xffff  }
0x2c6: {  	v53 =	vld [tilespmem:$0x1FE40]  }
0x2c7: {  	[tilespmem:s31+$0xFFFFE610] =	vst v23;
	v23 =	vld.idx.msk [tilespmem:v54+s18+$0x0], $0xffff  }
0x2c8: {  	v54 =	vld [tilespmem:$0x1FE50]  }
0x2c9: {  	v2 =	vmov v27;
	[tilespmem:s31+$0xFFFFEA10] =	vst v17;
	v17 =	vld.idx.msk [tilespmem:v55+s18+$0x0], $0xffff  }
0x2ca: {  	[tilespmem:$0x1FE80] =	vst v2;
	v55 =	vld [tilespmem:$0x1FE60]  }
0x2cb: {  	[tilespmem:s31+$0xFFFFEE10] =	vst v11;
	v11 =	vld.idx.msk [tilespmem:v63+s18+$0x0], $0xffff  }
0x2cc: {  	[tilespmem:s31+$0xFFFFF010] =	vst v9;
	v9 =	vld.idx.msk [tilespmem:v51+s18+$0x0], $0xffff  }
0x2cd: {  	[tilespmem:s31+$0xFFFFF210] =	vst v7;
	v7 =	vld.idx.msk [tilespmem:v56+s18+$0x0], $0xffff  }
0x2ce: {  	[tilespmem:$0x1FE90] =	vst v43;
	v63 =	vld [tilespmem:$0x1FE70]  }
0x2cf: {  	[tilespmem:s31+$0xFFFFE410] =	vst v25;
	v43 =	vld.idx.msk [tilespmem:v57+s18+$0x0], $0xffff  }
0x2d0: {  	[tilespmem:s31+$0xFFFFE810] =	vst v22;
	v8 =	vld.idx.msk [tilespmem:v45+s18+$0x0], $0xffff  }
0x2d1: {  	[tilespmem:s31+$0xFFFFEC10] =	vst v13;
	v45 =	vld [tilespmem:$0x1FFF0]  }
0x2d2: {  	[tilespmem:s31+$0xFFFFF410] =	vst v0;
	v10 =	vld.idx.msk [tilespmem:v58+s18+$0x0], $0xffff  }
0x2d3: {  	[tilespmem:s31+$0xFFFFF610] =	vst v1;
	v12 =	vld.idx.msk [tilespmem:v46+s18+$0x0], $0xffff  }
0x2d4: {  	[tilespmem:s31+$0xFFFFFE10] =	vst v14;
	v14 =	vld.idx.msk [tilespmem:v59+s18+$0x0], $0xffff  }
0x2d5: {  	[tilespmem:s31+$0x10] =	vst v18;
	v18 =	vld.idx.msk [tilespmem:v47+s18+$0x0], $0xffff  }
0x2d6: {  	[tilespmem:s31+$0x210] =	vst v19;
	v19 =	vld.idx.msk [tilespmem:v60+s18+$0x0], $0xffff  }
0x2d7: {  	[tilespmem:s31+$0x410] =	vst v15;
	v15 =	vld.idx.msk [tilespmem:v48+s18+$0x0], $0xffff  }
0x2d8: {  	[tilespmem:s31+$0x610] =	vst v20;
	v20 =	vld.idx.msk [tilespmem:v61+s18+$0x0], $0xffff  }
0x2d9: {  	[tilespmem:s31+$0x810] =	vst v24;
	v24 =	vld.idx.msk [tilespmem:v49+s18+$0x0], $0xffff  }
0x2da: {  	s1 =	sadd.s32 $0x2, s1;
	[tilespmem:s31+$0xA10] =	vst v32;
	v32 =	vld.idx.msk [tilespmem:v62+s18+$0x0], $0xffff  }
0x2db: {  	p0 =	slt.u32 s1, $0x1E;
	[tilespmem:s31+$0xC10] =	vst v37;
	v37 =	vld.idx.msk [tilespmem:v50+s18+$0x0], $0xffff  }
.Ltmp3:
0x2dc: {  	[tilespmem:s31+$0xFFFFF810] =	vst v4;
	v27 =	vld.idx.msk [tilespmem:v52+s18+$0x0], $0xffff;
	(pc) =	sbr.rel @p0 .LBB2_9-.Ltmp3, $4  }
0x2dd: {  	[tilespmem:s31+$0xFFFFFA10] =	vst v5;
	v25 =	vld.idx.msk [tilespmem:v53+s18+$0x0], $0xffff  }
0x2de: {  	[tilespmem:s31+$0xFFFFFC10] =	vst v3;
	v22 =	vld.idx.msk [tilespmem:v54+s18+$0x0], $0xffff  }
0x2df: {  	[tilespmem:s31+$0xE10] =	vst v41;
	v13 =	vld.idx.msk [tilespmem:v55+s18+$0x0], $0xffff  }
0x2e0: {  	s21 =	sadd.s32 $0x20, s21;
	[tilespmem:s31+$0x1010] =	vst v40;
	v42 =	vld.idx.msk [tilespmem:v63+s18+$0x0], $0xffff  }
0x2e1: {  	_ =	sdelay $0x3  }
0x2e2: {  	v0 =	vld.idx.msk [tilespmem:v35+s18+$0x0], $0xffff;
	[tilespmem:s31+$0x1210] =	vst v38  }
0x2e3: {  	v1 =	vld.idx.msk [tilespmem:v33+s18+$0x0], $0xffff;
	[tilespmem:s31+$0x1410] =	vst v39  }
0x2e4: {  	v2 =	vld.idx.msk [tilespmem:v28+s18+$0x0], $0xffff;
	[tilespmem:s31+$0x1610] =	vst v36  }
0x2e5: {  	v3 =	vld.idx.msk [tilespmem:v16+s18+$0x0], $0xffff;
	[tilespmem:s31+$0x1810] =	vst v34  }
0x2e6: {  	v4 =	vld.idx.msk [tilespmem:v21+s18+$0x0], $0xffff;
	[tilespmem:s31+$0x1A10] =	vst v29  }
0x2e7: {  	v5 =	vld.idx.msk [tilespmem:v6+s18+$0x0], $0xffff;
	[tilespmem:s31+$0x1C10] =	vst v30  }
0x2e8: {  	v63 =	vld.idx.msk [tilespmem:v44+s18+$0x0], $0xffff;
	[tilespmem:s31+$0xFFFFE200] =	vst v31  }
0x2e9: {  	[tilespmem:s31+$0xFFFFE400] =	vst v27  }
0x2ea: {  	[tilespmem:s31+$0xFFFFE600] =	vst v26  }
0x2eb: {  	[tilespmem:s31+$0xFFFFEA00] =	vst v23  }
0x2ec: {  	[tilespmem:s31+$0xFFFFEE00] =	vst v17  }
0x2ed: {  	[tilespmem:s31+$0xFFFFF200] =	vst v11  }
0x2ee: {  	[tilespmem:s31+$0xFFFFF400] =	vst v9  }
0x2ef: {  	[tilespmem:s31+$0xFFFFF600] =	vst v7  }
0x2f0: {  	[tilespmem:s31+$0xFFFFFA00] =	vst v43  }
0x2f1: {  	[tilespmem:s31+$0xFFFFFC00] =	vst v8  }
0x2f2: {  	[tilespmem:s31+$0xFFFFFE00] =	vst v10  }
0x2f3: {  	[tilespmem:s31+$0x0] =	vst v12  }
0x2f4: {  	[tilespmem:s31+$0x200] =	vst v14  }
0x2f5: {  	[tilespmem:s31+$0x400] =	vst v18  }
0x2f6: {  	[tilespmem:s31+$0x600] =	vst v19  }
0x2f7: {  	[tilespmem:s31+$0x800] =	vst v15  }
0x2f8: {  	[tilespmem:s31+$0xA00] =	vst v20  }
0x2f9: {  	[tilespmem:s31+$0xC00] =	vst v24  }
0x2fa: {  	[tilespmem:s31+$0xE00] =	vst v32  }
0x2fb: {  	[tilespmem:s31+$0x1000] =	vst v37  }
0x2fc: {  	[tilespmem:s31+$0xFFFFE800] =	vst v25  }
0x2fd: {  	[tilespmem:s31+$0xFFFFEC00] =	vst v22  }
0x2fe: {  	[tilespmem:s31+$0xFFFFF000] =	vst v13  }
0x2ff: {  	[tilespmem:s31+$0xFFFFF800] =	vst v42  }
0x300: {  	[tilespmem:s31+$0x1200] =	vst v0  }
0x301: {  	[tilespmem:s31+$0x1400] =	vst v1  }
0x302: {  	[tilespmem:s31+$0x1600] =	vst v2  }
0x303: {  	[tilespmem:s31+$0x1800] =	vst v3  }
0x304: {  	[tilespmem:s31+$0x1A00] =	vst v4  }
0x305: {  	[tilespmem:s31+$0x1C00] =	vst v5  }
0x306: {  	[tilespmem:s31+$0x1E00] =	vst v63  }
0x307: {  	v0 =	vld [tilespmem:$0x1FE80];
	_ =	sdelay $0x4  }
0x308: {  	[tilespmem:s31+$0xFFFFE010] =	vst v0  }
0x309: {  	s29 =	sadd.s32 $0x1, s29;
	v0 =	vld [tilespmem:$0x1FE90]  }
0x30a: {  	p0 =	sne.s32 s29, $0x17  }
.Ltmp4:
0x30b: {  	_ = 	snop;
	(pc) =	sbr.rel @p0 .LBB2_6-.Ltmp4, $3  }
0x30c: {  	_ =	sdelay $0x1  }
0x30d: {  	[tilespmem:s31+$0xFFFFE000] =	vst v0  }
0x30e: {  	[hbm4b:s0+s13] =	stream.strided.scatter [tilespmem:s22], [sflag:$0x4], $0x4000, s14, s13, $0x38;
	[tilespmem:$0x16400] =	vst v63  }
0x30f: {  	s0 =	simm.s32 $0x10  }
0x310: {  	_ =	swait.ge [sflag:s17], $0x4000;
	v0 =	vmov s0  }
0x311: {  	[sflag:s17] =	ssyncset.done $0x0;
	v0 =	vshll.u32 v0, $0x5  }
0x312: {  	s30 =	simm.s32 $0x6200;
	[sflag:s17] =	ssyncadd.s32 $0xFFFFC000;
	v0 =	vor.u32 v45, v0  }
0x313: {  	[tilespmem:s18], [sflag:$0x2] =	stream.indirect.gather [hbm4b:s5+s13], $0x20, s30, s13, $0xb8;
	[tilespmem:$0x16400] =	vst v63  }
0x314: {  	_ =	swait.ge [sflag:s23], $0x4000  }
0x315: {  	[sflag:s23] =	ssyncset.done $0x0  }
0x316: {  	[sflag:s23] =	ssyncadd.s32 $0xFFFFC000  }
0x317: {  	v5 =	vld.idx.msk [tilespmem:v0+s16+$0x0], $0xffff  }
0x318: {  	v1 =	vor.u32 $0x1, v0  }
0x319: {  	v2 =	vor.u32 $0x2, v0  }
0x31a: {  	v3 =	vor.u32 $0x3, v0  }
0x31b: {  	v4 =	vor.u32 $0x4, v0  }
0x31c: {  	v6 =	vor.u32 $0x6, v0;
	[tilespmem:$0x1FE10] =	vst v5  }
0x31d: {  	v7 =	vor.u32 $0x7, v0;
	v1 =	vld.idx.msk [tilespmem:v1+s16+$0x0], $0xffff  }
0x31e: {  	v8 =	vor.u32 $0x8, v0;
	v2 =	vld.idx.msk [tilespmem:v2+s16+$0x0], $0xffff  }
0x31f: {  	v9 =	vor.u32 $0x9, v0;
	v3 =	vld.idx.msk [tilespmem:v3+s16+$0x0], $0xffff  }
0x320: {  	v10 =	vor.u32 $0xA, v0;
	v4 =	vld.idx.msk [tilespmem:v4+s16+$0x0], $0xffff  }
0x321: {  	v11 =	vor.u32 $0xB, v0;
	v6 =	vld.idx.msk [tilespmem:v6+s16+$0x0], $0xffff  }
0x322: {  	v12 =	vor.u32 $0xC, v0;
	v7 =	vld.idx.msk [tilespmem:v7+s16+$0x0], $0xffff  }
0x323: {  	v13 =	vor.u32 $0xD, v0;
	v8 =	vld.idx.msk [tilespmem:v8+s16+$0x0], $0xffff  }
0x324: {  	v14 =	vor.u32 $0xE, v0;
	v9 =	vld.idx.msk [tilespmem:v9+s16+$0x0], $0xffff  }
0x325: {  	v15 =	vor.u32 $0xF, v0;
	v10 =	vld.idx.msk [tilespmem:v10+s16+$0x0], $0xffff  }
0x326: {  	v17 =	vor.u32 $0x11, v0;
	v16 =	vld.idx.msk [tilespmem:v11+s16+$0x0], $0xffff  }
0x327: {  	s31 =	simm.s32 $0x0;
	v19 =	vor.u32 $0x13, v0;
	v12 =	vld.idx.msk [tilespmem:v12+s16+$0x0], $0xffff  }
0x328: {  	v23 =	vmov s31;
	v22 =	vor.u32 $0x16, v0;
	v18 =	vld.idx.msk [tilespmem:v13+s16+$0x0], $0xffff  }
0x329: {  	v23 =	vshll.u32 v23, $0x5;
	v24 =	vor.u32 $0x1D, v0;
	v14 =	vld.idx.msk [tilespmem:v14+s16+$0x0], $0xffff  }
0x32a: {  	v44 =	vor.u32 v45, v23;
	v20 =	vld.idx.msk [tilespmem:v15+s16+$0x0], $0xffff  }
0x32b: {  	v11 =	vor.u32 $0x10, v0;
	v17 =	vld.idx.msk [tilespmem:v17+s16+$0x0], $0xffff  }
0x32c: {  	v13 =	vor.u32 $0x12, v0;
	v27 =	vld.idx.msk [tilespmem:v19+s16+$0x0], $0xffff  }
0x32d: {  	v5 =	vor.u32 $0x5, v0;
	v36 =	vld.idx.msk [tilespmem:v22+s16+$0x0], $0xffff  }
0x32e: {  	v15 =	vor.u32 $0x14, v0;
	v31 =	vld.idx.msk [tilespmem:v24+s16+$0x0], $0xffff  }
0x32f: {  	v19 =	vor.u32 $0x18, v0;
	v23 =	vld.idx.msk [tilespmem:v44+s16+$0x0], $0xffff  }
0x330: {  	v21 =	vld.idx.msk [tilespmem:v11+s16+$0x0], $0xffff;
	v11 =	vor.u32 $0x15, v0  }
0x331: {  	v25 =	vld.idx.msk [tilespmem:v13+s16+$0x0], $0xffff;
	v13 =	vor.u32 $0x17, v0  }
0x332: {  	v22 =	vor.u32 $0x1A, v0;
	v5 =	vld.idx.msk [tilespmem:v5+s16+$0x0], $0xffff  }
0x333: {  	v28 =	vld.idx.msk [tilespmem:v15+s16+$0x0], $0xffff;
	v15 =	vor.u32 $0x1F, v0  }
0x334: {  	v41 =	vld.idx.msk [tilespmem:v19+s16+$0x0], $0xffff;
	v19 =	vor.u32 $0x1C, v0  }
0x335: {  	v34 =	vld.idx.msk [tilespmem:v11+s16+$0x0], $0xffff;
	v11 =	vor.u32 $0x19, v0  }
0x336: {  	v40 =	vld.idx.msk [tilespmem:v13+s16+$0x0], $0xffff;
	v13 =	vor.u32 $0x1B, v0  }
0x337: {  	v39 =	vld.idx.msk [tilespmem:v22+s16+$0x0], $0xffff;
	v0 =	vor.u32 $0x1E, v0  }
0x338: {  	v15 =	vld.idx.msk [tilespmem:v15+s16+$0x0], $0xffff  }
0x339: {  	v35 =	vld.idx.msk [tilespmem:v19+s16+$0x0], $0xffff;
	v19 =	vor.u32 $0x3, v44  }
0x33a: {  	v22 =	vor.u32 $0x4, v44;
	v38 =	vld.idx.msk [tilespmem:v11+s16+$0x0], $0xffff  }
0x33b: {  	v51 =	vor.u32 $0x5, v44;
	v37 =	vld.idx.msk [tilespmem:v13+s16+$0x0], $0xffff  }
0x33c: {  	s28 =	simm.s32 $0x10400;
	v52 =	vor.u32 $0x7, v44;
	v32 =	vld.idx.msk [tilespmem:v0+s16+$0x0], $0xffff;
	[tilespmem:$0x1FE20] =	vst v23  }
0x33d: {  	v55 =	vor.u32 $0xB, v44;
	[tilespmem:s28+$0x1E10] =	vst v15  }
0x33e: {  	v56 =	vor.u32 $0xD, v44;
	[tilespmem:s28+$0xFFFFE210] =	vst v1;
	v29 =	vld.idx.msk [tilespmem:v19+s16+$0x0], $0xffff  }
0x33f: {  	v57 =	vor.u32 $0xE, v44;
	[tilespmem:s28+$0xFFFFE410] =	vst v2;
	v26 =	vld.idx.msk [tilespmem:v22+s16+$0x0], $0xffff  }
0x340: {  	v58 =	vor.u32 $0xF, v44;
	[tilespmem:s28+$0xFFFFE610] =	vst v3;
	v24 =	vld.idx.msk [tilespmem:v51+s16+$0x0], $0xffff  }
0x341: {  	v59 =	vor.u32 $0x11, v44;
	[tilespmem:s28+$0xFFFFE810] =	vst v4;
	v19 =	vld.idx.msk [tilespmem:v52+s16+$0x0], $0xffff  }
0x342: {  	v60 =	vor.u32 $0x13, v44;
	[tilespmem:s28+$0xFFFFEE10] =	vst v7;
	v7 =	vld.idx.msk [tilespmem:v55+s16+$0x0], $0xffff  }
0x343: {  	v61 =	vor.u32 $0x14, v44;
	[tilespmem:s28+$0xFFFFEC10] =	vst v6;
	v6 =	vld.idx.msk [tilespmem:v56+s16+$0x0], $0xffff  }
0x344: {  	v62 =	vor.u32 $0x15, v44;
	[tilespmem:s28+$0xFFFFF010] =	vst v8;
	v8 =	vld.idx.msk [tilespmem:v57+s16+$0x0], $0xffff  }
0x345: {  	v11 =	vor.u32 $0x1, v44;
	[tilespmem:s28+$0xFFFFF810] =	vst v12;
	v12 =	vld.idx.msk [tilespmem:v58+s16+$0x0], $0xffff  }
0x346: {  	v4 =	vor.u32 $0xA, v44;
	[tilespmem:s28+$0xFFFFF610] =	vst v16;
	v16 =	vld.idx.msk [tilespmem:v59+s16+$0x0], $0xffff  }
0x347: {  	v63 =	vor.u32 $0x17, v44;
	[tilespmem:s28+$0x10] =	vst v21;
	v21 =	vld.idx.msk [tilespmem:v60+s16+$0x0], $0xffff  }
0x348: {  	v13 =	vor.u32 $0x2, v44;
	[tilespmem:s28+$0x210] =	vst v17;
	v17 =	vld.idx.msk [tilespmem:v61+s16+$0x0], $0xffff  }
0x349: {  	v54 =	vor.u32 $0x9, v44;
	[tilespmem:s28+$0xFFFFFA10] =	vst v18;
	v18 =	vld.idx.msk [tilespmem:v62+s16+$0x0], $0xffff  }
0x34a: {  	[tilespmem:s28+$0xFFFFEA10] =	vst v5;
	v5 =	vor.u32 $0xC, v44;
	v33 =	vld.idx.msk [tilespmem:v11+s16+$0x0], $0xffff  }
0x34b: {  	[tilespmem:s28+$0xFFFFF210] =	vst v9;
	v11 =	vld.idx.msk [tilespmem:v4+s16+$0x0], $0xffff;
	v4 =	vor.u32 $0x10, v44  }
0x34c: {  	v15 =	vor.u32 $0x6, v44;
	[tilespmem:s28+$0x610] =	vst v27;
	v27 =	vld.idx.msk [tilespmem:v63+s16+$0x0], $0xffff  }
0x34d: {  	v53 =	vor.u32 $0x8, v44;
	[tilespmem:s28+$0xFFFFF410] =	vst v10;
	v30 =	vld.idx.msk [tilespmem:v13+s16+$0x0], $0xffff  }
0x34e: {  	v9 =	vor.u32 $0x12, v44;
	[tilespmem:s28+$0xFFFFFC10] =	vst v14;
	v13 =	vld.idx.msk [tilespmem:v54+s16+$0x0], $0xffff  }
0x34f: {  	[tilespmem:s28+$0xFFFFFE10] =	vst v20;
	v42 =	vld.idx.msk [tilespmem:v5+s16+$0x0], $0xffff;
	v5 =	vor.u32 $0x18, v44  }
0x350: {  	[tilespmem:s28+$0x410] =	vst v25;
	v14 =	vld.idx.msk [tilespmem:v4+s16+$0x0], $0xffff;
	v4 =	vor.u32 $0x16, v44  }
0x351: {  	[tilespmem:s28+$0xA10] =	vst v34;
	v34 =	vor.u32 $0x19, v44;
	v23 =	vld.idx.msk [tilespmem:v15+s16+$0x0], $0xffff  }
0x352: {  	[tilespmem:s28+$0x810] =	vst v28;
	v28 =	vor.u32 $0x1A, v44;
	v15 =	vld.idx.msk [tilespmem:v53+s16+$0x0], $0xffff  }
0x353: {  	[tilespmem:s28+$0xC10] =	vst v36;
	v25 =	vor.u32 $0x1B, v44;
	v20 =	vld.idx.msk [tilespmem:v9+s16+$0x0], $0xffff  }
0x354: {  	[tilespmem:s28+$0xE10] =	vst v40;
	v9 =	vor.u32 $0x1C, v44;
	v36 =	vld.idx.msk [tilespmem:v5+s16+$0x0], $0xffff  }
0x355: {  	s1 =	simm.s32 $0x20;
	s0 =	simm.s32 $0x0;
	v43 =	vor.u32 $0x1E, v44;
	v10 =	vor.u32 $0x1D, v44;
	[tilespmem:s28+$0x1010] =	vst v41;
	v44 =	vor.u32 $0x1F, v44;
	v22 =	vld.idx.msk [tilespmem:v4+s16+$0x0], $0xffff  }
.LBB2_12:
0x356: {  	v41 =	vld.idx.msk [tilespmem:v34+s16+$0x0], $0xffff;
	[tilespmem:s28+$0x1210] =	vst v38  }
0x357: {  	v40 =	vld.idx.msk [tilespmem:v28+s16+$0x0], $0xffff;
	[tilespmem:s28+$0x1410] =	vst v39  }
0x358: {  	v39 =	vld.idx.msk [tilespmem:v25+s16+$0x0], $0xffff;
	[tilespmem:s28+$0x1610] =	vst v37  }
0x359: {  	v1 =	vmov s1;
	v38 =	vld.idx.msk [tilespmem:v9+s16+$0x0], $0xffff;
	[tilespmem:s28+$0x1810] =	vst v35  }
0x35a: {  	s21 =	sadd.s32 $0x10, s1;
	v35 =	vld.idx.msk [tilespmem:v10+s16+$0x0], $0xffff;
	[tilespmem:s28+$0x1A10] =	vst v31;
	v1 =	vshll.u32 v1, $0x5  }
0x35b: {  	v31 =	vld.idx.msk [tilespmem:v43+s16+$0x0], $0xffff;
	[tilespmem:s28+$0x1C10] =	vst v32;
	v2 =	vmov s21;
	v0 =	vor.u32 v45, v1  }
0x35c: {  	v60 =	vshll.u32 v2, $0x5;
	v2 =	vld.idx.msk [tilespmem:v44+s16+$0x0], $0xffff;
	[tilespmem:s28+$0xFFFFE200] =	vst v33;
	v61 =	vor.u32 $0x2, v0  }
0x35d: {  	v62 =	vor.u32 $0x4, v0;
	[tilespmem:$0x1FDC0] =	vst v61  }
0x35e: {  	v63 =	vor.u32 $0x6, v0;
	[tilespmem:$0x1FDD0] =	vst v62  }
0x35f: {  	v32 =	vor.u32 $0x8, v0;
	[tilespmem:$0x1FDE0] =	vst v63  }
0x360: {  	v37 =	vor.u32 v45, v60;
	v34 =	vor.u32 $0xC, v0;
	[tilespmem:$0x1FDF0] =	vst v32  }
0x361: {  	[tilespmem:$0x1FE00] =	vst v34  }
0x362: {  	v9 =	vor.u32 $0x1, v37;
	v32 =	vld.idx.msk [tilespmem:v0+s16+$0x0], $0xffff;
	[tilespmem:s28+$0xFFFFE400] =	vst v30  }
0x363: {  	v10 =	vor.u32 $0x2, v37;
	[tilespmem:s28+$0xFFFFE600] =	vst v29  }
0x364: {  	v4 =	vor.u32 $0x3, v37;
	[tilespmem:s28+$0xFFFFE800] =	vst v26  }
0x365: {  	v3 =	vor.u32 $0x4, v37;
	v30 =	vld.idx.msk [tilespmem:v37+s16+$0x0], $0xffff;
	[tilespmem:s28+$0xFFFFEA00] =	vst v24  }
0x366: {  	v25 =	vor.u32 $0x5, v37;
	[tilespmem:s28+$0x1E00] =	vst v2;
	v2 =	vld [tilespmem:$0x1FE10]  }
0x367: {  	v1 =	vor.u32 $0xB, v37;
	[tilespmem:s28+$0xFFFFEC00] =	vst v23;
	v29 =	vld.idx.msk [tilespmem:v9+s16+$0x0], $0xffff  }
0x368: {  	v5 =	vor.u32 $0xC, v37;
	[tilespmem:s28+$0xFFFFEE00] =	vst v19;
	v26 =	vld.idx.msk [tilespmem:v10+s16+$0x0], $0xffff  }
0x369: {  	[tilespmem:s28+$0xFFFFF800] =	vst v42;
	v42 =	vor.u32 $0xF, v37;
	v24 =	vld.idx.msk [tilespmem:v4+s16+$0x0], $0xffff  }
0x36a: {  	[tilespmem:s28+$0xFFFFFA00] =	vst v6;
	v6 =	vor.u32 $0x10, v37;
	v23 =	vld.idx.msk [tilespmem:v3+s16+$0x0], $0xffff  }
0x36b: {  	v52 =	vor.u32 $0x1, v0;
	v53 =	vor.u32 $0x3, v0;
	[tilespmem:s28+$0xFFFFFC00] =	vst v8;
	v8 =	vor.u32 $0x11, v37;
	v19 =	vld.idx.msk [tilespmem:v25+s16+$0x0], $0xffff  }
0x36c: {  	v54 =	vor.u32 $0x5, v0;
	v55 =	vor.u32 $0x7, v0;
	[tilespmem:s28+$0xFFFFFE00] =	vst v12;
	v12 =	vor.u32 $0x12, v37;
	v1 =	vld.idx.msk [tilespmem:v1+s16+$0x0], $0xffff  }
0x36d: {  	v51 =	vor.u32 $0xA, v0;
	v56 =	vor.u32 $0xB, v0;
	[tilespmem:s28+$0x0] =	vst v14;
	v14 =	vor.u32 $0x13, v37;
	v5 =	vld.idx.msk [tilespmem:v5+s16+$0x0], $0xffff  }
0x36e: {  	v57 =	vor.u32 $0xD, v0;
	v45 =	vor.u32 $0xE, v0;
	[tilespmem:s28+$0x200] =	vst v16;
	v9 =	vor.u32 $0x6, v37;
	v16 =	vld.idx.msk [tilespmem:v42+s16+$0x0], $0xffff  }
0x36f: {  	v58 =	vor.u32 $0xF, v0;
	v46 =	vor.u32 $0x10, v0;
	[tilespmem:s28+$0x400] =	vst v20;
	v10 =	vor.u32 $0x7, v37;
	v20 =	vld.idx.msk [tilespmem:v6+s16+$0x0], $0xffff  }
0x370: {  	v59 =	vor.u32 $0x11, v0;
	v47 =	vor.u32 $0x12, v0;
	[tilespmem:s28+$0x600] =	vst v21;
	v4 =	vor.u32 $0x8, v37;
	v21 =	vld.idx.msk [tilespmem:v8+s16+$0x0], $0xffff  }
0x371: {  	v60 =	vor.u32 $0x13, v0;
	v48 =	vor.u32 $0x14, v0;
	[tilespmem:s28+$0x800] =	vst v17;
	v3 =	vor.u32 $0x9, v37;
	v17 =	vld.idx.msk [tilespmem:v12+s16+$0x0], $0xffff  }
0x372: {  	v49 =	vor.u32 $0x16, v0;
	v33 =	vor.u32 $0xA, v37;
	v50 =	vor.u32 $0x18, v0;
	[tilespmem:s28+$0xA00] =	vst v18;
	v18 =	vld.idx.msk [tilespmem:v14+s16+$0x0], $0xffff  }
0x373: {  	v28 =	vor.u32 $0x1A, v0;
	v43 =	vor.u32 $0x1E, v0;
	[tilespmem:s28+$0xFFFFF000] =	vst v15;
	v42 =	vor.u32 $0x14, v37;
	v15 =	vld.idx.msk [tilespmem:v9+s16+$0x0], $0xffff  }
0x374: {  	v44 =	vor.u32 $0x1F, v0;
	v63 =	vor.u32 $0x9, v0;
	[tilespmem:s28+$0xFFFFF200] =	vst v13;
	v6 =	vor.u32 $0x15, v37;
	v13 =	vld.idx.msk [tilespmem:v10+s16+$0x0], $0xffff  }
0x375: {  	v61 =	vor.u32 $0x15, v0;
	v62 =	vor.u32 $0x17, v0;
	[tilespmem:s28+$0xFFFFF400] =	vst v11;
	v8 =	vor.u32 $0x16, v37;
	v11 =	vld.idx.msk [tilespmem:v4+s16+$0x0], $0xffff  }
0x376: {  	v34 =	vor.u32 $0x19, v0;
	[tilespmem:s28+$0xFFFFF600] =	vst v7;
	v25 =	vor.u32 $0x1B, v0;
	v12 =	vor.u32 $0x17, v37;
	v7 =	vld.idx.msk [tilespmem:v3+s16+$0x0], $0xffff  }
0x377: {  	v14 =	vor.u32 $0x18, v37;
	v9 =	vor.u32 $0x1C, v0;
	v10 =	vor.u32 $0x1D, v0;
	v0 =	vld.idx.msk [tilespmem:v33+s16+$0x0], $0xffff  }
0x378: {  	[tilespmem:s28+$0xC00] =	vst v22;
	v4 =	vor.u32 $0xD, v37;
	v22 =	vld.idx.msk [tilespmem:v42+s16+$0x0], $0xffff  }
0x379: {  	[tilespmem:s28+$0xE00] =	vst v27;
	v3 =	vor.u32 $0xE, v37;
	v27 =	vld.idx.msk [tilespmem:v6+s16+$0x0], $0xffff  }
0x37a: {  	[tilespmem:s28+$0x1000] =	vst v36;
	v33 =	vor.u32 $0x1F, v37;
	v36 =	vld.idx.msk [tilespmem:v8+s16+$0x0], $0xffff  }
0x37b: {  	[tilespmem:s28+$0x1200] =	vst v41;
	v6 =	vor.u32 $0x19, v37;
	v41 =	vld.idx.msk [tilespmem:v12+s16+$0x0], $0xffff  }
0x37c: {  	[tilespmem:s28+$0x1400] =	vst v40;
	v8 =	vor.u32 $0x1A, v37;
	v40 =	vld.idx.msk [tilespmem:v14+s16+$0x0], $0xffff  }
0x37d: {  	v12 =	vor.u32 $0x1B, v37;
	v4 =	vld.idx.msk [tilespmem:v4+s16+$0x0], $0xffff  }
0x37e: {  	v14 =	vor.u32 $0x1C, v37;
	v3 =	vld.idx.msk [tilespmem:v3+s16+$0x0], $0xffff  }
0x37f: {  	v42 =	vor.u32 $0x1D, v37;
	v33 =	vld.idx.msk [tilespmem:v33+s16+$0x0], $0xffff  }
0x380: {  	[tilespmem:s28+$0x1800] =	vst v38;
	v38 =	vld.idx.msk [tilespmem:v6+s16+$0x0], $0xffff  }
0x381: {  	[tilespmem:s28+$0x1600] =	vst v39;
	v39 =	vld.idx.msk [tilespmem:v8+s16+$0x0], $0xffff  }
0x382: {  	[tilespmem:s28+$0x1A00] =	vst v35;
	v6 =	vor.u32 $0x1E, v37;
	v37 =	vld.idx.msk [tilespmem:v12+s16+$0x0], $0xffff  }
0x383: {  	v35 =	vld.idx.msk [tilespmem:v14+s16+$0x0], $0xffff;
	[tilespmem:s28+$0xFFFFE010] =	vst v2  }
0x384: {  	[tilespmem:s28+$0x1C00] =	vst v31;
	v31 =	vld.idx.msk [tilespmem:v42+s16+$0x0], $0xffff  }
0x385: {  	v42 =	vld [tilespmem:$0x1FE20];
	_ =	sdelay $0x4  }
0x386: {  	[tilespmem:s28+$0xFFFFE000] =	vst v42;
	s28 =	sadd.s32 $0x20, s28;
	v42 =	vmov v32;
	v32 =	vld.idx.msk [tilespmem:v6+s16+$0x0], $0xffff  }
0x387: {  	[tilespmem:s28+$0x1E10] =	vst v33;
	v33 =	vld.idx.msk [tilespmem:v52+s16+$0x0], $0xffff  }
0x388: {  	v52 =	vld [tilespmem:$0x1FDC0]  }
0x389: {  	[tilespmem:s28+$0xFFFFE210] =	vst v29;
	v29 =	vld.idx.msk [tilespmem:v53+s16+$0x0], $0xffff  }
0x38a: {  	v53 =	vld [tilespmem:$0x1FDD0]  }
0x38b: {  	[tilespmem:s28+$0xFFFFE610] =	vst v24;
	v24 =	vld.idx.msk [tilespmem:v54+s16+$0x0], $0xffff  }
0x38c: {  	v54 =	vld [tilespmem:$0x1FDE0]  }
0x38d: {  	v2 =	vmov v30;
	[tilespmem:s28+$0xFFFFEA10] =	vst v19;
	v19 =	vld.idx.msk [tilespmem:v55+s16+$0x0], $0xffff  }
0x38e: {  	[tilespmem:$0x1FE10] =	vst v2;
	v55 =	vld [tilespmem:$0x1FDF0]  }
0x38f: {  	[tilespmem:s28+$0xFFFFEE10] =	vst v13;
	v13 =	vld.idx.msk [tilespmem:v63+s16+$0x0], $0xffff  }
0x390: {  	[tilespmem:s28+$0xFFFFF010] =	vst v11;
	v11 =	vld.idx.msk [tilespmem:v51+s16+$0x0], $0xffff  }
0x391: {  	[tilespmem:s28+$0xFFFFF210] =	vst v7;
	v7 =	vld.idx.msk [tilespmem:v56+s16+$0x0], $0xffff  }
0x392: {  	[tilespmem:$0x1FE20] =	vst v42;
	v63 =	vld [tilespmem:$0x1FE00]  }
0x393: {  	[tilespmem:s28+$0xFFFFE410] =	vst v26;
	v6 =	vld.idx.msk [tilespmem:v57+s16+$0x0], $0xffff  }
0x394: {  	[tilespmem:s28+$0xFFFFE810] =	vst v23;
	v8 =	vld.idx.msk [tilespmem:v45+s16+$0x0], $0xffff  }
0x395: {  	[tilespmem:s28+$0xFFFFEC10] =	vst v15;
	v45 =	vld [tilespmem:$0x1FFF0]  }
0x396: {  	[tilespmem:s28+$0xFFFFF410] =	vst v0;
	v12 =	vld.idx.msk [tilespmem:v58+s16+$0x0], $0xffff  }
0x397: {  	[tilespmem:s28+$0xFFFFF610] =	vst v1;
	v14 =	vld.idx.msk [tilespmem:v46+s16+$0x0], $0xffff  }
0x398: {  	[tilespmem:s28+$0xFFFFFE10] =	vst v16;
	v16 =	vld.idx.msk [tilespmem:v59+s16+$0x0], $0xffff  }
0x399: {  	[tilespmem:s28+$0x10] =	vst v20;
	v20 =	vld.idx.msk [tilespmem:v47+s16+$0x0], $0xffff  }
0x39a: {  	[tilespmem:s28+$0x210] =	vst v21;
	v21 =	vld.idx.msk [tilespmem:v60+s16+$0x0], $0xffff  }
0x39b: {  	[tilespmem:s28+$0x410] =	vst v17;
	v17 =	vld.idx.msk [tilespmem:v48+s16+$0x0], $0xffff  }
0x39c: {  	[tilespmem:s28+$0x610] =	vst v18;
	v18 =	vld.idx.msk [tilespmem:v61+s16+$0x0], $0xffff  }
0x39d: {  	[tilespmem:s28+$0x810] =	vst v22;
	v22 =	vld.idx.msk [tilespmem:v49+s16+$0x0], $0xffff  }
0x39e: {  	s0 =	sadd.s32 $0x2, s0;
	[tilespmem:s28+$0xA10] =	vst v27;
	v27 =	vld.idx.msk [tilespmem:v62+s16+$0x0], $0xffff  }
0x39f: {  	p0 =	slt.u32 s0, $0x1E;
	[tilespmem:s28+$0xC10] =	vst v36;
	v36 =	vld.idx.msk [tilespmem:v50+s16+$0x0], $0xffff  }
.Ltmp5:
0x3a0: {  	[tilespmem:s28+$0xFFFFF810] =	vst v5;
	v30 =	vld.idx.msk [tilespmem:v52+s16+$0x0], $0xffff;
	(pc) =	sbr.rel @p0 .LBB2_12-.Ltmp5, $4  }
0x3a1: {  	[tilespmem:s28+$0xFFFFFA10] =	vst v4;
	v26 =	vld.idx.msk [tilespmem:v53+s16+$0x0], $0xffff  }
0x3a2: {  	[tilespmem:s28+$0xFFFFFC10] =	vst v3;
	v23 =	vld.idx.msk [tilespmem:v54+s16+$0x0], $0xffff  }
0x3a3: {  	[tilespmem:s28+$0xE10] =	vst v41;
	v15 =	vld.idx.msk [tilespmem:v55+s16+$0x0], $0xffff  }
0x3a4: {  	s1 =	sadd.s32 $0x20, s1;
	[tilespmem:s28+$0x1010] =	vst v40;
	v42 =	vld.idx.msk [tilespmem:v63+s16+$0x0], $0xffff  }
0x3a5: {  	_ =	sdelay $0x3  }
0x3a6: {  	v0 =	vld.idx.msk [tilespmem:v34+s16+$0x0], $0xffff;
	[tilespmem:s28+$0x1210] =	vst v38  }
0x3a7: {  	v1 =	vld.idx.msk [tilespmem:v28+s16+$0x0], $0xffff;
	[tilespmem:s28+$0x1410] =	vst v39  }
0x3a8: {  	v2 =	vld.idx.msk [tilespmem:v25+s16+$0x0], $0xffff;
	[tilespmem:s28+$0x1610] =	vst v37  }
0x3a9: {  	v3 =	vld.idx.msk [tilespmem:v9+s16+$0x0], $0xffff;
	[tilespmem:s28+$0x1810] =	vst v35  }
0x3aa: {  	v4 =	vld.idx.msk [tilespmem:v10+s16+$0x0], $0xffff;
	[tilespmem:s28+$0x1A10] =	vst v31  }
0x3ab: {  	v5 =	vld.idx.msk [tilespmem:v43+s16+$0x0], $0xffff;
	[tilespmem:s28+$0x1C10] =	vst v32  }
0x3ac: {  	v9 =	vld.idx.msk [tilespmem:v44+s16+$0x0], $0xffff;
	[tilespmem:s28+$0xFFFFE200] =	vst v33  }
0x3ad: {  	[tilespmem:s28+$0xFFFFE400] =	vst v30  }
0x3ae: {  	[tilespmem:s28+$0xFFFFE600] =	vst v29  }
0x3af: {  	[tilespmem:s28+$0xFFFFEA00] =	vst v24  }
0x3b0: {  	[tilespmem:s28+$0xFFFFEE00] =	vst v19  }
0x3b1: {  	[tilespmem:s28+$0xFFFFF200] =	vst v13  }
0x3b2: {  	[tilespmem:s28+$0xFFFFF400] =	vst v11  }
0x3b3: {  	[tilespmem:s28+$0xFFFFF600] =	vst v7  }
0x3b4: {  	[tilespmem:s28+$0xFFFFFA00] =	vst v6  }
0x3b5: {  	[tilespmem:s28+$0xFFFFFC00] =	vst v8  }
0x3b6: {  	[tilespmem:s28+$0xFFFFFE00] =	vst v12  }
0x3b7: {  	[tilespmem:s28+$0x0] =	vst v14  }
0x3b8: {  	[tilespmem:s28+$0x200] =	vst v16  }
0x3b9: {  	[tilespmem:s28+$0x400] =	vst v20  }
0x3ba: {  	[tilespmem:s28+$0x600] =	vst v21  }
0x3bb: {  	[tilespmem:s28+$0x800] =	vst v17  }
0x3bc: {  	[tilespmem:s28+$0xA00] =	vst v18  }
0x3bd: {  	[tilespmem:s28+$0xC00] =	vst v22  }
0x3be: {  	[tilespmem:s28+$0xE00] =	vst v27  }
0x3bf: {  	[tilespmem:s28+$0x1000] =	vst v36  }
0x3c0: {  	[tilespmem:s28+$0xFFFFE800] =	vst v26  }
0x3c1: {  	[tilespmem:s28+$0xFFFFEC00] =	vst v23  }
0x3c2: {  	[tilespmem:s28+$0xFFFFF000] =	vst v15  }
0x3c3: {  	[tilespmem:s28+$0xFFFFF800] =	vst v42  }
0x3c4: {  	[tilespmem:s28+$0x1200] =	vst v0  }
0x3c5: {  	[tilespmem:s28+$0x1400] =	vst v1  }
0x3c6: {  	[tilespmem:s28+$0x1600] =	vst v2  }
0x3c7: {  	[tilespmem:s28+$0x1800] =	vst v3  }
0x3c8: {  	[tilespmem:s28+$0x1A00] =	vst v4  }
0x3c9: {  	[tilespmem:s28+$0x1C00] =	vst v5  }
0x3ca: {  	[tilespmem:s28+$0x1E00] =	vst v9  }
0x3cb: {  	v0 =	vld [tilespmem:$0x1FE10];
	_ =	sdelay $0x4  }
0x3cc: {  	[tilespmem:s28+$0xFFFFE010] =	vst v0  }
0x3cd: {  	v0 =	vld [tilespmem:$0x1FE20];
	_ =	sdelay $0x4  }
0x3ce: {  	s0 =	simm.s32 $0x10;
	[tilespmem:s28+$0xFFFFE000] =	vst v0  }
0x3cf: {  	v43 =	vmov s0;
	[hbm4b:s10+s13] =	stream.strided.scatter [tilespmem:s19], [sflag:$0x3], $0x4000, s14, s13, $0x38;
	[tilespmem:$0x16400] =	vst v63  }
0x3d0: {  	v0 =	vshll.u32 v43, $0x5;
	_ =	swait.ge [sflag:s20], $0x4000  }
0x3d1: {  	v0 =	vor.u32 v45, v0;
	[sflag:s20] =	ssyncset.done $0x0  }
0x3d2: {  	[sflag:s20] =	ssyncadd.s32 $0xFFFFC000  }
0x3d3: {  	_ =	swait.ge [sflag:s24], $0x4000  }
0x3d4: {  	[sflag:s24] =	ssyncset.done $0x0  }
0x3d5: {  	[sflag:s24] =	ssyncadd.s32 $0xFFFFC000  }
0x3d6: {  	v5 =	vld.idx.msk [tilespmem:v0+s18+$0x0], $0xffff  }
0x3d7: {  	v44 =	vor.u32 $0x1, v0  }
0x3d8: {  	v46 =	vor.u32 $0x2, v0  }
0x3d9: {  	v47 =	vor.u32 $0x3, v0  }
0x3da: {  	v4 =	vor.u32 $0x4, v0  }
0x3db: {  	v6 =	vor.u32 $0x6, v0;
	[tilespmem:$0x1FDA0] =	vst v5  }
0x3dc: {  	v7 =	vor.u32 $0x7, v0;
	v1 =	vld.idx.msk [tilespmem:v44+s18+$0x0], $0xffff  }
0x3dd: {  	v8 =	vor.u32 $0x8, v0;
	v2 =	vld.idx.msk [tilespmem:v46+s18+$0x0], $0xffff  }
0x3de: {  	v9 =	vor.u32 $0x9, v0;
	v3 =	vld.idx.msk [tilespmem:v47+s18+$0x0], $0xffff  }
0x3df: {  	v10 =	vor.u32 $0xA, v0;
	v4 =	vld.idx.msk [tilespmem:v4+s18+$0x0], $0xffff  }
0x3e0: {  	v11 =	vor.u32 $0xB, v0;
	v6 =	vld.idx.msk [tilespmem:v6+s18+$0x0], $0xffff  }
0x3e1: {  	v12 =	vor.u32 $0xC, v0;
	v7 =	vld.idx.msk [tilespmem:v7+s18+$0x0], $0xffff  }
0x3e2: {  	v13 =	vor.u32 $0xD, v0;
	v8 =	vld.idx.msk [tilespmem:v8+s18+$0x0], $0xffff  }
0x3e3: {  	v14 =	vor.u32 $0xE, v0;
	v9 =	vld.idx.msk [tilespmem:v9+s18+$0x0], $0xffff  }
0x3e4: {  	v15 =	vor.u32 $0xF, v0;
	v10 =	vld.idx.msk [tilespmem:v10+s18+$0x0], $0xffff  }
0x3e5: {  	v17 =	vor.u32 $0x11, v0;
	v16 =	vld.idx.msk [tilespmem:v11+s18+$0x0], $0xffff  }
0x3e6: {  	s31 =	simm.s32 $0x0;
	v19 =	vor.u32 $0x13, v0;
	v12 =	vld.idx.msk [tilespmem:v12+s18+$0x0], $0xffff  }
0x3e7: {  	v23 =	vmov s31;
	v22 =	vor.u32 $0x16, v0;
	v18 =	vld.idx.msk [tilespmem:v13+s18+$0x0], $0xffff  }
0x3e8: {  	v23 =	vshll.u32 v23, $0x5;
	v24 =	vor.u32 $0x1D, v0;
	v14 =	vld.idx.msk [tilespmem:v14+s18+$0x0], $0xffff  }
0x3e9: {  	v50 =	vor.u32 v45, v23;
	v20 =	vld.idx.msk [tilespmem:v15+s18+$0x0], $0xffff  }
0x3ea: {  	v11 =	vor.u32 $0x10, v0;
	v17 =	vld.idx.msk [tilespmem:v17+s18+$0x0], $0xffff  }
0x3eb: {  	v13 =	vor.u32 $0x12, v0;
	v27 =	vld.idx.msk [tilespmem:v19+s18+$0x0], $0xffff  }
0x3ec: {  	v5 =	vor.u32 $0x5, v0;
	v49 =	vld.idx.msk [tilespmem:v22+s18+$0x0], $0xffff  }
0x3ed: {  	v15 =	vor.u32 $0x14, v0;
	v31 =	vld.idx.msk [tilespmem:v24+s18+$0x0], $0xffff  }
0x3ee: {  	v19 =	vor.u32 $0x18, v0;
	v23 =	vld.idx.msk [tilespmem:v50+s18+$0x0], $0xffff  }
0x3ef: {  	v21 =	vld.idx.msk [tilespmem:v11+s18+$0x0], $0xffff;
	v11 =	vor.u32 $0x15, v0  }
0x3f0: {  	v25 =	vld.idx.msk [tilespmem:v13+s18+$0x0], $0xffff;
	v13 =	vor.u32 $0x17, v0  }
0x3f1: {  	v22 =	vor.u32 $0x1A, v0;
	v5 =	vld.idx.msk [tilespmem:v5+s18+$0x0], $0xffff  }
0x3f2: {  	v28 =	vld.idx.msk [tilespmem:v15+s18+$0x0], $0xffff;
	v15 =	vor.u32 $0x1F, v0  }
0x3f3: {  	v41 =	vld.idx.msk [tilespmem:v19+s18+$0x0], $0xffff;
	v19 =	vor.u32 $0x1C, v0  }
0x3f4: {  	v48 =	vld.idx.msk [tilespmem:v11+s18+$0x0], $0xffff;
	v11 =	vor.u32 $0x19, v0  }
0x3f5: {  	v40 =	vld.idx.msk [tilespmem:v13+s18+$0x0], $0xffff;
	v13 =	vor.u32 $0x1B, v0  }
0x3f6: {  	v39 =	vld.idx.msk [tilespmem:v22+s18+$0x0], $0xffff;
	v0 =	vor.u32 $0x1E, v0  }
0x3f7: {  	v15 =	vld.idx.msk [tilespmem:v15+s18+$0x0], $0xffff  }
0x3f8: {  	v35 =	vld.idx.msk [tilespmem:v19+s18+$0x0], $0xffff;
	v19 =	vor.u32 $0x3, v50  }
0x3f9: {  	v22 =	vor.u32 $0x4, v50;
	v38 =	vld.idx.msk [tilespmem:v11+s18+$0x0], $0xffff  }
0x3fa: {  	v51 =	vor.u32 $0x5, v50;
	v37 =	vld.idx.msk [tilespmem:v13+s18+$0x0], $0xffff  }
0x3fb: {  	v52 =	vor.u32 $0x7, v50;
	s28 =	simm.s32 $0x14400;
	v32 =	vld.idx.msk [tilespmem:v0+s18+$0x0], $0xffff;
	[tilespmem:$0x1FDB0] =	vst v23  }
0x3fc: {  	v55 =	vor.u32 $0xB, v50;
	[tilespmem:s28+$0x1E10] =	vst v15  }
0x3fd: {  	v56 =	vor.u32 $0xD, v50;
	[tilespmem:s28+$0xFFFFE210] =	vst v1;
	v29 =	vld.idx.msk [tilespmem:v19+s18+$0x0], $0xffff  }
0x3fe: {  	v57 =	vor.u32 $0xE, v50;
	[tilespmem:s28+$0xFFFFE410] =	vst v2;
	v26 =	vld.idx.msk [tilespmem:v22+s18+$0x0], $0xffff  }
0x3ff: {  	v58 =	vor.u32 $0xF, v50;
	[tilespmem:s28+$0xFFFFE610] =	vst v3;
	v24 =	vld.idx.msk [tilespmem:v51+s18+$0x0], $0xffff  }
0x400: {  	v59 =	vor.u32 $0x11, v50;
	[tilespmem:s28+$0xFFFFE810] =	vst v4;
	v19 =	vld.idx.msk [tilespmem:v52+s18+$0x0], $0xffff  }
0x401: {  	v60 =	vor.u32 $0x13, v50;
	[tilespmem:s28+$0xFFFFEE10] =	vst v7;
	v7 =	vld.idx.msk [tilespmem:v55+s18+$0x0], $0xffff  }
0x402: {  	v61 =	vor.u32 $0x14, v50;
	[tilespmem:s28+$0xFFFFEC10] =	vst v6;
	v6 =	vld.idx.msk [tilespmem:v56+s18+$0x0], $0xffff  }
0x403: {  	v62 =	vor.u32 $0x15, v50;
	[tilespmem:s28+$0xFFFFF010] =	vst v8;
	v8 =	vld.idx.msk [tilespmem:v57+s18+$0x0], $0xffff  }
0x404: {  	v11 =	vor.u32 $0x1, v50;
	[tilespmem:s28+$0xFFFFF810] =	vst v12;
	v12 =	vld.idx.msk [tilespmem:v58+s18+$0x0], $0xffff  }
0x405: {  	v4 =	vor.u32 $0xA, v50;
	[tilespmem:s28+$0xFFFFF610] =	vst v16;
	v16 =	vld.idx.msk [tilespmem:v59+s18+$0x0], $0xffff  }
0x406: {  	v63 =	vor.u32 $0x17, v50;
	[tilespmem:s28+$0x10] =	vst v21;
	v21 =	vld.idx.msk [tilespmem:v60+s18+$0x0], $0xffff  }
0x407: {  	v13 =	vor.u32 $0x2, v50;
	[tilespmem:s28+$0x210] =	vst v17;
	v17 =	vld.idx.msk [tilespmem:v61+s18+$0x0], $0xffff  }
0x408: {  	v54 =	vor.u32 $0x9, v50;
	[tilespmem:s28+$0xFFFFFA10] =	vst v18;
	v18 =	vld.idx.msk [tilespmem:v62+s18+$0x0], $0xffff  }
0x409: {  	[tilespmem:s28+$0xFFFFEA10] =	vst v5;
	v5 =	vor.u32 $0xC, v50;
	v33 =	vld.idx.msk [tilespmem:v11+s18+$0x0], $0xffff  }
0x40a: {  	[tilespmem:s28+$0xFFFFF210] =	vst v9;
	v11 =	vld.idx.msk [tilespmem:v4+s18+$0x0], $0xffff;
	v4 =	vor.u32 $0x10, v50  }
0x40b: {  	v15 =	vor.u32 $0x6, v50;
	[tilespmem:s28+$0x610] =	vst v27;
	v27 =	vld.idx.msk [tilespmem:v63+s18+$0x0], $0xffff  }
0x40c: {  	v53 =	vor.u32 $0x8, v50;
	[tilespmem:s28+$0xFFFFF410] =	vst v10;
	v30 =	vld.idx.msk [tilespmem:v13+s18+$0x0], $0xffff  }
0x40d: {  	v9 =	vor.u32 $0x12, v50;
	[tilespmem:s28+$0xFFFFFC10] =	vst v14;
	v13 =	vld.idx.msk [tilespmem:v54+s18+$0x0], $0xffff  }
0x40e: {  	[tilespmem:s28+$0xFFFFFE10] =	vst v20;
	v42 =	vld.idx.msk [tilespmem:v5+s18+$0x0], $0xffff;
	v5 =	vor.u32 $0x18, v50  }
0x40f: {  	[tilespmem:s28+$0x410] =	vst v25;
	v14 =	vld.idx.msk [tilespmem:v4+s18+$0x0], $0xffff;
	v4 =	vor.u32 $0x16, v50  }
0x410: {  	v34 =	vor.u32 $0x19, v50;
	[tilespmem:s28+$0x810] =	vst v28;
	v23 =	vld.idx.msk [tilespmem:v15+s18+$0x0], $0xffff  }
0x411: {  	[tilespmem:s28+$0xA10] =	vst v48;
	v28 =	vor.u32 $0x1A, v50;
	v15 =	vld.idx.msk [tilespmem:v53+s18+$0x0], $0xffff  }
0x412: {  	[tilespmem:s28+$0xC10] =	vst v49;
	v25 =	vor.u32 $0x1B, v50;
	v20 =	vld.idx.msk [tilespmem:v9+s18+$0x0], $0xffff  }
0x413: {  	[tilespmem:s28+$0xE10] =	vst v40;
	v9 =	vor.u32 $0x1C, v50;
	v36 =	vld.idx.msk [tilespmem:v5+s18+$0x0], $0xffff  }
0x414: {  	s1 =	simm.s32 $0x20;
	s0 =	simm.s32 $0x0;
	v43 =	vor.u32 $0x1E, v50;
	v44 =	vor.u32 $0x1F, v50;
	v10 =	vor.u32 $0x1D, v50;
	[tilespmem:s28+$0x1010] =	vst v41;
	v22 =	vld.idx.msk [tilespmem:v4+s18+$0x0], $0xffff  }
.LBB2_14:
0x415: {  	v41 =	vld.idx.msk [tilespmem:v34+s18+$0x0], $0xffff;
	[tilespmem:s28+$0x1210] =	vst v38  }
0x416: {  	v40 =	vld.idx.msk [tilespmem:v28+s18+$0x0], $0xffff;
	[tilespmem:s28+$0x1410] =	vst v39  }
0x417: {  	v39 =	vld.idx.msk [tilespmem:v25+s18+$0x0], $0xffff;
	[tilespmem:s28+$0x1610] =	vst v37  }
0x418: {  	v1 =	vmov s1;
	v38 =	vld.idx.msk [tilespmem:v9+s18+$0x0], $0xffff;
	[tilespmem:s28+$0x1810] =	vst v35  }
0x419: {  	s21 =	sadd.s32 $0x10, s1;
	v35 =	vld.idx.msk [tilespmem:v10+s18+$0x0], $0xffff;
	[tilespmem:s28+$0x1A10] =	vst v31;
	v1 =	vshll.u32 v1, $0x5  }
0x41a: {  	v31 =	vld.idx.msk [tilespmem:v43+s18+$0x0], $0xffff;
	[tilespmem:s28+$0x1C10] =	vst v32;
	v2 =	vmov s21;
	v0 =	vor.u32 v45, v1  }
0x41b: {  	v60 =	vshll.u32 v2, $0x5;
	v2 =	vld.idx.msk [tilespmem:v44+s18+$0x0], $0xffff;
	[tilespmem:s28+$0xFFFFE200] =	vst v33;
	v61 =	vor.u32 $0x2, v0  }
0x41c: {  	v62 =	vor.u32 $0x4, v0;
	[tilespmem:$0x1FD50] =	vst v61  }
0x41d: {  	v63 =	vor.u32 $0x6, v0;
	[tilespmem:$0x1FD60] =	vst v62  }
0x41e: {  	v32 =	vor.u32 $0x8, v0;
	[tilespmem:$0x1FD70] =	vst v63  }
0x41f: {  	v37 =	vor.u32 v45, v60;
	v34 =	vor.u32 $0xC, v0;
	[tilespmem:$0x1FD80] =	vst v32  }
0x420: {  	[tilespmem:$0x1FD90] =	vst v34  }
0x421: {  	v9 =	vor.u32 $0x1, v37;
	v32 =	vld.idx.msk [tilespmem:v0+s18+$0x0], $0xffff;
	[tilespmem:s28+$0xFFFFE400] =	vst v30  }
0x422: {  	v10 =	vor.u32 $0x2, v37;
	[tilespmem:s28+$0xFFFFE600] =	vst v29  }
0x423: {  	v4 =	vor.u32 $0x3, v37;
	[tilespmem:s28+$0xFFFFE800] =	vst v26  }
0x424: {  	v3 =	vor.u32 $0x4, v37;
	v30 =	vld.idx.msk [tilespmem:v37+s18+$0x0], $0xffff;
	[tilespmem:s28+$0xFFFFEA00] =	vst v24  }
0x425: {  	v25 =	vor.u32 $0x5, v37;
	[tilespmem:s28+$0x1E00] =	vst v2;
	v2 =	vld [tilespmem:$0x1FDA0]  }
0x426: {  	v1 =	vor.u32 $0xB, v37;
	[tilespmem:s28+$0xFFFFEC00] =	vst v23;
	v29 =	vld.idx.msk [tilespmem:v9+s18+$0x0], $0xffff  }
0x427: {  	v5 =	vor.u32 $0xC, v37;
	[tilespmem:s28+$0xFFFFEE00] =	vst v19;
	v26 =	vld.idx.msk [tilespmem:v10+s18+$0x0], $0xffff  }
0x428: {  	[tilespmem:s28+$0xFFFFF800] =	vst v42;
	v42 =	vor.u32 $0xF, v37;
	v24 =	vld.idx.msk [tilespmem:v4+s18+$0x0], $0xffff  }
0x429: {  	[tilespmem:s28+$0xFFFFFA00] =	vst v6;
	v6 =	vor.u32 $0x10, v37;
	v23 =	vld.idx.msk [tilespmem:v3+s18+$0x0], $0xffff  }
0x42a: {  	v52 =	vor.u32 $0x1, v0;
	v53 =	vor.u32 $0x3, v0;
	[tilespmem:s28+$0xFFFFFC00] =	vst v8;
	v8 =	vor.u32 $0x11, v37;
	v19 =	vld.idx.msk [tilespmem:v25+s18+$0x0], $0xffff  }
0x42b: {  	v54 =	vor.u32 $0x5, v0;
	v55 =	vor.u32 $0x7, v0;
	[tilespmem:s28+$0xFFFFFE00] =	vst v12;
	v12 =	vor.u32 $0x12, v37;
	v1 =	vld.idx.msk [tilespmem:v1+s18+$0x0], $0xffff  }
0x42c: {  	v51 =	vor.u32 $0xA, v0;
	v56 =	vor.u32 $0xB, v0;
	[tilespmem:s28+$0x0] =	vst v14;
	v14 =	vor.u32 $0x13, v37;
	v5 =	vld.idx.msk [tilespmem:v5+s18+$0x0], $0xffff  }
0x42d: {  	v57 =	vor.u32 $0xD, v0;
	v45 =	vor.u32 $0xE, v0;
	[tilespmem:s28+$0x200] =	vst v16;
	v9 =	vor.u32 $0x6, v37;
	v16 =	vld.idx.msk [tilespmem:v42+s18+$0x0], $0xffff  }
0x42e: {  	v58 =	vor.u32 $0xF, v0;
	v46 =	vor.u32 $0x10, v0;
	[tilespmem:s28+$0x400] =	vst v20;
	v10 =	vor.u32 $0x7, v37;
	v20 =	vld.idx.msk [tilespmem:v6+s18+$0x0], $0xffff  }
0x42f: {  	v59 =	vor.u32 $0x11, v0;
	v47 =	vor.u32 $0x12, v0;
	[tilespmem:s28+$0x600] =	vst v21;
	v4 =	vor.u32 $0x8, v37;
	v21 =	vld.idx.msk [tilespmem:v8+s18+$0x0], $0xffff  }
0x430: {  	v60 =	vor.u32 $0x13, v0;
	v48 =	vor.u32 $0x14, v0;
	[tilespmem:s28+$0x800] =	vst v17;
	v3 =	vor.u32 $0x9, v37;
	v17 =	vld.idx.msk [tilespmem:v12+s18+$0x0], $0xffff  }
0x431: {  	v49 =	vor.u32 $0x16, v0;
	v33 =	vor.u32 $0xA, v37;
	v50 =	vor.u32 $0x18, v0;
	[tilespmem:s28+$0xA00] =	vst v18;
	v18 =	vld.idx.msk [tilespmem:v14+s18+$0x0], $0xffff  }
0x432: {  	v28 =	vor.u32 $0x1A, v0;
	v43 =	vor.u32 $0x1E, v0;
	[tilespmem:s28+$0xFFFFF000] =	vst v15;
	v42 =	vor.u32 $0x14, v37;
	v15 =	vld.idx.msk [tilespmem:v9+s18+$0x0], $0xffff  }
0x433: {  	v44 =	vor.u32 $0x1F, v0;
	v63 =	vor.u32 $0x9, v0;
	[tilespmem:s28+$0xFFFFF200] =	vst v13;
	v6 =	vor.u32 $0x15, v37;
	v13 =	vld.idx.msk [tilespmem:v10+s18+$0x0], $0xffff  }
0x434: {  	v61 =	vor.u32 $0x15, v0;
	v62 =	vor.u32 $0x17, v0;
	[tilespmem:s28+$0xFFFFF400] =	vst v11;
	v8 =	vor.u32 $0x16, v37;
	v11 =	vld.idx.msk [tilespmem:v4+s18+$0x0], $0xffff  }
0x435: {  	v34 =	vor.u32 $0x19, v0;
	[tilespmem:s28+$0xFFFFF600] =	vst v7;
	v25 =	vor.u32 $0x1B, v0;
	v12 =	vor.u32 $0x17, v37;
	v7 =	vld.idx.msk [tilespmem:v3+s18+$0x0], $0xffff  }
0x436: {  	v14 =	vor.u32 $0x18, v37;
	v9 =	vor.u32 $0x1C, v0;
	v10 =	vor.u32 $0x1D, v0;
	v0 =	vld.idx.msk [tilespmem:v33+s18+$0x0], $0xffff  }
0x437: {  	[tilespmem:s28+$0xC00] =	vst v22;
	v4 =	vor.u32 $0xD, v37;
	v22 =	vld.idx.msk [tilespmem:v42+s18+$0x0], $0xffff  }
0x438: {  	[tilespmem:s28+$0xE00] =	vst v27;
	v3 =	vor.u32 $0xE, v37;
	v27 =	vld.idx.msk [tilespmem:v6+s18+$0x0], $0xffff  }
0x439: {  	[tilespmem:s28+$0x1000] =	vst v36;
	v33 =	vor.u32 $0x1F, v37;
	v36 =	vld.idx.msk [tilespmem:v8+s18+$0x0], $0xffff  }
0x43a: {  	[tilespmem:s28+$0x1200] =	vst v41;
	v6 =	vor.u32 $0x19, v37;
	v41 =	vld.idx.msk [tilespmem:v12+s18+$0x0], $0xffff  }
0x43b: {  	[tilespmem:s28+$0x1400] =	vst v40;
	v8 =	vor.u32 $0x1A, v37;
	v40 =	vld.idx.msk [tilespmem:v14+s18+$0x0], $0xffff  }
0x43c: {  	v12 =	vor.u32 $0x1B, v37;
	v4 =	vld.idx.msk [tilespmem:v4+s18+$0x0], $0xffff  }
0x43d: {  	v14 =	vor.u32 $0x1C, v37;
	v3 =	vld.idx.msk [tilespmem:v3+s18+$0x0], $0xffff  }
0x43e: {  	v42 =	vor.u32 $0x1D, v37;
	v33 =	vld.idx.msk [tilespmem:v33+s18+$0x0], $0xffff  }
0x43f: {  	[tilespmem:s28+$0x1800] =	vst v38;
	v38 =	vld.idx.msk [tilespmem:v6+s18+$0x0], $0xffff  }
0x440: {  	[tilespmem:s28+$0x1600] =	vst v39;
	v39 =	vld.idx.msk [tilespmem:v8+s18+$0x0], $0xffff  }
0x441: {  	[tilespmem:s28+$0x1A00] =	vst v35;
	v6 =	vor.u32 $0x1E, v37;
	v37 =	vld.idx.msk [tilespmem:v12+s18+$0x0], $0xffff  }
0x442: {  	v35 =	vld.idx.msk [tilespmem:v14+s18+$0x0], $0xffff;
	[tilespmem:s28+$0xFFFFE010] =	vst v2  }
0x443: {  	[tilespmem:s28+$0x1C00] =	vst v31;
	v31 =	vld.idx.msk [tilespmem:v42+s18+$0x0], $0xffff  }
0x444: {  	v42 =	vld [tilespmem:$0x1FDB0];
	_ =	sdelay $0x4  }
0x445: {  	[tilespmem:s28+$0xFFFFE000] =	vst v42;
	s28 =	sadd.s32 $0x20, s28;
	v42 =	vmov v32;
	v32 =	vld.idx.msk [tilespmem:v6+s18+$0x0], $0xffff  }
0x446: {  	[tilespmem:s28+$0x1E10] =	vst v33;
	v33 =	vld.idx.msk [tilespmem:v52+s18+$0x0], $0xffff  }
0x447: {  	v52 =	vld [tilespmem:$0x1FD50]  }
0x448: {  	[tilespmem:s28+$0xFFFFE210] =	vst v29;
	v29 =	vld.idx.msk [tilespmem:v53+s18+$0x0], $0xffff  }
0x449: {  	v53 =	vld [tilespmem:$0x1FD60]  }
0x44a: {  	[tilespmem:s28+$0xFFFFE610] =	vst v24;
	v24 =	vld.idx.msk [tilespmem:v54+s18+$0x0], $0xffff  }
0x44b: {  	v54 =	vld [tilespmem:$0x1FD70]  }
0x44c: {  	v2 =	vmov v30;
	[tilespmem:s28+$0xFFFFEA10] =	vst v19;
	v19 =	vld.idx.msk [tilespmem:v55+s18+$0x0], $0xffff  }
0x44d: {  	[tilespmem:$0x1FDA0] =	vst v2;
	v55 =	vld [tilespmem:$0x1FD80]  }
0x44e: {  	[tilespmem:s28+$0xFFFFEE10] =	vst v13;
	v13 =	vld.idx.msk [tilespmem:v63+s18+$0x0], $0xffff  }
0x44f: {  	[tilespmem:s28+$0xFFFFF010] =	vst v11;
	v11 =	vld.idx.msk [tilespmem:v51+s18+$0x0], $0xffff  }
0x450: {  	[tilespmem:s28+$0xFFFFF210] =	vst v7;
	v7 =	vld.idx.msk [tilespmem:v56+s18+$0x0], $0xffff  }
0x451: {  	[tilespmem:$0x1FDB0] =	vst v42;
	v63 =	vld [tilespmem:$0x1FD90]  }
0x452: {  	[tilespmem:s28+$0xFFFFE410] =	vst v26;
	v6 =	vld.idx.msk [tilespmem:v57+s18+$0x0], $0xffff  }
0x453: {  	[tilespmem:s28+$0xFFFFE810] =	vst v23;
	v8 =	vld.idx.msk [tilespmem:v45+s18+$0x0], $0xffff  }
0x454: {  	[tilespmem:s28+$0xFFFFEC10] =	vst v15;
	v45 =	vld [tilespmem:$0x1FFF0]  }
0x455: {  	[tilespmem:s28+$0xFFFFF410] =	vst v0;
	v12 =	vld.idx.msk [tilespmem:v58+s18+$0x0], $0xffff  }
0x456: {  	[tilespmem:s28+$0xFFFFF610] =	vst v1;
	v14 =	vld.idx.msk [tilespmem:v46+s18+$0x0], $0xffff  }
0x457: {  	[tilespmem:s28+$0xFFFFFE10] =	vst v16;
	v16 =	vld.idx.msk [tilespmem:v59+s18+$0x0], $0xffff  }
0x458: {  	[tilespmem:s28+$0x10] =	vst v20;
	v20 =	vld.idx.msk [tilespmem:v47+s18+$0x0], $0xffff  }
0x459: {  	[tilespmem:s28+$0x210] =	vst v21;
	v21 =	vld.idx.msk [tilespmem:v60+s18+$0x0], $0xffff  }
0x45a: {  	[tilespmem:s28+$0x410] =	vst v17;
	v17 =	vld.idx.msk [tilespmem:v48+s18+$0x0], $0xffff  }
0x45b: {  	[tilespmem:s28+$0x610] =	vst v18;
	v18 =	vld.idx.msk [tilespmem:v61+s18+$0x0], $0xffff  }
0x45c: {  	[tilespmem:s28+$0x810] =	vst v22;
	v22 =	vld.idx.msk [tilespmem:v49+s18+$0x0], $0xffff  }
0x45d: {  	s0 =	sadd.s32 $0x2, s0;
	[tilespmem:s28+$0xA10] =	vst v27;
	v27 =	vld.idx.msk [tilespmem:v62+s18+$0x0], $0xffff  }
0x45e: {  	p0 =	slt.u32 s0, $0x1E;
	[tilespmem:s28+$0xC10] =	vst v36;
	v36 =	vld.idx.msk [tilespmem:v50+s18+$0x0], $0xffff  }
.Ltmp6:
0x45f: {  	[tilespmem:s28+$0xFFFFF810] =	vst v5;
	v30 =	vld.idx.msk [tilespmem:v52+s18+$0x0], $0xffff;
	(pc) =	sbr.rel @p0 .LBB2_14-.Ltmp6, $4  }
0x460: {  	[tilespmem:s28+$0xFFFFFA10] =	vst v4;
	v26 =	vld.idx.msk [tilespmem:v53+s18+$0x0], $0xffff  }
0x461: {  	[tilespmem:s28+$0xFFFFFC10] =	vst v3;
	v23 =	vld.idx.msk [tilespmem:v54+s18+$0x0], $0xffff  }
0x462: {  	[tilespmem:s28+$0xE10] =	vst v41;
	v15 =	vld.idx.msk [tilespmem:v55+s18+$0x0], $0xffff  }
0x463: {  	s1 =	sadd.s32 $0x20, s1;
	[tilespmem:s28+$0x1010] =	vst v40;
	v42 =	vld.idx.msk [tilespmem:v63+s18+$0x0], $0xffff  }
0x464: {  	_ =	sdelay $0x3  }
0x465: {  	v0 =	vld.idx.msk [tilespmem:v34+s18+$0x0], $0xffff;
	[tilespmem:s28+$0x1210] =	vst v38  }
0x466: {  	v1 =	vld.idx.msk [tilespmem:v28+s18+$0x0], $0xffff;
	[tilespmem:s28+$0x1410] =	vst v39  }
0x467: {  	v2 =	vld.idx.msk [tilespmem:v25+s18+$0x0], $0xffff;
	[tilespmem:s28+$0x1610] =	vst v37  }
0x468: {  	v3 =	vld.idx.msk [tilespmem:v9+s18+$0x0], $0xffff;
	[tilespmem:s28+$0x1810] =	vst v35  }
0x469: {  	v4 =	vld.idx.msk [tilespmem:v10+s18+$0x0], $0xffff;
	[tilespmem:s28+$0x1A10] =	vst v31  }
0x46a: {  	v5 =	vld.idx.msk [tilespmem:v43+s18+$0x0], $0xffff;
	[tilespmem:s28+$0x1C10] =	vst v32  }
0x46b: {  	v63 =	vld.idx.msk [tilespmem:v44+s18+$0x0], $0xffff;
	[tilespmem:s28+$0xFFFFE200] =	vst v33  }
0x46c: {  	[tilespmem:s28+$0xFFFFE400] =	vst v30  }
0x46d: {  	[tilespmem:s28+$0xFFFFE600] =	vst v29  }
0x46e: {  	[tilespmem:s28+$0xFFFFEA00] =	vst v24  }
0x46f: {  	[tilespmem:s28+$0xFFFFEE00] =	vst v19  }
0x470: {  	[tilespmem:s28+$0xFFFFF200] =	vst v13  }
0x471: {  	[tilespmem:s28+$0xFFFFF400] =	vst v11  }
0x472: {  	[tilespmem:s28+$0xFFFFF600] =	vst v7  }
0x473: {  	[tilespmem:s28+$0xFFFFFA00] =	vst v6  }
0x474: {  	[tilespmem:s28+$0xFFFFFC00] =	vst v8  }
0x475: {  	[tilespmem:s28+$0xFFFFFE00] =	vst v12  }
0x476: {  	[tilespmem:s28+$0x0] =	vst v14  }
0x477: {  	[tilespmem:s28+$0x200] =	vst v16  }
0x478: {  	[tilespmem:s28+$0x400] =	vst v20  }
0x479: {  	[tilespmem:s28+$0x600] =	vst v21  }
0x47a: {  	[tilespmem:s28+$0x800] =	vst v17  }
0x47b: {  	[tilespmem:s28+$0xA00] =	vst v18  }
0x47c: {  	[tilespmem:s28+$0xC00] =	vst v22  }
0x47d: {  	[tilespmem:s28+$0xE00] =	vst v27  }
0x47e: {  	[tilespmem:s28+$0x1000] =	vst v36  }
0x47f: {  	[tilespmem:s28+$0xFFFFE800] =	vst v26  }
0x480: {  	[tilespmem:s28+$0xFFFFEC00] =	vst v23  }
0x481: {  	[tilespmem:s28+$0xFFFFF000] =	vst v15  }
0x482: {  	[tilespmem:s28+$0xFFFFF800] =	vst v42  }
0x483: {  	[tilespmem:s28+$0x1200] =	vst v0  }
0x484: {  	[tilespmem:s28+$0x1400] =	vst v1  }
0x485: {  	[tilespmem:s28+$0x1600] =	vst v2  }
0x486: {  	[tilespmem:s28+$0x1800] =	vst v3  }
0x487: {  	[tilespmem:s28+$0x1A00] =	vst v4  }
0x488: {  	[tilespmem:s28+$0x1C00] =	vst v5  }
0x489: {  	[tilespmem:s28+$0x1E00] =	vst v63  }
0x48a: {  	v0 =	vld [tilespmem:$0x1FDA0];
	_ =	sdelay $0x4  }
0x48b: {  	[tilespmem:s28+$0xFFFFE010] =	vst v0  }
0x48c: {  	v0 =	vld [tilespmem:$0x1FDB0];
	_ =	sdelay $0x4  }
0x48d: {  	s26 =	sadd.s32 $0x1, s26;
	[tilespmem:s28+$0xFFFFE000] =	vst v0  }
0x48e: {  	[hbm4b:s11+s13] =	stream.strided.scatter [tilespmem:s22], [sflag:$0x4], $0x4000, s14, s13, $0x38;
	[tilespmem:$0x16400] =	vst v63  }
0x48f: {  	p0 =	sne.s32 s26, s12;
	_ =	swait.ge [sflag:s23], $0x4000  }
.Ltmp7:
0x490: {  	[sflag:s23] =	ssyncset.done $0x0;
	(pc) =	sbr.rel @p0 .LBB2_1-.Ltmp7, $4  }
0x491: {  	[sflag:s23] =	ssyncadd.s32 $0xFFFFC000  }
0x492: {  	_ =	swait.ge [sflag:s24], $0x4000  }
0x493: {  	[sflag:s24] =	ssyncset.done $0x0  }
0x494: {  	[sflag:s24] =	ssyncadd.s32 $0xFFFFC000  }
0x495: {  	_ =	sfence.sel $0x180000  }
0x496: {  	[bflag:$0x0] =	sbarrier.arrive $0xFFFF  }
0x497: {  	_ =	strace $0x90000047  }
0x498: {  	s0 =	stileid.u32;
	[bflag:$0x2] =	sbarrier.arrive $0xFFFF  }
0x499: {  	p0 =	sne.s32 s0, $0x0;
	s0 =	rddreg [dreg:$0x2]  }
0x49a: {  	s0 =	sadd.s32 @!p0 $0x100000, s0  }
0x49b: {  	[sflag:s0] =	ssyncadd.tile.s32 @!p0 $0x1;
	_ =	shalt  }
.Lfunc_end2:
_tile_overlayer_lowered:
.L_overlay_start_2:
0x49c: {  	(tag) =	ssettag $0x2  }
0x49d: {  	s0 =	rddreg [dreg:$0x0];
	s2 =	stileid.u32  }
0x49e: {  	s1 =	rddreg [dreg:$0x1];
	p0 =	sne.s32 s2, $0x0  }
0x49f: {  	s3 =	rddreg [dreg:$0x2];
	[bflag:$0x3] =	sbarrier.arrive $0xFFFF;
	s2 =	simm.s32 @!p0 $0x1C05  }
0x4a0: {  	[timem:s3], [sflag:s2] =	dma.local @!p0 [hbm:s0], s1  }
0x4a1: {  	s0 =	simm.s32 @!p0 $0x5  }
0x4a2: {  	_ =	swait.ge @!p0 [sflag:s0], s1  }
0x4a3: {  	s1 =	ssub.s32 @!p0 $0x0, s1;
	[sflag:s0] =	ssyncset.done @!p0 $0x0  }
0x4a4: {  	[sflag:s0] =	ssyncadd.s32 @!p0 s1  }
0x4a5: {  	[bflag:$0x3] =	sbarrier.arrive $0xFFFF  }
0x4a6: {  	_ =	shalt  }

</sc_bundles>
